<compile_context>
chip_gen: v7x
topology: tpu7x:2x2x1
jax: 0.10.2.dev20260603
libtpu: 0.0.44.dev20260713+nightly
codegen_flags: <defaults>
</compile_context>

<pallas_src>
import functools

import jax
import jax.numpy as jnp
from jax import lax
from jax.experimental import pallas as pl
from jax.experimental.pallas import tpu as pltpu
from jax.experimental.pallas import tpu_sc as plsc

NC = 2
NS = 16
NW = NC * NS

_SC_PARAMS = pltpu.CompilerParams(needs_layout_passes=False,
                                  use_tc_tiling_on_sc=False)


def _leaky(v):
    return jnp.maximum(v, 0.001 * v)


def _precompute(emb, W0, b0, angle_table):
    n, d = emb.shape
    nt = angle_table.shape[0]
    bn = 2000

    def body(emb_ref, w0_ref, b0_ref, tab_ref, a4_ref, b_ref, c_ref):
        e = emb_ref[...]
        a = jnp.dot(e, w0_ref[0:128, :], preferred_element_type=jnp.float32)
        t = jnp.dot(tab_ref[...], w0_ref[384:448, :],
                    preferred_element_type=jnp.float32) + b0_ref[...]
        a4_ref[...] = (a[:, None, :] + t[None, :, :]).reshape(bn * nt, 128)
        b_ref[...] = jnp.dot(e, w0_ref[128:256, :], preferred_element_type=jnp.float32)
        c_ref[...] = jnp.dot(e, w0_ref[256:384, :], preferred_element_type=jnp.float32)

    return pl.pallas_call(
        body,
        grid=(n // bn,),
        in_specs=[
            pl.BlockSpec((bn, d), lambda i: (i, 0)),
            pl.BlockSpec((448, 128), lambda i: (0, 0)),
            pl.BlockSpec((1, 128), lambda i: (0, 0)),
            pl.BlockSpec((nt, 64), lambda i: (0, 0)),
        ],
        out_specs=[
            pl.BlockSpec((bn * nt, 128), lambda i: (i, 0)),
            pl.BlockSpec((bn, 128), lambda i: (i, 0)),
            pl.BlockSpec((bn, 128), lambda i: (i, 0)),
        ],
        out_shape=[
            jax.ShapeDtypeStruct((n * nt, 128), jnp.float32),
            jax.ShapeDtypeStruct((n, 128), jnp.float32),
            jax.ShapeDtypeStruct((n, 128), jnp.float32),
        ],
    )(emb, W0, b0, angle_table)


def _sc_embed(A, B, C, i0r, i1r, i2r):
    nchunks = i0r.shape[1]
    K = i0r.shape[2]
    epw = nchunks * K
    e = NW * epw
    mesh = plsc.VectorSubcoreMesh(core_axis_name="c", subcore_axis_name="s",
                                  num_cores=NC, num_subcores=NS)

    @functools.partial(
        pl.kernel,
        out_type=jax.ShapeDtypeStruct((e, 128), jnp.float32),
        mesh=mesh,
        compiler_params=_SC_PARAMS,
        scratch_types=[
            pltpu.VMEM((nchunks, K), jnp.int32),
            pltpu.VMEM((nchunks, K), jnp.int32),
            pltpu.VMEM((nchunks, K), jnp.int32),
        ]
        + [pltpu.VMEM((K, 128), jnp.float32)] * 6
        + [pltpu.VMEM((K, 128), jnp.float32)] * 2
        + [pltpu.SemaphoreType.DMA] * 4,
    )
    def k(a_hbm, b_hbm, c_hbm, i0_hbm, i1_hbm, i2_hbm, s_hbm,
          iv0, iv1, iv2, ra0, rb0, rc0, ra1, rb1, rc1, sb0, sb1,
          gsem0, gsem1, ssem0, ssem1):
        wid = lax.axis_index("s") * NC + lax.axis_index("c")
        base = wid * epw
        pltpu.sync_copy(i0_hbm.at[wid], iv0)
        pltpu.sync_copy(i1_hbm.at[wid], iv1)
        pltpu.sync_copy(i2_hbm.at[wid], iv2)
        sets = ((ra0, rb0, rc0, sb0, gsem0, ssem0),
                (ra1, rb1, rc1, sb1, gsem1, ssem1))

        def issue(ci, st):
            ra, rb, rc, _, gsem, _ = st
            pltpu.async_copy(a_hbm.at[iv0.at[ci]], ra, gsem)
            pltpu.async_copy(b_hbm.at[iv1.at[ci]], rb, gsem)
            pltpu.async_copy(c_hbm.at[iv2.at[ci]], rc, gsem)

        def drain_gathers(st):
            ra, _, _, _, gsem, _ = st
            pltpu.make_async_copy(a_hbm.at[iv0.at[0]], ra, gsem).wait()
            pltpu.make_async_copy(a_hbm.at[iv0.at[0]], ra, gsem).wait()
            pltpu.make_async_copy(a_hbm.at[iv0.at[0]], ra, gsem).wait()

        def process(ci, st, first):
            ra, rb, rc, sb, _, ssem = st
            drain_gathers(st)
            if not first:
                pltpu.make_async_copy(sb, s_hbm.at[pl.ds(0, K), :], ssem).wait()

            def row(j, c2):
                for l in range(8):
                    sl = pl.ds(l * 16, 16)
                    sb[j, sl] = ra[j, sl] + rb[j, sl] + rc[j, sl]
                return c2

            lax.fori_loop(0, K, row, 0)
            pltpu.async_copy(sb, s_hbm.at[pl.ds(base + ci * K, K), :], ssem)

        issue(0, sets[0])
        issue(1, sets[1])
        process(0, sets[0], True)
        issue(2, sets[0])
        process(1, sets[1], True)
        issue(3, sets[1])

        def pair_body(j, carry):
            c0 = 2 + j * 2
            process(c0, sets[0], False)

            @pl.when(c0 + 2 < nchunks)
            def _():
                issue(c0 + 2, sets[0])

            @pl.when(c0 + 1 < nchunks)
            def _():
                process(c0 + 1, sets[1], False)

                @pl.when(c0 + 3 < nchunks)
                def _():
                    issue(c0 + 3, sets[1])

            return carry

        lax.fori_loop(0, (nchunks - 2 + 1) // 2, pair_body, 0)
        pltpu.make_async_copy(sb0, s_hbm.at[pl.ds(0, K), :], ssem0).wait()
        pltpu.make_async_copy(sb1, s_hbm.at[pl.ds(0, K), :], ssem1).wait()

    return k(A, B, C, i0r, i1r, i2r)


def _sc_geom(xx, xy, xz, px, py, pz, i0, i1, i2):
    n = xx.shape[0]
    e = i0.shape[0]
    epw = e // NW
    CH = 2000
    G = CH // 16
    nouter = epw // CH
    mesh = plsc.VectorSubcoreMesh(core_axis_name="c", subcore_axis_name="s",
                                  num_cores=NC, num_subcores=NS)
    fvec = jax.ShapeDtypeStruct((e,), jnp.float32)

    @functools.partial(
        pl.kernel,
        out_type=(fvec,) * 15,
        mesh=mesh,
        compiler_params=_SC_PARAMS,
        scratch_types=[pltpu.VMEM((n,), jnp.float32)] * 6
        + [pltpu.VMEM((CH,), jnp.int32)] * 3
        + [pltpu.VMEM((CH,), jnp.float32)] * 15,
    )
    def k(xx_h, xy_h, xz_h, px_h, py_h, pz_h, i0_h, i1_h, i2_h,
          r0x_h, r0y_h, r0z_h, r2x_h, r2y_h, r2z_h,
          q0x_h, q0y_h, q0z_h, q2x_h, q2y_h, q2z_h, p1x_h, p1y_h, p1z_h,
          xx_v, xy_v, xz_v, px_v, py_v, pz_v, iv0, iv1, iv2,
          r0x, r0y, r0z, r2x, r2y, r2z,
          q0x, q0y, q0z, q2x, q2y, q2z, p1x, p1y, p1z):
        wid = lax.axis_index("s") * NC + lax.axis_index("c")
        base = wid * epw
        pltpu.sync_copy(xx_h, xx_v)
        pltpu.sync_copy(xy_h, xy_v)
        pltpu.sync_copy(xz_h, xz_v)
        pltpu.sync_copy(px_h, px_v)
        pltpu.sync_copy(py_h, py_v)
        pltpu.sync_copy(pz_h, pz_v)

        def outer(oi, carry):
            off = base + oi * CH
            pltpu.sync_copy(i0_h.at[pl.ds(off, CH)], iv0)
            pltpu.sync_copy(i1_h.at[pl.ds(off, CH)], iv1)
            pltpu.sync_copy(i2_h.at[pl.ds(off, CH)], iv2)

            def grp(g, c2):
                sl = pl.ds(g * 16, 16)
                a0 = iv0[sl]
                a1 = iv1[sl]
                a2 = iv2[sl]
                x1 = plsc.load_gather(xx_v, [a1])
                y1 = plsc.load_gather(xy_v, [a1])
                z1 = plsc.load_gather(xz_v, [a1])
                r0x[sl] = plsc.load_gather(xx_v, [a0]) - x1
                r0y[sl] = plsc.load_gather(xy_v, [a0]) - y1
                r0z[sl] = plsc.load_gather(xz_v, [a0]) - z1
                r2x[sl] = plsc.load_gather(xx_v, [a2]) - x1
                r2y[sl] = plsc.load_gather(xy_v, [a2]) - y1
                r2z[sl] = plsc.load_gather(xz_v, [a2]) - z1
                u1 = plsc.load_gather(px_v, [a1])
                v1 = plsc.load_gather(py_v, [a1])
                w1 = plsc.load_gather(pz_v, [a1])
                q0x[sl] = plsc.load_gather(px_v, [a0]) - u1
                q0y[sl] = plsc.load_gather(py_v, [a0]) - v1
                q0z[sl] = plsc.load_gather(pz_v, [a0]) - w1
                q2x[sl] = plsc.load_gather(px_v, [a2]) - u1
                q2y[sl] = plsc.load_gather(py_v, [a2]) - v1
                q2z[sl] = plsc.load_gather(pz_v, [a2]) - w1
                p1x[sl] = u1
                p1y[sl] = v1
                p1z[sl] = w1
                return c2

            lax.fori_loop(0, G, grp, 0)
            dst = pl.ds(off, CH)
            pltpu.sync_copy(r0x, r0x_h.at[dst])
            pltpu.sync_copy(r0y, r0y_h.at[dst])
            pltpu.sync_copy(r0z, r0z_h.at[dst])
            pltpu.sync_copy(r2x, r2x_h.at[dst])
            pltpu.sync_copy(r2y, r2y_h.at[dst])
            pltpu.sync_copy(r2z, r2z_h.at[dst])
            pltpu.sync_copy(q0x, q0x_h.at[dst])
            pltpu.sync_copy(q0y, q0y_h.at[dst])
            pltpu.sync_copy(q0z, q0z_h.at[dst])
            pltpu.sync_copy(q2x, q2x_h.at[dst])
            pltpu.sync_copy(q2y, q2y_h.at[dst])
            pltpu.sync_copy(q2z, q2z_h.at[dst])
            pltpu.sync_copy(p1x, p1x_h.at[dst])
            pltpu.sync_copy(p1y, p1y_h.at[dst])
            pltpu.sync_copy(p1z, p1z_h.at[dst])
            return carry

        lax.fori_loop(0, nouter, outer, 0)

    return k(xx, xy, xz, px, py, pz, i0, i1, i2)


def _mlp(s, W1, b1, g1, be1, W2, b2, g2, be2, W3T, b3p):
    e = s.shape[0]
    BE = 6400

    def body(s_ref, w1_ref, b1_ref, g1_ref, be1_ref,
             w2_ref, b2_ref, g2_ref, be2_ref, w3_ref, b3_ref, th0_ref, th2_ref):
        def ln_leaky(h, g, be):
            m = jnp.mean(h, axis=-1, keepdims=True)
            msq = jnp.mean(h * h, axis=-1, keepdims=True)
            rstd = lax.rsqrt(jnp.maximum(msq - m * m, 0.0) + 1e-5)
            return _leaky((h - m) * rstd * g + be)

        h = _leaky(s_ref[...])
        h = jnp.dot(h, w1_ref[...], preferred_element_type=jnp.float32) + b1_ref[...]
        h = ln_leaky(h, g1_ref[...], be1_ref[...])
        h = jnp.dot(h, w2_ref[...], preferred_element_type=jnp.float32) + b2_ref[...]
        h = ln_leaky(h, g2_ref[...], be2_ref[...])
        f01 = lax.dot_general(w3_ref[...], h, (((1,), (1,)), ((), ())),
                              preferred_element_type=jnp.float32)
        off = pl.program_id(0) * BE
        th0_ref[pl.ds(off, BE)] = (f01[0] + b3_ref[0:1, 0:1][0, 0]) * 0.5
        th2_ref[pl.ds(off, BE)] = (f01[1] + b3_ref[0:1, 1:2][0, 0]) * 0.5

    full = lambda shape: pl.BlockSpec(shape, lambda i: (0, 0))
    return pl.pallas_call(
        body,
        grid=(e // BE,),
        in_specs=[
            pl.BlockSpec((BE, 128), lambda i: (i, 0)),
            full((128, 128)), full((1, 128)),
            full((1, 128)), full((1, 128)), full((128, 128)), full((1, 128)),
            full((1, 128)), full((1, 128)), full((2, 128)), full((1, 128)),
        ],
        out_specs=[
            pl.BlockSpec((e,), lambda i: (0,)),
            pl.BlockSpec((e,), lambda i: (0,)),
        ],
        out_shape=[
            jax.ShapeDtypeStruct((e,), jnp.float32),
            jax.ShapeDtypeStruct((e,), jnp.float32),
        ],
    )(s, W1, b1, g1, be1, W2, b2, g2, be2, W3T, b3p)


def _rotate(th0, th2, r0x, r0y, r0z, r2x, r2y, r2z,
            q0x, q0y, q0z, q2x, q2y, q2z, p1x, p1y, p1z):
    e = th0.shape[0]
    BE = 2560

    def body(th0_ref, th2_ref, ax_ref, ay_ref, az_ref, bx_ref, by_ref, bz_ref,
             q0x_ref, q0y_ref, q0z_ref, q2x_ref, q2y_ref, q2z_ref,
             p1x_ref, p1y_ref, p1z_ref,
             o0x_ref, o0y_ref, o0z_ref, o2x_ref, o2y_ref, o2z_ref):
        sl = pl.ds(pl.program_id(0) * BE, BE)
        ax, ay, az = ax_ref[sl], ay_ref[sl], az_ref[sl]
        bx, by, bz = bx_ref[sl], by_ref[sl], bz_ref[sl]
        ia = 1.0 / (jnp.sqrt(ax * ax + ay * ay + az * az) + 1e-12)
        ib = 1.0 / (jnp.sqrt(bx * bx + by * by + bz * bz) + 1e-12)
        d1x, d1y, d1z = ax * ia, ay * ia, az * ia
        d2x, d2y, d2z = bx * ib, by * ib, bz * ib
        nx = d1y * d2z - d1z * d2y
        ny = d1z * d2x - d1x * d2z
        nz = d1x * d2y - d1y * d2x
        inn = 1.0 / (jnp.sqrt(nx * nx + ny * ny + nz * nz) + 1e-12)
        nx, ny, nz = nx * inn, ny * inn, nz * inn

        def rot(theta, ux, uy, uz, vx, vy, vz):
            c = jnp.cos(theta)
            s = jnp.sin(theta)
            t = 1.0 - c
            rx = (c + t * ux * ux) * vx + (t * ux * uy - s * uz) * vy + (t * ux * uz + s * uy) * vz
            ry = (t * ux * uy + s * uz) * vx + (c + t * uy * uy) * vy + (t * uy * uz - s * ux) * vz
            rz = (t * ux * uz - s * uy) * vx + (t * uy * uz + s * ux) * vy + (c + t * uz * uz) * vz
            return rx, ry, rz

        x0, y0, z0 = rot(th0_ref[sl], nx, ny, nz,
                         q0x_ref[sl], q0y_ref[sl], q0z_ref[sl])
        x2, y2, z2 = rot(th2_ref[sl], -nx, -ny, -nz,
                         q2x_ref[sl], q2y_ref[sl], q2z_ref[sl])
        o0x_ref[sl] = x0 + p1x_ref[sl]
        o0y_ref[sl] = y0 + p1y_ref[sl]
        o0z_ref[sl] = z0 + p1z_ref[sl]
        o2x_ref[sl] = x2 + p1x_ref[sl]
        o2y_ref[sl] = y2 + p1y_ref[sl]
        o2z_ref[sl] = z2 + p1z_ref[sl]

    blk = pl.BlockSpec((e,), lambda i: (0,))
    fmat = jax.ShapeDtypeStruct((e,), jnp.float32)
    return pl.pallas_call(
        body,
        grid=(e // BE,),
        in_specs=[blk] * 17,
        out_specs=[blk] * 6,
        out_shape=[fmat] * 6,
    )(th0, th2, r0x, r0y, r0z, r2x, r2y, r2z,
      q0x, q0y, q0z, q2x, q2y, q2z, p1x, p1y, p1z)


def _sc_scatter(n, o0x, o0y, o0z, p1x, p1y, p1z, o2x, o2y, o2z, i0r, i1r, i2r):
    nchunks = i0r.shape[1]
    K = i0r.shape[2]
    epw = nchunks * K
    rows_per_tile = n // NS
    mesh = plsc.VectorSubcoreMesh(core_axis_name="c", subcore_axis_name="s",
                                  num_cores=NC, num_subcores=NS)

    @functools.partial(
        pl.kernel,
        out_type=jax.ShapeDtypeStruct((NC, n, 16), jnp.float32),
        mesh=mesh,
        compiler_params=_SC_PARAMS,
        scratch_types=[
            pltpu.VMEM_SHARED((n, 16), jnp.float32),
            pltpu.VMEM((rows_per_tile, 16), jnp.float32),
        ]
        + [pltpu.VMEM((K,), jnp.int32)] * 2
        + [pltpu.VMEM((K,), jnp.float32)] * 6
        + [pltpu.VMEM((K, 16), jnp.float32)] * 2
        + [pltpu.SemaphoreType.DMA] * 2,
    )
    def k(o0x_h, o0y_h, o0z_h, p1x_h, p1y_h, p1z_h, o2x_h, o2y_h, o2z_h,
          i0_h, i1_h, i2_h, out_h,
          acc, stage, iv0, iv1, vx0, vy0, vz0, vx1, vy1, vz1,
          valbuf0, valbuf1, lsem0, lsem1):
        cid = lax.axis_index("c")
        sid = lax.axis_index("s")
        wid = sid * NC + cid
        zero16 = jnp.zeros((16,), jnp.float32)
        one16 = jnp.ones((16,), jnp.float32)
        lane = lax.iota(jnp.int32, 16)
        sets = ((iv0, vx0, vy0, vz0, valbuf0, lsem0),
                (iv1, vx1, vy1, vz1, valbuf1, lsem1))

        def z1(j, c2):
            stage[j, :] = zero16
            return c2

        lax.fori_loop(0, rows_per_tile, z1, 0)
        pltpu.sync_copy(stage, acc.at[pl.ds(sid * rows_per_tile, rows_per_tile), :])

        def z2(j, c2):
            valbuf0[j, :] = zero16
            valbuf1[j, :] = zero16
            return c2

        lax.fori_loop(0, K, z2, 0)
        plsc.subcore_barrier()

        def make_pass(idx_h, cx_h, cy_h, cz_h):
            def issue(ci, st):
                iv, vx, vy, vz, _, lsem = st
                pltpu.async_copy(idx_h.at[wid, ci], iv, lsem)
                pltpu.async_copy(cx_h.at[pl.ds(wid * epw + ci * K, K)], vx, lsem)
                pltpu.async_copy(cy_h.at[pl.ds(wid * epw + ci * K, K)], vy, lsem)
                pltpu.async_copy(cz_h.at[pl.ds(wid * epw + ci * K, K)], vz, lsem)

            def process(ci, st):
                iv, vx, vy, vz, valbuf, lsem = st
                for _ in range(3):
                    pltpu.make_async_copy(cx_h.at[pl.ds(0, K)], vx, lsem).wait()
                pltpu.make_async_copy(idx_h.at[wid, 0], iv, lsem).wait()

                def grp(g, c2):
                    sl = pl.ds(g * 16, 16)
                    row = lane + g * 16
                    plsc.store_scatter(valbuf, [row, lane * 0], vx[sl])
                    plsc.store_scatter(valbuf, [row, lane * 0 + 1], vy[sl])
                    plsc.store_scatter(valbuf, [row, lane * 0 + 2], vz[sl])
                    plsc.store_scatter(valbuf, [row, lane * 0 + 3], one16)
                    return c2

                lax.fori_loop(0, K // 16, grp, 0)
                pltpu.sync_copy(valbuf, acc.at[iv], add=True)

            issue(0, sets[0])
            issue(1, sets[1])

            def pair_body(j, carry):
                c0 = j * 2
                process(c0, sets[0])

                @pl.when(c0 + 2 < nchunks)
                def _():
                    issue(c0 + 2, sets[0])

                process(c0 + 1, sets[1])

                @pl.when(c0 + 3 < nchunks)
                def _():
                    issue(c0 + 3, sets[1])

                return carry

            lax.fori_loop(0, nchunks // 2, pair_body, 0)
            if nchunks % 2:
                process(nchunks - 1, sets[0])

        make_pass(i0_h, o0x_h, o0y_h, o0z_h)
        make_pass(i1_h, p1x_h, p1y_h, p1z_h)
        make_pass(i2_h, o2x_h, o2y_h, o2z_h)
        plsc.subcore_barrier()
        rsl = pl.ds(sid * rows_per_tile, rows_per_tile)
        pltpu.sync_copy(acc.at[rsl, :], stage)
        pltpu.sync_copy(stage, out_h.at[cid, rsl, :])

    return k(o0x, o0y, o0z, p1x, p1y, p1z, o2x, o2y, o2z, i0r, i1r, i2r)


def _finalize(P, pos16):
    n = pos16.shape[0]

    def body(p_ref, pos_ref, out_ref):
        num = p_ref[0] + p_ref[1]
        cnt = num[:, 3:4]
        mean = num / jnp.maximum(cnt, 1.0)
        out_ref[...] = jnp.where(cnt > 0, mean, pos_ref[...])

    return pl.pallas_call(
        body,
        in_specs=[
            pl.BlockSpec((2, n, 16), lambda: (0, 0, 0)),
            pl.BlockSpec((n, 16), lambda: (0, 0)),
        ],
        out_specs=pl.BlockSpec((n, 16), lambda: (0, 0)),
        out_shape=jax.ShapeDtypeStruct((n, 16), jnp.float32),
    )(P, pos16)


def kernel(x, angle_index, node_embedding, pos, angle_types,
           W0, b0, W1, b1, g1, be1, W2, b2, g2, be2, W3, b3, angle_table):
    n = x.shape[0]
    e = angle_index.shape[0]

    i0 = angle_index[:, 0].astype(jnp.int32)
    i1 = angle_index[:, 1].astype(jnp.int32)
    i2 = angle_index[:, 2].astype(jnp.int32)
    xx, xy, xz = x[:, 0], x[:, 1], x[:, 2]
    px, py, pz = pos[:, 0], pos[:, 1], pos[:, 2]

    K = 80
    nchunks = e // (NW * K)
    chunked = lambda a: a.reshape(NW, nchunks, K)
    nt = angle_table.shape[0]
    tt = angle_types.astype(jnp.int32)
    j0 = i0 * nt + tt
    j0r, i1r, i2r = chunked(j0), chunked(i1), chunked(i2)
    i0r = chunked(i0)

    A4, B, C = _precompute(node_embedding, W0, b0[None, :], angle_table)
    s = _sc_embed(A4, B, C, j0r, i1r, i2r)
    (r0x, r0y, r0z, r2x, r2y, r2z,
     q0x, q0y, q0z, q2x, q2y, q2z, p1x, p1y, p1z) = _sc_geom(
        xx, xy, xz, px, py, pz, i0, i1, i2)

    b3p = jnp.concatenate([b3, jnp.zeros((126,), jnp.float32)])[None, :]
    th0, th2 = _mlp(s, W1, b1[None, :], g1[None, :],
                    be1[None, :], W2, b2[None, :], g2[None, :], be2[None, :],
                    W3.T, b3p)

    o0x, o0y, o0z, o2x, o2y, o2z = _rotate(
        th0, th2,
        r0x, r0y, r0z, r2x, r2y, r2z,
        q0x, q0y, q0z, q2x, q2y, q2z, p1x, p1y, p1z)

    npad = ((n + 127) // 128) * 128
    P = _sc_scatter(npad, o0x, o0y, o0z, p1x, p1y, p1z,
                    o2x, o2y, o2z, i0r, i1r, i2r)

    pos16 = jnp.concatenate(
        [pos, jnp.zeros((n, 13), jnp.float32)], axis=1)
    pos16 = jnp.concatenate(
        [pos16, jnp.zeros((npad - n, 16), jnp.float32)], axis=0)
    out16 = _finalize(P, pos16)
    return out16[:n, :3]

# --- scband reference (transcript-rebuilt; emitter-appended) ---
"""Pipeline reference for scband-bond-angle-mechanics-3212635537990 (READ-ONLY COPY).

The authoritative reference and input builder live on the scoring server;
editing this copy changes nothing except your own understanding.
"""

import jax, jax.numpy as jnp
import numpy as np

N = 10000
E = 320000
D = 128
DA = 64
NT = 4
H = 128
DIN = 3 * D + DA


def _leaky(x, s=0.001):
    return jnp.where(x >= 0, x, s * x)


def _ln(x, g, b, eps=1e-5):
    m = jnp.mean(x, axis=-1, keepdims=True)
    v = jnp.mean((x - m) ** 2, axis=-1, keepdims=True)
    return (x - m) / jnp.sqrt(v + eps) * g + b


def _rot(theta, d):
    x, y, z = d[..., 0], d[..., 1], d[..., 2]
    c, s = jnp.cos(theta), jnp.sin(theta)
    m = jnp.stack([
        c + (1 - c) * x * x, (1 - c) * x * y - s * z, (1 - c) * x * z + s * y,
        (1 - c) * x * y + s * z, c + (1 - c) * y * y, (1 - c) * y * z - s * x,
        (1 - c) * x * z - s * y, (1 - c) * y * z + s * x, c + (1 - c) * z * z,
    ], axis=-1)
    return m.reshape(theta.shape + (3, 3))


def setup_inputs(seed: int = 0) -> dict:
    key = jax.random.key(seed)
    ks = jax.random.split(key, 20)
    inp = {}
    inp["x"] = jax.random.normal(ks[0], (N, 3), dtype=jnp.float32)
    inp["angle_index"] = jax.random.randint(ks[1], (E, 3), 0, N, dtype=jnp.int64 if jax.config.jax_enable_x64 else jnp.int32)
    inp["node_embedding"] = jax.random.normal(ks[2], (N, D), dtype=jnp.float32)
    inp["pos"] = jax.random.normal(ks[3], (N, 3), dtype=jnp.float32)
    inp["angle_types"] = jax.random.randint(ks[4], (E,), 0, NT, dtype=jnp.int64 if jax.config.jax_enable_x64 else jnp.int32)
    inp["W0"] = jax.random.normal(ks[5], (DIN, H), dtype=jnp.float32) * 0.05
    inp["b0"] = jnp.zeros((H,), dtype=jnp.float32)
    inp["W1"] = jax.random.normal(ks[6], (H, H), dtype=jnp.float32) * 0.05
    inp["b1"] = jnp.zeros((H,), dtype=jnp.float32)
    inp["g1"] = jnp.ones((H,), dtype=jnp.float32)
    inp["be1"] = jnp.zeros((H,), dtype=jnp.float32)
    inp["W2"] = jax.random.normal(ks[7], (H, H), dtype=jnp.float32) * 0.05
    inp["b2"] = jnp.zeros((H,), dtype=jnp.float32)
    inp["g2"] = jnp.ones((H,), dtype=jnp.float32)
    inp["be2"] = jnp.zeros((H,), dtype=jnp.float32)
    inp["W3"] = jax.random.normal(ks[8], (H, 2), dtype=jnp.float32) * 0.05
    inp["b3"] = jnp.zeros((2,), dtype=jnp.float32)
    inp["angle_table"] = jax.random.normal(ks[9], (NT, DA), dtype=jnp.float32)
    return inp


def reference(x, angle_index, node_embedding, pos, angle_types, W0, b0, W1, b1, g1, be1, W2, b2, g2, be2, W3, b3, angle_table):
    i0, i1, i2 = angle_index[:, 0], angle_index[:, 1], angle_index[:, 2]
    # BondAngle geometry: unit bond vectors and rotation axes (normalized cross product)
    x1g = x[i1]
    r0 = x[i0] - x1g
    r2 = x[i2] - x1g
    d1 = r0 / (jnp.linalg.norm(r0, axis=-1, keepdims=True) + 1e-12)
    d2 = r2 / (jnp.linalg.norm(r2, axis=-1, keepdims=True) + 1e-12)
    n = jnp.cross(d1, d2)
    n = n / (jnp.linalg.norm(n, axis=-1, keepdims=True) + 1e-12)
    direction = jnp.stack([n, -n], axis=-1)  # [E, 3, 2]
    # force norm via MLP over gathered node embeddings + angle type embedding
    feat = jnp.concatenate([
        jnp.take(node_embedding, i0, axis=0),
        jnp.take(node_embedding, i1, axis=0),
        jnp.take(node_embedding, i2, axis=0),
        jnp.take(angle_table, angle_types, axis=0),
    ], axis=-1)
    h = _leaky(feat @ W0 + b0)
    h = _leaky(_ln(h @ W1 + b1, g1, be1))
    h = _leaky(_ln(h @ W2 + b2, g2, be2))
    force = h @ W3 + b3  # [E, 2]
    step = 0.5
    rot0 = _rot(force[:, 0] * step, direction[..., 0])
    rot2 = _rot(force[:, 1] * step, direction[..., 1])
    p1 = pos[i1]
    pr0 = pos[i0] - p1
    pr2 = pos[i2] - p1
    x0n = jnp.einsum('bij,bj->bi', rot0, pr0) + p1
    x2n = jnp.einsum('bij,bj->bi', rot2, pr2) + p1
    xa = jnp.concatenate([x0n, p1, x2n], axis=0)
    idx = jnp.concatenate([i0, i1, i2], axis=0)
    num = jnp.zeros_like(pos).at[idx].add(xa)
    cnt = jnp.zeros_like(pos).at[idx].add(jnp.ones_like(xa))
    mean = num / jnp.maximum(cnt, 1.0)
    mask = cnt[:, :1] > 0
    return jnp.where(mask, mean, pos)

if __name__ == "__main__":
    import jax
    _d = setup_inputs()
    print(jax.jit(kernel)(*tuple(_d.values())))

</pallas_src>

<mosaic_0001>
#map = affine_map<(d0, d1) -> (0)>
module attributes {stable_mosaic.version = 14 : i64} {
  func.func @k(%arg0: i32, %arg1: i32, %arg2: memref<10000xf32, #tpu.memory_space<hbm>>, %arg3: memref<10000xf32, #tpu.memory_space<hbm>>, %arg4: memref<10000xf32, #tpu.memory_space<hbm>>, %arg5: memref<10000xf32, #tpu.memory_space<hbm>>, %arg6: memref<10000xf32, #tpu.memory_space<hbm>>, %arg7: memref<10000xf32, #tpu.memory_space<hbm>>, %arg8: memref<320000xi32, #tpu.memory_space<hbm>>, %arg9: memref<320000xi32, #tpu.memory_space<hbm>>, %arg10: memref<320000xi32, #tpu.memory_space<hbm>>, %arg11: memref<320000xf32, #tpu.memory_space<hbm>>, %arg12: memref<320000xf32, #tpu.memory_space<hbm>>, %arg13: memref<320000xf32, #tpu.memory_space<hbm>>, %arg14: memref<320000xf32, #tpu.memory_space<hbm>>, %arg15: memref<320000xf32, #tpu.memory_space<hbm>>, %arg16: memref<320000xf32, #tpu.memory_space<hbm>>, %arg17: memref<320000xf32, #tpu.memory_space<hbm>>, %arg18: memref<320000xf32, #tpu.memory_space<hbm>>, %arg19: memref<320000xf32, #tpu.memory_space<hbm>>, %arg20: memref<320000xf32, #tpu.memory_space<hbm>>, %arg21: memref<320000xf32, #tpu.memory_space<hbm>>, %arg22: memref<320000xf32, #tpu.memory_space<hbm>>, %arg23: memref<320000xf32, #tpu.memory_space<hbm>>, %arg24: memref<320000xf32, #tpu.memory_space<hbm>>, %arg25: memref<320000xf32, #tpu.memory_space<hbm>>, %arg26: memref<10000xf32, #tpu.memory_space<vmem>>, %arg27: memref<10000xf32, #tpu.memory_space<vmem>>, %arg28: memref<10000xf32, #tpu.memory_space<vmem>>, %arg29: memref<10000xf32, #tpu.memory_space<vmem>>, %arg30: memref<10000xf32, #tpu.memory_space<vmem>>, %arg31: memref<10000xf32, #tpu.memory_space<vmem>>, %arg32: memref<2000xi32, #tpu.memory_space<vmem>>, %arg33: memref<2000xi32, #tpu.memory_space<vmem>>, %arg34: memref<2000xi32, #tpu.memory_space<vmem>>, %arg35: memref<2000xf32, #tpu.memory_space<vmem>>, %arg36: memref<2000xf32, #tpu.memory_space<vmem>>, %arg37: memref<2000xf32, #tpu.memory_space<vmem>>, %arg38: memref<2000xf32, #tpu.memory_space<vmem>>, %arg39: memref<2000xf32, #tpu.memory_space<vmem>>, %arg40: memref<2000xf32, #tpu.memory_space<vmem>>, %arg41: memref<2000xf32, #tpu.memory_space<vmem>>, %arg42: memref<2000xf32, #tpu.memory_space<vmem>>, %arg43: memref<2000xf32, #tpu.memory_space<vmem>>, %arg44: memref<2000xf32, #tpu.memory_space<vmem>>, %arg45: memref<2000xf32, #tpu.memory_space<vmem>>, %arg46: memref<2000xf32, #tpu.memory_space<vmem>>, %arg47: memref<2000xf32, #tpu.memory_space<vmem>>, %arg48: memref<2000xf32, #tpu.memory_space<vmem>>, %arg49: memref<2000xf32, #tpu.memory_space<vmem>>) attributes {dimension_semantics = [#tpu.dimension_semantics<core_parallel>, #tpu.dimension_semantics<subcore_parallel>], iteration_bounds = array<i64: 2, 16>, scalar_prefetch = 0 : i64, scratch_operands = 24 : i64, tpu.core_type = #tpu.core_type<sc_vector_subcore>, window_params = [{transform_indices = #map}, {transform_indices = #map}, {transform_indices = #map}, {transform_indices = #map}, {transform_indices = #map}, {transform_indices = #map}, {transform_indices = #map}, {transform_indices = #map}, {transform_indices = #map}, {transform_indices = #map}, {transform_indices = #map}, {transform_indices = #map}, {transform_indices = #map}, {transform_indices = #map}, {transform_indices = #map}, {transform_indices = #map}, {transform_indices = #map}, {transform_indices = #map}, {transform_indices = #map}, {transform_indices = #map}, {transform_indices = #map}, {transform_indices = #map}, {transform_indices = #map}, {transform_indices = #map}]} {
    %mul3A = arith.constant 2 : i32
    %mul3A_0 = arith.muli %arg1, %mul3A : i32
    %add3A = arith.addi %mul3A_0, %arg0 : i32
    %mul3A_1 = arith.constant 10000 : i32
    %mul3A_2 = arith.muli %add3A, %mul3A_1 : i32
    "tpu.region"() ({
      %run_scoped3A = tpu.sem_alloc : memref<!tpu.dma_semaphore, #tpu.memory_space<semaphore_mem>>
      tpu.enqueue_dma source(%arg2 : memref<10000xf32, #tpu.memory_space<hbm>>) target(%arg26 : memref<10000xf32, #tpu.memory_space<vmem>>) target_semaphore(%run_scoped3A : memref<!tpu.dma_semaphore, #tpu.memory_space<semaphore_mem>>)
      tpu.wait_dma2 semaphore(%run_scoped3A : memref<!tpu.dma_semaphore, #tpu.memory_space<semaphore_mem>>) src(%arg2 : memref<10000xf32, #tpu.memory_space<hbm>>) dst(%arg26 : memref<10000xf32, #tpu.memory_space<vmem>>)
      tpu.yield
    }) : () -> ()
    "tpu.region"() ({
      %run_scoped3A = tpu.sem_alloc : memref<!tpu.dma_semaphore, #tpu.memory_space<semaphore_mem>>
      tpu.enqueue_dma source(%arg3 : memref<10000xf32, #tpu.memory_space<hbm>>) target(%arg27 : memref<10000xf32, #tpu.memory_space<vmem>>) target_semaphore(%run_scoped3A : memref<!tpu.dma_semaphore, #tpu.memory_space<semaphore_mem>>)
      tpu.wait_dma2 semaphore(%run_scoped3A : memref<!tpu.dma_semaphore, #tpu.memory_space<semaphore_mem>>) src(%arg3 : memref<10000xf32, #tpu.memory_space<hbm>>) dst(%arg27 : memref<10000xf32, #tpu.memory_space<vmem>>)
      tpu.yield
    }) : () -> ()
    "tpu.region"() ({
      %run_scoped3A = tpu.sem_alloc : memref<!tpu.dma_semaphore, #tpu.memory_space<semaphore_mem>>
      tpu.enqueue_dma source(%arg4 : memref<10000xf32, #tpu.memory_space<hbm>>) target(%arg28 : memref<10000xf32, #tpu.memory_space<vmem>>) target_semaphore(%run_scoped3A : memref<!tpu.dma_semaphore, #tpu.memory_space<semaphore_mem>>)
      tpu.wait_dma2 semaphore(%run_scoped3A : memref<!tpu.dma_semaphore, #tpu.memory_space<semaphore_mem>>) src(%arg4 : memref<10000xf32, #tpu.memory_space<hbm>>) dst(%arg28 : memref<10000xf32, #tpu.memory_space<vmem>>)
      tpu.yield
    }) : () -> ()
    "tpu.region"() ({
      %run_scoped3A = tpu.sem_alloc : memref<!tpu.dma_semaphore, #tpu.memory_space<semaphore_mem>>
      tpu.enqueue_dma source(%arg5 : memref<10000xf32, #tpu.memory_space<hbm>>) target(%arg29 : memref<10000xf32, #tpu.memory_space<vmem>>) target_semaphore(%run_scoped3A : memref<!tpu.dma_semaphore, #tpu.memory_space<semaphore_mem>>)
      tpu.wait_dma2 semaphore(%run_scoped3A : memref<!tpu.dma_semaphore, #tpu.memory_space<semaphore_mem>>) src(%arg5 : memref<10000xf32, #tpu.memory_space<hbm>>) dst(%arg29 : memref<10000xf32, #tpu.memory_space<vmem>>)
      tpu.yield
    }) : () -> ()
    "tpu.region"() ({
      %run_scoped3A = tpu.sem_alloc : memref<!tpu.dma_semaphore, #tpu.memory_space<semaphore_mem>>
      tpu.enqueue_dma source(%arg6 : memref<10000xf32, #tpu.memory_space<hbm>>) target(%arg30 : memref<10000xf32, #tpu.memory_space<vmem>>) target_semaphore(%run_scoped3A : memref<!tpu.dma_semaphore, #tpu.memory_space<semaphore_mem>>)
      tpu.wait_dma2 semaphore(%run_scoped3A : memref<!tpu.dma_semaphore, #tpu.memory_space<semaphore_mem>>) src(%arg6 : memref<10000xf32, #tpu.memory_space<hbm>>) dst(%arg30 : memref<10000xf32, #tpu.memory_space<vmem>>)
      tpu.yield
    }) : () -> ()
    "tpu.region"() ({
      %run_scoped3A = tpu.sem_alloc : memref<!tpu.dma_semaphore, #tpu.memory_space<semaphore_mem>>
      tpu.enqueue_dma source(%arg7 : memref<10000xf32, #tpu.memory_space<hbm>>) target(%arg31 : memref<10000xf32, #tpu.memory_space<vmem>>) target_semaphore(%run_scoped3A : memref<!tpu.dma_semaphore, #tpu.memory_space<semaphore_mem>>)
      tpu.wait_dma2 semaphore(%run_scoped3A : memref<!tpu.dma_semaphore, #tpu.memory_space<semaphore_mem>>) src(%arg7 : memref<10000xf32, #tpu.memory_space<hbm>>) dst(%arg31 : memref<10000xf32, #tpu.memory_space<vmem>>)
      tpu.yield
    }) : () -> ()
    %scan3A = arith.constant 0 : i32
    %scan3A_3 = arith.constant 0 : i32
    %scan3A_4 = arith.constant 5 : i32
    %scan3A_5 = arith.addi %scan3A_3, %scan3A_4 : i32
    %scan3A_6 = arith.constant 1 : i32
    scf.for %scan3A_8 = %scan3A_3 to %scan3A_5 step %scan3A_6  : i32 {
      %mul3A_9 = arith.constant 2000 : i32
      %mul3A_10 = arith.muli %scan3A_8, %mul3A_9 : i32
      %add3A_11 = arith.addi %mul3A_2, %mul3A_10 : i32
      "tpu.region"() ({
        %run_scoped3A = tpu.sem_alloc : memref<!tpu.dma_semaphore, #tpu.memory_space<semaphore_mem>>
        %dma_start3A = tpu.memref_slice %arg8[%add3A_11] : memref<320000xi32, #tpu.memory_space<hbm>> -> memref<2000xi32, #tpu.memory_space<hbm>>
        %dma_start3A_18 = tpu.memref_slice %arg8[%add3A_11] : memref<320000xi32, #tpu.memory_space<hbm>> -> memref<2000xi32, #tpu.memory_space<hbm>>
        tpu.enqueue_dma source(%dma_start3A_18 : memref<2000xi32, #tpu.memory_space<hbm>>) target(%arg32 : memref<2000xi32, #tpu.memory_space<vmem>>) target_semaphore(%run_scoped3A : memref<!tpu.dma_semaphore, #tpu.memory_space<semaphore_mem>>)
        %dma_wait3A = tpu.memref_slice %arg8[%add3A_11] : memref<320000xi32, #tpu.memory_space<hbm>> -> memref<2000xi32, #tpu.memory_space<hbm>>
        %dma_wait3A_19 = tpu.memref_slice %arg8[%add3A_11] : memref<320000xi32, #tpu.memory_space<hbm>> -> memref<2000xi32, #tpu.memory_space<hbm>>
        tpu.wait_dma2 semaphore(%run_scoped3A : memref<!tpu.dma_semaphore, #tpu.memory_space<semaphore_mem>>) src(%dma_wait3A_19 : memref<2000xi32, #tpu.memory_space<hbm>>) dst(%arg32 : memref<2000xi32, #tpu.memory_space<vmem>>)
        tpu.yield
      }) : () -> ()
      "tpu.region"() ({
        %run_scoped3A = tpu.sem_alloc : memref<!tpu.dma_semaphore, #tpu.memory_space<semaphore_mem>>
        %dma_start3A = tpu.memref_slice %arg9[%add3A_11] : memref<320000xi32, #tpu.memory_space<hbm>> -> memref<2000xi32, #tpu.memory_space<hbm>>
        %dma_start3A_18 = tpu.memref_slice %arg9[%add3A_11] : memref<320000xi32, #tpu.memory_space<hbm>> -> memref<2000xi32, #tpu.memory_space<hbm>>
        tpu.enqueue_dma source(%dma_start3A_18 : memref<2000xi32, #tpu.memory_space<hbm>>) target(%arg33 : memref<2000xi32, #tpu.memory_space<vmem>>) target_semaphore(%run_scoped3A : memref<!tpu.dma_semaphore, #tpu.memory_space<semaphore_mem>>)
        %dma_wait3A = tpu.memref_slice %arg9[%add3A_11] : memref<320000xi32, #tpu.memory_space<hbm>> -> memref<2000xi32, #tpu.memory_space<hbm>>
        %dma_wait3A_19 = tpu.memref_slice %arg9[%add3A_11] : memref<320000xi32, #tpu.memory_space<hbm>> -> memref<2000xi32, #tpu.memory_space<hbm>>
        tpu.wait_dma2 semaphore(%run_scoped3A : memref<!tpu.dma_semaphore, #tpu.memory_space<semaphore_mem>>) src(%dma_wait3A_19 : memref<2000xi32, #tpu.memory_space<hbm>>) dst(%arg33 : memref<2000xi32, #tpu.memory_space<vmem>>)
        tpu.yield
      }) : () -> ()
      "tpu.region"() ({
        %run_scoped3A = tpu.sem_alloc : memref<!tpu.dma_semaphore, #tpu.memory_space<semaphore_mem>>
        %dma_start3A = tpu.memref_slice %arg10[%add3A_11] : memref<320000xi32, #tpu.memory_space<hbm>> -> memref<2000xi32, #tpu.memory_space<hbm>>
        %dma_start3A_18 = tpu.memref_slice %arg10[%add3A_11] : memref<320000xi32, #tpu.memory_space<hbm>> -> memref<2000xi32, #tpu.memory_space<hbm>>
        tpu.enqueue_dma source(%dma_start3A_18 : memref<2000xi32, #tpu.memory_space<hbm>>) target(%arg34 : memref<2000xi32, #tpu.memory_space<vmem>>) target_semaphore(%run_scoped3A : memref<!tpu.dma_semaphore, #tpu.memory_space<semaphore_mem>>)
        %dma_wait3A = tpu.memref_slice %arg10[%add3A_11] : memref<320000xi32, #tpu.memory_space<hbm>> -> memref<2000xi32, #tpu.memory_space<hbm>>
        %dma_wait3A_19 = tpu.memref_slice %arg10[%add3A_11] : memref<320000xi32, #tpu.memory_space<hbm>> -> memref<2000xi32, #tpu.memory_space<hbm>>
        tpu.wait_dma2 semaphore(%run_scoped3A : memref<!tpu.dma_semaphore, #tpu.memory_space<semaphore_mem>>) src(%dma_wait3A_19 : memref<2000xi32, #tpu.memory_space<hbm>>) dst(%arg34 : memref<2000xi32, #tpu.memory_space<vmem>>)
        tpu.yield
      }) : () -> ()
      %scan3A_12 = arith.constant 0 : i32
      %scan3A_13 = arith.constant 0 : i32
      %scan3A_14 = arith.constant 125 : i32
      %scan3A_15 = arith.addi %scan3A_13, %scan3A_14 : i32
      %scan3A_16 = arith.constant 1 : i32
      scf.for %scan3A_18 = %scan3A_13 to %scan3A_15 step %scan3A_16  : i32 {
        %mul3A_19 = arith.constant 16 : i32
        %mul3A_20 = arith.muli %scan3A_18, %mul3A_19 : i32
        %get3A = arith.index_cast %mul3A_20 : i32 to index
        %get3A_21 = tpu.vector_load %arg32[%get3A] {strides = array<i32>} : memref<2000xi32, #tpu.memory_space<vmem>>, vector<16xi32>,
        %get3A_22 = arith.index_cast %mul3A_20 : i32 to index
        %get3A_23 = tpu.vector_load %arg33[%get3A_22] {strides = array<i32>} : memref<2000xi32, #tpu.memory_space<vmem>>, vector<16xi32>,
        %get3A_24 = arith.index_cast %mul3A_20 : i32 to index
        %get3A_25 = tpu.vector_load %arg34[%get3A_24] {strides = array<i32>} : memref<2000xi32, #tpu.memory_space<vmem>>, vector<16xi32>,
        %gather3A = tpu.vector_load_idx %arg26[%get3A_23] : memref<10000xf32, #tpu.memory_space<vmem>>[vector<16xi32>], vector<16xf32>,
        %gather3A_26 = tpu.vector_load_idx %arg27[%get3A_23] : memref<10000xf32, #tpu.memory_space<vmem>>[vector<16xi32>], vector<16xf32>,
        %gather3A_27 = tpu.vector_load_idx %arg28[%get3A_23] : memref<10000xf32, #tpu.memory_space<vmem>>[vector<16xi32>], vector<16xf32>,
        %gather3A_28 = tpu.vector_load_idx %arg26[%get3A_21] : memref<10000xf32, #tpu.memory_space<vmem>>[vector<16xi32>], vector<16xf32>,
        %sub3A = arith.subf %gather3A_28, %gather3A : vector<16xf32>
        %swap3A = arith.index_cast %mul3A_20 : i32 to index
        %swap3A_29 = tpu.vector_load %arg35[%swap3A] {strides = array<i32>} : memref<2000xf32, #tpu.memory_space<vmem>>, vector<16xf32>,
        tpu.vector_store %arg35[%swap3A], %sub3A {strides = array<i32>} : memref<2000xf32, #tpu.memory_space<vmem>>, vector<16xf32>,
        %gather3A_30 = tpu.vector_load_idx %arg27[%get3A_21] : memref<10000xf32, #tpu.memory_space<vmem>>[vector<16xi32>], vector<16xf32>,
        %sub3A_31 = arith.subf %gather3A_30, %gather3A_26 : vector<16xf32>
        %swap3A_32 = arith.index_cast %mul3A_20 : i32 to index
        %swap3A_33 = tpu.vector_load %arg36[%swap3A_32] {strides = array<i32>} : memref<2000xf32, #tpu.memory_space<vmem>>, vector<16xf32>,
        tpu.vector_store %arg36[%swap3A_32], %sub3A_31 {strides = array<i32>} : memref<2000xf32, #tpu.memory_space<vmem>>, vector<16xf32>,
        %gather3A_34 = tpu.vector_load_idx %arg28[%get3A_21] : memref<10000xf32, #tpu.memory_space<vmem>>[vector<16xi32>], vector<16xf32>,
        %sub3A_35 = arith.subf %gather3A_34, %gather3A_27 : vector<16xf32>
        %swap3A_36 = arith.index_cast %mul3A_20 : i32 to index
        %swap3A_37 = tpu.vector_load %arg37[%swap3A_36] {strides = array<i32>} : memref<2000xf32, #tpu.memory_space<vmem>>, vector<16xf32>,
        tpu.vector_store %arg37[%swap3A_36], %sub3A_35 {strides = array<i32>} : memref<2000xf32, #tpu.memory_space<vmem>>, vector<16xf32>,
        %gather3A_38 = tpu.vector_load_idx %arg26[%get3A_25] : memref<10000xf32, #tpu.memory_space<vmem>>[vector<16xi32>], vector<16xf32>,
        %sub3A_39 = arith.subf %gather3A_38, %gather3A : vector<16xf32>
        %swap3A_40 = arith.index_cast %mul3A_20 : i32 to index
        %swap3A_41 = tpu.vector_load %arg38[%swap3A_40] {strides = array<i32>} : memref<2000xf32, #tpu.memory_space<vmem>>, vector<16xf32>,
        tpu.vector_store %arg38[%swap3A_40], %sub3A_39 {strides = array<i32>} : memref<2000xf32, #tpu.memory_space<vmem>>, vector<16xf32>,
        %gather3A_42 = tpu.vector_load_idx %arg27[%get3A_25] : memref<10000xf32, #tpu.memory_space<vmem>>[vector<16xi32>], vector<16xf32>,
        %sub3A_43 = arith.subf %gather3A_42, %gather3A_26 : vector<16xf32>
        %swap3A_44 = arith.index_cast %mul3A_20 : i32 to index
        %swap3A_45 = tpu.vector_load %arg39[%swap3A_44] {strides = array<i32>} : memref<2000xf32, #tpu.memory_space<vmem>>, vector<16xf32>,
        tpu.vector_store %arg39[%swap3A_44], %sub3A_43 {strides = array<i32>} : memref<2000xf32, #tpu.memory_space<vmem>>, vector<16xf32>,
        %gather3A_46 = tpu.vector_load_idx %arg28[%get3A_25] : memref<10000xf32, #tpu.memory_space<vmem>>[vector<16xi32>], vector<16xf32>,
        %sub3A_47 = arith.subf %gather3A_46, %gather3A_27 : vector<16xf32>
        %swap3A_48 = arith.index_cast %mul3A_20 : i32 to index
        %swap3A_49 = tpu.vector_load %arg40[%swap3A_48] {strides = array<i32>} : memref<2000xf32, #tpu.memory_space<vmem>>, vector<16xf32>,
        tpu.vector_store %arg40[%swap3A_48], %sub3A_47 {strides = array<i32>} : memref<2000xf32, #tpu.memory_space<vmem>>, vector<16xf32>,
        %gather3A_50 = tpu.vector_load_idx %arg29[%get3A_23] : memref<10000xf32, #tpu.memory_space<vmem>>[vector<16xi32>], vector<16xf32>,
        %gather3A_51 = tpu.vector_load_idx %arg30[%get3A_23] : memref<10000xf32, #tpu.memory_space<vmem>>[vector<16xi32>], vector<16xf32>,
        %gather3A_52 = tpu.vector_load_idx %arg31[%get3A_23] : memref<10000xf32, #tpu.memory_space<vmem>>[vector<16xi32>], vector<16xf32>,
        %gather3A_53 = tpu.vector_load_idx %arg29[%get3A_21] : memref<10000xf32, #tpu.memory_space<vmem>>[vector<16xi32>], vector<16xf32>,
        %sub3A_54 = arith.subf %gather3A_53, %gather3A_50 : vector<16xf32>
        %swap3A_55 = arith.index_cast %mul3A_20 : i32 to index
        %swap3A_56 = tpu.vector_load %arg41[%swap3A_55] {strides = array<i32>} : memref<2000xf32, #tpu.memory_space<vmem>>, vector<16xf32>,
        tpu.vector_store %arg41[%swap3A_55], %sub3A_54 {strides = array<i32>} : memref<2000xf32, #tpu.memory_space<vmem>>, vector<16xf32>,
        %gather3A_57 = tpu.vector_load_idx %arg30[%get3A_21] : memref<10000xf32, #tpu.memory_space<vmem>>[vector<16xi32>], vector<16xf32>,
        %sub3A_58 = arith.subf %gather3A_57, %gather3A_51 : vector<16xf32>
        %swap3A_59 = arith.index_cast %mul3A_20 : i32 to index
        %swap3A_60 = tpu.vector_load %arg42[%swap3A_59] {strides = array<i32>} : memref<2000xf32, #tpu.memory_space<vmem>>, vector<16xf32>,
        tpu.vector_store %arg42[%swap3A_59], %sub3A_58 {strides = array<i32>} : memref<2000xf32, #tpu.memory_space<vmem>>, vector<16xf32>,
        %gather3A_61 = tpu.vector_load_idx %arg31[%get3A_21] : memref<10000xf32, #tpu.memory_space<vmem>>[vector<16xi32>], vector<16xf32>,
        %sub3A_62 = arith.subf %gather3A_61, %gather3A_52 : vector<16xf32>
        %swap3A_63 = arith.index_cast %mul3A_20 : i32 to index
        %swap3A_64 = tpu.vector_load %arg43[%swap3A_63] {strides = array<i32>} : memref<2000xf32, #tpu.memory_space<vmem>>, vector<16xf32>,
        tpu.vector_store %arg43[%swap3A_63], %sub3A_62 {strides = array<i32>} : memref<2000xf32, #tpu.memory_space<vmem>>, vector<16xf32>,
        %gather3A_65 = tpu.vector_load_idx %arg29[%get3A_25] : memref<10000xf32, #tpu.memory_space<vmem>>[vector<16xi32>], vector<16xf32>,
        %sub3A_66 = arith.subf %gather3A_65, %gather3A_50 : vector<16xf32>
        %swap3A_67 = arith.index_cast %mul3A_20 : i32 to index
        %swap3A_68 = tpu.vector_load %arg44[%swap3A_67] {strides = array<i32>} : memref<2000xf32, #tpu.memory_space<vmem>>, vector<16xf32>,
        tpu.vector_store %arg44[%swap3A_67], %sub3A_66 {strides = array<i32>} : memref<2000xf32, #tpu.memory_space<vmem>>, vector<16xf32>,
        %gather3A_69 = tpu.vector_load_idx %arg30[%get3A_25] : memref<10000xf32, #tpu.memory_space<vmem>>[vector<16xi32>], vector<16xf32>,
        %sub3A_70 = arith.subf %gather3A_69, %gather3A_51 : vector<16xf32>
        %swap3A_71 = arith.index_cast %mul3A_20 : i32 to index
        %swap3A_72 = tpu.vector_load %arg45[%swap3A_71] {strides = array<i32>} : memref<2000xf32, #tpu.memory_space<vmem>>, vector<16xf32>,
        tpu.vector_store %arg45[%swap3A_71], %sub3A_70 {strides = array<i32>} : memref<2000xf32, #tpu.memory_space<vmem>>, vector<16xf32>,
        %gather3A_73 = tpu.vector_load_idx %arg31[%get3A_25] : memref<10000xf32, #tpu.memory_space<vmem>>[vector<16xi32>], vector<16xf32>,
        %sub3A_74 = arith.subf %gather3A_73, %gather3A_52 : vector<16xf32>
        %swap3A_75 = arith.index_cast %mul3A_20 : i32 to index
        %swap3A_76 = tpu.vector_load %arg46[%swap3A_75] {strides = array<i32>} : memref<2000xf32, #tpu.memory_space<vmem>>, vector<16xf32>,
        tpu.vector_store %arg46[%swap3A_75], %sub3A_74 {strides = array<i32>} : memref<2000xf32, #tpu.memory_space<vmem>>, vector<16xf32>,
        %swap3A_77 = arith.index_cast %mul3A_20 : i32 to index
        %swap3A_78 = tpu.vector_load %arg47[%swap3A_77] {strides = array<i32>} : memref<2000xf32, #tpu.memory_space<vmem>>, vector<16xf32>,
        tpu.vector_store %arg47[%swap3A_77], %gather3A_50 {strides = array<i32>} : memref<2000xf32, #tpu.memory_space<vmem>>, vector<16xf32>,
        %swap3A_79 = arith.index_cast %mul3A_20 : i32 to index
        %swap3A_80 = tpu.vector_load %arg48[%swap3A_79] {strides = array<i32>} : memref<2000xf32, #tpu.memory_space<vmem>>, vector<16xf32>,
        tpu.vector_store %arg48[%swap3A_79], %gather3A_51 {strides = array<i32>} : memref<2000xf32, #tpu.memory_space<vmem>>, vector<16xf32>,
        %swap3A_81 = arith.index_cast %mul3A_20 : i32 to index
        %swap3A_82 = tpu.vector_load %arg49[%swap3A_81] {strides = array<i32>} : memref<2000xf32, #tpu.memory_space<vmem>>, vector<16xf32>,
        tpu.vector_store %arg49[%swap3A_81], %gather3A_52 {strides = array<i32>} : memref<2000xf32, #tpu.memory_space<vmem>>, vector<16xf32>,
      }
      %scan3A_17 = arith.constant 125 : i32
      "tpu.region"() ({
        %run_scoped3A = tpu.sem_alloc : memref<!tpu.dma_semaphore, #tpu.memory_space<semaphore_mem>>
        %dma_start3A = tpu.memref_slice %arg11[%add3A_11] : memref<320000xf32, #tpu.memory_space<hbm>> -> memref<2000xf32, #tpu.memory_space<hbm>>
        %dma_start3A_18 = tpu.memref_slice %arg11[%add3A_11] : memref<320000xf32, #tpu.memory_space<hbm>> -> memref<2000xf32, #tpu.memory_space<hbm>>
        tpu.enqueue_dma source(%arg35 : memref<2000xf32, #tpu.memory_space<vmem>>) target(%dma_start3A_18 : memref<2000xf32, #tpu.memory_space<hbm>>) target_semaphore(%run_scoped3A : memref<!tpu.dma_semaphore, #tpu.memory_space<semaphore_mem>>)
        %dma_wait3A = tpu.memref_slice %arg11[%add3A_11] : memref<320000xf32, #tpu.memory_space<hbm>> -> memref<2000xf32, #tpu.memory_space<hbm>>
        %dma_wait3A_19 = tpu.memref_slice %arg11[%add3A_11] : memref<320000xf32, #tpu.memory_space<hbm>> -> memref<2000xf32, #tpu.memory_space<hbm>>
        tpu.wait_dma2 semaphore(%run_scoped3A : memref<!tpu.dma_semaphore, #tpu.memory_space<semaphore_mem>>) src(%arg35 : memref<2000xf32, #tpu.memory_space<vmem>>) dst(%dma_wait3A_19 : memref<2000xf32, #tpu.memory_space<hbm>>)
        tpu.yield
      }) : () -> ()
      "tpu.region"() ({
        %run_scoped3A = tpu.sem_alloc : memref<!tpu.dma_semaphore, #tpu.memory_space<semaphore_mem>>
        %dma_start3A = tpu.memref_slice %arg12[%add3A_11] : memref<320000xf32, #tpu.memory_space<hbm>> -> memref<2000xf32, #tpu.memory_space<hbm>>
        %dma_start3A_18 = tpu.memref_slice %arg12[%add3A_11] : memref<320000xf32, #tpu.memory_space<hbm>> -> memref<2000xf32, #tpu.memory_space<hbm>>
        tpu.enqueue_dma source(%arg36 : memref<2000xf32, #tpu.memory_space<vmem>>) target(%dma_start3A_18 : memref<2000xf32, #tpu.memory_space<hbm>>) target_semaphore(%run_scoped3A : memref<!tpu.dma_semaphore, #tpu.memory_space<semaphore_mem>>)
        %dma_wait3A = tpu.memref_slice %arg12[%add3A_11] : memref<320000xf32, #tpu.memory_space<hbm>> -> memref<2000xf32, #tpu.memory_space<hbm>>
        %dma_wait3A_19 = tpu.memref_slice %arg12[%add3A_11] : memref<320000xf32, #tpu.memory_space<hbm>> -> memref<2000xf32, #tpu.memory_space<hbm>>
        tpu.wait_dma2 semaphore(%run_scoped3A : memref<!tpu.dma_semaphore, #tpu.memory_space<semaphore_mem>>) src(%arg36 : memref<2000xf32, #tpu.memory_space<vmem>>) dst(%dma_wait3A_19 : memref<2000xf32, #tpu.memory_space<hbm>>)
        tpu.yield
      }) : () -> ()
      "tpu.region"() ({
        %run_scoped3A = tpu.sem_alloc : memref<!tpu.dma_semaphore, #tpu.memory_space<semaphore_mem>>
        %dma_start3A = tpu.memref_slice %arg13[%add3A_11] : memref<320000xf32, #tpu.memory_space<hbm>> -> memref<2000xf32, #tpu.memory_space<hbm>>
        %dma_start3A_18 = tpu.memref_slice %arg13[%add3A_11] : memref<320000xf32, #tpu.memory_space<hbm>> -> memref<2000xf32, #tpu.memory_space<hbm>>
        tpu.enqueue_dma source(%arg37 : memref<2000xf32, #tpu.memory_space<vmem>>) target(%dma_start3A_18 : memref<2000xf32, #tpu.memory_space<hbm>>) target_semaphore(%run_scoped3A : memref<!tpu.dma_semaphore, #tpu.memory_space<semaphore_mem>>)
        %dma_wait3A = tpu.memref_slice %arg13[%add3A_11] : memref<320000xf32, #tpu.memory_space<hbm>> -> memref<2000xf32, #tpu.memory_space<hbm>>
        %dma_wait3A_19 = tpu.memref_slice %arg13[%add3A_11] : memref<320000xf32, #tpu.memory_space<hbm>> -> memref<2000xf32, #tpu.memory_space<hbm>>
        tpu.wait_dma2 semaphore(%run_scoped3A : memref<!tpu.dma_semaphore, #tpu.memory_space<semaphore_mem>>) src(%arg37 : memref<2000xf32, #tpu.memory_space<vmem>>) dst(%dma_wait3A_19 : memref<2000xf32, #tpu.memory_space<hbm>>)
        tpu.yield
      }) : () -> ()
      "tpu.region"() ({
        %run_scoped3A = tpu.sem_alloc : memref<!tpu.dma_semaphore, #tpu.memory_space<semaphore_mem>>
        %dma_start3A = tpu.memref_slice %arg14[%add3A_11] : memref<320000xf32, #tpu.memory_space<hbm>> -> memref<2000xf32, #tpu.memory_space<hbm>>
        %dma_start3A_18 = tpu.memref_slice %arg14[%add3A_11] : memref<320000xf32, #tpu.memory_space<hbm>> -> memref<2000xf32, #tpu.memory_space<hbm>>
        tpu.enqueue_dma source(%arg38 : memref<2000xf32, #tpu.memory_space<vmem>>) target(%dma_start3A_18 : memref<2000xf32, #tpu.memory_space<hbm>>) target_semaphore(%run_scoped3A : memref<!tpu.dma_semaphore, #tpu.memory_space<semaphore_mem>>)
        %dma_wait3A = tpu.memref_slice %arg14[%add3A_11] : memref<320000xf32, #tpu.memory_space<hbm>> -> memref<2000xf32, #tpu.memory_space<hbm>>
        %dma_wait3A_19 = tpu.memref_slice %arg14[%add3A_11] : memref<320000xf32, #tpu.memory_space<hbm>> -> memref<2000xf32, #tpu.memory_space<hbm>>
        tpu.wait_dma2 semaphore(%run_scoped3A : memref<!tpu.dma_semaphore, #tpu.memory_space<semaphore_mem>>) src(%arg38 : memref<2000xf32, #tpu.memory_space<vmem>>) dst(%dma_wait3A_19 : memref<2000xf32, #tpu.memory_space<hbm>>)
        tpu.yield
      }) : () -> ()
      "tpu.region"() ({
        %run_scoped3A = tpu.sem_alloc : memref<!tpu.dma_semaphore, #tpu.memory_space<semaphore_mem>>
        %dma_start3A = tpu.memref_slice %arg15[%add3A_11] : memref<320000xf32, #tpu.memory_space<hbm>> -> memref<2000xf32, #tpu.memory_space<hbm>>
        %dma_start3A_18 = tpu.memref_slice %arg15[%add3A_11] : memref<320000xf32, #tpu.memory_space<hbm>> -> memref<2000xf32, #tpu.memory_space<hbm>>
        tpu.enqueue_dma source(%arg39 : memref<2000xf32, #tpu.memory_space<vmem>>) target(%dma_start3A_18 : memref<2000xf32, #tpu.memory_space<hbm>>) target_semaphore(%run_scoped3A : memref<!tpu.dma_semaphore, #tpu.memory_space<semaphore_mem>>)
        %dma_wait3A = tpu.memref_slice %arg15[%add3A_11] : memref<320000xf32, #tpu.memory_space<hbm>> -> memref<2000xf32, #tpu.memory_space<hbm>>
        %dma_wait3A_19 = tpu.memref_slice %arg15[%add3A_11] : memref<320000xf32, #tpu.memory_space<hbm>> -> memref<2000xf32, #tpu.memory_space<hbm>>
        tpu.wait_dma2 semaphore(%run_scoped3A : memref<!tpu.dma_semaphore, #tpu.memory_space<semaphore_mem>>) src(%arg39 : memref<2000xf32, #tpu.memory_space<vmem>>) dst(%dma_wait3A_19 : memref<2000xf32, #tpu.memory_space<hbm>>)
        tpu.yield
      }) : () -> ()
      "tpu.region"() ({
        %run_scoped3A = tpu.sem_alloc : memref<!tpu.dma_semaphore, #tpu.memory_space<semaphore_mem>>
        %dma_start3A = tpu.memref_slice %arg16[%add3A_11] : memref<320000xf32, #tpu.memory_space<hbm>> -> memref<2000xf32, #tpu.memory_space<hbm>>
        %dma_start3A_18 = tpu.memref_slice %arg16[%add3A_11] : memref<320000xf32, #tpu.memory_space<hbm>> -> memref<2000xf32, #tpu.memory_space<hbm>>
        tpu.enqueue_dma source(%arg40 : memref<2000xf32, #tpu.memory_space<vmem>>) target(%dma_start3A_18 : memref<2000xf32, #tpu.memory_space<hbm>>) target_semaphore(%run_scoped3A : memref<!tpu.dma_semaphore, #tpu.memory_space<semaphore_mem>>)
        %dma_wait3A = tpu.memref_slice %arg16[%add3A_11] : memref<320000xf32, #tpu.memory_space<hbm>> -> memref<2000xf32, #tpu.memory_space<hbm>>
        %dma_wait3A_19 = tpu.memref_slice %arg16[%add3A_11] : memref<320000xf32, #tpu.memory_space<hbm>> -> memref<2000xf32, #tpu.memory_space<hbm>>
        tpu.wait_dma2 semaphore(%run_scoped3A : memref<!tpu.dma_semaphore, #tpu.memory_space<semaphore_mem>>) src(%arg40 : memref<2000xf32, #tpu.memory_space<vmem>>) dst(%dma_wait3A_19 : memref<2000xf32, #tpu.memory_space<hbm>>)
        tpu.yield
      }) : () -> ()
      "tpu.region"() ({
        %run_scoped3A = tpu.sem_alloc : memref<!tpu.dma_semaphore, #tpu.memory_space<semaphore_mem>>
        %dma_start3A = tpu.memref_slice %arg17[%add3A_11] : memref<320000xf32, #tpu.memory_space<hbm>> -> memref<2000xf32, #tpu.memory_space<hbm>>
        %dma_start3A_18 = tpu.memref_slice %arg17[%add3A_11] : memref<320000xf32, #tpu.memory_space<hbm>> -> memref<2000xf32, #tpu.memory_space<hbm>>
        tpu.enqueue_dma source(%arg41 : memref<2000xf32, #tpu.memory_space<vmem>>) target(%dma_start3A_18 : memref<2000xf32, #tpu.memory_space<hbm>>) target_semaphore(%run_scoped3A : memref<!tpu.dma_semaphore, #tpu.memory_space<semaphore_mem>>)
        %dma_wait3A = tpu.memref_slice %arg17[%add3A_11] : memref<320000xf32, #tpu.memory_space<hbm>> -> memref<2000xf32, #tpu.memory_space<hbm>>
        %dma_wait3A_19 = tpu.memref_slice %arg17[%add3A_11] : memref<320000xf32, #tpu.memory_space<hbm>> -> memref<2000xf32, #tpu.memory_space<hbm>>
        tpu.wait_dma2 semaphore(%run_scoped3A : memref<!tpu.dma_semaphore, #tpu.memory_space<semaphore_mem>>) src(%arg41 : memref<2000xf32, #tpu.memory_space<vmem>>) dst(%dma_wait3A_19 : memref<2000xf32, #tpu.memory_space<hbm>>)
        tpu.yield
      }) : () -> ()
      "tpu.region"() ({
        %run_scoped3A = tpu.sem_alloc : memref<!tpu.dma_semaphore, #tpu.memory_space<semaphore_mem>>
        %dma_start3A = tpu.memref_slice %arg18[%add3A_11] : memref<320000xf32, #tpu.memory_space<hbm>> -> memref<2000xf32, #tpu.memory_space<hbm>>
        %dma_start3A_18 = tpu.memref_slice %arg18[%add3A_11] : memref<320000xf32, #tpu.memory_space<hbm>> -> memref<2000xf32, #tpu.memory_space<hbm>>
        tpu.enqueue_dma source(%arg42 : memref<2000xf32, #tpu.memory_space<vmem>>) target(%dma_start3A_18 : memref<2000xf32, #tpu.memory_space<hbm>>) target_semaphore(%run_scoped3A : memref<!tpu.dma_semaphore, #tpu.memory_space<semaphore_mem>>)
        %dma_wait3A = tpu.memref_slice %arg18[%add3A_11] : memref<320000xf32, #tpu.memory_space<hbm>> -> memref<2000xf32, #tpu.memory_space<hbm>>
        %dma_wait3A_19 = tpu.memref_slice %arg18[%add3A_11] : memref<320000xf32, #tpu.memory_space<hbm>> -> memref<2000xf32, #tpu.memory_space<hbm>>
        tpu.wait_dma2 semaphore(%run_scoped3A : memref<!tpu.dma_semaphore, #tpu.memory_space<semaphore_mem>>) src(%arg42 : memref<2000xf32, #tpu.memory_space<vmem>>) dst(%dma_wait3A_19 : memref<2000xf32, #tpu.memory_space<hbm>>)
        tpu.yield
      }) : () -> ()
      "tpu.region"() ({
        %run_scoped3A = tpu.sem_alloc : memref<!tpu.dma_semaphore, #tpu.memory_space<semaphore_mem>>
        %dma_start3A = tpu.memref_slice %arg19[%add3A_11] : memref<320000xf32, #tpu.memory_space<hbm>> -> memref<2000xf32, #tpu.memory_space<hbm>>
        %dma_start3A_18 = tpu.memref_slice %arg19[%add3A_11] : memref<320000xf32, #tpu.memory_space<hbm>> -> memref<2000xf32, #tpu.memory_space<hbm>>
        tpu.enqueue_dma source(%arg43 : memref<2000xf32, #tpu.memory_space<vmem>>) target(%dma_start3A_18 : memref<2000xf32, #tpu.memory_space<hbm>>) target_semaphore(%run_scoped3A : memref<!tpu.dma_semaphore, #tpu.memory_space<semaphore_mem>>)
        %dma_wait3A = tpu.memref_slice %arg19[%add3A_11] : memref<320000xf32, #tpu.memory_space<hbm>> -> memref<2000xf32, #tpu.memory_space<hbm>>
        %dma_wait3A_19 = tpu.memref_slice %arg19[%add3A_11] : memref<320000xf32, #tpu.memory_space<hbm>> -> memref<2000xf32, #tpu.memory_space<hbm>>
        tpu.wait_dma2 semaphore(%run_scoped3A : memref<!tpu.dma_semaphore, #tpu.memory_space<semaphore_mem>>) src(%arg43 : memref<2000xf32, #tpu.memory_space<vmem>>) dst(%dma_wait3A_19 : memref<2000xf32, #tpu.memory_space<hbm>>)
        tpu.yield
      }) : () -> ()
      "tpu.region"() ({
        %run_scoped3A = tpu.sem_alloc : memref<!tpu.dma_semaphore, #tpu.memory_space<semaphore_mem>>
        %dma_start3A = tpu.memref_slice %arg20[%add3A_11] : memref<320000xf32, #tpu.memory_space<hbm>> -> memref<2000xf32, #tpu.memory_space<hbm>>
        %dma_start3A_18 = tpu.memref_slice %arg20[%add3A_11] : memref<320000xf32, #tpu.memory_space<hbm>> -> memref<2000xf32, #tpu.memory_space<hbm>>
        tpu.enqueue_dma source(%arg44 : memref<2000xf32, #tpu.memory_space<vmem>>) target(%dma_start3A_18 : memref<2000xf32, #tpu.memory_space<hbm>>) target_semaphore(%run_scoped3A : memref<!tpu.dma_semaphore, #tpu.memory_space<semaphore_mem>>)
        %dma_wait3A = tpu.memref_slice %arg20[%add3A_11] : memref<320000xf32, #tpu.memory_space<hbm>> -> memref<2000xf32, #tpu.memory_space<hbm>>
        %dma_wait3A_19 = tpu.memref_slice %arg20[%add3A_11] : memref<320000xf32, #tpu.memory_space<hbm>> -> memref<2000xf32, #tpu.memory_space<hbm>>
        tpu.wait_dma2 semaphore(%run_scoped3A : memref<!tpu.dma_semaphore, #tpu.memory_space<semaphore_mem>>) src(%arg44 : memref<2000xf32, #tpu.memory_space<vmem>>) dst(%dma_wait3A_19 : memref<2000xf32, #tpu.memory_space<hbm>>)
        tpu.yield
      }) : () -> ()
      "tpu.region"() ({
        %run_scoped3A = tpu.sem_alloc : memref<!tpu.dma_semaphore, #tpu.memory_space<semaphore_mem>>
        %dma_start3A = tpu.memref_slice %arg21[%add3A_11] : memref<320000xf32, #tpu.memory_space<hbm>> -> memref<2000xf32, #tpu.memory_space<hbm>>
        %dma_start3A_18 = tpu.memref_slice %arg21[%add3A_11] : memref<320000xf32, #tpu.memory_space<hbm>> -> memref<2000xf32, #tpu.memory_space<hbm>>
        tpu.enqueue_dma source(%arg45 : memref<2000xf32, #tpu.memory_space<vmem>>) target(%dma_start3A_18 : memref<2000xf32, #tpu.memory_space<hbm>>) target_semaphore(%run_scoped3A : memref<!tpu.dma_semaphore, #tpu.memory_space<semaphore_mem>>)
        %dma_wait3A = tpu.memref_slice %arg21[%add3A_11] : memref<320000xf32, #tpu.memory_space<hbm>> -> memref<2000xf32, #tpu.memory_space<hbm>>
        %dma_wait3A_19 = tpu.memref_slice %arg21[%add3A_11] : memref<320000xf32, #tpu.memory_space<hbm>> -> memref<2000xf32, #tpu.memory_space<hbm>>
        tpu.wait_dma2 semaphore(%run_scoped3A : memref<!tpu.dma_semaphore, #tpu.memory_space<semaphore_mem>>) src(%arg45 : memref<2000xf32, #tpu.memory_space<vmem>>) dst(%dma_wait3A_19 : memref<2000xf32, #tpu.memory_space<hbm>>)
        tpu.yield
      }) : () -> ()
      "tpu.region"() ({
        %run_scoped3A = tpu.sem_alloc : memref<!tpu.dma_semaphore, #tpu.memory_space<semaphore_mem>>
        %dma_start3A = tpu.memref_slice %arg22[%add3A_11] : memref<320000xf32, #tpu.memory_space<hbm>> -> memref<2000xf32, #tpu.memory_space<hbm>>
        %dma_start3A_18 = tpu.memref_slice %arg22[%add3A_11] : memref<320000xf32, #tpu.memory_space<hbm>> -> memref<2000xf32, #tpu.memory_space<hbm>>
        tpu.enqueue_dma source(%arg46 : memref<2000xf32, #tpu.memory_space<vmem>>) target(%dma_start3A_18 : memref<2000xf32, #tpu.memory_space<hbm>>) target_semaphore(%run_scoped3A : memref<!tpu.dma_semaphore, #tpu.memory_space<semaphore_mem>>)
        %dma_wait3A = tpu.memref_slice %arg22[%add3A_11] : memref<320000xf32, #tpu.memory_space<hbm>> -> memref<2000xf32, #tpu.memory_space<hbm>>
        %dma_wait3A_19 = tpu.memref_slice %arg22[%add3A_11] : memref<320000xf32, #tpu.memory_space<hbm>> -> memref<2000xf32, #tpu.memory_space<hbm>>
        tpu.wait_dma2 semaphore(%run_scoped3A : memref<!tpu.dma_semaphore, #tpu.memory_space<semaphore_mem>>) src(%arg46 : memref<2000xf32, #tpu.memory_space<vmem>>) dst(%dma_wait3A_19 : memref<2000xf32, #tpu.memory_space<hbm>>)
        tpu.yield
      }) : () -> ()
      "tpu.region"() ({
        %run_scoped3A = tpu.sem_alloc : memref<!tpu.dma_semaphore, #tpu.memory_space<semaphore_mem>>
        %dma_start3A = tpu.memref_slice %arg23[%add3A_11] : memref<320000xf32, #tpu.memory_space<hbm>> -> memref<2000xf32, #tpu.memory_space<hbm>>
        %dma_start3A_18 = tpu.memref_slice %arg23[%add3A_11] : memref<320000xf32, #tpu.memory_space<hbm>> -> memref<2000xf32, #tpu.memory_space<hbm>>
        tpu.enqueue_dma source(%arg47 : memref<2000xf32, #tpu.memory_space<vmem>>) target(%dma_start3A_18 : memref<2000xf32, #tpu.memory_space<hbm>>) target_semaphore(%run_scoped3A : memref<!tpu.dma_semaphore, #tpu.memory_space<semaphore_mem>>)
        %dma_wait3A = tpu.memref_slice %arg23[%add3A_11] : memref<320000xf32, #tpu.memory_space<hbm>> -> memref<2000xf32, #tpu.memory_space<hbm>>
        %dma_wait3A_19 = tpu.memref_slice %arg23[%add3A_11] : memref<320000xf32, #tpu.memory_space<hbm>> -> memref<2000xf32, #tpu.memory_space<hbm>>
        tpu.wait_dma2 semaphore(%run_scoped3A : memref<!tpu.dma_semaphore, #tpu.memory_space<semaphore_mem>>) src(%arg47 : memref<2000xf32, #tpu.memory_space<vmem>>) dst(%dma_wait3A_19 : memref<2000xf32, #tpu.memory_space<hbm>>)
        tpu.yield
      }) : () -> ()
      "tpu.region"() ({
        %run_scoped3A = tpu.sem_alloc : memref<!tpu.dma_semaphore, #tpu.memory_space<semaphore_mem>>
        %dma_start3A = tpu.memref_slice %arg24[%add3A_11] : memref<320000xf32, #tpu.memory_space<hbm>> -> memref<2000xf32, #tpu.memory_space<hbm>>
        %dma_start3A_18 = tpu.memref_slice %arg24[%add3A_11] : memref<320000xf32, #tpu.memory_space<hbm>> -> memref<2000xf32, #tpu.memory_space<hbm>>
        tpu.enqueue_dma source(%arg48 : memref<2000xf32, #tpu.memory_space<vmem>>) target(%dma_start3A_18 : memref<2000xf32, #tpu.memory_space<hbm>>) target_semaphore(%run_scoped3A : memref<!tpu.dma_semaphore, #tpu.memory_space<semaphore_mem>>)
        %dma_wait3A = tpu.memref_slice %arg24[%add3A_11] : memref<320000xf32, #tpu.memory_space<hbm>> -> memref<2000xf32, #tpu.memory_space<hbm>>
        %dma_wait3A_19 = tpu.memref_slice %arg24[%add3A_11] : memref<320000xf32, #tpu.memory_space<hbm>> -> memref<2000xf32, #tpu.memory_space<hbm>>
        tpu.wait_dma2 semaphore(%run_scoped3A : memref<!tpu.dma_semaphore, #tpu.memory_space<semaphore_mem>>) src(%arg48 : memref<2000xf32, #tpu.memory_space<vmem>>) dst(%dma_wait3A_19 : memref<2000xf32, #tpu.memory_space<hbm>>)
        tpu.yield
      }) : () -> ()
      "tpu.region"() ({
        %run_scoped3A = tpu.sem_alloc : memref<!tpu.dma_semaphore, #tpu.memory_space<semaphore_mem>>
        %dma_start3A = tpu.memref_slice %arg25[%add3A_11] : memref<320000xf32, #tpu.memory_space<hbm>> -> memref<2000xf32, #tpu.memory_space<hbm>>
        %dma_start3A_18 = tpu.memref_slice %arg25[%add3A_11] : memref<320000xf32, #tpu.memory_space<hbm>> -> memref<2000xf32, #tpu.memory_space<hbm>>
        tpu.enqueue_dma source(%arg49 : memref<2000xf32, #tpu.memory_space<vmem>>) target(%dma_start3A_18 : memref<2000xf32, #tpu.memory_space<hbm>>) target_semaphore(%run_scoped3A : memref<!tpu.dma_semaphore, #tpu.memory_space<semaphore_mem>>)
        %dma_wait3A = tpu.memref_slice %arg25[%add3A_11] : memref<320000xf32, #tpu.memory_space<hbm>> -> memref<2000xf32, #tpu.memory_space<hbm>>
        %dma_wait3A_19 = tpu.memref_slice %arg25[%add3A_11] : memref<320000xf32, #tpu.memory_space<hbm>> -> memref<2000xf32, #tpu.memory_space<hbm>>
        tpu.wait_dma2 semaphore(%run_scoped3A : memref<!tpu.dma_semaphore, #tpu.memory_space<semaphore_mem>>) src(%arg49 : memref<2000xf32, #tpu.memory_space<vmem>>) dst(%dma_wait3A_19 : memref<2000xf32, #tpu.memory_space<hbm>>)
        tpu.yield
      }) : () -> ()
    }
    %scan3A_7 = arith.constant 5 : i32
    return
  }
}

#map = affine_map<(d0, d1) -> (0)>
#map1 = affine_map<(d0, d1) -> (0, 0, 0)>
module attributes {stable_mosaic.version = 14 : i64} {
  func.func @k(%arg0: i32, %arg1: i32, %arg2: memref<320000xf32, #tpu.memory_space<hbm>>, %arg3: memref<320000xf32, #tpu.memory_space<hbm>>, %arg4: memref<320000xf32, #tpu.memory_space<hbm>>, %arg5: memref<320000xf32, #tpu.memory_space<hbm>>, %arg6: memref<320000xf32, #tpu.memory_space<hbm>>, %arg7: memref<320000xf32, #tpu.memory_space<hbm>>, %arg8: memref<320000xf32, #tpu.memory_space<hbm>>, %arg9: memref<320000xf32, #tpu.memory_space<hbm>>, %arg10: memref<320000xf32, #tpu.memory_space<hbm>>, %arg11: memref<32x125x80xi32, #tpu.memory_space<hbm>>, %arg12: memref<32x125x80xi32, #tpu.memory_space<hbm>>, %arg13: memref<32x125x80xi32, #tpu.memory_space<hbm>>, %arg14: memref<2x10112x16xf32, #tpu.memory_space<hbm>>, %arg15: memref<10112x16xf32, #tpu.memory_space<vmem_shared>>, %arg16: memref<632x16xf32, #tpu.memory_space<vmem>>, %arg17: memref<80xi32, #tpu.memory_space<vmem>>, %arg18: memref<80xi32, #tpu.memory_space<vmem>>, %arg19: memref<80xf32, #tpu.memory_space<vmem>>, %arg20: memref<80xf32, #tpu.memory_space<vmem>>, %arg21: memref<80xf32, #tpu.memory_space<vmem>>, %arg22: memref<80xf32, #tpu.memory_space<vmem>>, %arg23: memref<80xf32, #tpu.memory_space<vmem>>, %arg24: memref<80xf32, #tpu.memory_space<vmem>>, %arg25: memref<80x16xf32, #tpu.memory_space<vmem>>, %arg26: memref<80x16xf32, #tpu.memory_space<vmem>>, %arg27: memref<!tpu.dma_semaphore, #tpu.memory_space<semaphore_mem>>, %arg28: memref<!tpu.dma_semaphore, #tpu.memory_space<semaphore_mem>>) attributes {dimension_semantics = [#tpu.dimension_semantics<core_parallel>, #tpu.dimension_semantics<subcore_parallel>], iteration_bounds = array<i64: 2, 16>, scalar_prefetch = 0 : i64, scratch_operands = 14 : i64, tpu.core_type = #tpu.core_type<sc_vector_subcore>, window_params = [{transform_indices = #map}, {transform_indices = #map}, {transform_indices = #map}, {transform_indices = #map}, {transform_indices = #map}, {transform_indices = #map}, {transform_indices = #map}, {transform_indices = #map}, {transform_indices = #map}, {transform_indices = #map1}, {transform_indices = #map1}, {transform_indices = #map1}, {transform_indices = #map1}]} {
    %mul3A = arith.constant 2 : i32
    %mul3A_0 = arith.muli %arg1, %mul3A : i32
    %add3A = arith.addi %mul3A_0, %arg0 : i32
    %broadcast_in_dim3A = arith.constant 0.000000e+00 : f32
    %broadcast_in_dim3A_1 = vector.broadcast %broadcast_in_dim3A : f32 to vector<16xf32>
    %broadcast_in_dim3A_2 = arith.constant 1.000000e+00 : f32
    %broadcast_in_dim3A_3 = vector.broadcast %broadcast_in_dim3A_2 : f32 to vector<16xf32>
    %iota3A = tpu.iota {dimensions = array<i32: 0>} : vector<16xi32>
    %scan3A = arith.constant 0 : i32
    %scan3A_4 = arith.constant 0 : i32
    %scan3A_5 = arith.constant 632 : i32
    %scan3A_6 = arith.addi %scan3A_4, %scan3A_5 : i32
    %scan3A_7 = arith.constant 1 : i32
    scf.for %scan3A_261 = %scan3A_4 to %scan3A_6 step %scan3A_7  : i32 {
      %swap3A = arith.index_cast %scan3A_261 : i32 to index
      %swap3A_262 = arith.constant 0 : index
      %swap3A_263 = tpu.vector_load %arg16[%swap3A, %swap3A_262] {strides = array<i32>} : memref<632x16xf32, #tpu.memory_space<vmem>>, vector<16xf32>,
      tpu.vector_store %arg16[%swap3A, %swap3A_262], %broadcast_in_dim3A_1 {strides = array<i32>} : memref<632x16xf32, #tpu.memory_space<vmem>>, vector<16xf32>,
    }
    %scan3A_8 = arith.constant 632 : i32
    %mul3A_9 = arith.constant 632 : i32
    %mul3A_10 = arith.muli %arg1, %mul3A_9 : i32
    "tpu.region"() ({
      %run_scoped3A = tpu.sem_alloc : memref<!tpu.dma_semaphore, #tpu.memory_space<semaphore_mem>>
      %dma_start3A_261 = arith.constant 0 : i32
      %dma_start3A_262 = tpu.memref_slice %arg15[%mul3A_10, %dma_start3A_261] : memref<10112x16xf32, #tpu.memory_space<vmem_shared>> -> memref<632x16xf32, #tpu.memory_space<vmem_shared>>
      %dma_start3A_263 = arith.constant 0 : i32
      %dma_start3A_264 = tpu.memref_slice %arg15[%mul3A_10, %dma_start3A_263] : memref<10112x16xf32, #tpu.memory_space<vmem_shared>> -> memref<632x16xf32, #tpu.memory_space<vmem_shared>>
      tpu.enqueue_dma source(%arg16 : memref<632x16xf32, #tpu.memory_space<vmem>>) target(%dma_start3A_264 : memref<632x16xf32, #tpu.memory_space<vmem_shared>>) target_semaphore(%run_scoped3A : memref<!tpu.dma_semaphore, #tpu.memory_space<semaphore_mem>>)
      %dma_wait3A_265 = arith.constant 0 : i32
      %dma_wait3A_266 = tpu.memref_slice %arg15[%mul3A_10, %dma_wait3A_265] : memref<10112x16xf32, #tpu.memory_space<vmem_shared>> -> memref<632x16xf32, #tpu.memory_space<vmem_shared>>
      %dma_wait3A_267 = arith.constant 0 : i32
      %dma_wait3A_268 = tpu.memref_slice %arg15[%mul3A_10, %dma_wait3A_267] : memref<10112x16xf32, #tpu.memory_space<vmem_shared>> -> memref<632x16xf32, #tpu.memory_space<vmem_shared>>
      tpu.wait_dma2 semaphore(%run_scoped3A : memref<!tpu.dma_semaphore, #tpu.memory_space<semaphore_mem>>) src(%arg16 : memref<632x16xf32, #tpu.memory_space<vmem>>) dst(%dma_wait3A_268 : memref<632x16xf32, #tpu.memory_space<vmem_shared>>)
      tpu.yield
    }) : () -> ()
    %scan3A_11 = arith.constant 0 : i32
    %scan3A_12 = arith.constant 0 : i32
    %scan3A_13 = arith.constant 80 : i32
    %scan3A_14 = arith.addi %scan3A_12, %scan3A_13 : i32
    %scan3A_15 = arith.constant 1 : i32
    scf.for %scan3A_261 = %scan3A_12 to %scan3A_14 step %scan3A_15  : i32 {
      %swap3A = arith.index_cast %scan3A_261 : i32 to index
      %swap3A_262 = arith.constant 0 : index
      %swap3A_263 = tpu.vector_load %arg25[%swap3A, %swap3A_262] {strides = array<i32>} : memref<80x16xf32, #tpu.memory_space<vmem>>, vector<16xf32>,
      tpu.vector_store %arg25[%swap3A, %swap3A_262], %broadcast_in_dim3A_1 {strides = array<i32>} : memref<80x16xf32, #tpu.memory_space<vmem>>, vector<16xf32>,
      %swap3A_264 = arith.index_cast %scan3A_261 : i32 to index
      %swap3A_265 = arith.constant 0 : index
      %swap3A_266 = tpu.vector_load %arg26[%swap3A_264, %swap3A_265] {strides = array<i32>} : memref<80x16xf32, #tpu.memory_space<vmem>>, vector<16xf32>,
      tpu.vector_store %arg26[%swap3A_264, %swap3A_265], %broadcast_in_dim3A_1 {strides = array<i32>} : memref<80x16xf32, #tpu.memory_space<vmem>>, vector<16xf32>,
    }
    %scan3A_16 = arith.constant 80 : i32
    %barrier3A = arith.constant 0 : index
    tpu.barrier barrier_id(%barrier3A)
    %dma_start3A = arith.constant 0 : i32
    %dma_start3A_17 = arith.constant 0 : i32
    %dma_start3A_18 = tpu.memref_slice %arg11[%add3A, %dma_start3A, %dma_start3A_17] : memref<32x125x80xi32, #tpu.memory_space<hbm>> -> memref<1x1x80xi32, #tpu.memory_space<hbm>>
    %dma_start3A_19 = tpu.memref_squeeze %dma_start3A_18 : memref<1x1x80xi32, #tpu.memory_space<hbm>> -> memref<80xi32, #tpu.memory_space<hbm>>
    %dma_start3A_20 = arith.constant 0 : i32
    %dma_start3A_21 = tpu.memref_slice %arg11[%add3A, %dma_start3A, %dma_start3A_20] : memref<32x125x80xi32, #tpu.memory_space<hbm>> -> memref<1x1x80xi32, #tpu.memory_space<hbm>>
    %dma_start3A_22 = tpu.memref_squeeze %dma_start3A_21 : memref<1x1x80xi32, #tpu.memory_space<hbm>> -> memref<80xi32, #tpu.memory_space<hbm>>
    tpu.enqueue_dma source(%dma_start3A_22 : memref<80xi32, #tpu.memory_space<hbm>>) target(%arg17 : memref<80xi32, #tpu.memory_space<vmem>>) target_semaphore(%arg27 : memref<!tpu.dma_semaphore, #tpu.memory_space<semaphore_mem>>)
    %mul3A_23 = arith.constant 10000 : i32
    %mul3A_24 = arith.muli %add3A, %mul3A_23 : i32
    %add3A_25 = arith.constant 0 : i32
    %add3A_26 = arith.addi %mul3A_24, %add3A_25 : i32
    %dma_start3A_27 = tpu.memref_slice %arg2[%add3A_26] : memref<320000xf32, #tpu.memory_space<hbm>> -> memref<80xf32, #tpu.memory_space<hbm>>
    %dma_start3A_28 = tpu.memref_slice %arg2[%add3A_26] : memref<320000xf32, #tpu.memory_space<hbm>> -> memref<80xf32, #tpu.memory_space<hbm>>
    tpu.enqueue_dma source(%dma_start3A_28 : memref<80xf32, #tpu.memory_space<hbm>>) target(%arg19 : memref<80xf32, #tpu.memory_space<vmem>>) target_semaphore(%arg27 : memref<!tpu.dma_semaphore, #tpu.memory_space<semaphore_mem>>)
    %mul3A_29 = arith.constant 10000 : i32
    %mul3A_30 = arith.muli %add3A, %mul3A_29 : i32
    %add3A_31 = arith.constant 0 : i32
    %add3A_32 = arith.addi %mul3A_30, %add3A_31 : i32
    %dma_start3A_33 = tpu.memref_slice %arg3[%add3A_32] : memref<320000xf32, #tpu.memory_space<hbm>> -> memref<80xf32, #tpu.memory_space<hbm>>
    %dma_start3A_34 = tpu.memref_slice %arg3[%add3A_32] : memref<320000xf32, #tpu.memory_space<hbm>> -> memref<80xf32, #tpu.memory_space<hbm>>
    tpu.enqueue_dma source(%dma_start3A_34 : memref<80xf32, #tpu.memory_space<hbm>>) target(%arg20 : memref<80xf32, #tpu.memory_space<vmem>>) target_semaphore(%arg27 : memref<!tpu.dma_semaphore, #tpu.memory_space<semaphore_mem>>)
    %mul3A_35 = arith.constant 10000 : i32
    %mul3A_36 = arith.muli %add3A, %mul3A_35 : i32
    %add3A_37 = arith.constant 0 : i32
    %add3A_38 = arith.addi %mul3A_36, %add3A_37 : i32
    %dma_start3A_39 = tpu.memref_slice %arg4[%add3A_38] : memref<320000xf32, #tpu.memory_space<hbm>> -> memref<80xf32, #tpu.memory_space<hbm>>
    %dma_start3A_40 = tpu.memref_slice %arg4[%add3A_38] : memref<320000xf32, #tpu.memory_space<hbm>> -> memref<80xf32, #tpu.memory_space<hbm>>
    tpu.enqueue_dma source(%dma_start3A_40 : memref<80xf32, #tpu.memory_space<hbm>>) target(%arg21 : memref<80xf32, #tpu.memory_space<vmem>>) target_semaphore(%arg27 : memref<!tpu.dma_semaphore, #tpu.memory_space<semaphore_mem>>)
    %dma_start3A_41 = arith.constant 1 : i32
    %dma_start3A_42 = arith.constant 0 : i32
    %dma_start3A_43 = tpu.memref_slice %arg11[%add3A, %dma_start3A_41, %dma_start3A_42] : memref<32x125x80xi32, #tpu.memory_space<hbm>> -> memref<1x1x80xi32, #tpu.memory_space<hbm>>
    %dma_start3A_44 = tpu.memref_squeeze %dma_start3A_43 : memref<1x1x80xi32, #tpu.memory_space<hbm>> -> memref<80xi32, #tpu.memory_space<hbm>>
    %dma_start3A_45 = arith.constant 0 : i32
    %dma_start3A_46 = tpu.memref_slice %arg11[%add3A, %dma_start3A_41, %dma_start3A_45] : memref<32x125x80xi32, #tpu.memory_space<hbm>> -> memref<1x1x80xi32, #tpu.memory_space<hbm>>
    %dma_start3A_47 = tpu.memref_squeeze %dma_start3A_46 : memref<1x1x80xi32, #tpu.memory_space<hbm>> -> memref<80xi32, #tpu.memory_space<hbm>>
    tpu.enqueue_dma source(%dma_start3A_47 : memref<80xi32, #tpu.memory_space<hbm>>) target(%arg18 : memref<80xi32, #tpu.memory_space<vmem>>) target_semaphore(%arg28 : memref<!tpu.dma_semaphore, #tpu.memory_space<semaphore_mem>>)
    %mul3A_48 = arith.constant 10000 : i32
    %mul3A_49 = arith.muli %add3A, %mul3A_48 : i32
    %add3A_50 = arith.constant 80 : i32
    %add3A_51 = arith.addi %mul3A_49, %add3A_50 : i32
    %dma_start3A_52 = tpu.memref_slice %arg2[%add3A_51] : memref<320000xf32, #tpu.memory_space<hbm>> -> memref<80xf32, #tpu.memory_space<hbm>>
    %dma_start3A_53 = tpu.memref_slice %arg2[%add3A_51] : memref<320000xf32, #tpu.memory_space<hbm>> -> memref<80xf32, #tpu.memory_space<hbm>>
    tpu.enqueue_dma source(%dma_start3A_53 : memref<80xf32, #tpu.memory_space<hbm>>) target(%arg22 : memref<80xf32, #tpu.memory_space<vmem>>) target_semaphore(%arg28 : memref<!tpu.dma_semaphore, #tpu.memory_space<semaphore_mem>>)
    %mul3A_54 = arith.constant 10000 : i32
    %mul3A_55 = arith.muli %add3A, %mul3A_54 : i32
    %add3A_56 = arith.constant 80 : i32
    %add3A_57 = arith.addi %mul3A_55, %add3A_56 : i32
    %dma_start3A_58 = tpu.memref_slice %arg3[%add3A_57] : memref<320000xf32, #tpu.memory_space<hbm>> -> memref<80xf32, #tpu.memory_space<hbm>>
    %dma_start3A_59 = tpu.memref_slice %arg3[%add3A_57] : memref<320000xf32, #tpu.memory_space<hbm>> -> memref<80xf32, #tpu.memory_space<hbm>>
    tpu.enqueue_dma source(%dma_start3A_59 : memref<80xf32, #tpu.memory_space<hbm>>) target(%arg23 : memref<80xf32, #tpu.memory_space<vmem>>) target_semaphore(%arg28 : memref<!tpu.dma_semaphore, #tpu.memory_space<semaphore_mem>>)
    %mul3A_60 = arith.constant 10000 : i32
    %mul3A_61 = arith.muli %add3A, %mul3A_60 : i32
    %add3A_62 = arith.constant 80 : i32
    %add3A_63 = arith.addi %mul3A_61, %add3A_62 : i32
    %dma_start3A_64 = tpu.memref_slice %arg4[%add3A_63] : memref<320000xf32, #tpu.memory_space<hbm>> -> memref<80xf32, #tpu.memory_space<hbm>>
    %dma_start3A_65 = tpu.memref_slice %arg4[%add3A_63] : memref<320000xf32, #tpu.memory_space<hbm>> -> memref<80xf32, #tpu.memory_space<hbm>>
    tpu.enqueue_dma source(%dma_start3A_65 : memref<80xf32, #tpu.memory_space<hbm>>) target(%arg24 : memref<80xf32, #tpu.memory_space<vmem>>) target_semaphore(%arg28 : memref<!tpu.dma_semaphore, #tpu.memory_space<semaphore_mem>>)
    %scan3A_66 = arith.constant 0 : i32
    %scan3A_67 = arith.constant 0 : i32
    %scan3A_68 = arith.constant 62 : i32
    %scan3A_69 = arith.addi %scan3A_67, %scan3A_68 : i32
    %scan3A_70 = arith.constant 1 : i32
    scf.for %scan3A_261 = %scan3A_67 to %scan3A_69 step %scan3A_70  : i32 {
      %mul3A_262 = arith.constant 2 : i32
      %mul3A_263 = arith.muli %scan3A_261, %mul3A_262 : i32
      %dma_wait3A_264 = arith.constant 0 : i32
      %dma_wait3A_265 = tpu.memref_slice %arg2[%dma_wait3A_264] : memref<320000xf32, #tpu.memory_space<hbm>> -> memref<80xf32, #tpu.memory_space<hbm>>
      %dma_wait3A_266 = arith.constant 0 : i32
      %dma_wait3A_267 = tpu.memref_slice %arg2[%dma_wait3A_266] : memref<320000xf32, #tpu.memory_space<hbm>> -> memref<80xf32, #tpu.memory_space<hbm>>
      tpu.wait_dma2 semaphore(%arg27 : memref<!tpu.dma_semaphore, #tpu.memory_space<semaphore_mem>>) src(%dma_wait3A_267 : memref<80xf32, #tpu.memory_space<hbm>>) dst(%arg19 : memref<80xf32, #tpu.memory_space<vmem>>)
      %dma_wait3A_268 = arith.constant 0 : i32
      %dma_wait3A_269 = tpu.memref_slice %arg2[%dma_wait3A_268] : memref<320000xf32, #tpu.memory_space<hbm>> -> memref<80xf32, #tpu.memory_space<hbm>>
      %dma_wait3A_270 = arith.constant 0 : i32
      %dma_wait3A_271 = tpu.memref_slice %arg2[%dma_wait3A_270] : memref<320000xf32, #tpu.memory_space<hbm>> -> memref<80xf32, #tpu.memory_space<hbm>>
      tpu.wait_dma2 semaphore(%arg27 : memref<!tpu.dma_semaphore, #tpu.memory_space<semaphore_mem>>) src(%dma_wait3A_271 : memref<80xf32, #tpu.memory_space<hbm>>) dst(%arg19 : memref<80xf32, #tpu.memory_space<vmem>>)
      %dma_wait3A_272 = arith.constant 0 : i32
      %dma_wait3A_273 = tpu.memref_slice %arg2[%dma_wait3A_272] : memref<320000xf32, #tpu.memory_space<hbm>> -> memref<80xf32, #tpu.memory_space<hbm>>
      %dma_wait3A_274 = arith.constant 0 : i32
      %dma_wait3A_275 = tpu.memref_slice %arg2[%dma_wait3A_274] : memref<320000xf32, #tpu.memory_space<hbm>> -> memref<80xf32, #tpu.memory_space<hbm>>
      tpu.wait_dma2 semaphore(%arg27 : memref<!tpu.dma_semaphore, #tpu.memory_space<semaphore_mem>>) src(%dma_wait3A_275 : memref<80xf32, #tpu.memory_space<hbm>>) dst(%arg19 : memref<80xf32, #tpu.memory_space<vmem>>)
      %dma_wait3A_276 = arith.constant 0 : i32
      %dma_wait3A_277 = arith.constant 0 : i32
      %dma_wait3A_278 = tpu.memref_slice %arg11[%add3A, %dma_wait3A_276, %dma_wait3A_277] : memref<32x125x80xi32, #tpu.memory_space<hbm>> -> memref<1x1x80xi32, #tpu.memory_space<hbm>>
      %dma_wait3A_279 = tpu.memref_squeeze %dma_wait3A_278 : memref<1x1x80xi32, #tpu.memory_space<hbm>> -> memref<80xi32, #tpu.memory_space<hbm>>
      %dma_wait3A_280 = arith.constant 0 : i32
      %dma_wait3A_281 = tpu.memref_slice %arg11[%add3A, %dma_wait3A_276, %dma_wait3A_280] : memref<32x125x80xi32, #tpu.memory_space<hbm>> -> memref<1x1x80xi32, #tpu.memory_space<hbm>>
      %dma_wait3A_282 = tpu.memref_squeeze %dma_wait3A_281 : memref<1x1x80xi32, #tpu.memory_space<hbm>> -> memref<80xi32, #tpu.memory_space<hbm>>
      tpu.wait_dma2 semaphore(%arg27 : memref<!tpu.dma_semaphore, #tpu.memory_space<semaphore_mem>>) src(%dma_wait3A_282 : memref<80xi32, #tpu.memory_space<hbm>>) dst(%arg17 : memref<80xi32, #tpu.memory_space<vmem>>)
      %scan3A_283 = arith.constant 0 : i32
      %scan3A_284 = arith.constant 0 : i32
      %scan3A_285 = arith.constant 5 : i32
      %scan3A_286 = arith.addi %scan3A_284, %scan3A_285 : i32
      %scan3A_287 = arith.constant 1 : i32
      scf.for %scan3A_327 = %scan3A_284 to %scan3A_286 step %scan3A_287  : i32 {
        %mul3A_328 = arith.constant 16 : i32
        %mul3A_329 = arith.muli %scan3A_327, %mul3A_328 : i32
        %mul3A_330 = arith.constant 16 : i32
        %mul3A_331 = arith.muli %scan3A_327, %mul3A_330 : i32
        %add3A_332 = vector.broadcast %mul3A_331 : i32 to vector<16xi32>
        %add3A_333 = arith.addi %iota3A, %add3A_332 : vector<16xi32>
        %mul3A_334 = arith.constant 0 : i32
        %mul3A_335 = vector.broadcast %mul3A_334 : i32 to vector<16xi32>
        %mul3A_336 = arith.muli %iota3A, %mul3A_335 : vector<16xi32>
        %get3A = arith.index_cast %mul3A_329 : i32 to index
        %get3A_337 = tpu.vector_load %arg19[%get3A] {strides = array<i32>} : memref<80xf32, #tpu.memory_space<vmem>>, vector<16xf32>,
        tpu.vector_store_idx %arg25[%add3A_333, %mul3A_336], %get3A_337 : memref<80x16xf32, #tpu.memory_space<vmem>>[vector<16xi32>, vector<16xi32>], vector<16xf32>,
        %mul3A_338 = arith.constant 0 : i32
        %mul3A_339 = vector.broadcast %mul3A_338 : i32 to vector<16xi32>
        %mul3A_340 = arith.muli %iota3A, %mul3A_339 : vector<16xi32>
        %add3A_341 = arith.constant 1 : i32
        %add3A_342 = vector.broadcast %add3A_341 : i32 to vector<16xi32>
        %add3A_343 = arith.addi %mul3A_340, %add3A_342 : vector<16xi32>
        %get3A_344 = arith.index_cast %mul3A_329 : i32 to index
        %get3A_345 = tpu.vector_load %arg20[%get3A_344] {strides = array<i32>} : memref<80xf32, #tpu.memory_space<vmem>>, vector<16xf32>,
        tpu.vector_store_idx %arg25[%add3A_333, %add3A_343], %get3A_345 : memref<80x16xf32, #tpu.memory_space<vmem>>[vector<16xi32>, vector<16xi32>], vector<16xf32>,
        %mul3A_346 = arith.constant 0 : i32
        %mul3A_347 = vector.broadcast %mul3A_346 : i32 to vector<16xi32>
        %mul3A_348 = arith.muli %iota3A, %mul3A_347 : vector<16xi32>
        %add3A_349 = arith.constant 2 : i32
        %add3A_350 = vector.broadcast %add3A_349 : i32 to vector<16xi32>
        %add3A_351 = arith.addi %mul3A_348, %add3A_350 : vector<16xi32>
        %get3A_352 = arith.index_cast %mul3A_329 : i32 to index
        %get3A_353 = tpu.vector_load %arg21[%get3A_352] {strides = array<i32>} : memref<80xf32, #tpu.memory_space<vmem>>, vector<16xf32>,
        tpu.vector_store_idx %arg25[%add3A_333, %add3A_351], %get3A_353 : memref<80x16xf32, #tpu.memory_space<vmem>>[vector<16xi32>, vector<16xi32>], vector<16xf32>,
        %mul3A_354 = arith.constant 0 : i32
        %mul3A_355 = vector.broadcast %mul3A_354 : i32 to vector<16xi32>
        %mul3A_356 = arith.muli %iota3A, %mul3A_355 : vector<16xi32>
        %add3A_357 = arith.constant 3 : i32
        %add3A_358 = vector.broadcast %add3A_357 : i32 to vector<16xi32>
        %add3A_359 = arith.addi %mul3A_356, %add3A_358 : vector<16xi32>
        tpu.vector_store_idx %arg25[%add3A_333, %add3A_359], %broadcast_in_dim3A_3 : memref<80x16xf32, #tpu.memory_space<vmem>>[vector<16xi32>, vector<16xi32>], vector<16xf32>,
      }
      %scan3A_288 = arith.constant 5 : i32
      "tpu.region"() ({
        %run_scoped3A = tpu.sem_alloc : memref<!tpu.dma_semaphore, #tpu.memory_space<semaphore_mem>>
        %dma_start3A_327 = arith.constant 0 : i32
        %dma_start3A_328 = arith.constant 0 : i32
        %dma_start3A_329 = tpu.memref_slice %arg15[%dma_start3A_327, %dma_start3A_328] : memref<10112x16xf32, #tpu.memory_space<vmem_shared>> -> memref<10112x16xf32, #tpu.memory_space<vmem_shared>>
        tpu.enqueue_indirect_dma source(%arg25 : memref<80x16xf32, #tpu.memory_space<vmem>>) target(%dma_start3A_329 : memref<10112x16xf32, #tpu.memory_space<vmem_shared>>) offsets(%arg17 : memref<80xi32, #tpu.memory_space<vmem>>) semaphore(%run_scoped3A : memref<!tpu.dma_semaphore, #tpu.memory_space<semaphore_mem>>) {add = true}
        %dma_wait3A_330 = arith.constant 0 : i32
        %dma_wait3A_331 = arith.constant 0 : i32
        %dma_wait3A_332 = tpu.memref_slice %arg15[%dma_wait3A_330, %dma_wait3A_331] : memref<10112x16xf32, #tpu.memory_space<vmem_shared>> -> memref<10112x16xf32, #tpu.memory_space<vmem_shared>>
        tpu.wait_indirect_dma semaphore(%run_scoped3A : memref<!tpu.dma_semaphore, #tpu.memory_space<semaphore_mem>>) src(%arg25 : memref<80x16xf32, #tpu.memory_space<vmem>>) dst(%dma_wait3A_332 : memref<10112x16xf32, #tpu.memory_space<vmem_shared>>)
        tpu.yield
      }) : () -> ()
      %add3A_289 = arith.constant 2 : i32
      %add3A_290 = arith.addi %mul3A_263, %add3A_289 : i32
      %lt3A = arith.constant 125 : i32
      %lt3A_291 = arith.cmpi slt, %add3A_290, %lt3A : i32
      %convert_element_type3A = arith.extui %lt3A_291 : i1 to i32
      %cond3A = arith.constant 0 : i32
      %cond3A_292 = arith.cmpi ne, %convert_element_type3A, %cond3A : i32
      scf.if %cond3A_292 {
        %add3A_327 = arith.constant 2 : i32
        %add3A_328 = arith.addi %mul3A_263, %add3A_327 : i32
        %dma_start3A_329 = arith.constant 0 : i32
        %dma_start3A_330 = tpu.memref_slice %arg11[%add3A, %add3A_328, %dma_start3A_329] : memref<32x125x80xi32, #tpu.memory_space<hbm>> -> memref<1x1x80xi32, #tpu.memory_space<hbm>>
        %dma_start3A_331 = tpu.memref_squeeze %dma_start3A_330 : memref<1x1x80xi32, #tpu.memory_space<hbm>> -> memref<80xi32, #tpu.memory_space<hbm>>
        %dma_start3A_332 = arith.constant 0 : i32
        %dma_start3A_333 = tpu.memref_slice %arg11[%add3A, %add3A_328, %dma_start3A_332] : memref<32x125x80xi32, #tpu.memory_space<hbm>> -> memref<1x1x80xi32, #tpu.memory_space<hbm>>
        %dma_start3A_334 = tpu.memref_squeeze %dma_start3A_333 : memref<1x1x80xi32, #tpu.memory_space<hbm>> -> memref<80xi32, #tpu.memory_space<hbm>>
        tpu.enqueue_dma source(%dma_start3A_334 : memref<80xi32, #tpu.memory_space<hbm>>) target(%arg17 : memref<80xi32, #tpu.memory_space<vmem>>) target_semaphore(%arg27 : memref<!tpu.dma_semaphore, #tpu.memory_space<semaphore_mem>>)
        %mul3A_335 = arith.constant 10000 : i32
        %mul3A_336 = arith.muli %add3A, %mul3A_335 : i32
        %mul3A_337 = arith.constant 80 : i32
        %mul3A_338 = arith.muli %add3A_328, %mul3A_337 : i32
        %add3A_339 = arith.addi %mul3A_336, %mul3A_338 : i32
        %dma_start3A_340 = tpu.memref_slice %arg2[%add3A_339] : memref<320000xf32, #tpu.memory_space<hbm>> -> memref<80xf32, #tpu.memory_space<hbm>>
        %dma_start3A_341 = tpu.memref_slice %arg2[%add3A_339] : memref<320000xf32, #tpu.memory_space<hbm>> -> memref<80xf32, #tpu.memory_space<hbm>>
        tpu.enqueue_dma source(%dma_start3A_341 : memref<80xf32, #tpu.memory_space<hbm>>) target(%arg19 : memref<80xf32, #tpu.memory_space<vmem>>) target_semaphore(%arg27 : memref<!tpu.dma_semaphore, #tpu.memory_space<semaphore_mem>>)
        %mul3A_342 = arith.constant 10000 : i32
        %mul3A_343 = arith.muli %add3A, %mul3A_342 : i32
        %mul3A_344 = arith.constant 80 : i32
        %mul3A_345 = arith.muli %add3A_328, %mul3A_344 : i32
        %add3A_346 = arith.addi %mul3A_343, %mul3A_345 : i32
        %dma_start3A_347 = tpu.memref_slice %arg3[%add3A_346] : memref<320000xf32, #tpu.memory_space<hbm>> -> memref<80xf32, #tpu.memory_space<hbm>>
        %dma_start3A_348 = tpu.memref_slice %arg3[%add3A_346] : memref<320000xf32, #tpu.memory_space<hbm>> -> memref<80xf32, #tpu.memory_space<hbm>>
        tpu.enqueue_dma source(%dma_start3A_348 : memref<80xf32, #tpu.memory_space<hbm>>) target(%arg20 : memref<80xf32, #tpu.memory_space<vmem>>) target_semaphore(%arg27 : memref<!tpu.dma_semaphore, #tpu.memory_space<semaphore_mem>>)
        %mul3A_349 = arith.constant 10000 : i32
        %mul3A_350 = arith.muli %add3A, %mul3A_349 : i32
        %mul3A_351 = arith.constant 80 : i32
        %mul3A_352 = arith.muli %add3A_328, %mul3A_351 : i32
        %add3A_353 = arith.addi %mul3A_350, %mul3A_352 : i32
        %dma_start3A_354 = tpu.memref_slice %arg4[%add3A_353] : memref<320000xf32, #tpu.memory_space<hbm>> -> memref<80xf32, #tpu.memory_space<hbm>>
        %dma_start3A_355 = tpu.memref_slice %arg4[%add3A_353] : memref<320000xf32, #tpu.memory_space<hbm>> -> memref<80xf32, #tpu.memory_space<hbm>>
        tpu.enqueue_dma source(%dma_start3A_355 : memref<80xf32, #tpu.memory_space<hbm>>) target(%arg21 : memref<80xf32, #tpu.memory_space<vmem>>) target_semaphore(%arg27 : memref<!tpu.dma_semaphore, #tpu.memory_space<semaphore_mem>>)
      } else {
      }
      %add3A_293 = arith.constant 1 : i32
      %add3A_294 = arith.addi %mul3A_263, %add3A_293 : i32
      %dma_wait3A_295 = arith.constant 0 : i32
      %dma_wait3A_296 = tpu.memref_slice %arg2[%dma_wait3A_295] : memref<320000xf32, #tpu.memory_space<hbm>> -> memref<80xf32, #tpu.memory_space<hbm>>
      %dma_wait3A_297 = arith.constant 0 : i32
      %dma_wait3A_298 = tpu.memref_slice %arg2[%dma_wait3A_297] : memref<320000xf32, #tpu.memory_space<hbm>> -> memref<80xf32, #tpu.memory_space<hbm>>
      tpu.wait_dma2 semaphore(%arg28 : memref<!tpu.dma_semaphore, #tpu.memory_space<semaphore_mem>>) src(%dma_wait3A_298 : memref<80xf32, #tpu.memory_space<hbm>>) dst(%arg22 : memref<80xf32, #tpu.memory_space<vmem>>)
      %dma_wait3A_299 = arith.constant 0 : i32
      %dma_wait3A_300 = tpu.memref_slice %arg2[%dma_wait3A_299] : memref<320000xf32, #tpu.memory_space<hbm>> -> memref<80xf32, #tpu.memory_space<hbm>>
      %dma_wait3A_301 = arith.constant 0 : i32
      %dma_wait3A_302 = tpu.memref_slice %arg2[%dma_wait3A_301] : memref<320000xf32, #tpu.memory_space<hbm>> -> memref<80xf32, #tpu.memory_space<hbm>>
      tpu.wait_dma2 semaphore(%arg28 : memref<!tpu.dma_semaphore, #tpu.memory_space<semaphore_mem>>) src(%dma_wait3A_302 : memref<80xf32, #tpu.memory_space<hbm>>) dst(%arg22 : memref<80xf32, #tpu.memory_space<vmem>>)
      %dma_wait3A_303 = arith.constant 0 : i32
      %dma_wait3A_304 = tpu.memref_slice %arg2[%dma_wait3A_303] : memref<320000xf32, #tpu.memory_space<hbm>> -> memref<80xf32, #tpu.memory_space<hbm>>
      %dma_wait3A_305 = arith.constant 0 : i32
      %dma_wait3A_306 = tpu.memref_slice %arg2[%dma_wait3A_305] : memref<320000xf32, #tpu.memory_space<hbm>> -> memref<80xf32, #tpu.memory_space<hbm>>
      tpu.wait_dma2 semaphore(%arg28 : memref<!tpu.dma_semaphore, #tpu.memory_space<semaphore_mem>>) src(%dma_wait3A_306 : memref<80xf32, #tpu.memory_space<hbm>>) dst(%arg22 : memref<80xf32, #tpu.memory_space<vmem>>)
      %dma_wait3A_307 = arith.constant 0 : i32
      %dma_wait3A_308 = arith.constant 0 : i32
      %dma_wait3A_309 = tpu.memref_slice %arg11[%add3A, %dma_wait3A_307, %dma_wait3A_308] : memref<32x125x80xi32, #tpu.memory_space<hbm>> -> memref<1x1x80xi32, #tpu.memory_space<hbm>>
      %dma_wait3A_310 = tpu.memref_squeeze %dma_wait3A_309 : memref<1x1x80xi32, #tpu.memory_space<hbm>> -> memref<80xi32, #tpu.memory_space<hbm>>
      %dma_wait3A_311 = arith.constant 0 : i32
      %dma_wait3A_312 = tpu.memref_slice %arg11[%add3A, %dma_wait3A_307, %dma_wait3A_311] : memref<32x125x80xi32, #tpu.memory_space<hbm>> -> memref<1x1x80xi32, #tpu.memory_space<hbm>>
      %dma_wait3A_313 = tpu.memref_squeeze %dma_wait3A_312 : memref<1x1x80xi32, #tpu.memory_space<hbm>> -> memref<80xi32, #tpu.memory_space<hbm>>
      tpu.wait_dma2 semaphore(%arg28 : memref<!tpu.dma_semaphore, #tpu.memory_space<semaphore_mem>>) src(%dma_wait3A_313 : memref<80xi32, #tpu.memory_space<hbm>>) dst(%arg18 : memref<80xi32, #tpu.memory_space<vmem>>)
      %scan3A_314 = arith.constant 0 : i32
      %scan3A_315 = arith.constant 0 : i32
      %scan3A_316 = arith.constant 5 : i32
      %scan3A_317 = arith.addi %scan3A_315, %scan3A_316 : i32
      %scan3A_318 = arith.constant 1 : i32
      scf.for %scan3A_327 = %scan3A_315 to %scan3A_317 step %scan3A_318  : i32 {
        %mul3A_328 = arith.constant 16 : i32
        %mul3A_329 = arith.muli %scan3A_327, %mul3A_328 : i32
        %mul3A_330 = arith.constant 16 : i32
        %mul3A_331 = arith.muli %scan3A_327, %mul3A_330 : i32
        %add3A_332 = vector.broadcast %mul3A_331 : i32 to vector<16xi32>
        %add3A_333 = arith.addi %iota3A, %add3A_332 : vector<16xi32>
        %mul3A_334 = arith.constant 0 : i32
        %mul3A_335 = vector.broadcast %mul3A_334 : i32 to vector<16xi32>
        %mul3A_336 = arith.muli %iota3A, %mul3A_335 : vector<16xi32>
        %get3A = arith.index_cast %mul3A_329 : i32 to index
        %get3A_337 = tpu.vector_load %arg22[%get3A] {strides = array<i32>} : memref<80xf32, #tpu.memory_space<vmem>>, vector<16xf32>,
        tpu.vector_store_idx %arg26[%add3A_333, %mul3A_336], %get3A_337 : memref<80x16xf32, #tpu.memory_space<vmem>>[vector<16xi32>, vector<16xi32>], vector<16xf32>,
        %mul3A_338 = arith.constant 0 : i32
        %mul3A_339 = vector.broadcast %mul3A_338 : i32 to vector<16xi32>
        %mul3A_340 = arith.muli %iota3A, %mul3A_339 : vector<16xi32>
        %add3A_341 = arith.constant 1 : i32
        %add3A_342 = vector.broadcast %add3A_341 : i32 to vector<16xi32>
        %add3A_343 = arith.addi %mul3A_340, %add3A_342 : vector<16xi32>
        %get3A_344 = arith.index_cast %mul3A_329 : i32 to index
        %get3A_345 = tpu.vector_load %arg23[%get3A_344] {strides = array<i32>} : memref<80xf32, #tpu.memory_space<vmem>>, vector<16xf32>,
        tpu.vector_store_idx %arg26[%add3A_333, %add3A_343], %get3A_345 : memref<80x16xf32, #tpu.memory_space<vmem>>[vector<16xi32>, vector<16xi32>], vector<16xf32>,
        %mul3A_346 = arith.constant 0 : i32
        %mul3A_347 = vector.broadcast %mul3A_346 : i32 to vector<16xi32>
        %mul3A_348 = arith.muli %iota3A, %mul3A_347 : vector<16xi32>
        %add3A_349 = arith.constant 2 : i32
        %add3A_350 = vector.broadcast %add3A_349 : i32 to vector<16xi32>
        %add3A_351 = arith.addi %mul3A_348, %add3A_350 : vector<16xi32>
        %get3A_352 = arith.index_cast %mul3A_329 : i32 to index
        %get3A_353 = tpu.vector_load %arg24[%get3A_352] {strides = array<i32>} : memref<80xf32, #tpu.memory_space<vmem>>, vector<16xf32>,
        tpu.vector_store_idx %arg26[%add3A_333, %add3A_351], %get3A_353 : memref<80x16xf32, #tpu.memory_space<vmem>>[vector<16xi32>, vector<16xi32>], vector<16xf32>,
        %mul3A_354 = arith.constant 0 : i32
        %mul3A_355 = vector.broadcast %mul3A_354 : i32 to vector<16xi32>
        %mul3A_356 = arith.muli %iota3A, %mul3A_355 : vector<16xi32>
        %add3A_357 = arith.constant 3 : i32
        %add3A_358 = vector.broadcast %add3A_357 : i32 to vector<16xi32>
        %add3A_359 = arith.addi %mul3A_356, %add3A_358 : vector<16xi32>
        tpu.vector_store_idx %arg26[%add3A_333, %add3A_359], %broadcast_in_dim3A_3 : memref<80x16xf32, #tpu.memory_space<vmem>>[vector<16xi32>, vector<16xi32>], vector<16xf32>,
      }
      %scan3A_319 = arith.constant 5 : i32
      "tpu.region"() ({
        %run_scoped3A = tpu.sem_alloc : memref<!tpu.dma_semaphore, #tpu.memory_space<semaphore_mem>>
        %dma_start3A_327 = arith.constant 0 : i32
        %dma_start3A_328 = arith.constant 0 : i32
        %dma_start3A_329 = tpu.memref_slice %arg15[%dma_start3A_327, %dma_start3A_328] : memref<10112x16xf32, #tpu.memory_space<vmem_shared>> -> memref<10112x16xf32, #tpu.memory_space<vmem_shared>>
        tpu.enqueue_indirect_dma source(%arg26 : memref<80x16xf32, #tpu.memory_space<vmem>>) target(%dma_start3A_329 : memref<10112x16xf32, #tpu.memory_space<vmem_shared>>) offsets(%arg18 : memref<80xi32, #tpu.memory_space<vmem>>) semaphore(%run_scoped3A : memref<!tpu.dma_semaphore, #tpu.memory_space<semaphore_mem>>) {add = true}
        %dma_wait3A_330 = arith.constant 0 : i32
        %dma_wait3A_331 = arith.constant 0 : i32
        %dma_wait3A_332 = tpu.memref_slice %arg15[%dma_wait3A_330, %dma_wait3A_331] : memref<10112x16xf32, #tpu.memory_space<vmem_shared>> -> memref<10112x16xf32, #tpu.memory_space<vmem_shared>>
        tpu.wait_indirect_dma semaphore(%run_scoped3A : memref<!tpu.dma_semaphore, #tpu.memory_space<semaphore_mem>>) src(%arg26 : memref<80x16xf32, #tpu.memory_space<vmem>>) dst(%dma_wait3A_332 : memref<10112x16xf32, #tpu.memory_space<vmem_shared>>)
        tpu.yield
      }) : () -> ()
      %add3A_320 = arith.constant 3 : i32
      %add3A_321 = arith.addi %mul3A_263, %add3A_320 : i32
      %lt3A_322 = arith.constant 125 : i32
      %lt3A_323 = arith.cmpi slt, %add3A_321, %lt3A_322 : i32
      %convert_element_type3A_324 = arith.extui %lt3A_323 : i1 to i32
      %cond3A_325 = arith.constant 0 : i32
      %cond3A_326 = arith.cmpi ne, %convert_element_type3A_324, %cond3A_325 : i32
      scf.if %cond3A_326 {
        %add3A_327 = arith.constant 3 : i32
        %add3A_328 = arith.addi %mul3A_263, %add3A_327 : i32
        %dma_start3A_329 = arith.constant 0 : i32
        %dma_start3A_330 = tpu.memref_slice %arg11[%add3A, %add3A_328, %dma_start3A_329] : memref<32x125x80xi32, #tpu.memory_space<hbm>> -> memref<1x1x80xi32, #tpu.memory_space<hbm>>
        %dma_start3A_331 = tpu.memref_squeeze %dma_start3A_330 : memref<1x1x80xi32, #tpu.memory_space<hbm>> -> memref<80xi32, #tpu.memory_space<hbm>>
        %dma_start3A_332 = arith.constant 0 : i32
        %dma_start3A_333 = tpu.memref_slice %arg11[%add3A, %add3A_328, %dma_start3A_332] : memref<32x125x80xi32, #tpu.memory_space<hbm>> -> memref<1x1x80xi32, #tpu.memory_space<hbm>>
        %dma_start3A_334 = tpu.memref_squeeze %dma_start3A_333 : memref<1x1x80xi32, #tpu.memory_space<hbm>> -> memref<80xi32, #tpu.memory_space<hbm>>
        tpu.enqueue_dma source(%dma_start3A_334 : memref<80xi32, #tpu.memory_space<hbm>>) target(%arg18 : memref<80xi32, #tpu.memory_space<vmem>>) target_semaphore(%arg28 : memref<!tpu.dma_semaphore, #tpu.memory_space<semaphore_mem>>)
        %mul3A_335 = arith.constant 10000 : i32
        %mul3A_336 = arith.muli %add3A, %mul3A_335 : i32
        %mul3A_337 = arith.constant 80 : i32
        %mul3A_338 = arith.muli %add3A_328, %mul3A_337 : i32
        %add3A_339 = arith.addi %mul3A_336, %mul3A_338 : i32
        %dma_start3A_340 = tpu.memref_slice %arg2[%add3A_339] : memref<320000xf32, #tpu.memory_space<hbm>> -> memref<80xf32, #tpu.memory_space<hbm>>
        %dma_start3A_341 = tpu.memref_slice %arg2[%add3A_339] : memref<320000xf32, #tpu.memory_space<hbm>> -> memref<80xf32, #tpu.memory_space<hbm>>
        tpu.enqueue_dma source(%dma_start3A_341 : memref<80xf32, #tpu.memory_space<hbm>>) target(%arg22 : memref<80xf32, #tpu.memory_space<vmem>>) target_semaphore(%arg28 : memref<!tpu.dma_semaphore, #tpu.memory_space<semaphore_mem>>)
        %mul3A_342 = arith.constant 10000 : i32
        %mul3A_343 = arith.muli %add3A, %mul3A_342 : i32
        %mul3A_344 = arith.constant 80 : i32
        %mul3A_345 = arith.muli %add3A_328, %mul3A_344 : i32
        %add3A_346 = arith.addi %mul3A_343, %mul3A_345 : i32
        %dma_start3A_347 = tpu.memref_slice %arg3[%add3A_346] : memref<320000xf32, #tpu.memory_space<hbm>> -> memref<80xf32, #tpu.memory_space<hbm>>
        %dma_start3A_348 = tpu.memref_slice %arg3[%add3A_346] : memref<320000xf32, #tpu.memory_space<hbm>> -> memref<80xf32, #tpu.memory_space<hbm>>
        tpu.enqueue_dma source(%dma_start3A_348 : memref<80xf32, #tpu.memory_space<hbm>>) target(%arg23 : memref<80xf32, #tpu.memory_space<vmem>>) target_semaphore(%arg28 : memref<!tpu.dma_semaphore, #tpu.memory_space<semaphore_mem>>)
        %mul3A_349 = arith.constant 10000 : i32
        %mul3A_350 = arith.muli %add3A, %mul3A_349 : i32
        %mul3A_351 = arith.constant 80 : i32
        %mul3A_352 = arith.muli %add3A_328, %mul3A_351 : i32
        %add3A_353 = arith.addi %mul3A_350, %mul3A_352 : i32
        %dma_start3A_354 = tpu.memref_slice %arg4[%add3A_353] : memref<320000xf32, #tpu.memory_space<hbm>> -> memref<80xf32, #tpu.memory_space<hbm>>
        %dma_start3A_355 = tpu.memref_slice %arg4[%add3A_353] : memref<320000xf32, #tpu.memory_space<hbm>> -> memref<80xf32, #tpu.memory_space<hbm>>
        tpu.enqueue_dma source(%dma_start3A_355 : memref<80xf32, #tpu.memory_space<hbm>>) target(%arg24 : memref<80xf32, #tpu.memory_space<vmem>>) target_semaphore(%arg28 : memref<!tpu.dma_semaphore, #tpu.memory_space<semaphore_mem>>)
      } else {
      }
    }
    %scan3A_71 = arith.constant 62 : i32
    %dma_wait3A = arith.constant 0 : i32
    %dma_wait3A_72 = tpu.memref_slice %arg2[%dma_wait3A] : memref<320000xf32, #tpu.memory_space<hbm>> -> memref<80xf32, #tpu.memory_space<hbm>>
    %dma_wait3A_73 = arith.constant 0 : i32
    %dma_wait3A_74 = tpu.memref_slice %arg2[%dma_wait3A_73] : memref<320000xf32, #tpu.memory_space<hbm>> -> memref<80xf32, #tpu.memory_space<hbm>>
    tpu.wait_dma2 semaphore(%arg27 : memref<!tpu.dma_semaphore, #tpu.memory_space<semaphore_mem>>) src(%dma_wait3A_74 : memref<80xf32, #tpu.memory_space<hbm>>) dst(%arg19 : memref<80xf32, #tpu.memory_space<vmem>>)
    %dma_wait3A_75 = arith.constant 0 : i32
    %dma_wait3A_76 = tpu.memref_slice %arg2[%dma_wait3A_75] : memref<320000xf32, #tpu.memory_space<hbm>> -> memref<80xf32, #tpu.memory_space<hbm>>
    %dma_wait3A_77 = arith.constant 0 : i32
    %dma_wait3A_78 = tpu.memref_slice %arg2[%dma_wait3A_77] : memref<320000xf32, #tpu.memory_space<hbm>> -> memref<80xf32, #tpu.memory_space<hbm>>
    tpu.wait_dma2 semaphore(%arg27 : memref<!tpu.dma_semaphore, #tpu.memory_space<semaphore_mem>>) src(%dma_wait3A_78 : memref<80xf32, #tpu.memory_space<hbm>>) dst(%arg19 : memref<80xf32, #tpu.memory_space<vmem>>)
    %dma_wait3A_79 = arith.constant 0 : i32
    %dma_wait3A_80 = tpu.memref_slice %arg2[%dma_wait3A_79] : memref<320000xf32, #tpu.memory_space<hbm>> -> memref<80xf32, #tpu.memory_space<hbm>>
    %dma_wait3A_81 = arith.constant 0 : i32
    %dma_wait3A_82 = tpu.memref_slice %arg2[%dma_wait3A_81] : memref<320000xf32, #tpu.memory_space<hbm>> -> memref<80xf32, #tpu.memory_space<hbm>>
    tpu.wait_dma2 semaphore(%arg27 : memref<!tpu.dma_semaphore, #tpu.memory_space<semaphore_mem>>) src(%dma_wait3A_82 : memref<80xf32, #tpu.memory_space<hbm>>) dst(%arg19 : memref<80xf32, #tpu.memory_space<vmem>>)
    %dma_wait3A_83 = arith.constant 0 : i32
    %dma_wait3A_84 = arith.constant 0 : i32
    %dma_wait3A_85 = tpu.memref_slice %arg11[%add3A, %dma_wait3A_83, %dma_wait3A_84] : memref<32x125x80xi32, #tpu.memory_space<hbm>> -> memref<1x1x80xi32, #tpu.memory_space<hbm>>
    %dma_wait3A_86 = tpu.memref_squeeze %dma_wait3A_85 : memref<1x1x80xi32, #tpu.memory_space<hbm>> -> memref<80xi32, #tpu.memory_space<hbm>>
    %dma_wait3A_87 = arith.constant 0 : i32
    %dma_wait3A_88 = tpu.memref_slice %arg11[%add3A, %dma_wait3A_83, %dma_wait3A_87] : memref<32x125x80xi32, #tpu.memory_space<hbm>> -> memref<1x1x80xi32, #tpu.memory_space<hbm>>
    %dma_wait3A_89 = tpu.memref_squeeze %dma_wait3A_88 : memref<1x1x80xi32, #tpu.memory_space<hbm>> -> memref<80xi32, #tpu.memory_space<hbm>>
    tpu.wait_dma2 semaphore(%arg27 : memref<!tpu.dma_semaphore, #tpu.memory_space<semaphore_mem>>) src(%dma_wait3A_89 : memref<80xi32, #tpu.memory_space<hbm>>) dst(%arg17 : memref<80xi32, #tpu.memory_space<vmem>>)
    %scan3A_90 = arith.constant 0 : i32
    %scan3A_91 = arith.constant 0 : i32
    %scan3A_92 = arith.constant 5 : i32
    %scan3A_93 = arith.addi %scan3A_91, %scan3A_92 : i32
    %scan3A_94 = arith.constant 1 : i32
    scf.for %scan3A_261 = %scan3A_91 to %scan3A_93 step %scan3A_94  : i32 {
      %mul3A_262 = arith.constant 16 : i32
      %mul3A_263 = arith.muli %scan3A_261, %mul3A_262 : i32
      %mul3A_264 = arith.constant 16 : i32
      %mul3A_265 = arith.muli %scan3A_261, %mul3A_264 : i32
      %add3A_266 = vector.broadcast %mul3A_265 : i32 to vector<16xi32>
      %add3A_267 = arith.addi %iota3A, %add3A_266 : vector<16xi32>
      %mul3A_268 = arith.constant 0 : i32
      %mul3A_269 = vector.broadcast %mul3A_268 : i32 to vector<16xi32>
      %mul3A_270 = arith.muli %iota3A, %mul3A_269 : vector<16xi32>
      %get3A = arith.index_cast %mul3A_263 : i32 to index
      %get3A_271 = tpu.vector_load %arg19[%get3A] {strides = array<i32>} : memref<80xf32, #tpu.memory_space<vmem>>, vector<16xf32>,
      tpu.vector_store_idx %arg25[%add3A_267, %mul3A_270], %get3A_271 : memref<80x16xf32, #tpu.memory_space<vmem>>[vector<16xi32>, vector<16xi32>], vector<16xf32>,
      %mul3A_272 = arith.constant 0 : i32
      %mul3A_273 = vector.broadcast %mul3A_272 : i32 to vector<16xi32>
      %mul3A_274 = arith.muli %iota3A, %mul3A_273 : vector<16xi32>
      %add3A_275 = arith.constant 1 : i32
      %add3A_276 = vector.broadcast %add3A_275 : i32 to vector<16xi32>
      %add3A_277 = arith.addi %mul3A_274, %add3A_276 : vector<16xi32>
      %get3A_278 = arith.index_cast %mul3A_263 : i32 to index
      %get3A_279 = tpu.vector_load %arg20[%get3A_278] {strides = array<i32>} : memref<80xf32, #tpu.memory_space<vmem>>, vector<16xf32>,
      tpu.vector_store_idx %arg25[%add3A_267, %add3A_277], %get3A_279 : memref<80x16xf32, #tpu.memory_space<vmem>>[vector<16xi32>, vector<16xi32>], vector<16xf32>,
      %mul3A_280 = arith.constant 0 : i32
      %mul3A_281 = vector.broadcast %mul3A_280 : i32 to vector<16xi32>
      %mul3A_282 = arith.muli %iota3A, %mul3A_281 : vector<16xi32>
      %add3A_283 = arith.constant 2 : i32
      %add3A_284 = vector.broadcast %add3A_283 : i32 to vector<16xi32>
      %add3A_285 = arith.addi %mul3A_282, %add3A_284 : vector<16xi32>
      %get3A_286 = arith.index_cast %mul3A_263 : i32 to index
      %get3A_287 = tpu.vector_load %arg21[%get3A_286] {strides = array<i32>} : memref<80xf32, #tpu.memory_space<vmem>>, vector<16xf32>,
      tpu.vector_store_idx %arg25[%add3A_267, %add3A_285], %get3A_287 : memref<80x16xf32, #tpu.memory_space<vmem>>[vector<16xi32>, vector<16xi32>], vector<16xf32>,
      %mul3A_288 = arith.constant 0 : i32
      %mul3A_289 = vector.broadcast %mul3A_288 : i32 to vector<16xi32>
      %mul3A_290 = arith.muli %iota3A, %mul3A_289 : vector<16xi32>
      %add3A_291 = arith.constant 3 : i32
      %add3A_292 = vector.broadcast %add3A_291 : i32 to vector<16xi32>
      %add3A_293 = arith.addi %mul3A_290, %add3A_292 : vector<16xi32>
      tpu.vector_store_idx %arg25[%add3A_267, %add3A_293], %broadcast_in_dim3A_3 : memref<80x16xf32, #tpu.memory_space<vmem>>[vector<16xi32>, vector<16xi32>], vector<16xf32>,
    }
    %scan3A_95 = arith.constant 5 : i32
    "tpu.region"() ({
      %run_scoped3A = tpu.sem_alloc : memref<!tpu.dma_semaphore, #tpu.memory_space<semaphore_mem>>
      %dma_start3A_261 = arith.constant 0 : i32
      %dma_start3A_262 = arith.constant 0 : i32
      %dma_start3A_263 = tpu.memref_slice %arg15[%dma_start3A_261, %dma_start3A_262] : memref<10112x16xf32, #tpu.memory_space<vmem_shared>> -> memref<10112x16xf32, #tpu.memory_space<vmem_shared>>
      tpu.enqueue_indirect_dma source(%arg25 : memref<80x16xf32, #tpu.memory_space<vmem>>) target(%dma_start3A_263 : memref<10112x16xf32, #tpu.memory_space<vmem_shared>>) offsets(%arg17 : memref<80xi32, #tpu.memory_space<vmem>>) semaphore(%run_scoped3A : memref<!tpu.dma_semaphore, #tpu.memory_space<semaphore_mem>>) {add = true}
      %dma_wait3A_264 = arith.constant 0 : i32
      %dma_wait3A_265 = arith.constant 0 : i32
      %dma_wait3A_266 = tpu.memref_slice %arg15[%dma_wait3A_264, %dma_wait3A_265] : memref<10112x16xf32, #tpu.memory_space<vmem_shared>> -> memref<10112x16xf32, #tpu.memory_space<vmem_shared>>
      tpu.wait_indirect_dma semaphore(%run_scoped3A : memref<!tpu.dma_semaphore, #tpu.memory_space<semaphore_mem>>) src(%arg25 : memref<80x16xf32, #tpu.memory_space<vmem>>) dst(%dma_wait3A_266 : memref<10112x16xf32, #tpu.memory_space<vmem_shared>>)
      tpu.yield
    }) : () -> ()
    %dma_start3A_96 = arith.constant 0 : i32
    %dma_start3A_97 = arith.constant 0 : i32
    %dma_start3A_98 = tpu.memref_slice %arg12[%add3A, %dma_start3A_96, %dma_start3A_97] : memref<32x125x80xi32, #tpu.memory_space<hbm>> -> memref<1x1x80xi32, #tpu.memory_space<hbm>>
    %dma_start3A_99 = tpu.memref_squeeze %dma_start3A_98 : memref<1x1x80xi32, #tpu.memory_space<hbm>> -> memref<80xi32, #tpu.memory_space<hbm>>
    %dma_start3A_100 = arith.constant 0 : i32
    %dma_start3A_101 = tpu.memref_slice %arg12[%add3A, %dma_start3A_96, %dma_start3A_100] : memref<32x125x80xi32, #tpu.memory_space<hbm>> -> memref<1x1x80xi32, #tpu.memory_space<hbm>>
    %dma_start3A_102 = tpu.memref_squeeze %dma_start3A_101 : memref<1x1x80xi32, #tpu.memory_space<hbm>> -> memref<80xi32, #tpu.memory_space<hbm>>
    tpu.enqueue_dma source(%dma_start3A_102 : memref<80xi32, #tpu.memory_space<hbm>>) target(%arg17 : memref<80xi32, #tpu.memory_space<vmem>>) target_semaphore(%arg27 : memref<!tpu.dma_semaphore, #tpu.memory_space<semaphore_mem>>)
    %mul3A_103 = arith.constant 10000 : i32
    %mul3A_104 = arith.muli %add3A, %mul3A_103 : i32
    %add3A_105 = arith.constant 0 : i32
    %add3A_106 = arith.addi %mul3A_104, %add3A_105 : i32
    %dma_start3A_107 = tpu.memref_slice %arg5[%add3A_106] : memref<320000xf32, #tpu.memory_space<hbm>> -> memref<80xf32, #tpu.memory_space<hbm>>
    %dma_start3A_108 = tpu.memref_slice %arg5[%add3A_106] : memref<320000xf32, #tpu.memory_space<hbm>> -> memref<80xf32, #tpu.memory_space<hbm>>
    tpu.enqueue_dma source(%dma_start3A_108 : memref<80xf32, #tpu.memory_space<hbm>>) target(%arg19 : memref<80xf32, #tpu.memory_space<vmem>>) target_semaphore(%arg27 : memref<!tpu.dma_semaphore, #tpu.memory_space<semaphore_mem>>)
    %mul3A_109 = arith.constant 10000 : i32
    %mul3A_110 = arith.muli %add3A, %mul3A_109 : i32
    %add3A_111 = arith.constant 0 : i32
    %add3A_112 = arith.addi %mul3A_110, %add3A_111 : i32
    %dma_start3A_113 = tpu.memref_slice %arg6[%add3A_112] : memref<320000xf32, #tpu.memory_space<hbm>> -> memref<80xf32, #tpu.memory_space<hbm>>
    %dma_start3A_114 = tpu.memref_slice %arg6[%add3A_112] : memref<320000xf32, #tpu.memory_space<hbm>> -> memref<80xf32, #tpu.memory_space<hbm>>
    tpu.enqueue_dma source(%dma_start3A_114 : memref<80xf32, #tpu.memory_space<hbm>>) target(%arg20 : memref<80xf32, #tpu.memory_space<vmem>>) target_semaphore(%arg27 : memref<!tpu.dma_semaphore, #tpu.memory_space<semaphore_mem>>)
    %mul3A_115 = arith.constant 10000 : i32
    %mul3A_116 = arith.muli %add3A, %mul3A_115 : i32
    %add3A_117 = arith.constant 0 : i32
    %add3A_118 = arith.addi %mul3A_116, %add3A_117 : i32
    %dma_start3A_119 = tpu.memref_slice %arg7[%add3A_118] : memref<320000xf32, #tpu.memory_space<hbm>> -> memref<80xf32, #tpu.memory_space<hbm>>
    %dma_start3A_120 = tpu.memref_slice %arg7[%add3A_118] : memref<320000xf32, #tpu.memory_space<hbm>> -> memref<80xf32, #tpu.memory_space<hbm>>
    tpu.enqueue_dma source(%dma_start3A_120 : memref<80xf32, #tpu.memory_space<hbm>>) target(%arg21 : memref<80xf32, #tpu.memory_space<vmem>>) target_semaphore(%arg27 : memref<!tpu.dma_semaphore, #tpu.memory_space<semaphore_mem>>)
    %dma_start3A_121 = arith.constant 1 : i32
    %dma_start3A_122 = arith.constant 0 : i32
    %dma_start3A_123 = tpu.memref_slice %arg12[%add3A, %dma_start3A_121, %dma_start3A_122] : memref<32x125x80xi32, #tpu.memory_space<hbm>> -> memref<1x1x80xi32, #tpu.memory_space<hbm>>
    %dma_start3A_124 = tpu.memref_squeeze %dma_start3A_123 : memref<1x1x80xi32, #tpu.memory_space<hbm>> -> memref<80xi32, #tpu.memory_space<hbm>>
    %dma_start3A_125 = arith.constant 0 : i32
    %dma_start3A_126 = tpu.memref_slice %arg12[%add3A, %dma_start3A_121, %dma_start3A_125] : memref<32x125x80xi32, #tpu.memory_space<hbm>> -> memref<1x1x80xi32, #tpu.memory_space<hbm>>
    %dma_start3A_127 = tpu.memref_squeeze %dma_start3A_126 : memref<1x1x80xi32, #tpu.memory_space<hbm>> -> memref<80xi32, #tpu.memory_space<hbm>>
    tpu.enqueue_dma source(%dma_start3A_127 : memref<80xi32, #tpu.memory_space<hbm>>) target(%arg18 : memref<80xi32, #tpu.memory_space<vmem>>) target_semaphore(%arg28 : memref<!tpu.dma_semaphore, #tpu.memory_space<semaphore_mem>>)
    %mul3A_128 = arith.constant 10000 : i32
    %mul3A_129 = arith.muli %add3A, %mul3A_128 : i32
    %add3A_130 = arith.constant 80 : i32
    %add3A_131 = arith.addi %mul3A_129, %add3A_130 : i32
    %dma_start3A_132 = tpu.memref_slice %arg5[%add3A_131] : memref<320000xf32, #tpu.memory_space<hbm>> -> memref<80xf32, #tpu.memory_space<hbm>>
    %dma_start3A_133 = tpu.memref_slice %arg5[%add3A_131] : memref<320000xf32, #tpu.memory_space<hbm>> -> memref<80xf32, #tpu.memory_space<hbm>>
    tpu.enqueue_dma source(%dma_start3A_133 : memref<80xf32, #tpu.memory_space<hbm>>) target(%arg22 : memref<80xf32, #tpu.memory_space<vmem>>) target_semaphore(%arg28 : memref<!tpu.dma_semaphore, #tpu.memory_space<semaphore_mem>>)
    %mul3A_134 = arith.constant 10000 : i32
    %mul3A_135 = arith.muli %add3A, %mul3A_134 : i32
    %add3A_136 = arith.constant 80 : i32
    %add3A_137 = arith.addi %mul3A_135, %add3A_136 : i32
    %dma_start3A_138 = tpu.memref_slice %arg6[%add3A_137] : memref<320000xf32, #tpu.memory_space<hbm>> -> memref<80xf32, #tpu.memory_space<hbm>>
    %dma_start3A_139 = tpu.memref_slice %arg6[%add3A_137] : memref<320000xf32, #tpu.memory_space<hbm>> -> memref<80xf32, #tpu.memory_space<hbm>>
    tpu.enqueue_dma source(%dma_start3A_139 : memref<80xf32, #tpu.memory_space<hbm>>) target(%arg23 : memref<80xf32, #tpu.memory_space<vmem>>) target_semaphore(%arg28 : memref<!tpu.dma_semaphore, #tpu.memory_space<semaphore_mem>>)
    %mul3A_140 = arith.constant 10000 : i32
    %mul3A_141 = arith.muli %add3A, %mul3A_140 : i32
    %add3A_142 = arith.constant 80 : i32
    %add3A_143 = arith.addi %mul3A_141, %add3A_142 : i32
    %dma_start3A_144 = tpu.memref_slice %arg7[%add3A_143] : memref<320000xf32, #tpu.memory_space<hbm>> -> memref<80xf32, #tpu.memory_space<hbm>>
    %dma_start3A_145 = tpu.memref_slice %arg7[%add3A_143] : memref<320000xf32, #tpu.memory_space<hbm>> -> memref<80xf32, #tpu.memory_space<hbm>>
    tpu.enqueue_dma source(%dma_start3A_145 : memref<80xf32, #tpu.memory_space<hbm>>) target(%arg24 : memref<80xf32, #tpu.memory_space<vmem>>) target_semaphore(%arg28 : memref<!tpu.dma_semaphore, #tpu.memory_space<semaphore_mem>>)
    %scan3A_146 = arith.constant 0 : i32
    %scan3A_147 = arith.constant 0 : i32
    %scan3A_148 = arith.constant 62 : i32
    %scan3A_149 = arith.addi %scan3A_147, %scan3A_148 : i32
    %scan3A_150 = arith.constant 1 : i32
    scf.for %scan3A_261 = %scan3A_147 to %scan3A_149 step %scan3A_150  : i32 {
      %mul3A_262 = arith.constant 2 : i32
      %mul3A_263 = arith.muli %scan3A_261, %mul3A_262 : i32
      %dma_wait3A_264 = arith.constant 0 : i32
      %dma_wait3A_265 = tpu.memref_slice %arg5[%dma_wait3A_264] : memref<320000xf32, #tpu.memory_space<hbm>> -> memref<80xf32, #tpu.memory_space<hbm>>
      %dma_wait3A_266 = arith.constant 0 : i32
      %dma_wait3A_267 = tpu.memref_slice %arg5[%dma_wait3A_266] : memref<320000xf32, #tpu.memory_space<hbm>> -> memref<80xf32, #tpu.memory_space<hbm>>
      tpu.wait_dma2 semaphore(%arg27 : memref<!tpu.dma_semaphore, #tpu.memory_space<semaphore_mem>>) src(%dma_wait3A_267 : memref<80xf32, #tpu.memory_space<hbm>>) dst(%arg19 : memref<80xf32, #tpu.memory_space<vmem>>)
      %dma_wait3A_268 = arith.constant 0 : i32
      %dma_wait3A_269 = tpu.memref_slice %arg5[%dma_wait3A_268] : memref<320000xf32, #tpu.memory_space<hbm>> -> memref<80xf32, #tpu.memory_space<hbm>>
      %dma_wait3A_270 = arith.constant 0 : i32
      %dma_wait3A_271 = tpu.memref_slice %arg5[%dma_wait3A_270] : memref<320000xf32, #tpu.memory_space<hbm>> -> memref<80xf32, #tpu.memory_space<hbm>>
      tpu.wait_dma2 semaphore(%arg27 : memref<!tpu.dma_semaphore, #tpu.memory_space<semaphore_mem>>) src(%dma_wait3A_271 : memref<80xf32, #tpu.memory_space<hbm>>) dst(%arg19 : memref<80xf32, #tpu.memory_space<vmem>>)
      %dma_wait3A_272 = arith.constant 0 : i32
      %dma_wait3A_273 = tpu.memref_slice %arg5[%dma_wait3A_272] : memref<320000xf32, #tpu.memory_space<hbm>> -> memref<80xf32, #tpu.memory_space<hbm>>
      %dma_wait3A_274 = arith.constant 0 : i32
      %dma_wait3A_275 = tpu.memref_slice %arg5[%dma_wait3A_274] : memref<320000xf32, #tpu.memory_space<hbm>> -> memref<80xf32, #tpu.memory_space<hbm>>
      tpu.wait_dma2 semaphore(%arg27 : memref<!tpu.dma_semaphore, #tpu.memory_space<semaphore_mem>>) src(%dma_wait3A_275 : memref<80xf32, #tpu.memory_space<hbm>>) dst(%arg19 : memref<80xf32, #tpu.memory_space<vmem>>)
      %dma_wait3A_276 = arith.constant 0 : i32
      %dma_wait3A_277 = arith.constant 0 : i32
      %dma_wait3A_278 = tpu.memref_slice %arg12[%add3A, %dma_wait3A_276, %dma_wait3A_277] : memref<32x125x80xi32, #tpu.memory_space<hbm>> -> memref<1x1x80xi32, #tpu.memory_space<hbm>>
      %dma_wait3A_279 = tpu.memref_squeeze %dma_wait3A_278 : memref<1x1x80xi32, #tpu.memory_space<hbm>> -> memref<80xi32, #tpu.memory_space<hbm>>
      %dma_wait3A_280 = arith.constant 0 : i32
      %dma_wait3A_281 = tpu.memref_slice %arg12[%add3A, %dma_wait3A_276, %dma_wait3A_280] : memref<32x125x80xi32, #tpu.memory_space<hbm>> -> memref<1x1x80xi32, #tpu.memory_space<hbm>>
      %dma_wait3A_282 = tpu.memref_squeeze %dma_wait3A_281 : memref<1x1x80xi32, #tpu.memory_space<hbm>> -> memref<80xi32, #tpu.memory_space<hbm>>
      tpu.wait_dma2 semaphore(%arg27 : memref<!tpu.dma_semaphore, #tpu.memory_space<semaphore_mem>>) src(%dma_wait3A_282 : memref<80xi32, #tpu.memory_space<hbm>>) dst(%arg17 : memref<80xi32, #tpu.memory_space<vmem>>)
      %scan3A_283 = arith.constant 0 : i32
      %scan3A_284 = arith.constant 0 : i32
      %scan3A_285 = arith.constant 5 : i32
      %scan3A_286 = arith.addi %scan3A_284, %scan3A_285 : i32
      %scan3A_287 = arith.constant 1 : i32
      scf.for %scan3A_327 = %scan3A_284 to %scan3A_286 step %scan3A_287  : i32 {
        %mul3A_328 = arith.constant 16 : i32
        %mul3A_329 = arith.muli %scan3A_327, %mul3A_328 : i32
        %mul3A_330 = arith.constant 16 : i32
        %mul3A_331 = arith.muli %scan3A_327, %mul3A_330 : i32
        %add3A_332 = vector.broadcast %mul3A_331 : i32 to vector<16xi32>
        %add3A_333 = arith.addi %iota3A, %add3A_332 : vector<16xi32>
        %mul3A_334 = arith.constant 0 : i32
        %mul3A_335 = vector.broadcast %mul3A_334 : i32 to vector<16xi32>
        %mul3A_336 = arith.muli %iota3A, %mul3A_335 : vector<16xi32>
        %get3A = arith.index_cast %mul3A_329 : i32 to index
        %get3A_337 = tpu.vector_load %arg19[%get3A] {strides = array<i32>} : memref<80xf32, #tpu.memory_space<vmem>>, vector<16xf32>,
        tpu.vector_store_idx %arg25[%add3A_333, %mul3A_336], %get3A_337 : memref<80x16xf32, #tpu.memory_space<vmem>>[vector<16xi32>, vector<16xi32>], vector<16xf32>,
        %mul3A_338 = arith.constant 0 : i32
        %mul3A_339 = vector.broadcast %mul3A_338 : i32 to vector<16xi32>
        %mul3A_340 = arith.muli %iota3A, %mul3A_339 : vector<16xi32>
        %add3A_341 = arith.constant 1 : i32
        %add3A_342 = vector.broadcast %add3A_341 : i32 to vector<16xi32>
        %add3A_343 = arith.addi %mul3A_340, %add3A_342 : vector<16xi32>
        %get3A_344 = arith.index_cast %mul3A_329 : i32 to index
        %get3A_345 = tpu.vector_load %arg20[%get3A_344] {strides = array<i32>} : memref<80xf32, #tpu.memory_space<vmem>>, vector<16xf32>,
        tpu.vector_store_idx %arg25[%add3A_333, %add3A_343], %get3A_345 : memref<80x16xf32, #tpu.memory_space<vmem>>[vector<16xi32>, vector<16xi32>], vector<16xf32>,
        %mul3A_346 = arith.constant 0 : i32
        %mul3A_347 = vector.broadcast %mul3A_346 : i32 to vector<16xi32>
        %mul3A_348 = arith.muli %iota3A, %mul3A_347 : vector<16xi32>
        %add3A_349 = arith.constant 2 : i32
        %add3A_350 = vector.broadcast %add3A_349 : i32 to vector<16xi32>
        %add3A_351 = arith.addi %mul3A_348, %add3A_350 : vector<16xi32>
        %get3A_352 = arith.index_cast %mul3A_329 : i32 to index
        %get3A_353 = tpu.vector_load %arg21[%get3A_352] {strides = array<i32>} : memref<80xf32, #tpu.memory_space<vmem>>, vector<16xf32>,
        tpu.vector_store_idx %arg25[%add3A_333, %add3A_351], %get3A_353 : memref<80x16xf32, #tpu.memory_space<vmem>>[vector<16xi32>, vector<16xi32>], vector<16xf32>,
        %mul3A_354 = arith.constant 0 : i32
        %mul3A_355 = vector.broadcast %mul3A_354 : i32 to vector<16xi32>
        %mul3A_356 = arith.muli %iota3A, %mul3A_355 : vector<16xi32>
        %add3A_357 = arith.constant 3 : i32
        %add3A_358 = vector.broadcast %add3A_357 : i32 to vector<16xi32>
        %add3A_359 = arith.addi %mul3A_356, %add3A_358 : vector<16xi32>
        tpu.vector_store_idx %arg25[%add3A_333, %add3A_359], %broadcast_in_dim3A_3 : memref<80x16xf32, #tpu.memory_space<vmem>>[vector<16xi32>, vector<16xi32>], vector<16xf32>,
      }
      %scan3A_288 = arith.constant 5 : i32
      "tpu.region"() ({
        %run_scoped3A = tpu.sem_alloc : memref<!tpu.dma_semaphore, #tpu.memory_space<semaphore_mem>>
        %dma_start3A_327 = arith.constant 0 : i32
        %dma_start3A_328 = arith.constant 0 : i32
        %dma_start3A_329 = tpu.memref_slice %arg15[%dma_start3A_327, %dma_start3A_328] : memref<10112x16xf32, #tpu.memory_space<vmem_shared>> -> memref<10112x16xf32, #tpu.memory_space<vmem_shared>>
        tpu.enqueue_indirect_dma source(%arg25 : memref<80x16xf32, #tpu.memory_space<vmem>>) target(%dma_start3A_329 : memref<10112x16xf32, #tpu.memory_space<vmem_shared>>) offsets(%arg17 : memref<80xi32, #tpu.memory_space<vmem>>) semaphore(%run_scoped3A : memref<!tpu.dma_semaphore, #tpu.memory_space<semaphore_mem>>) {add = true}
        %dma_wait3A_330 = arith.constant 0 : i32
        %dma_wait3A_331 = arith.constant 0 : i32
        %dma_wait3A_332 = tpu.memref_slice %arg15[%dma_wait3A_330, %dma_wait3A_331] : memref<10112x16xf32, #tpu.memory_space<vmem_shared>> -> memref<10112x16xf32, #tpu.memory_space<vmem_shared>>
        tpu.wait_indirect_dma semaphore(%run_scoped3A : memref<!tpu.dma_semaphore, #tpu.memory_space<semaphore_mem>>) src(%arg25 : memref<80x16xf32, #tpu.memory_space<vmem>>) dst(%dma_wait3A_332 : memref<10112x16xf32, #tpu.memory_space<vmem_shared>>)
        tpu.yield
      }) : () -> ()
      %add3A_289 = arith.constant 2 : i32
      %add3A_290 = arith.addi %mul3A_263, %add3A_289 : i32
      %lt3A = arith.constant 125 : i32
      %lt3A_291 = arith.cmpi slt, %add3A_290, %lt3A : i32
      %convert_element_type3A = arith.extui %lt3A_291 : i1 to i32
      %cond3A = arith.constant 0 : i32
      %cond3A_292 = arith.cmpi ne, %convert_element_type3A, %cond3A : i32
      scf.if %cond3A_292 {
        %add3A_327 = arith.constant 2 : i32
        %add3A_328 = arith.addi %mul3A_263, %add3A_327 : i32
        %dma_start3A_329 = arith.constant 0 : i32
        %dma_start3A_330 = tpu.memref_slice %arg12[%add3A, %add3A_328, %dma_start3A_329] : memref<32x125x80xi32, #tpu.memory_space<hbm>> -> memref<1x1x80xi32, #tpu.memory_space<hbm>>
        %dma_start3A_331 = tpu.memref_squeeze %dma_start3A_330 : memref<1x1x80xi32, #tpu.memory_space<hbm>> -> memref<80xi32, #tpu.memory_space<hbm>>
        %dma_start3A_332 = arith.constant 0 : i32
        %dma_start3A_333 = tpu.memref_slice %arg12[%add3A, %add3A_328, %dma_start3A_332] : memref<32x125x80xi32, #tpu.memory_space<hbm>> -> memref<1x1x80xi32, #tpu.memory_space<hbm>>
        %dma_start3A_334 = tpu.memref_squeeze %dma_start3A_333 : memref<1x1x80xi32, #tpu.memory_space<hbm>> -> memref<80xi32, #tpu.memory_space<hbm>>
        tpu.enqueue_dma source(%dma_start3A_334 : memref<80xi32, #tpu.memory_space<hbm>>) target(%arg17 : memref<80xi32, #tpu.memory_space<vmem>>) target_semaphore(%arg27 : memref<!tpu.dma_semaphore, #tpu.memory_space<semaphore_mem>>)
        %mul3A_335 = arith.constant 10000 : i32
        %mul3A_336 = arith.muli %add3A, %mul3A_335 : i32
        %mul3A_337 = arith.constant 80 : i32
        %mul3A_338 = arith.muli %add3A_328, %mul3A_337 : i32
        %add3A_339 = arith.addi %mul3A_336, %mul3A_338 : i32
        %dma_start3A_340 = tpu.memref_slice %arg5[%add3A_339] : memref<320000xf32, #tpu.memory_space<hbm>> -> memref<80xf32, #tpu.memory_space<hbm>>
        %dma_start3A_341 = tpu.memref_slice %arg5[%add3A_339] : memref<320000xf32, #tpu.memory_space<hbm>> -> memref<80xf32, #tpu.memory_space<hbm>>
        tpu.enqueue_dma source(%dma_start3A_341 : memref<80xf32, #tpu.memory_space<hbm>>) target(%arg19 : memref<80xf32, #tpu.memory_space<vmem>>) target_semaphore(%arg27 : memref<!tpu.dma_semaphore, #tpu.memory_space<semaphore_mem>>)
        %mul3A_342 = arith.constant 10000 : i32
        %mul3A_343 = arith.muli %add3A, %mul3A_342 : i32
        %mul3A_344 = arith.constant 80 : i32
        %mul3A_345 = arith.muli %add3A_328, %mul3A_344 : i32
        %add3A_346 = arith.addi %mul3A_343, %mul3A_345 : i32
        %dma_start3A_347 = tpu.memref_slice %arg6[%add3A_346] : memref<320000xf32, #tpu.memory_space<hbm>> -> memref<80xf32, #tpu.memory_space<hbm>>
        %dma_start3A_348 = tpu.memref_slice %arg6[%add3A_346] : memref<320000xf32, #tpu.memory_space<hbm>> -> memref<80xf32, #tpu.memory_space<hbm>>
        tpu.enqueue_dma source(%dma_start3A_348 : memref<80xf32, #tpu.memory_space<hbm>>) target(%arg20 : memref<80xf32, #tpu.memory_space<vmem>>) target_semaphore(%arg27 : memref<!tpu.dma_semaphore, #tpu.memory_space<semaphore_mem>>)
        %mul3A_349 = arith.constant 10000 : i32
        %mul3A_350 = arith.muli %add3A, %mul3A_349 : i32
        %mul3A_351 = arith.constant 80 : i32
        %mul3A_352 = arith.muli %add3A_328, %mul3A_351 : i32
        %add3A_353 = arith.addi %mul3A_350, %mul3A_352 : i32
        %dma_start3A_354 = tpu.memref_slice %arg7[%add3A_353] : memref<320000xf32, #tpu.memory_space<hbm>> -> memref<80xf32, #tpu.memory_space<hbm>>
        %dma_start3A_355 = tpu.memref_slice %arg7[%add3A_353] : memref<320000xf32, #tpu.memory_space<hbm>> -> memref<80xf32, #tpu.memory_space<hbm>>
        tpu.enqueue_dma source(%dma_start3A_355 : memref<80xf32, #tpu.memory_space<hbm>>) target(%arg21 : memref<80xf32, #tpu.memory_space<vmem>>) target_semaphore(%arg27 : memref<!tpu.dma_semaphore, #tpu.memory_space<semaphore_mem>>)
      } else {
      }
      %add3A_293 = arith.constant 1 : i32
      %add3A_294 = arith.addi %mul3A_263, %add3A_293 : i32
      %dma_wait3A_295 = arith.constant 0 : i32
      %dma_wait3A_296 = tpu.memref_slice %arg5[%dma_wait3A_295] : memref<320000xf32, #tpu.memory_space<hbm>> -> memref<80xf32, #tpu.memory_space<hbm>>
      %dma_wait3A_297 = arith.constant 0 : i32
      %dma_wait3A_298 = tpu.memref_slice %arg5[%dma_wait3A_297] : memref<320000xf32, #tpu.memory_space<hbm>> -> memref<80xf32, #tpu.memory_space<hbm>>
      tpu.wait_dma2 semaphore(%arg28 : memref<!tpu.dma_semaphore, #tpu.memory_space<semaphore_mem>>) src(%dma_wait3A_298 : memref<80xf32, #tpu.memory_space<hbm>>) dst(%arg22 : memref<80xf32, #tpu.memory_space<vmem>>)
      %dma_wait3A_299 = arith.constant 0 : i32
      %dma_wait3A_300 = tpu.memref_slice %arg5[%dma_wait3A_299] : memref<320000xf32, #tpu.memory_space<hbm>> -> memref<80xf32, #tpu.memory_space<hbm>>
      %dma_wait3A_301 = arith.constant 0 : i32
      %dma_wait3A_302 = tpu.memref_slice %arg5[%dma_wait3A_301] : memref<320000xf32, #tpu.memory_space<hbm>> -> memref<80xf32, #tpu.memory_space<hbm>>
      tpu.wait_dma2 semaphore(%arg28 : memref<!tpu.dma_semaphore, #tpu.memory_space<semaphore_mem>>) src(%dma_wait3A_302 : memref<80xf32, #tpu.memory_space<hbm>>) dst(%arg22 : memref<80xf32, #tpu.memory_space<vmem>>)
      %dma_wait3A_303 = arith.constant 0 : i32
      %dma_wait3A_304 = tpu.memref_slice %arg5[%dma_wait3A_303] : memref<320000xf32, #tpu.memory_space<hbm>> -> memref<80xf32, #tpu.memory_space<hbm>>
      %dma_wait3A_305 = arith.constant 0 : i32
      %dma_wait3A_306 = tpu.memref_slice %arg5[%dma_wait3A_305] : memref<320000xf32, #tpu.memory_space<hbm>> -> memref<80xf32, #tpu.memory_space<hbm>>
      tpu.wait_dma2 semaphore(%arg28 : memref<!tpu.dma_semaphore, #tpu.memory_space<semaphore_mem>>) src(%dma_wait3A_306 : memref<80xf32, #tpu.memory_space<hbm>>) dst(%arg22 : memref<80xf32, #tpu.memory_space<vmem>>)
      %dma_wait3A_307 = arith.constant 0 : i32
      %dma_wait3A_308 = arith.constant 0 : i32
      %dma_wait3A_309 = tpu.memref_slice %arg12[%add3A, %dma_wait3A_307, %dma_wait3A_308] : memref<32x125x80xi32, #tpu.memory_space<hbm>> -> memref<1x1x80xi32, #tpu.memory_space<hbm>>
      %dma_wait3A_310 = tpu.memref_squeeze %dma_wait3A_309 : memref<1x1x80xi32, #tpu.memory_space<hbm>> -> memref<80xi32, #tpu.memory_space<hbm>>
      %dma_wait3A_311 = arith.constant 0 : i32
      %dma_wait3A_312 = tpu.memref_slice %arg12[%add3A, %dma_wait3A_307, %dma_wait3A_311] : memref<32x125x80xi32, #tpu.memory_space<hbm>> -> memref<1x1x80xi32, #tpu.memory_space<hbm>>
      %dma_wait3A_313 = tpu.memref_squeeze %dma_wait3A_312 : memref<1x1x80xi32, #tpu.memory_space<hbm>> -> memref<80xi32, #tpu.memory_space<hbm>>
      tpu.wait_dma2 semaphore(%arg28 : memref<!tpu.dma_semaphore, #tpu.memory_space<semaphore_mem>>) src(%dma_wait3A_313 : memref<80xi32, #tpu.memory_space<hbm>>) dst(%arg18 : memref<80xi32, #tpu.memory_space<vmem>>)
      %scan3A_314 = arith.constant 0 : i32
      %scan3A_315 = arith.constant 0 : i32
      %scan3A_316 = arith.constant 5 : i32
      %scan3A_317 = arith.addi %scan3A_315, %scan3A_316 : i32
      %scan3A_318 = arith.constant 1 : i32
      scf.for %scan3A_327 = %scan3A_315 to %scan3A_317 step %scan3A_318  : i32 {
        %mul3A_328 = arith.constant 16 : i32
        %mul3A_329 = arith.muli %scan3A_327, %mul3A_328 : i32
        %mul3A_330 = arith.constant 16 : i32
        %mul3A_331 = arith.muli %scan3A_327, %mul3A_330 : i32
        %add3A_332 = vector.broadcast %mul3A_331 : i32 to vector<16xi32>
        %add3A_333 = arith.addi %iota3A, %add3A_332 : vector<16xi32>
        %mul3A_334 = arith.constant 0 : i32
        %mul3A_335 = vector.broadcast %mul3A_334 : i32 to vector<16xi32>
        %mul3A_336 = arith.muli %iota3A, %mul3A_335 : vector<16xi32>
        %get3A = arith.index_cast %mul3A_329 : i32 to index
        %get3A_337 = tpu.vector_load %arg22[%get3A] {strides = array<i32>} : memref<80xf32, #tpu.memory_space<vmem>>, vector<16xf32>,
        tpu.vector_store_idx %arg26[%add3A_333, %mul3A_336], %get3A_337 : memref<80x16xf32, #tpu.memory_space<vmem>>[vector<16xi32>, vector<16xi32>], vector<16xf32>,
        %mul3A_338 = arith.constant 0 : i32
        %mul3A_339 = vector.broadcast %mul3A_338 : i32 to vector<16xi32>
        %mul3A_340 = arith.muli %iota3A, %mul3A_339 : vector<16xi32>
        %add3A_341 = arith.constant 1 : i32
        %add3A_342 = vector.broadcast %add3A_341 : i32 to vector<16xi32>
        %add3A_343 = arith.addi %mul3A_340, %add3A_342 : vector<16xi32>
        %get3A_344 = arith.index_cast %mul3A_329 : i32 to index
        %get3A_345 = tpu.vector_load %arg23[%get3A_344] {strides = array<i32>} : memref<80xf32, #tpu.memory_space<vmem>>, vector<16xf32>,
        tpu.vector_store_idx %arg26[%add3A_333, %add3A_343], %get3A_345 : memref<80x16xf32, #tpu.memory_space<vmem>>[vector<16xi32>, vector<16xi32>], vector<16xf32>,
        %mul3A_346 = arith.constant 0 : i32
        %mul3A_347 = vector.broadcast %mul3A_346 : i32 to vector<16xi32>
        %mul3A_348 = arith.muli %iota3A, %mul3A_347 : vector<16xi32>
        %add3A_349 = arith.constant 2 : i32
        %add3A_350 = vector.broadcast %add3A_349 : i32 to vector<16xi32>
        %add3A_351 = arith.addi %mul3A_348, %add3A_350 : vector<16xi32>
        %get3A_352 = arith.index_cast %mul3A_329 : i32 to index
        %get3A_353 = tpu.vector_load %arg24[%get3A_352] {strides = array<i32>} : memref<80xf32, #tpu.memory_space<vmem>>, vector<16xf32>,
        tpu.vector_store_idx %arg26[%add3A_333, %add3A_351], %get3A_353 : memref<80x16xf32, #tpu.memory_space<vmem>>[vector<16xi32>, vector<16xi32>], vector<16xf32>,
        %mul3A_354 = arith.constant 0 : i32
        %mul3A_355 = vector.broadcast %mul3A_354 : i32 to vector<16xi32>
        %mul3A_356 = arith.muli %iota3A, %mul3A_355 : vector<16xi32>
        %add3A_357 = arith.constant 3 : i32
        %add3A_358 = vector.broadcast %add3A_357 : i32 to vector<16xi32>
        %add3A_359 = arith.addi %mul3A_356, %add3A_358 : vector<16xi32>
        tpu.vector_store_idx %arg26[%add3A_333, %add3A_359], %broadcast_in_dim3A_3 : memref<80x16xf32, #tpu.memory_space<vmem>>[vector<16xi32>, vector<16xi32>], vector<16xf32>,
      }
      %scan3A_319 = arith.constant 5 : i32
      "tpu.region"() ({
        %run_scoped3A = tpu.sem_alloc : memref<!tpu.dma_semaphore, #tpu.memory_space<semaphore_mem>>
        %dma_start3A_327 = arith.constant 0 : i32
        %dma_start3A_328 = arith.constant 0 : i32
        %dma_start3A_329 = tpu.memref_slice %arg15[%dma_start3A_327, %dma_start3A_328] : memref<10112x16xf32, #tpu.memory_space<vmem_shared>> -> memref<10112x16xf32, #tpu.memory_space<vmem_shared>>
        tpu.enqueue_indirect_dma source(%arg26 : memref<80x16xf32, #tpu.memory_space<vmem>>) target(%dma_start3A_329 : memref<10112x16xf32, #tpu.memory_space<vmem_shared>>) offsets(%arg18 : memref<80xi32, #tpu.memory_space<vmem>>) semaphore(%run_scoped3A : memref<!tpu.dma_semaphore, #tpu.memory_space<semaphore_mem>>) {add = true}
        %dma_wait3A_330 = arith.constant 0 : i32
        %dma_wait3A_331 = arith.constant 0 : i32
        %dma_wait3A_332 = tpu.memref_slice %arg15[%dma_wait3A_330, %dma_wait3A_331] : memref<10112x16xf32, #tpu.memory_space<vmem_shared>> -> memref<10112x16xf32, #tpu.memory_space<vmem_shared>>
        tpu.wait_indirect_dma semaphore(%run_scoped3A : memref<!tpu.dma_semaphore, #tpu.memory_space<semaphore_mem>>) src(%arg26 : memref<80x16xf32, #tpu.memory_space<vmem>>) dst(%dma_wait3A_332 : memref<10112x16xf32, #tpu.memory_space<vmem_shared>>)
        tpu.yield
      }) : () -> ()
      %add3A_320 = arith.constant 3 : i32
      %add3A_321 = arith.addi %mul3A_263, %add3A_320 : i32
      %lt3A_322 = arith.constant 125 : i32
      %lt3A_323 = arith.cmpi slt, %add3A_321, %lt3A_322 : i32
      %convert_element_type3A_324 = arith.extui %lt3A_323 : i1 to i32
      %cond3A_325 = arith.constant 0 : i32
      %cond3A_326 = arith.cmpi ne, %convert_element_type3A_324, %cond3A_325 : i32
      scf.if %cond3A_326 {
        %add3A_327 = arith.constant 3 : i32
        %add3A_328 = arith.addi %mul3A_263, %add3A_327 : i32
        %dma_start3A_329 = arith.constant 0 : i32
        %dma_start3A_330 = tpu.memref_slice %arg12[%add3A, %add3A_328, %dma_start3A_329] : memref<32x125x80xi32, #tpu.memory_space<hbm>> -> memref<1x1x80xi32, #tpu.memory_space<hbm>>
        %dma_start3A_331 = tpu.memref_squeeze %dma_start3A_330 : memref<1x1x80xi32, #tpu.memory_space<hbm>> -> memref<80xi32, #tpu.memory_space<hbm>>
        %dma_start3A_332 = arith.constant 0 : i32
        %dma_start3A_333 = tpu.memref_slice %arg12[%add3A, %add3A_328, %dma_start3A_332] : memref<32x125x80xi32, #tpu.memory_space<hbm>> -> memref<1x1x80xi32, #tpu.memory_space<hbm>>
        %dma_start3A_334 = tpu.memref_squeeze %dma_start3A_333 : memref<1x1x80xi32, #tpu.memory_space<hbm>> -> memref<80xi32, #tpu.memory_space<hbm>>
        tpu.enqueue_dma source(%dma_start3A_334 : memref<80xi32, #tpu.memory_space<hbm>>) target(%arg18 : memref<80xi32, #tpu.memory_space<vmem>>) target_semaphore(%arg28 : memref<!tpu.dma_semaphore, #tpu.memory_space<semaphore_mem>>)
        %mul3A_335 = arith.constant 10000 : i32
        %mul3A_336 = arith.muli %add3A, %mul3A_335 : i32
        %mul3A_337 = arith.constant 80 : i32
        %mul3A_338 = arith.muli %add3A_328, %mul3A_337 : i32
        %add3A_339 = arith.addi %mul3A_336, %mul3A_338 : i32
        %dma_start3A_340 = tpu.memref_slice %arg5[%add3A_339] : memref<320000xf32, #tpu.memory_space<hbm>> -> memref<80xf32, #tpu.memory_space<hbm>>
        %dma_start3A_341 = tpu.memref_slice %arg5[%add3A_339] : memref<320000xf32, #tpu.memory_space<hbm>> -> memref<80xf32, #tpu.memory_space<hbm>>
        tpu.enqueue_dma source(%dma_start3A_341 : memref<80xf32, #tpu.memory_space<hbm>>) target(%arg22 : memref<80xf32, #tpu.memory_space<vmem>>) target_semaphore(%arg28 : memref<!tpu.dma_semaphore, #tpu.memory_space<semaphore_mem>>)
        %mul3A_342 = arith.constant 10000 : i32
        %mul3A_343 = arith.muli %add3A, %mul3A_342 : i32
        %mul3A_344 = arith.constant 80 : i32
        %mul3A_345 = arith.muli %add3A_328, %mul3A_344 : i32
        %add3A_346 = arith.addi %mul3A_343, %mul3A_345 : i32
        %dma_start3A_347 = tpu.memref_slice %arg6[%add3A_346] : memref<320000xf32, #tpu.memory_space<hbm>> -> memref<80xf32, #tpu.memory_space<hbm>>
        %dma_start3A_348 = tpu.memref_slice %arg6[%add3A_346] : memref<320000xf32, #tpu.memory_space<hbm>> -> memref<80xf32, #tpu.memory_space<hbm>>
        tpu.enqueue_dma source(%dma_start3A_348 : memref<80xf32, #tpu.memory_space<hbm>>) target(%arg23 : memref<80xf32, #tpu.memory_space<vmem>>) target_semaphore(%arg28 : memref<!tpu.dma_semaphore, #tpu.memory_space<semaphore_mem>>)
        %mul3A_349 = arith.constant 10000 : i32
        %mul3A_350 = arith.muli %add3A, %mul3A_349 : i32
        %mul3A_351 = arith.constant 80 : i32
        %mul3A_352 = arith.muli %add3A_328, %mul3A_351 : i32
        %add3A_353 = arith.addi %mul3A_350, %mul3A_352 : i32
        %dma_start3A_354 = tpu.memref_slice %arg7[%add3A_353] : memref<320000xf32, #tpu.memory_space<hbm>> -> memref<80xf32, #tpu.memory_space<hbm>>
        %dma_start3A_355 = tpu.memref_slice %arg7[%add3A_353] : memref<320000xf32, #tpu.memory_space<hbm>> -> memref<80xf32, #tpu.memory_space<hbm>>
        tpu.enqueue_dma source(%dma_start3A_355 : memref<80xf32, #tpu.memory_space<hbm>>) target(%arg24 : memref<80xf32, #tpu.memory_space<vmem>>) target_semaphore(%arg28 : memref<!tpu.dma_semaphore, #tpu.memory_space<semaphore_mem>>)
      } else {
      }
    }
    %scan3A_151 = arith.constant 62 : i32
    %dma_wait3A_152 = arith.constant 0 : i32
    %dma_wait3A_153 = tpu.memref_slice %arg5[%dma_wait3A_152] : memref<320000xf32, #tpu.memory_space<hbm>> -> memref<80xf32, #tpu.memory_space<hbm>>
    %dma_wait3A_154 = arith.constant 0 : i32
    %dma_wait3A_155 = tpu.memref_slice %arg5[%dma_wait3A_154] : memref<320000xf32, #tpu.memory_space<hbm>> -> memref<80xf32, #tpu.memory_space<hbm>>
    tpu.wait_dma2 semaphore(%arg27 : memref<!tpu.dma_semaphore, #tpu.memory_space<semaphore_mem>>) src(%dma_wait3A_155 : memref<80xf32, #tpu.memory_space<hbm>>) dst(%arg19 : memref<80xf32, #tpu.memory_space<vmem>>)
    %dma_wait3A_156 = arith.constant 0 : i32
    %dma_wait3A_157 = tpu.memref_slice %arg5[%dma_wait3A_156] : memref<320000xf32, #tpu.memory_space<hbm>> -> memref<80xf32, #tpu.memory_space<hbm>>
    %dma_wait3A_158 = arith.constant 0 : i32
    %dma_wait3A_159 = tpu.memref_slice %arg5[%dma_wait3A_158] : memref<320000xf32, #tpu.memory_space<hbm>> -> memref<80xf32, #tpu.memory_space<hbm>>
    tpu.wait_dma2 semaphore(%arg27 : memref<!tpu.dma_semaphore, #tpu.memory_space<semaphore_mem>>) src(%dma_wait3A_159 : memref<80xf32, #tpu.memory_space<hbm>>) dst(%arg19 : memref<80xf32, #tpu.memory_space<vmem>>)
    %dma_wait3A_160 = arith.constant 0 : i32
    %dma_wait3A_161 = tpu.memref_slice %arg5[%dma_wait3A_160] : memref<320000xf32, #tpu.memory_space<hbm>> -> memref<80xf32, #tpu.memory_space<hbm>>
    %dma_wait3A_162 = arith.constant 0 : i32
    %dma_wait3A_163 = tpu.memref_slice %arg5[%dma_wait3A_162] : memref<320000xf32, #tpu.memory_space<hbm>> -> memref<80xf32, #tpu.memory_space<hbm>>
    tpu.wait_dma2 semaphore(%arg27 : memref<!tpu.dma_semaphore, #tpu.memory_space<semaphore_mem>>) src(%dma_wait3A_163 : memref<80xf32, #tpu.memory_space<hbm>>) dst(%arg19 : memref<80xf32, #tpu.memory_space<vmem>>)
    %dma_wait3A_164 = arith.constant 0 : i32
    %dma_wait3A_165 = arith.constant 0 : i32
    %dma_wait3A_166 = tpu.memref_slice %arg12[%add3A, %dma_wait3A_164, %dma_wait3A_165] : memref<32x125x80xi32, #tpu.memory_space<hbm>> -> memref<1x1x80xi32, #tpu.memory_space<hbm>>
    %dma_wait3A_167 = tpu.memref_squeeze %dma_wait3A_166 : memref<1x1x80xi32, #tpu.memory_space<hbm>> -> memref<80xi32, #tpu.memory_space<hbm>>
    %dma_wait3A_168 = arith.constant 0 : i32
    %dma_wait3A_169 = tpu.memref_slice %arg12[%add3A, %dma_wait3A_164, %dma_wait3A_168] : memref<32x125x80xi32, #tpu.memory_space<hbm>> -> memref<1x1x80xi32, #tpu.memory_space<hbm>>
    %dma_wait3A_170 = tpu.memref_squeeze %dma_wait3A_169 : memref<1x1x80xi32, #tpu.memory_space<hbm>> -> memref<80xi32, #tpu.memory_space<hbm>>
    tpu.wait_dma2 semaphore(%arg27 : memref<!tpu.dma_semaphore, #tpu.memory_space<semaphore_mem>>) src(%dma_wait3A_170 : memref<80xi32, #tpu.memory_space<hbm>>) dst(%arg17 : memref<80xi32, #tpu.memory_space<vmem>>)
    %scan3A_171 = arith.constant 0 : i32
    %scan3A_172 = arith.constant 0 : i32
    %scan3A_173 = arith.constant 5 : i32
    %scan3A_174 = arith.addi %scan3A_172, %scan3A_173 : i32
    %scan3A_175 = arith.constant 1 : i32
    scf.for %scan3A_261 = %scan3A_172 to %scan3A_174 step %scan3A_175  : i32 {
      %mul3A_262 = arith.constant 16 : i32
      %mul3A_263 = arith.muli %scan3A_261, %mul3A_262 : i32
      %mul3A_264 = arith.constant 16 : i32
      %mul3A_265 = arith.muli %scan3A_261, %mul3A_264 : i32
      %add3A_266 = vector.broadcast %mul3A_265 : i32 to vector<16xi32>
      %add3A_267 = arith.addi %iota3A, %add3A_266 : vector<16xi32>
      %mul3A_268 = arith.constant 0 : i32
      %mul3A_269 = vector.broadcast %mul3A_268 : i32 to vector<16xi32>
      %mul3A_270 = arith.muli %iota3A, %mul3A_269 : vector<16xi32>
      %get3A = arith.index_cast %mul3A_263 : i32 to index
      %get3A_271 = tpu.vector_load %arg19[%get3A] {strides = array<i32>} : memref<80xf32, #tpu.memory_space<vmem>>, vector<16xf32>,
      tpu.vector_store_idx %arg25[%add3A_267, %mul3A_270], %get3A_271 : memref<80x16xf32, #tpu.memory_space<vmem>>[vector<16xi32>, vector<16xi32>], vector<16xf32>,
      %mul3A_272 = arith.constant 0 : i32
      %mul3A_273 = vector.broadcast %mul3A_272 : i32 to vector<16xi32>
      %mul3A_274 = arith.muli %iota3A, %mul3A_273 : vector<16xi32>
      %add3A_275 = arith.constant 1 : i32
      %add3A_276 = vector.broadcast %add3A_275 : i32 to vector<16xi32>
      %add3A_277 = arith.addi %mul3A_274, %add3A_276 : vector<16xi32>
      %get3A_278 = arith.index_cast %mul3A_263 : i32 to index
      %get3A_279 = tpu.vector_load %arg20[%get3A_278] {strides = array<i32>} : memref<80xf32, #tpu.memory_space<vmem>>, vector<16xf32>,
      tpu.vector_store_idx %arg25[%add3A_267, %add3A_277], %get3A_279 : memref<80x16xf32, #tpu.memory_space<vmem>>[vector<16xi32>, vector<16xi32>], vector<16xf32>,
      %mul3A_280 = arith.constant 0 : i32
      %mul3A_281 = vector.broadcast %mul3A_280 : i32 to vector<16xi32>
      %mul3A_282 = arith.muli %iota3A, %mul3A_281 : vector<16xi32>
      %add3A_283 = arith.constant 2 : i32
      %add3A_284 = vector.broadcast %add3A_283 : i32 to vector<16xi32>
      %add3A_285 = arith.addi %mul3A_282, %add3A_284 : vector<16xi32>
      %get3A_286 = arith.index_cast %mul3A_263 : i32 to index
      %get3A_287 = tpu.vector_load %arg21[%get3A_286] {strides = array<i32>} : memref<80xf32, #tpu.memory_space<vmem>>, vector<16xf32>,
      tpu.vector_store_idx %arg25[%add3A_267, %add3A_285], %get3A_287 : memref<80x16xf32, #tpu.memory_space<vmem>>[vector<16xi32>, vector<16xi32>], vector<16xf32>,
      %mul3A_288 = arith.constant 0 : i32
      %mul3A_289 = vector.broadcast %mul3A_288 : i32 to vector<16xi32>
      %mul3A_290 = arith.muli %iota3A, %mul3A_289 : vector<16xi32>
      %add3A_291 = arith.constant 3 : i32
      %add3A_292 = vector.broadcast %add3A_291 : i32 to vector<16xi32>
      %add3A_293 = arith.addi %mul3A_290, %add3A_292 : vector<16xi32>
      tpu.vector_store_idx %arg25[%add3A_267, %add3A_293], %broadcast_in_dim3A_3 : memref<80x16xf32, #tpu.memory_space<vmem>>[vector<16xi32>, vector<16xi32>], vector<16xf32>,
    }
    %scan3A_176 = arith.constant 5 : i32
    "tpu.region"() ({
      %run_scoped3A = tpu.sem_alloc : memref<!tpu.dma_semaphore, #tpu.memory_space<semaphore_mem>>
      %dma_start3A_261 = arith.constant 0 : i32
      %dma_start3A_262 = arith.constant 0 : i32
      %dma_start3A_263 = tpu.memref_slice %arg15[%dma_start3A_261, %dma_start3A_262] : memref<10112x16xf32, #tpu.memory_space<vmem_shared>> -> memref<10112x16xf32, #tpu.memory_space<vmem_shared>>
      tpu.enqueue_indirect_dma source(%arg25 : memref<80x16xf32, #tpu.memory_space<vmem>>) target(%dma_start3A_263 : memref<10112x16xf32, #tpu.memory_space<vmem_shared>>) offsets(%arg17 : memref<80xi32, #tpu.memory_space<vmem>>) semaphore(%run_scoped3A : memref<!tpu.dma_semaphore, #tpu.memory_space<semaphore_mem>>) {add = true}
      %dma_wait3A_264 = arith.constant 0 : i32
      %dma_wait3A_265 = arith.constant 0 : i32
      %dma_wait3A_266 = tpu.memref_slice %arg15[%dma_wait3A_264, %dma_wait3A_265] : memref<10112x16xf32, #tpu.memory_space<vmem_shared>> -> memref<10112x16xf32, #tpu.memory_space<vmem_shared>>
      tpu.wait_indirect_dma semaphore(%run_scoped3A : memref<!tpu.dma_semaphore, #tpu.memory_space<semaphore_mem>>) src(%arg25 : memref<80x16xf32, #tpu.memory_space<vmem>>) dst(%dma_wait3A_266 : memref<10112x16xf32, #tpu.memory_space<vmem_shared>>)
      tpu.yield
    }) : () -> ()
    %dma_start3A_177 = arith.constant 0 : i32
    %dma_start3A_178 = arith.constant 0 : i32
    %dma_start3A_179 = tpu.memref_slice %arg13[%add3A, %dma_start3A_177, %dma_start3A_178] : memref<32x125x80xi32, #tpu.memory_space<hbm>> -> memref<1x1x80xi32, #tpu.memory_space<hbm>>
    %dma_start3A_180 = tpu.memref_squeeze %dma_start3A_179 : memref<1x1x80xi32, #tpu.memory_space<hbm>> -> memref<80xi32, #tpu.memory_space<hbm>>
    %dma_start3A_181 = arith.constant 0 : i32
    %dma_start3A_182 = tpu.memref_slice %arg13[%add3A, %dma_start3A_177, %dma_start3A_181] : memref<32x125x80xi32, #tpu.memory_space<hbm>> -> memref<1x1x80xi32, #tpu.memory_space<hbm>>
    %dma_start3A_183 = tpu.memref_squeeze %dma_start3A_182 : memref<1x1x80xi32, #tpu.memory_space<hbm>> -> memref<80xi32, #tpu.memory_space<hbm>>
    tpu.enqueue_dma source(%dma_start3A_183 : memref<80xi32, #tpu.memory_space<hbm>>) target(%arg17 : memref<80xi32, #tpu.memory_space<vmem>>) target_semaphore(%arg27 : memref<!tpu.dma_semaphore, #tpu.memory_space<semaphore_mem>>)
    %mul3A_184 = arith.constant 10000 : i32
    %mul3A_185 = arith.muli %add3A, %mul3A_184 : i32
    %add3A_186 = arith.constant 0 : i32
    %add3A_187 = arith.addi %mul3A_185, %add3A_186 : i32
    %dma_start3A_188 = tpu.memref_slice %arg8[%add3A_187] : memref<320000xf32, #tpu.memory_space<hbm>> -> memref<80xf32, #tpu.memory_space<hbm>>
    %dma_start3A_189 = tpu.memref_slice %arg8[%add3A_187] : memref<320000xf32, #tpu.memory_space<hbm>> -> memref<80xf32, #tpu.memory_space<hbm>>
    tpu.enqueue_dma source(%dma_start3A_189 : memref<80xf32, #tpu.memory_space<hbm>>) target(%arg19 : memref<80xf32, #tpu.memory_space<vmem>>) target_semaphore(%arg27 : memref<!tpu.dma_semaphore, #tpu.memory_space<semaphore_mem>>)
    %mul3A_190 = arith.constant 10000 : i32
    %mul3A_191 = arith.muli %add3A, %mul3A_190 : i32
    %add3A_192 = arith.constant 0 : i32
    %add3A_193 = arith.addi %mul3A_191, %add3A_192 : i32
    %dma_start3A_194 = tpu.memref_slice %arg9[%add3A_193] : memref<320000xf32, #tpu.memory_space<hbm>> -> memref<80xf32, #tpu.memory_space<hbm>>
    %dma_start3A_195 = tpu.memref_slice %arg9[%add3A_193] : memref<320000xf32, #tpu.memory_space<hbm>> -> memref<80xf32, #tpu.memory_space<hbm>>
    tpu.enqueue_dma source(%dma_start3A_195 : memref<80xf32, #tpu.memory_space<hbm>>) target(%arg20 : memref<80xf32, #tpu.memory_space<vmem>>) target_semaphore(%arg27 : memref<!tpu.dma_semaphore, #tpu.memory_space<semaphore_mem>>)
    %mul3A_196 = arith.constant 10000 : i32
    %mul3A_197 = arith.muli %add3A, %mul3A_196 : i32
    %add3A_198 = arith.constant 0 : i32
    %add3A_199 = arith.addi %mul3A_197, %add3A_198 : i32
    %dma_start3A_200 = tpu.memref_slice %arg10[%add3A_199] : memref<320000xf32, #tpu.memory_space<hbm>> -> memref<80xf32, #tpu.memory_space<hbm>>
    %dma_start3A_201 = tpu.memref_slice %arg10[%add3A_199] : memref<320000xf32, #tpu.memory_space<hbm>> -> memref<80xf32, #tpu.memory_space<hbm>>
    tpu.enqueue_dma source(%dma_start3A_201 : memref<80xf32, #tpu.memory_space<hbm>>) target(%arg21 : memref<80xf32, #tpu.memory_space<vmem>>) target_semaphore(%arg27 : memref<!tpu.dma_semaphore, #tpu.memory_space<semaphore_mem>>)
    %dma_start3A_202 = arith.constant 1 : i32
    %dma_start3A_203 = arith.constant 0 : i32
    %dma_start3A_204 = tpu.memref_slice %arg13[%add3A, %dma_start3A_202, %dma_start3A_203] : memref<32x125x80xi32, #tpu.memory_space<hbm>> -> memref<1x1x80xi32, #tpu.memory_space<hbm>>
    %dma_start3A_205 = tpu.memref_squeeze %dma_start3A_204 : memref<1x1x80xi32, #tpu.memory_space<hbm>> -> memref<80xi32, #tpu.memory_space<hbm>>
    %dma_start3A_206 = arith.constant 0 : i32
    %dma_start3A_207 = tpu.memref_slice %arg13[%add3A, %dma_start3A_202, %dma_start3A_206] : memref<32x125x80xi32, #tpu.memory_space<hbm>> -> memref<1x1x80xi32, #tpu.memory_space<hbm>>
    %dma_start3A_208 = tpu.memref_squeeze %dma_start3A_207 : memref<1x1x80xi32, #tpu.memory_space<hbm>> -> memref<80xi32, #tpu.memory_space<hbm>>
    tpu.enqueue_dma source(%dma_start3A_208 : memref<80xi32, #tpu.memory_space<hbm>>) target(%arg18 : memref<80xi32, #tpu.memory_space<vmem>>) target_semaphore(%arg28 : memref<!tpu.dma_semaphore, #tpu.memory_space<semaphore_mem>>)
    %mul3A_209 = arith.constant 10000 : i32
    %mul3A_210 = arith.muli %add3A, %mul3A_209 : i32
    %add3A_211 = arith.constant 80 : i32
    %add3A_212 = arith.addi %mul3A_210, %add3A_211 : i32
    %dma_start3A_213 = tpu.memref_slice %arg8[%add3A_212] : memref<320000xf32, #tpu.memory_space<hbm>> -> memref<80xf32, #tpu.memory_space<hbm>>
    %dma_start3A_214 = tpu.memref_slice %arg8[%add3A_212] : memref<320000xf32, #tpu.memory_space<hbm>> -> memref<80xf32, #tpu.memory_space<hbm>>
    tpu.enqueue_dma source(%dma_start3A_214 : memref<80xf32, #tpu.memory_space<hbm>>) target(%arg22 : memref<80xf32, #tpu.memory_space<vmem>>) target_semaphore(%arg28 : memref<!tpu.dma_semaphore, #tpu.memory_space<semaphore_mem>>)
    %mul3A_215 = arith.constant 10000 : i32
    %mul3A_216 = arith.muli %add3A, %mul3A_215 : i32
    %add3A_217 = arith.constant 80 : i32
    %add3A_218 = arith.addi %mul3A_216, %add3A_217 : i32
    %dma_start3A_219 = tpu.memref_slice %arg9[%add3A_218] : memref<320000xf32, #tpu.memory_space<hbm>> -> memref<80xf32, #tpu.memory_space<hbm>>
    %dma_start3A_220 = tpu.memref_slice %arg9[%add3A_218] : memref<320000xf32, #tpu.memory_space<hbm>> -> memref<80xf32, #tpu.memory_space<hbm>>
    tpu.enqueue_dma source(%dma_start3A_220 : memref<80xf32, #tpu.memory_space<hbm>>) target(%arg23 : memref<80xf32, #tpu.memory_space<vmem>>) target_semaphore(%arg28 : memref<!tpu.dma_semaphore, #tpu.memory_space<semaphore_mem>>)
    %mul3A_221 = arith.constant 10000 : i32
    %mul3A_222 = arith.muli %add3A, %mul3A_221 : i32
    %add3A_223 = arith.constant 80 : i32
    %add3A_224 = arith.addi %mul3A_222, %add3A_223 : i32
    %dma_start3A_225 = tpu.memref_slice %arg10[%add3A_224] : memref<320000xf32, #tpu.memory_space<hbm>> -> memref<80xf32, #tpu.memory_space<hbm>>
    %dma_start3A_226 = tpu.memref_slice %arg10[%add3A_224] : memref<320000xf32, #tpu.memory_space<hbm>> -> memref<80xf32, #tpu.memory_space<hbm>>
    tpu.enqueue_dma source(%dma_start3A_226 : memref<80xf32, #tpu.memory_space<hbm>>) target(%arg24 : memref<80xf32, #tpu.memory_space<vmem>>) target_semaphore(%arg28 : memref<!tpu.dma_semaphore, #tpu.memory_space<semaphore_mem>>)
    %scan3A_227 = arith.constant 0 : i32
    %scan3A_228 = arith.constant 0 : i32
    %scan3A_229 = arith.constant 62 : i32
    %scan3A_230 = arith.addi %scan3A_228, %scan3A_229 : i32
    %scan3A_231 = arith.constant 1 : i32
    scf.for %scan3A_261 = %scan3A_228 to %scan3A_230 step %scan3A_231  : i32 {
      %mul3A_262 = arith.constant 2 : i32
      %mul3A_263 = arith.muli %scan3A_261, %mul3A_262 : i32
      %dma_wait3A_264 = arith.constant 0 : i32
      %dma_wait3A_265 = tpu.memref_slice %arg8[%dma_wait3A_264] : memref<320000xf32, #tpu.memory_space<hbm>> -> memref<80xf32, #tpu.memory_space<hbm>>
      %dma_wait3A_266 = arith.constant 0 : i32
      %dma_wait3A_267 = tpu.memref_slice %arg8[%dma_wait3A_266] : memref<320000xf32, #tpu.memory_space<hbm>> -> memref<80xf32, #tpu.memory_space<hbm>>
      tpu.wait_dma2 semaphore(%arg27 : memref<!tpu.dma_semaphore, #tpu.memory_space<semaphore_mem>>) src(%dma_wait3A_267 : memref<80xf32, #tpu.memory_space<hbm>>) dst(%arg19 : memref<80xf32, #tpu.memory_space<vmem>>)
      %dma_wait3A_268 = arith.constant 0 : i32
      %dma_wait3A_269 = tpu.memref_slice %arg8[%dma_wait3A_268] : memref<320000xf32, #tpu.memory_space<hbm>> -> memref<80xf32, #tpu.memory_space<hbm>>
      %dma_wait3A_270 = arith.constant 0 : i32
      %dma_wait3A_271 = tpu.memref_slice %arg8[%dma_wait3A_270] : memref<320000xf32, #tpu.memory_space<hbm>> -> memref<80xf32, #tpu.memory_space<hbm>>
      tpu.wait_dma2 semaphore(%arg27 : memref<!tpu.dma_semaphore, #tpu.memory_space<semaphore_mem>>) src(%dma_wait3A_271 : memref<80xf32, #tpu.memory_space<hbm>>) dst(%arg19 : memref<80xf32, #tpu.memory_space<vmem>>)
      %dma_wait3A_272 = arith.constant 0 : i32
      %dma_wait3A_273 = tpu.memref_slice %arg8[%dma_wait3A_272] : memref<320000xf32, #tpu.memory_space<hbm>> -> memref<80xf32, #tpu.memory_space<hbm>>
      %dma_wait3A_274 = arith.constant 0 : i32
      %dma_wait3A_275 = tpu.memref_slice %arg8[%dma_wait3A_274] : memref<320000xf32, #tpu.memory_space<hbm>> -> memref<80xf32, #tpu.memory_space<hbm>>
      tpu.wait_dma2 semaphore(%arg27 : memref<!tpu.dma_semaphore, #tpu.memory_space<semaphore_mem>>) src(%dma_wait3A_275 : memref<80xf32, #tpu.memory_space<hbm>>) dst(%arg19 : memref<80xf32, #tpu.memory_space<vmem>>)
      %dma_wait3A_276 = arith.constant 0 : i32
      %dma_wait3A_277 = arith.constant 0 : i32
      %dma_wait3A_278 = tpu.memref_slice %arg13[%add3A, %dma_wait3A_276, %dma_wait3A_277] : memref<32x125x80xi32, #tpu.memory_space<hbm>> -> memref<1x1x80xi32, #tpu.memory_space<hbm>>
      %dma_wait3A_279 = tpu.memref_squeeze %dma_wait3A_278 : memref<1x1x80xi32, #tpu.memory_space<hbm>> -> memref<80xi32, #tpu.memory_space<hbm>>
      %dma_wait3A_280 = arith.constant 0 : i32
      %dma_wait3A_281 = tpu.memref_slice %arg13[%add3A, %dma_wait3A_276, %dma_wait3A_280] : memref<32x125x80xi32, #tpu.memory_space<hbm>> -> memref<1x1x80xi32, #tpu.memory_space<hbm>>
      %dma_wait3A_282 = tpu.memref_squeeze %dma_wait3A_281 : memref<1x1x80xi32, #tpu.memory_space<hbm>> -> memref<80xi32, #tpu.memory_space<hbm>>
      tpu.wait_dma2 semaphore(%arg27 : memref<!tpu.dma_semaphore, #tpu.memory_space<semaphore_mem>>) src(%dma_wait3A_282 : memref<80xi32, #tpu.memory_space<hbm>>) dst(%arg17 : memref<80xi32, #tpu.memory_space<vmem>>)
      %scan3A_283 = arith.constant 0 : i32
      %scan3A_284 = arith.constant 0 : i32
      %scan3A_285 = arith.constant 5 : i32
      %scan3A_286 = arith.addi %scan3A_284, %scan3A_285 : i32
      %scan3A_287 = arith.constant 1 : i32
      scf.for %scan3A_327 = %scan3A_284 to %scan3A_286 step %scan3A_287  : i32 {
        %mul3A_328 = arith.constant 16 : i32
        %mul3A_329 = arith.muli %scan3A_327, %mul3A_328 : i32
        %mul3A_330 = arith.constant 16 : i32
        %mul3A_331 = arith.muli %scan3A_327, %mul3A_330 : i32
        %add3A_332 = vector.broadcast %mul3A_331 : i32 to vector<16xi32>
        %add3A_333 = arith.addi %iota3A, %add3A_332 : vector<16xi32>
        %mul3A_334 = arith.constant 0 : i32
        %mul3A_335 = vector.broadcast %mul3A_334 : i32 to vector<16xi32>
        %mul3A_336 = arith.muli %iota3A, %mul3A_335 : vector<16xi32>
        %get3A = arith.index_cast %mul3A_329 : i32 to index
        %get3A_337 = tpu.vector_load %arg19[%get3A] {strides = array<i32>} : memref<80xf32, #tpu.memory_space<vmem>>, vector<16xf32>,
        tpu.vector_store_idx %arg25[%add3A_333, %mul3A_336], %get3A_337 : memref<80x16xf32, #tpu.memory_space<vmem>>[vector<16xi32>, vector<16xi32>], vector<16xf32>,
        %mul3A_338 = arith.constant 0 : i32
        %mul3A_339 = vector.broadcast %mul3A_338 : i32 to vector<16xi32>
        %mul3A_340 = arith.muli %iota3A, %mul3A_339 : vector<16xi32>
        %add3A_341 = arith.constant 1 : i32
        %add3A_342 = vector.broadcast %add3A_341 : i32 to vector<16xi32>
        %add3A_343 = arith.addi %mul3A_340, %add3A_342 : vector<16xi32>
        %get3A_344 = arith.index_cast %mul3A_329 : i32 to index
        %get3A_345 = tpu.vector_load %arg20[%get3A_344] {strides = array<i32>} : memref<80xf32, #tpu.memory_space<vmem>>, vector<16xf32>,
        tpu.vector_store_idx %arg25[%add3A_333, %add3A_343], %get3A_345 : memref<80x16xf32, #tpu.memory_space<vmem>>[vector<16xi32>, vector<16xi32>], vector<16xf32>,
        %mul3A_346 = arith.constant 0 : i32
        %mul3A_347 = vector.broadcast %mul3A_346 : i32 to vector<16xi32>
        %mul3A_348 = arith.muli %iota3A, %mul3A_347 : vector<16xi32>
        %add3A_349 = arith.constant 2 : i32
        %add3A_350 = vector.broadcast %add3A_349 : i32 to vector<16xi32>
        %add3A_351 = arith.addi %mul3A_348, %add3A_350 : vector<16xi32>
        %get3A_352 = arith.index_cast %mul3A_329 : i32 to index
        %get3A_353 = tpu.vector_load %arg21[%get3A_352] {strides = array<i32>} : memref<80xf32, #tpu.memory_space<vmem>>, vector<16xf32>,
        tpu.vector_store_idx %arg25[%add3A_333, %add3A_351], %get3A_353 : memref<80x16xf32, #tpu.memory_space<vmem>>[vector<16xi32>, vector<16xi32>], vector<16xf32>,
        %mul3A_354 = arith.constant 0 : i32
        %mul3A_355 = vector.broadcast %mul3A_354 : i32 to vector<16xi32>
        %mul3A_356 = arith.muli %iota3A, %mul3A_355 : vector<16xi32>
        %add3A_357 = arith.constant 3 : i32
        %add3A_358 = vector.broadcast %add3A_357 : i32 to vector<16xi32>
        %add3A_359 = arith.addi %mul3A_356, %add3A_358 : vector<16xi32>
        tpu.vector_store_idx %arg25[%add3A_333, %add3A_359], %broadcast_in_dim3A_3 : memref<80x16xf32, #tpu.memory_space<vmem>>[vector<16xi32>, vector<16xi32>], vector<16xf32>,
      }
      %scan3A_288 = arith.constant 5 : i32
      "tpu.region"() ({
        %run_scoped3A = tpu.sem_alloc : memref<!tpu.dma_semaphore, #tpu.memory_space<semaphore_mem>>
        %dma_start3A_327 = arith.constant 0 : i32
        %dma_start3A_328 = arith.constant 0 : i32
        %dma_start3A_329 = tpu.memref_slice %arg15[%dma_start3A_327, %dma_start3A_328] : memref<10112x16xf32, #tpu.memory_space<vmem_shared>> -> memref<10112x16xf32, #tpu.memory_space<vmem_shared>>
        tpu.enqueue_indirect_dma source(%arg25 : memref<80x16xf32, #tpu.memory_space<vmem>>) target(%dma_start3A_329 : memref<10112x16xf32, #tpu.memory_space<vmem_shared>>) offsets(%arg17 : memref<80xi32, #tpu.memory_space<vmem>>) semaphore(%run_scoped3A : memref<!tpu.dma_semaphore, #tpu.memory_space<semaphore_mem>>) {add = true}
        %dma_wait3A_330 = arith.constant 0 : i32
        %dma_wait3A_331 = arith.constant 0 : i32
        %dma_wait3A_332 = tpu.memref_slice %arg15[%dma_wait3A_330, %dma_wait3A_331] : memref<10112x16xf32, #tpu.memory_space<vmem_shared>> -> memref<10112x16xf32, #tpu.memory_space<vmem_shared>>
        tpu.wait_indirect_dma semaphore(%run_scoped3A : memref<!tpu.dma_semaphore, #tpu.memory_space<semaphore_mem>>) src(%arg25 : memref<80x16xf32, #tpu.memory_space<vmem>>) dst(%dma_wait3A_332 : memref<10112x16xf32, #tpu.memory_space<vmem_shared>>)
        tpu.yield
      }) : () -> ()
      %add3A_289 = arith.constant 2 : i32
      %add3A_290 = arith.addi %mul3A_263, %add3A_289 : i32
      %lt3A = arith.constant 125 : i32
      %lt3A_291 = arith.cmpi slt, %add3A_290, %lt3A : i32
      %convert_element_type3A = arith.extui %lt3A_291 : i1 to i32
      %cond3A = arith.constant 0 : i32
      %cond3A_292 = arith.cmpi ne, %convert_element_type3A, %cond3A : i32
      scf.if %cond3A_292 {
        %add3A_327 = arith.constant 2 : i32
        %add3A_328 = arith.addi %mul3A_263, %add3A_327 : i32
        %dma_start3A_329 = arith.constant 0 : i32
        %dma_start3A_330 = tpu.memref_slice %arg13[%add3A, %add3A_328, %dma_start3A_329] : memref<32x125x80xi32, #tpu.memory_space<hbm>> -> memref<1x1x80xi32, #tpu.memory_space<hbm>>
        %dma_start3A_331 = tpu.memref_squeeze %dma_start3A_330 : memref<1x1x80xi32, #tpu.memory_space<hbm>> -> memref<80xi32, #tpu.memory_space<hbm>>
        %dma_start3A_332 = arith.constant 0 : i32
        %dma_start3A_333 = tpu.memref_slice %arg13[%add3A, %add3A_328, %dma_start3A_332] : memref<32x125x80xi32, #tpu.memory_space<hbm>> -> memref<1x1x80xi32, #tpu.memory_space<hbm>>
        %dma_start3A_334 = tpu.memref_squeeze %dma_start3A_333 : memref<1x1x80xi32, #tpu.memory_space<hbm>> -> memref<80xi32, #tpu.memory_space<hbm>>
        tpu.enqueue_dma source(%dma_start3A_334 : memref<80xi32, #tpu.memory_space<hbm>>) target(%arg17 : memref<80xi32, #tpu.memory_space<vmem>>) target_semaphore(%arg27 : memref<!tpu.dma_semaphore, #tpu.memory_space<semaphore_mem>>)
        %mul3A_335 = arith.constant 10000 : i32
        %mul3A_336 = arith.muli %add3A, %mul3A_335 : i32
        %mul3A_337 = arith.constant 80 : i32
        %mul3A_338 = arith.muli %add3A_328, %mul3A_337 : i32
        %add3A_339 = arith.addi %mul3A_336, %mul3A_338 : i32
        %dma_start3A_340 = tpu.memref_slice %arg8[%add3A_339] : memref<320000xf32, #tpu.memory_space<hbm>> -> memref<80xf32, #tpu.memory_space<hbm>>
        %dma_start3A_341 = tpu.memref_slice %arg8[%add3A_339] : memref<320000xf32, #tpu.memory_space<hbm>> -> memref<80xf32, #tpu.memory_space<hbm>>
        tpu.enqueue_dma source(%dma_start3A_341 : memref<80xf32, #tpu.memory_space<hbm>>) target(%arg19 : memref<80xf32, #tpu.memory_space<vmem>>) target_semaphore(%arg27 : memref<!tpu.dma_semaphore, #tpu.memory_space<semaphore_mem>>)
        %mul3A_342 = arith.constant 10000 : i32
        %mul3A_343 = arith.muli %add3A, %mul3A_342 : i32
        %mul3A_344 = arith.constant 80 : i32
        %mul3A_345 = arith.muli %add3A_328, %mul3A_344 : i32
        %add3A_346 = arith.addi %mul3A_343, %mul3A_345 : i32
        %dma_start3A_347 = tpu.memref_slice %arg9[%add3A_346] : memref<320000xf32, #tpu.memory_space<hbm>> -> memref<80xf32, #tpu.memory_space<hbm>>
        %dma_start3A_348 = tpu.memref_slice %arg9[%add3A_346] : memref<320000xf32, #tpu.memory_space<hbm>> -> memref<80xf32, #tpu.memory_space<hbm>>
        tpu.enqueue_dma source(%dma_start3A_348 : memref<80xf32, #tpu.memory_space<hbm>>) target(%arg20 : memref<80xf32, #tpu.memory_space<vmem>>) target_semaphore(%arg27 : memref<!tpu.dma_semaphore, #tpu.memory_space<semaphore_mem>>)
        %mul3A_349 = arith.constant 10000 : i32
        %mul3A_350 = arith.muli %add3A, %mul3A_349 : i32
        %mul3A_351 = arith.constant 80 : i32
        %mul3A_352 = arith.muli %add3A_328, %mul3A_351 : i32
        %add3A_353 = arith.addi %mul3A_350, %mul3A_352 : i32
        %dma_start3A_354 = tpu.memref_slice %arg10[%add3A_353] : memref<320000xf32, #tpu.memory_space<hbm>> -> memref<80xf32, #tpu.memory_space<hbm>>
        %dma_start3A_355 = tpu.memref_slice %arg10[%add3A_353] : memref<320000xf32, #tpu.memory_space<hbm>> -> memref<80xf32, #tpu.memory_space<hbm>>
        tpu.enqueue_dma source(%dma_start3A_355 : memref<80xf32, #tpu.memory_space<hbm>>) target(%arg21 : memref<80xf32, #tpu.memory_space<vmem>>) target_semaphore(%arg27 : memref<!tpu.dma_semaphore, #tpu.memory_space<semaphore_mem>>)
      } else {
      }
      %add3A_293 = arith.constant 1 : i32
      %add3A_294 = arith.addi %mul3A_263, %add3A_293 : i32
      %dma_wait3A_295 = arith.constant 0 : i32
      %dma_wait3A_296 = tpu.memref_slice %arg8[%dma_wait3A_295] : memref<320000xf32, #tpu.memory_space<hbm>> -> memref<80xf32, #tpu.memory_space<hbm>>
      %dma_wait3A_297 = arith.constant 0 : i32
      %dma_wait3A_298 = tpu.memref_slice %arg8[%dma_wait3A_297] : memref<320000xf32, #tpu.memory_space<hbm>> -> memref<80xf32, #tpu.memory_space<hbm>>
      tpu.wait_dma2 semaphore(%arg28 : memref<!tpu.dma_semaphore, #tpu.memory_space<semaphore_mem>>) src(%dma_wait3A_298 : memref<80xf32, #tpu.memory_space<hbm>>) dst(%arg22 : memref<80xf32, #tpu.memory_space<vmem>>)
      %dma_wait3A_299 = arith.constant 0 : i32
      %dma_wait3A_300 = tpu.memref_slice %arg8[%dma_wait3A_299] : memref<320000xf32, #tpu.memory_space<hbm>> -> memref<80xf32, #tpu.memory_space<hbm>>
      %dma_wait3A_301 = arith.constant 0 : i32
      %dma_wait3A_302 = tpu.memref_slice %arg8[%dma_wait3A_301] : memref<320000xf32, #tpu.memory_space<hbm>> -> memref<80xf32, #tpu.memory_space<hbm>>
      tpu.wait_dma2 semaphore(%arg28 : memref<!tpu.dma_semaphore, #tpu.memory_space<semaphore_mem>>) src(%dma_wait3A_302 : memref<80xf32, #tpu.memory_space<hbm>>) dst(%arg22 : memref<80xf32, #tpu.memory_space<vmem>>)
      %dma_wait3A_303 = arith.constant 0 : i32
      %dma_wait3A_304 = tpu.memref_slice %arg8[%dma_wait3A_303] : memref<320000xf32, #tpu.memory_space<hbm>> -> memref<80xf32, #tpu.memory_space<hbm>>
      %dma_wait3A_305 = arith.constant 0 : i32
      %dma_wait3A_306 = tpu.memref_slice %arg8[%dma_wait3A_305] : memref<320000xf32, #tpu.memory_space<hbm>> -> memref<80xf32, #tpu.memory_space<hbm>>
      tpu.wait_dma2 semaphore(%arg28 : memref<!tpu.dma_semaphore, #tpu.memory_space<semaphore_mem>>) src(%dma_wait3A_306 : memref<80xf32, #tpu.memory_space<hbm>>) dst(%arg22 : memref<80xf32, #tpu.memory_space<vmem>>)
      %dma_wait3A_307 = arith.constant 0 : i32
      %dma_wait3A_308 = arith.constant 0 : i32
      %dma_wait3A_309 = tpu.memref_slice %arg13[%add3A, %dma_wait3A_307, %dma_wait3A_308] : memref<32x125x80xi32, #tpu.memory_space<hbm>> -> memref<1x1x80xi32, #tpu.memory_space<hbm>>
      %dma_wait3A_310 = tpu.memref_squeeze %dma_wait3A_309 : memref<1x1x80xi32, #tpu.memory_space<hbm>> -> memref<80xi32, #tpu.memory_space<hbm>>
      %dma_wait3A_311 = arith.constant 0 : i32
      %dma_wait3A_312 = tpu.memref_slice %arg13[%add3A, %dma_wait3A_307, %dma_wait3A_311] : memref<32x125x80xi32, #tpu.memory_space<hbm>> -> memref<1x1x80xi32, #tpu.memory_space<hbm>>
      %dma_wait3A_313 = tpu.memref_squeeze %dma_wait3A_312 : memref<1x1x80xi32, #tpu.memory_space<hbm>> -> memref<80xi32, #tpu.memory_space<hbm>>
      tpu.wait_dma2 semaphore(%arg28 : memref<!tpu.dma_semaphore, #tpu.memory_space<semaphore_mem>>) src(%dma_wait3A_313 : memref<80xi32, #tpu.memory_space<hbm>>) dst(%arg18 : memref<80xi32, #tpu.memory_space<vmem>>)
      %scan3A_314 = arith.constant 0 : i32
      %scan3A_315 = arith.constant 0 : i32
      %scan3A_316 = arith.constant 5 : i32
      %scan3A_317 = arith.addi %scan3A_315, %scan3A_316 : i32
      %scan3A_318 = arith.constant 1 : i32
      scf.for %scan3A_327 = %scan3A_315 to %scan3A_317 step %scan3A_318  : i32 {
        %mul3A_328 = arith.constant 16 : i32
        %mul3A_329 = arith.muli %scan3A_327, %mul3A_328 : i32
        %mul3A_330 = arith.constant 16 : i32
        %mul3A_331 = arith.muli %scan3A_327, %mul3A_330 : i32
        %add3A_332 = vector.broadcast %mul3A_331 : i32 to vector<16xi32>
        %add3A_333 = arith.addi %iota3A, %add3A_332 : vector<16xi32>
        %mul3A_334 = arith.constant 0 : i32
        %mul3A_335 = vector.broadcast %mul3A_334 : i32 to vector<16xi32>
        %mul3A_336 = arith.muli %iota3A, %mul3A_335 : vector<16xi32>
        %get3A = arith.index_cast %mul3A_329 : i32 to index
        %get3A_337 = tpu.vector_load %arg22[%get3A] {strides = array<i32>} : memref<80xf32, #tpu.memory_space<vmem>>, vector<16xf32>,
        tpu.vector_store_idx %arg26[%add3A_333, %mul3A_336], %get3A_337 : memref<80x16xf32, #tpu.memory_space<vmem>>[vector<16xi32>, vector<16xi32>], vector<16xf32>,
        %mul3A_338 = arith.constant 0 : i32
        %mul3A_339 = vector.broadcast %mul3A_338 : i32 to vector<16xi32>
        %mul3A_340 = arith.muli %iota3A, %mul3A_339 : vector<16xi32>
        %add3A_341 = arith.constant 1 : i32
        %add3A_342 = vector.broadcast %add3A_341 : i32 to vector<16xi32>
        %add3A_343 = arith.addi %mul3A_340, %add3A_342 : vector<16xi32>
        %get3A_344 = arith.index_cast %mul3A_329 : i32 to index
        %get3A_345 = tpu.vector_load %arg23[%get3A_344] {strides = array<i32>} : memref<80xf32, #tpu.memory_space<vmem>>, vector<16xf32>,
        tpu.vector_store_idx %arg26[%add3A_333, %add3A_343], %get3A_345 : memref<80x16xf32, #tpu.memory_space<vmem>>[vector<16xi32>, vector<16xi32>], vector<16xf32>,
        %mul3A_346 = arith.constant 0 : i32
        %mul3A_347 = vector.broadcast %mul3A_346 : i32 to vector<16xi32>
        %mul3A_348 = arith.muli %iota3A, %mul3A_347 : vector<16xi32>
        %add3A_349 = arith.constant 2 : i32
        %add3A_350 = vector.broadcast %add3A_349 : i32 to vector<16xi32>
        %add3A_351 = arith.addi %mul3A_348, %add3A_350 : vector<16xi32>
        %get3A_352 = arith.index_cast %mul3A_329 : i32 to index
        %get3A_353 = tpu.vector_load %arg24[%get3A_352] {strides = array<i32>} : memref<80xf32, #tpu.memory_space<vmem>>, vector<16xf32>,
        tpu.vector_store_idx %arg26[%add3A_333, %add3A_351], %get3A_353 : memref<80x16xf32, #tpu.memory_space<vmem>>[vector<16xi32>, vector<16xi32>], vector<16xf32>,
        %mul3A_354 = arith.constant 0 : i32
        %mul3A_355 = vector.broadcast %mul3A_354 : i32 to vector<16xi32>
        %mul3A_356 = arith.muli %iota3A, %mul3A_355 : vector<16xi32>
        %add3A_357 = arith.constant 3 : i32
        %add3A_358 = vector.broadcast %add3A_357 : i32 to vector<16xi32>
        %add3A_359 = arith.addi %mul3A_356, %add3A_358 : vector<16xi32>
        tpu.vector_store_idx %arg26[%add3A_333, %add3A_359], %broadcast_in_dim3A_3 : memref<80x16xf32, #tpu.memory_space<vmem>>[vector<16xi32>, vector<16xi32>], vector<16xf32>,
      }
      %scan3A_319 = arith.constant 5 : i32
      "tpu.region"() ({
        %run_scoped3A = tpu.sem_alloc : memref<!tpu.dma_semaphore, #tpu.memory_space<semaphore_mem>>
        %dma_start3A_327 = arith.constant 0 : i32
        %dma_start3A_328 = arith.constant 0 : i32
        %dma_start3A_329 = tpu.memref_slice %arg15[%dma_start3A_327, %dma_start3A_328] : memref<10112x16xf32, #tpu.memory_space<vmem_shared>> -> memref<10112x16xf32, #tpu.memory_space<vmem_shared>>
        tpu.enqueue_indirect_dma source(%arg26 : memref<80x16xf32, #tpu.memory_space<vmem>>) target(%dma_start3A_329 : memref<10112x16xf32, #tpu.memory_space<vmem_shared>>) offsets(%arg18 : memref<80xi32, #tpu.memory_space<vmem>>) semaphore(%run_scoped3A : memref<!tpu.dma_semaphore, #tpu.memory_space<semaphore_mem>>) {add = true}
        %dma_wait3A_330 = arith.constant 0 : i32
        %dma_wait3A_331 = arith.constant 0 : i32
        %dma_wait3A_332 = tpu.memref_slice %arg15[%dma_wait3A_330, %dma_wait3A_331] : memref<10112x16xf32, #tpu.memory_space<vmem_shared>> -> memref<10112x16xf32, #tpu.memory_space<vmem_shared>>
        tpu.wait_indirect_dma semaphore(%run_scoped3A : memref<!tpu.dma_semaphore, #tpu.memory_space<semaphore_mem>>) src(%arg26 : memref<80x16xf32, #tpu.memory_space<vmem>>) dst(%dma_wait3A_332 : memref<10112x16xf32, #tpu.memory_space<vmem_shared>>)
        tpu.yield
      }) : () -> ()
      %add3A_320 = arith.constant 3 : i32
      %add3A_321 = arith.addi %mul3A_263, %add3A_320 : i32
      %lt3A_322 = arith.constant 125 : i32
      %lt3A_323 = arith.cmpi slt, %add3A_321, %lt3A_322 : i32
      %convert_element_type3A_324 = arith.extui %lt3A_323 : i1 to i32
      %cond3A_325 = arith.constant 0 : i32
      %cond3A_326 = arith.cmpi ne, %convert_element_type3A_324, %cond3A_325 : i32
      scf.if %cond3A_326 {
        %add3A_327 = arith.constant 3 : i32
        %add3A_328 = arith.addi %mul3A_263, %add3A_327 : i32
        %dma_start3A_329 = arith.constant 0 : i32
        %dma_start3A_330 = tpu.memref_slice %arg13[%add3A, %add3A_328, %dma_start3A_329] : memref<32x125x80xi32, #tpu.memory_space<hbm>> -> memref<1x1x80xi32, #tpu.memory_space<hbm>>
        %dma_start3A_331 = tpu.memref_squeeze %dma_start3A_330 : memref<1x1x80xi32, #tpu.memory_space<hbm>> -> memref<80xi32, #tpu.memory_space<hbm>>
        %dma_start3A_332 = arith.constant 0 : i32
        %dma_start3A_333 = tpu.memref_slice %arg13[%add3A, %add3A_328, %dma_start3A_332] : memref<32x125x80xi32, #tpu.memory_space<hbm>> -> memref<1x1x80xi32, #tpu.memory_space<hbm>>
        %dma_start3A_334 = tpu.memref_squeeze %dma_start3A_333 : memref<1x1x80xi32, #tpu.memory_space<hbm>> -> memref<80xi32, #tpu.memory_space<hbm>>
        tpu.enqueue_dma source(%dma_start3A_334 : memref<80xi32, #tpu.memory_space<hbm>>) target(%arg18 : memref<80xi32, #tpu.memory_space<vmem>>) target_semaphore(%arg28 : memref<!tpu.dma_semaphore, #tpu.memory_space<semaphore_mem>>)
        %mul3A_335 = arith.constant 10000 : i32
        %mul3A_336 = arith.muli %add3A, %mul3A_335 : i32
        %mul3A_337 = arith.constant 80 : i32
        %mul3A_338 = arith.muli %add3A_328, %mul3A_337 : i32
        %add3A_339 = arith.addi %mul3A_336, %mul3A_338 : i32
        %dma_start3A_340 = tpu.memref_slice %arg8[%add3A_339] : memref<320000xf32, #tpu.memory_space<hbm>> -> memref<80xf32, #tpu.memory_space<hbm>>
        %dma_start3A_341 = tpu.memref_slice %arg8[%add3A_339] : memref<320000xf32, #tpu.memory_space<hbm>> -> memref<80xf32, #tpu.memory_space<hbm>>
        tpu.enqueue_dma source(%dma_start3A_341 : memref<80xf32, #tpu.memory_space<hbm>>) target(%arg22 : memref<80xf32, #tpu.memory_space<vmem>>) target_semaphore(%arg28 : memref<!tpu.dma_semaphore, #tpu.memory_space<semaphore_mem>>)
        %mul3A_342 = arith.constant 10000 : i32
        %mul3A_343 = arith.muli %add3A, %mul3A_342 : i32
        %mul3A_344 = arith.constant 80 : i32
        %mul3A_345 = arith.muli %add3A_328, %mul3A_344 : i32
        %add3A_346 = arith.addi %mul3A_343, %mul3A_345 : i32
        %dma_start3A_347 = tpu.memref_slice %arg9[%add3A_346] : memref<320000xf32, #tpu.memory_space<hbm>> -> memref<80xf32, #tpu.memory_space<hbm>>
        %dma_start3A_348 = tpu.memref_slice %arg9[%add3A_346] : memref<320000xf32, #tpu.memory_space<hbm>> -> memref<80xf32, #tpu.memory_space<hbm>>
        tpu.enqueue_dma source(%dma_start3A_348 : memref<80xf32, #tpu.memory_space<hbm>>) target(%arg23 : memref<80xf32, #tpu.memory_space<vmem>>) target_semaphore(%arg28 : memref<!tpu.dma_semaphore, #tpu.memory_space<semaphore_mem>>)
        %mul3A_349 = arith.constant 10000 : i32
        %mul3A_350 = arith.muli %add3A, %mul3A_349 : i32
        %mul3A_351 = arith.constant 80 : i32
        %mul3A_352 = arith.muli %add3A_328, %mul3A_351 : i32
        %add3A_353 = arith.addi %mul3A_350, %mul3A_352 : i32
        %dma_start3A_354 = tpu.memref_slice %arg10[%add3A_353] : memref<320000xf32, #tpu.memory_space<hbm>> -> memref<80xf32, #tpu.memory_space<hbm>>
        %dma_start3A_355 = tpu.memref_slice %arg10[%add3A_353] : memref<320000xf32, #tpu.memory_space<hbm>> -> memref<80xf32, #tpu.memory_space<hbm>>
        tpu.enqueue_dma source(%dma_start3A_355 : memref<80xf32, #tpu.memory_space<hbm>>) target(%arg24 : memref<80xf32, #tpu.memory_space<vmem>>) target_semaphore(%arg28 : memref<!tpu.dma_semaphore, #tpu.memory_space<semaphore_mem>>)
      } else {
      }
    }
    %scan3A_232 = arith.constant 62 : i32
    %dma_wait3A_233 = arith.constant 0 : i32
    %dma_wait3A_234 = tpu.memref_slice %arg8[%dma_wait3A_233] : memref<320000xf32, #tpu.memory_space<hbm>> -> memref<80xf32, #tpu.memory_space<hbm>>
    %dma_wait3A_235 = arith.constant 0 : i32
    %dma_wait3A_236 = tpu.memref_slice %arg8[%dma_wait3A_235] : memref<320000xf32, #tpu.memory_space<hbm>> -> memref<80xf32, #tpu.memory_space<hbm>>
    tpu.wait_dma2 semaphore(%arg27 : memref<!tpu.dma_semaphore, #tpu.memory_space<semaphore_mem>>) src(%dma_wait3A_236 : memref<80xf32, #tpu.memory_space<hbm>>) dst(%arg19 : memref<80xf32, #tpu.memory_space<vmem>>)
    %dma_wait3A_237 = arith.constant 0 : i32
    %dma_wait3A_238 = tpu.memref_slice %arg8[%dma_wait3A_237] : memref<320000xf32, #tpu.memory_space<hbm>> -> memref<80xf32, #tpu.memory_space<hbm>>
    %dma_wait3A_239 = arith.constant 0 : i32
    %dma_wait3A_240 = tpu.memref_slice %arg8[%dma_wait3A_239] : memref<320000xf32, #tpu.memory_space<hbm>> -> memref<80xf32, #tpu.memory_space<hbm>>
    tpu.wait_dma2 semaphore(%arg27 : memref<!tpu.dma_semaphore, #tpu.memory_space<semaphore_mem>>) src(%dma_wait3A_240 : memref<80xf32, #tpu.memory_space<hbm>>) dst(%arg19 : memref<80xf32, #tpu.memory_space<vmem>>)
    %dma_wait3A_241 = arith.constant 0 : i32
    %dma_wait3A_242 = tpu.memref_slice %arg8[%dma_wait3A_241] : memref<320000xf32, #tpu.memory_space<hbm>> -> memref<80xf32, #tpu.memory_space<hbm>>
    %dma_wait3A_243 = arith.constant 0 : i32
    %dma_wait3A_244 = tpu.memref_slice %arg8[%dma_wait3A_243] : memref<320000xf32, #tpu.memory_space<hbm>> -> memref<80xf32, #tpu.memory_space<hbm>>
    tpu.wait_dma2 semaphore(%arg27 : memref<!tpu.dma_semaphore, #tpu.memory_space<semaphore_mem>>) src(%dma_wait3A_244 : memref<80xf32, #tpu.memory_space<hbm>>) dst(%arg19 : memref<80xf32, #tpu.memory_space<vmem>>)
    %dma_wait3A_245 = arith.constant 0 : i32
    %dma_wait3A_246 = arith.constant 0 : i32
    %dma_wait3A_247 = tpu.memref_slice %arg13[%add3A, %dma_wait3A_245, %dma_wait3A_246] : memref<32x125x80xi32, #tpu.memory_space<hbm>> -> memref<1x1x80xi32, #tpu.memory_space<hbm>>
    %dma_wait3A_248 = tpu.memref_squeeze %dma_wait3A_247 : memref<1x1x80xi32, #tpu.memory_space<hbm>> -> memref<80xi32, #tpu.memory_space<hbm>>
    %dma_wait3A_249 = arith.constant 0 : i32
    %dma_wait3A_250 = tpu.memref_slice %arg13[%add3A, %dma_wait3A_245, %dma_wait3A_249] : memref<32x125x80xi32, #tpu.memory_space<hbm>> -> memref<1x1x80xi32, #tpu.memory_space<hbm>>
    %dma_wait3A_251 = tpu.memref_squeeze %dma_wait3A_250 : memref<1x1x80xi32, #tpu.memory_space<hbm>> -> memref<80xi32, #tpu.memory_space<hbm>>
    tpu.wait_dma2 semaphore(%arg27 : memref<!tpu.dma_semaphore, #tpu.memory_space<semaphore_mem>>) src(%dma_wait3A_251 : memref<80xi32, #tpu.memory_space<hbm>>) dst(%arg17 : memref<80xi32, #tpu.memory_space<vmem>>)
    %scan3A_252 = arith.constant 0 : i32
    %scan3A_253 = arith.constant 0 : i32
    %scan3A_254 = arith.constant 5 : i32
    %scan3A_255 = arith.addi %scan3A_253, %scan3A_254 : i32
    %scan3A_256 = arith.constant 1 : i32
    scf.for %scan3A_261 = %scan3A_253 to %scan3A_255 step %scan3A_256  : i32 {
      %mul3A_262 = arith.constant 16 : i32
      %mul3A_263 = arith.muli %scan3A_261, %mul3A_262 : i32
      %mul3A_264 = arith.constant 16 : i32
      %mul3A_265 = arith.muli %scan3A_261, %mul3A_264 : i32
      %add3A_266 = vector.broadcast %mul3A_265 : i32 to vector<16xi32>
      %add3A_267 = arith.addi %iota3A, %add3A_266 : vector<16xi32>
      %mul3A_268 = arith.constant 0 : i32
      %mul3A_269 = vector.broadcast %mul3A_268 : i32 to vector<16xi32>
      %mul3A_270 = arith.muli %iota3A, %mul3A_269 : vector<16xi32>
      %get3A = arith.index_cast %mul3A_263 : i32 to index
      %get3A_271 = tpu.vector_load %arg19[%get3A] {strides = array<i32>} : memref<80xf32, #tpu.memory_space<vmem>>, vector<16xf32>,
      tpu.vector_store_idx %arg25[%add3A_267, %mul3A_270], %get3A_271 : memref<80x16xf32, #tpu.memory_space<vmem>>[vector<16xi32>, vector<16xi32>], vector<16xf32>,
      %mul3A_272 = arith.constant 0 : i32
      %mul3A_273 = vector.broadcast %mul3A_272 : i32 to vector<16xi32>
      %mul3A_274 = arith.muli %iota3A, %mul3A_273 : vector<16xi32>
      %add3A_275 = arith.constant 1 : i32
      %add3A_276 = vector.broadcast %add3A_275 : i32 to vector<16xi32>
      %add3A_277 = arith.addi %mul3A_274, %add3A_276 : vector<16xi32>
      %get3A_278 = arith.index_cast %mul3A_263 : i32 to index
      %get3A_279 = tpu.vector_load %arg20[%get3A_278] {strides = array<i32>} : memref<80xf32, #tpu.memory_space<vmem>>, vector<16xf32>,
      tpu.vector_store_idx %arg25[%add3A_267, %add3A_277], %get3A_279 : memref<80x16xf32, #tpu.memory_space<vmem>>[vector<16xi32>, vector<16xi32>], vector<16xf32>,
      %mul3A_280 = arith.constant 0 : i32
      %mul3A_281 = vector.broadcast %mul3A_280 : i32 to vector<16xi32>
      %mul3A_282 = arith.muli %iota3A, %mul3A_281 : vector<16xi32>
      %add3A_283 = arith.constant 2 : i32
      %add3A_284 = vector.broadcast %add3A_283 : i32 to vector<16xi32>
      %add3A_285 = arith.addi %mul3A_282, %add3A_284 : vector<16xi32>
      %get3A_286 = arith.index_cast %mul3A_263 : i32 to index
      %get3A_287 = tpu.vector_load %arg21[%get3A_286] {strides = array<i32>} : memref<80xf32, #tpu.memory_space<vmem>>, vector<16xf32>,
      tpu.vector_store_idx %arg25[%add3A_267, %add3A_285], %get3A_287 : memref<80x16xf32, #tpu.memory_space<vmem>>[vector<16xi32>, vector<16xi32>], vector<16xf32>,
      %mul3A_288 = arith.constant 0 : i32
      %mul3A_289 = vector.broadcast %mul3A_288 : i32 to vector<16xi32>
      %mul3A_290 = arith.muli %iota3A, %mul3A_289 : vector<16xi32>
      %add3A_291 = arith.constant 3 : i32
      %add3A_292 = vector.broadcast %add3A_291 : i32 to vector<16xi32>
      %add3A_293 = arith.addi %mul3A_290, %add3A_292 : vector<16xi32>
      tpu.vector_store_idx %arg25[%add3A_267, %add3A_293], %broadcast_in_dim3A_3 : memref<80x16xf32, #tpu.memory_space<vmem>>[vector<16xi32>, vector<16xi32>], vector<16xf32>,
    }
    %scan3A_257 = arith.constant 5 : i32
    "tpu.region"() ({
      %run_scoped3A = tpu.sem_alloc : memref<!tpu.dma_semaphore, #tpu.memory_space<semaphore_mem>>
      %dma_start3A_261 = arith.constant 0 : i32
      %dma_start3A_262 = arith.constant 0 : i32
      %dma_start3A_263 = tpu.memref_slice %arg15[%dma_start3A_261, %dma_start3A_262] : memref<10112x16xf32, #tpu.memory_space<vmem_shared>> -> memref<10112x16xf32, #tpu.memory_space<vmem_shared>>
      tpu.enqueue_indirect_dma source(%arg25 : memref<80x16xf32, #tpu.memory_space<vmem>>) target(%dma_start3A_263 : memref<10112x16xf32, #tpu.memory_space<vmem_shared>>) offsets(%arg17 : memref<80xi32, #tpu.memory_space<vmem>>) semaphore(%run_scoped3A : memref<!tpu.dma_semaphore, #tpu.memory_space<semaphore_mem>>) {add = true}
      %dma_wait3A_264 = arith.constant 0 : i32
      %dma_wait3A_265 = arith.constant 0 : i32
      %dma_wait3A_266 = tpu.memref_slice %arg15[%dma_wait3A_264, %dma_wait3A_265] : memref<10112x16xf32, #tpu.memory_space<vmem_shared>> -> memref<10112x16xf32, #tpu.memory_space<vmem_shared>>
      tpu.wait_indirect_dma semaphore(%run_scoped3A : memref<!tpu.dma_semaphore, #tpu.memory_space<semaphore_mem>>) src(%arg25 : memref<80x16xf32, #tpu.memory_space<vmem>>) dst(%dma_wait3A_266 : memref<10112x16xf32, #tpu.memory_space<vmem_shared>>)
      tpu.yield
    }) : () -> ()
    %barrier3A_258 = arith.constant 0 : index
    tpu.barrier barrier_id(%barrier3A_258)
    %mul3A_259 = arith.constant 632 : i32
    %mul3A_260 = arith.muli %arg1, %mul3A_259 : i32
    "tpu.region"() ({
      %run_scoped3A = tpu.sem_alloc : memref<!tpu.dma_semaphore, #tpu.memory_space<semaphore_mem>>
      %dma_start3A_261 = arith.constant 0 : i32
      %dma_start3A_262 = tpu.memref_slice %arg15[%mul3A_260, %dma_start3A_261] : memref<10112x16xf32, #tpu.memory_space<vmem_shared>> -> memref<632x16xf32, #tpu.memory_space<vmem_shared>>
      %dma_start3A_263 = arith.constant 0 : i32
      %dma_start3A_264 = tpu.memref_slice %arg15[%mul3A_260, %dma_start3A_263] : memref<10112x16xf32, #tpu.memory_space<vmem_shared>> -> memref<632x16xf32, #tpu.memory_space<vmem_shared>>
      tpu.enqueue_dma source(%dma_start3A_264 : memref<632x16xf32, #tpu.memory_space<vmem_shared>>) target(%arg16 : memref<632x16xf32, #tpu.memory_space<vmem>>) target_semaphore(%run_scoped3A : memref<!tpu.dma_semaphore, #tpu.memory_space<semaphore_mem>>)
      %dma_wait3A_265 = arith.constant 0 : i32
      %dma_wait3A_266 = tpu.memref_slice %arg15[%mul3A_260, %dma_wait3A_265] : memref<10112x16xf32, #tpu.memory_space<vmem_shared>> -> memref<632x16xf32, #tpu.memory_space<vmem_shared>>
      %dma_wait3A_267 = arith.constant 0 : i32
      %dma_wait3A_268 = tpu.memref_slice %arg15[%mul3A_260, %dma_wait3A_267] : memref<10112x16xf32, #tpu.memory_space<vmem_shared>> -> memref<632x16xf32, #tpu.memory_space<vmem_shared>>
      tpu.wait_dma2 semaphore(%run_scoped3A : memref<!tpu.dma_semaphore, #tpu.memory_space<semaphore_mem>>) src(%dma_wait3A_268 : memref<632x16xf32, #tpu.memory_space<vmem_shared>>) dst(%arg16 : memref<632x16xf32, #tpu.memory_space<vmem>>)
      tpu.yield
    }) : () -> ()
    "tpu.region"() ({
      %run_scoped3A = tpu.sem_alloc : memref<!tpu.dma_semaphore, #tpu.memory_space<semaphore_mem>>
      %dma_start3A_261 = arith.constant 0 : i32
      %dma_start3A_262 = tpu.memref_slice %arg14[%arg0, %mul3A_260, %dma_start3A_261] : memref<2x10112x16xf32, #tpu.memory_space<hbm>> -> memref<1x632x16xf32, #tpu.memory_space<hbm>>
      %dma_start3A_263 = tpu.memref_squeeze %dma_start3A_262 : memref<1x632x16xf32, #tpu.memory_space<hbm>> -> memref<632x16xf32, #tpu.memory_space<hbm>>
      %dma_start3A_264 = arith.constant 0 : i32
      %dma_start3A_265 = tpu.memref_slice %arg14[%arg0, %mul3A_260, %dma_start3A_264] : memref<2x10112x16xf32, #tpu.memory_space<hbm>> -> memref<1x632x16xf32, #tpu.memory_space<hbm>>
      %dma_start3A_266 = tpu.memref_squeeze %dma_start3A_265 : memref<1x632x16xf32, #tpu.memory_space<hbm>> -> memref<632x16xf32, #tpu.memory_space<hbm>>
      tpu.enqueue_dma source(%arg16 : memref<632x16xf32, #tpu.memory_space<vmem>>) target(%dma_start3A_266 : memref<632x16xf32, #tpu.memory_space<hbm>>) target_semaphore(%run_scoped3A : memref<!tpu.dma_semaphore, #tpu.memory_space<semaphore_mem>>)
      %dma_wait3A_267 = arith.constant 0 : i32
      %dma_wait3A_268 = tpu.memref_slice %arg14[%arg0, %mul3A_260, %dma_wait3A_267] : memref<2x10112x16xf32, #tpu.memory_space<hbm>> -> memref<1x632x16xf32, #tpu.memory_space<hbm>>
      %dma_wait3A_269 = tpu.memref_squeeze %dma_wait3A_268 : memref<1x632x16xf32, #tpu.memory_space<hbm>> -> memref<632x16xf32, #tpu.memory_space<hbm>>
      %dma_wait3A_270 = arith.constant 0 : i32
      %dma_wait3A_271 = tpu.memref_slice %arg14[%arg0, %mul3A_260, %dma_wait3A_270] : memref<2x10112x16xf32, #tpu.memory_space<hbm>> -> memref<1x632x16xf32, #tpu.memory_space<hbm>>
      %dma_wait3A_272 = tpu.memref_squeeze %dma_wait3A_271 : memref<1x632x16xf32, #tpu.memory_space<hbm>> -> memref<632x16xf32, #tpu.memory_space<hbm>>
      tpu.wait_dma2 semaphore(%run_scoped3A : memref<!tpu.dma_semaphore, #tpu.memory_space<semaphore_mem>>) src(%arg16 : memref<632x16xf32, #tpu.memory_space<vmem>>) dst(%dma_wait3A_272 : memref<632x16xf32, #tpu.memory_space<hbm>>)
      tpu.yield
    }) : () -> ()
    return
  }
}

#map = affine_map<(d0, d1) -> (0, 0)>
#map1 = affine_map<(d0, d1) -> (0, 0, 0)>
module attributes {stable_mosaic.version = 14 : i64} {
  func.func @k(%arg0: i32, %arg1: i32, %arg2: memref<40000x128xf32, #tpu.memory_space<hbm>>, %arg3: memref<10000x128xf32, #tpu.memory_space<hbm>>, %arg4: memref<10000x128xf32, #tpu.memory_space<hbm>>, %arg5: memref<32x125x80xi32, #tpu.memory_space<hbm>>, %arg6: memref<32x125x80xi32, #tpu.memory_space<hbm>>, %arg7: memref<32x125x80xi32, #tpu.memory_space<hbm>>, %arg8: memref<320000x128xf32, #tpu.memory_space<hbm>>, %arg9: memref<125x80xi32, #tpu.memory_space<vmem>>, %arg10: memref<125x80xi32, #tpu.memory_space<vmem>>, %arg11: memref<125x80xi32, #tpu.memory_space<vmem>>, %arg12: memref<80x128xf32, #tpu.memory_space<vmem>>, %arg13: memref<80x128xf32, #tpu.memory_space<vmem>>, %arg14: memref<80x128xf32, #tpu.memory_space<vmem>>, %arg15: memref<80x128xf32, #tpu.memory_space<vmem>>, %arg16: memref<80x128xf32, #tpu.memory_space<vmem>>, %arg17: memref<80x128xf32, #tpu.memory_space<vmem>>, %arg18: memref<80x128xf32, #tpu.memory_space<vmem>>, %arg19: memref<80x128xf32, #tpu.memory_space<vmem>>, %arg20: memref<!tpu.dma_semaphore, #tpu.memory_space<semaphore_mem>>, %arg21: memref<!tpu.dma_semaphore, #tpu.memory_space<semaphore_mem>>, %arg22: memref<!tpu.dma_semaphore, #tpu.memory_space<semaphore_mem>>, %arg23: memref<!tpu.dma_semaphore, #tpu.memory_space<semaphore_mem>>) attributes {dimension_semantics = [#tpu.dimension_semantics<core_parallel>, #tpu.dimension_semantics<subcore_parallel>], iteration_bounds = array<i64: 2, 16>, scalar_prefetch = 0 : i64, scratch_operands = 15 : i64, tpu.core_type = #tpu.core_type<sc_vector_subcore>, window_params = [{transform_indices = #map}, {transform_indices = #map}, {transform_indices = #map}, {transform_indices = #map1}, {transform_indices = #map1}, {transform_indices = #map1}, {transform_indices = #map}]} {
    %mul3A = arith.constant 2 : i32
    %mul3A_0 = arith.muli %arg1, %mul3A : i32
    %add3A = arith.addi %mul3A_0, %arg0 : i32
    %mul3A_1 = arith.constant 10000 : i32
    %mul3A_2 = arith.muli %add3A, %mul3A_1 : i32
    "tpu.region"() ({
      %run_scoped3A = tpu.sem_alloc : memref<!tpu.dma_semaphore, #tpu.memory_space<semaphore_mem>>
      %dma_start3A_168 = arith.constant 0 : i32
      %dma_start3A_169 = arith.constant 0 : i32
      %dma_start3A_170 = tpu.memref_slice %arg5[%add3A, %dma_start3A_168, %dma_start3A_169] : memref<32x125x80xi32, #tpu.memory_space<hbm>> -> memref<1x125x80xi32, #tpu.memory_space<hbm>>
      %dma_start3A_171 = tpu.memref_squeeze %dma_start3A_170 : memref<1x125x80xi32, #tpu.memory_space<hbm>> -> memref<125x80xi32, #tpu.memory_space<hbm>>
      %dma_start3A_172 = arith.constant 0 : i32
      %dma_start3A_173 = arith.constant 0 : i32
      %dma_start3A_174 = tpu.memref_slice %arg5[%add3A, %dma_start3A_172, %dma_start3A_173] : memref<32x125x80xi32, #tpu.memory_space<hbm>> -> memref<1x125x80xi32, #tpu.memory_space<hbm>>
      %dma_start3A_175 = tpu.memref_squeeze %dma_start3A_174 : memref<1x125x80xi32, #tpu.memory_space<hbm>> -> memref<125x80xi32, #tpu.memory_space<hbm>>
      tpu.enqueue_dma source(%dma_start3A_175 : memref<125x80xi32, #tpu.memory_space<hbm>>) target(%arg9 : memref<125x80xi32, #tpu.memory_space<vmem>>) target_semaphore(%run_scoped3A : memref<!tpu.dma_semaphore, #tpu.memory_space<semaphore_mem>>)
      %dma_wait3A_176 = arith.constant 0 : i32
      %dma_wait3A_177 = arith.constant 0 : i32
      %dma_wait3A_178 = tpu.memref_slice %arg5[%add3A, %dma_wait3A_176, %dma_wait3A_177] : memref<32x125x80xi32, #tpu.memory_space<hbm>> -> memref<1x125x80xi32, #tpu.memory_space<hbm>>
      %dma_wait3A_179 = tpu.memref_squeeze %dma_wait3A_178 : memref<1x125x80xi32, #tpu.memory_space<hbm>> -> memref<125x80xi32, #tpu.memory_space<hbm>>
      %dma_wait3A_180 = arith.constant 0 : i32
      %dma_wait3A_181 = arith.constant 0 : i32
      %dma_wait3A_182 = tpu.memref_slice %arg5[%add3A, %dma_wait3A_180, %dma_wait3A_181] : memref<32x125x80xi32, #tpu.memory_space<hbm>> -> memref<1x125x80xi32, #tpu.memory_space<hbm>>
      %dma_wait3A_183 = tpu.memref_squeeze %dma_wait3A_182 : memref<1x125x80xi32, #tpu.memory_space<hbm>> -> memref<125x80xi32, #tpu.memory_space<hbm>>
      tpu.wait_dma2 semaphore(%run_scoped3A : memref<!tpu.dma_semaphore, #tpu.memory_space<semaphore_mem>>) src(%dma_wait3A_183 : memref<125x80xi32, #tpu.memory_space<hbm>>) dst(%arg9 : memref<125x80xi32, #tpu.memory_space<vmem>>)
      tpu.yield
    }) : () -> ()
    "tpu.region"() ({
      %run_scoped3A = tpu.sem_alloc : memref<!tpu.dma_semaphore, #tpu.memory_space<semaphore_mem>>
      %dma_start3A_168 = arith.constant 0 : i32
      %dma_start3A_169 = arith.constant 0 : i32
      %dma_start3A_170 = tpu.memref_slice %arg6[%add3A, %dma_start3A_168, %dma_start3A_169] : memref<32x125x80xi32, #tpu.memory_space<hbm>> -> memref<1x125x80xi32, #tpu.memory_space<hbm>>
      %dma_start3A_171 = tpu.memref_squeeze %dma_start3A_170 : memref<1x125x80xi32, #tpu.memory_space<hbm>> -> memref<125x80xi32, #tpu.memory_space<hbm>>
      %dma_start3A_172 = arith.constant 0 : i32
      %dma_start3A_173 = arith.constant 0 : i32
      %dma_start3A_174 = tpu.memref_slice %arg6[%add3A, %dma_start3A_172, %dma_start3A_173] : memref<32x125x80xi32, #tpu.memory_space<hbm>> -> memref<1x125x80xi32, #tpu.memory_space<hbm>>
      %dma_start3A_175 = tpu.memref_squeeze %dma_start3A_174 : memref<1x125x80xi32, #tpu.memory_space<hbm>> -> memref<125x80xi32, #tpu.memory_space<hbm>>
      tpu.enqueue_dma source(%dma_start3A_175 : memref<125x80xi32, #tpu.memory_space<hbm>>) target(%arg10 : memref<125x80xi32, #tpu.memory_space<vmem>>) target_semaphore(%run_scoped3A : memref<!tpu.dma_semaphore, #tpu.memory_space<semaphore_mem>>)
      %dma_wait3A_176 = arith.constant 0 : i32
      %dma_wait3A_177 = arith.constant 0 : i32
      %dma_wait3A_178 = tpu.memref_slice %arg6[%add3A, %dma_wait3A_176, %dma_wait3A_177] : memref<32x125x80xi32, #tpu.memory_space<hbm>> -> memref<1x125x80xi32, #tpu.memory_space<hbm>>
      %dma_wait3A_179 = tpu.memref_squeeze %dma_wait3A_178 : memref<1x125x80xi32, #tpu.memory_space<hbm>> -> memref<125x80xi32, #tpu.memory_space<hbm>>
      %dma_wait3A_180 = arith.constant 0 : i32
      %dma_wait3A_181 = arith.constant 0 : i32
      %dma_wait3A_182 = tpu.memref_slice %arg6[%add3A, %dma_wait3A_180, %dma_wait3A_181] : memref<32x125x80xi32, #tpu.memory_space<hbm>> -> memref<1x125x80xi32, #tpu.memory_space<hbm>>
      %dma_wait3A_183 = tpu.memref_squeeze %dma_wait3A_182 : memref<1x125x80xi32, #tpu.memory_space<hbm>> -> memref<125x80xi32, #tpu.memory_space<hbm>>
      tpu.wait_dma2 semaphore(%run_scoped3A : memref<!tpu.dma_semaphore, #tpu.memory_space<semaphore_mem>>) src(%dma_wait3A_183 : memref<125x80xi32, #tpu.memory_space<hbm>>) dst(%arg10 : memref<125x80xi32, #tpu.memory_space<vmem>>)
      tpu.yield
    }) : () -> ()
    "tpu.region"() ({
      %run_scoped3A = tpu.sem_alloc : memref<!tpu.dma_semaphore, #tpu.memory_space<semaphore_mem>>
      %dma_start3A_168 = arith.constant 0 : i32
      %dma_start3A_169 = arith.constant 0 : i32
      %dma_start3A_170 = tpu.memref_slice %arg7[%add3A, %dma_start3A_168, %dma_start3A_169] : memref<32x125x80xi32, #tpu.memory_space<hbm>> -> memref<1x125x80xi32, #tpu.memory_space<hbm>>
      %dma_start3A_171 = tpu.memref_squeeze %dma_start3A_170 : memref<1x125x80xi32, #tpu.memory_space<hbm>> -> memref<125x80xi32, #tpu.memory_space<hbm>>
      %dma_start3A_172 = arith.constant 0 : i32
      %dma_start3A_173 = arith.constant 0 : i32
      %dma_start3A_174 = tpu.memref_slice %arg7[%add3A, %dma_start3A_172, %dma_start3A_173] : memref<32x125x80xi32, #tpu.memory_space<hbm>> -> memref<1x125x80xi32, #tpu.memory_space<hbm>>
      %dma_start3A_175 = tpu.memref_squeeze %dma_start3A_174 : memref<1x125x80xi32, #tpu.memory_space<hbm>> -> memref<125x80xi32, #tpu.memory_space<hbm>>
      tpu.enqueue_dma source(%dma_start3A_175 : memref<125x80xi32, #tpu.memory_space<hbm>>) target(%arg11 : memref<125x80xi32, #tpu.memory_space<vmem>>) target_semaphore(%run_scoped3A : memref<!tpu.dma_semaphore, #tpu.memory_space<semaphore_mem>>)
      %dma_wait3A_176 = arith.constant 0 : i32
      %dma_wait3A_177 = arith.constant 0 : i32
      %dma_wait3A_178 = tpu.memref_slice %arg7[%add3A, %dma_wait3A_176, %dma_wait3A_177] : memref<32x125x80xi32, #tpu.memory_space<hbm>> -> memref<1x125x80xi32, #tpu.memory_space<hbm>>
      %dma_wait3A_179 = tpu.memref_squeeze %dma_wait3A_178 : memref<1x125x80xi32, #tpu.memory_space<hbm>> -> memref<125x80xi32, #tpu.memory_space<hbm>>
      %dma_wait3A_180 = arith.constant 0 : i32
      %dma_wait3A_181 = arith.constant 0 : i32
      %dma_wait3A_182 = tpu.memref_slice %arg7[%add3A, %dma_wait3A_180, %dma_wait3A_181] : memref<32x125x80xi32, #tpu.memory_space<hbm>> -> memref<1x125x80xi32, #tpu.memory_space<hbm>>
      %dma_wait3A_183 = tpu.memref_squeeze %dma_wait3A_182 : memref<1x125x80xi32, #tpu.memory_space<hbm>> -> memref<125x80xi32, #tpu.memory_space<hbm>>
      tpu.wait_dma2 semaphore(%run_scoped3A : memref<!tpu.dma_semaphore, #tpu.memory_space<semaphore_mem>>) src(%dma_wait3A_183 : memref<125x80xi32, #tpu.memory_space<hbm>>) dst(%arg11 : memref<125x80xi32, #tpu.memory_space<vmem>>)
      tpu.yield
    }) : () -> ()
    %dma_start3A = arith.constant 0 : i32
    %dma_start3A_3 = arith.constant 0 : i32
    %dma_start3A_4 = tpu.memref_slice %arg9[%dma_start3A, %dma_start3A_3] : memref<125x80xi32, #tpu.memory_space<vmem>> -> memref<1x80xi32, #tpu.memory_space<vmem>>
    %dma_start3A_5 = tpu.memref_squeeze %dma_start3A_4 : memref<1x80xi32, #tpu.memory_space<vmem>> -> memref<80xi32, #tpu.memory_space<vmem>>
    %dma_start3A_6 = arith.constant 0 : i32
    %dma_start3A_7 = arith.constant 0 : i32
    %dma_start3A_8 = tpu.memref_slice %arg2[%dma_start3A_6, %dma_start3A_7] : memref<40000x128xf32, #tpu.memory_space<hbm>> -> memref<40000x128xf32, #tpu.memory_space<hbm>>
    tpu.enqueue_indirect_dma source(%dma_start3A_8 : memref<40000x128xf32, #tpu.memory_space<hbm>>) target(%arg12 : memref<80x128xf32, #tpu.memory_space<vmem>>) offsets(%dma_start3A_5 : memref<80xi32, #tpu.memory_space<vmem>>) semaphore(%arg20 : memref<!tpu.dma_semaphore, #tpu.memory_space<semaphore_mem>>)
    %dma_start3A_9 = arith.constant 0 : i32
    %dma_start3A_10 = arith.constant 0 : i32
    %dma_start3A_11 = tpu.memref_slice %arg10[%dma_start3A_9, %dma_start3A_10] : memref<125x80xi32, #tpu.memory_space<vmem>> -> memref<1x80xi32, #tpu.memory_space<vmem>>
    %dma_start3A_12 = tpu.memref_squeeze %dma_start3A_11 : memref<1x80xi32, #tpu.memory_space<vmem>> -> memref<80xi32, #tpu.memory_space<vmem>>
    %dma_start3A_13 = arith.constant 0 : i32
    %dma_start3A_14 = arith.constant 0 : i32
    %dma_start3A_15 = tpu.memref_slice %arg3[%dma_start3A_13, %dma_start3A_14] : memref<10000x128xf32, #tpu.memory_space<hbm>> -> memref<10000x128xf32, #tpu.memory_space<hbm>>
    tpu.enqueue_indirect_dma source(%dma_start3A_15 : memref<10000x128xf32, #tpu.memory_space<hbm>>) target(%arg13 : memref<80x128xf32, #tpu.memory_space<vmem>>) offsets(%dma_start3A_12 : memref<80xi32, #tpu.memory_space<vmem>>) semaphore(%arg20 : memref<!tpu.dma_semaphore, #tpu.memory_space<semaphore_mem>>)
    %dma_start3A_16 = arith.constant 0 : i32
    %dma_start3A_17 = arith.constant 0 : i32
    %dma_start3A_18 = tpu.memref_slice %arg11[%dma_start3A_16, %dma_start3A_17] : memref<125x80xi32, #tpu.memory_space<vmem>> -> memref<1x80xi32, #tpu.memory_space<vmem>>
    %dma_start3A_19 = tpu.memref_squeeze %dma_start3A_18 : memref<1x80xi32, #tpu.memory_space<vmem>> -> memref<80xi32, #tpu.memory_space<vmem>>
    %dma_start3A_20 = arith.constant 0 : i32
    %dma_start3A_21 = arith.constant 0 : i32
    %dma_start3A_22 = tpu.memref_slice %arg4[%dma_start3A_20, %dma_start3A_21] : memref<10000x128xf32, #tpu.memory_space<hbm>> -> memref<10000x128xf32, #tpu.memory_space<hbm>>
    tpu.enqueue_indirect_dma source(%dma_start3A_22 : memref<10000x128xf32, #tpu.memory_space<hbm>>) target(%arg14 : memref<80x128xf32, #tpu.memory_space<vmem>>) offsets(%dma_start3A_19 : memref<80xi32, #tpu.memory_space<vmem>>) semaphore(%arg20 : memref<!tpu.dma_semaphore, #tpu.memory_space<semaphore_mem>>)
    %dma_start3A_23 = arith.constant 1 : i32
    %dma_start3A_24 = arith.constant 0 : i32
    %dma_start3A_25 = tpu.memref_slice %arg9[%dma_start3A_23, %dma_start3A_24] : memref<125x80xi32, #tpu.memory_space<vmem>> -> memref<1x80xi32, #tpu.memory_space<vmem>>
    %dma_start3A_26 = tpu.memref_squeeze %dma_start3A_25 : memref<1x80xi32, #tpu.memory_space<vmem>> -> memref<80xi32, #tpu.memory_space<vmem>>
    %dma_start3A_27 = arith.constant 0 : i32
    %dma_start3A_28 = arith.constant 0 : i32
    %dma_start3A_29 = tpu.memref_slice %arg2[%dma_start3A_27, %dma_start3A_28] : memref<40000x128xf32, #tpu.memory_space<hbm>> -> memref<40000x128xf32, #tpu.memory_space<hbm>>
    tpu.enqueue_indirect_dma source(%dma_start3A_29 : memref<40000x128xf32, #tpu.memory_space<hbm>>) target(%arg15 : memref<80x128xf32, #tpu.memory_space<vmem>>) offsets(%dma_start3A_26 : memref<80xi32, #tpu.memory_space<vmem>>) semaphore(%arg21 : memref<!tpu.dma_semaphore, #tpu.memory_space<semaphore_mem>>)
    %dma_start3A_30 = arith.constant 1 : i32
    %dma_start3A_31 = arith.constant 0 : i32
    %dma_start3A_32 = tpu.memref_slice %arg10[%dma_start3A_30, %dma_start3A_31] : memref<125x80xi32, #tpu.memory_space<vmem>> -> memref<1x80xi32, #tpu.memory_space<vmem>>
    %dma_start3A_33 = tpu.memref_squeeze %dma_start3A_32 : memref<1x80xi32, #tpu.memory_space<vmem>> -> memref<80xi32, #tpu.memory_space<vmem>>
    %dma_start3A_34 = arith.constant 0 : i32
    %dma_start3A_35 = arith.constant 0 : i32
    %dma_start3A_36 = tpu.memref_slice %arg3[%dma_start3A_34, %dma_start3A_35] : memref<10000x128xf32, #tpu.memory_space<hbm>> -> memref<10000x128xf32, #tpu.memory_space<hbm>>
    tpu.enqueue_indirect_dma source(%dma_start3A_36 : memref<10000x128xf32, #tpu.memory_space<hbm>>) target(%arg16 : memref<80x128xf32, #tpu.memory_space<vmem>>) offsets(%dma_start3A_33 : memref<80xi32, #tpu.memory_space<vmem>>) semaphore(%arg21 : memref<!tpu.dma_semaphore, #tpu.memory_space<semaphore_mem>>)
    %dma_start3A_37 = arith.constant 1 : i32
    %dma_start3A_38 = arith.constant 0 : i32
    %dma_start3A_39 = tpu.memref_slice %arg11[%dma_start3A_37, %dma_start3A_38] : memref<125x80xi32, #tpu.memory_space<vmem>> -> memref<1x80xi32, #tpu.memory_space<vmem>>
    %dma_start3A_40 = tpu.memref_squeeze %dma_start3A_39 : memref<1x80xi32, #tpu.memory_space<vmem>> -> memref<80xi32, #tpu.memory_space<vmem>>
    %dma_start3A_41 = arith.constant 0 : i32
    %dma_start3A_42 = arith.constant 0 : i32
    %dma_start3A_43 = tpu.memref_slice %arg4[%dma_start3A_41, %dma_start3A_42] : memref<10000x128xf32, #tpu.memory_space<hbm>> -> memref<10000x128xf32, #tpu.memory_space<hbm>>
    tpu.enqueue_indirect_dma source(%dma_start3A_43 : memref<10000x128xf32, #tpu.memory_space<hbm>>) target(%arg17 : memref<80x128xf32, #tpu.memory_space<vmem>>) offsets(%dma_start3A_40 : memref<80xi32, #tpu.memory_space<vmem>>) semaphore(%arg21 : memref<!tpu.dma_semaphore, #tpu.memory_space<semaphore_mem>>)
    %dma_wait3A = arith.constant 0 : i32
    %dma_wait3A_44 = arith.constant 0 : i32
    %dma_wait3A_45 = tpu.memref_slice %arg9[%dma_wait3A, %dma_wait3A_44] : memref<125x80xi32, #tpu.memory_space<vmem>> -> memref<1x80xi32, #tpu.memory_space<vmem>>
    %dma_wait3A_46 = tpu.memref_squeeze %dma_wait3A_45 : memref<1x80xi32, #tpu.memory_space<vmem>> -> memref<80xi32, #tpu.memory_space<vmem>>
    %dma_wait3A_47 = arith.constant 0 : i32
    %dma_wait3A_48 = arith.constant 0 : i32
    %dma_wait3A_49 = tpu.memref_slice %arg2[%dma_wait3A_47, %dma_wait3A_48] : memref<40000x128xf32, #tpu.memory_space<hbm>> -> memref<40000x128xf32, #tpu.memory_space<hbm>>
    tpu.wait_indirect_dma semaphore(%arg20 : memref<!tpu.dma_semaphore, #tpu.memory_space<semaphore_mem>>) src(%dma_wait3A_49 : memref<40000x128xf32, #tpu.memory_space<hbm>>) dst(%arg12 : memref<80x128xf32, #tpu.memory_space<vmem>>)
    %dma_wait3A_50 = arith.constant 0 : i32
    %dma_wait3A_51 = arith.constant 0 : i32
    %dma_wait3A_52 = tpu.memref_slice %arg9[%dma_wait3A_50, %dma_wait3A_51] : memref<125x80xi32, #tpu.memory_space<vmem>> -> memref<1x80xi32, #tpu.memory_space<vmem>>
    %dma_wait3A_53 = tpu.memref_squeeze %dma_wait3A_52 : memref<1x80xi32, #tpu.memory_space<vmem>> -> memref<80xi32, #tpu.memory_space<vmem>>
    %dma_wait3A_54 = arith.constant 0 : i32
    %dma_wait3A_55 = arith.constant 0 : i32
    %dma_wait3A_56 = tpu.memref_slice %arg2[%dma_wait3A_54, %dma_wait3A_55] : memref<40000x128xf32, #tpu.memory_space<hbm>> -> memref<40000x128xf32, #tpu.memory_space<hbm>>
    tpu.wait_indirect_dma semaphore(%arg20 : memref<!tpu.dma_semaphore, #tpu.memory_space<semaphore_mem>>) src(%dma_wait3A_56 : memref<40000x128xf32, #tpu.memory_space<hbm>>) dst(%arg12 : memref<80x128xf32, #tpu.memory_space<vmem>>)
    %dma_wait3A_57 = arith.constant 0 : i32
    %dma_wait3A_58 = arith.constant 0 : i32
    %dma_wait3A_59 = tpu.memref_slice %arg9[%dma_wait3A_57, %dma_wait3A_58] : memref<125x80xi32, #tpu.memory_space<vmem>> -> memref<1x80xi32, #tpu.memory_space<vmem>>
    %dma_wait3A_60 = tpu.memref_squeeze %dma_wait3A_59 : memref<1x80xi32, #tpu.memory_space<vmem>> -> memref<80xi32, #tpu.memory_space<vmem>>
    %dma_wait3A_61 = arith.constant 0 : i32
    %dma_wait3A_62 = arith.constant 0 : i32
    %dma_wait3A_63 = tpu.memref_slice %arg2[%dma_wait3A_61, %dma_wait3A_62] : memref<40000x128xf32, #tpu.memory_space<hbm>> -> memref<40000x128xf32, #tpu.memory_space<hbm>>
    tpu.wait_indirect_dma semaphore(%arg20 : memref<!tpu.dma_semaphore, #tpu.memory_space<semaphore_mem>>) src(%dma_wait3A_63 : memref<40000x128xf32, #tpu.memory_space<hbm>>) dst(%arg12 : memref<80x128xf32, #tpu.memory_space<vmem>>)
    %scan3A = arith.constant 0 : i32
    %scan3A_64 = arith.constant 0 : i32
    %scan3A_65 = arith.constant 80 : i32
    %scan3A_66 = arith.addi %scan3A_64, %scan3A_65 : i32
    %scan3A_67 = arith.constant 1 : i32
    scf.for %scan3A_168 = %scan3A_64 to %scan3A_66 step %scan3A_67  : i32 {
      %get3A = arith.index_cast %scan3A_168 : i32 to index
      %get3A_169 = arith.constant 0 : index
      %get3A_170 = tpu.vector_load %arg12[%get3A, %get3A_169] {strides = array<i32>} : memref<80x128xf32, #tpu.memory_space<vmem>>, vector<16xf32>,
      %get3A_171 = arith.index_cast %scan3A_168 : i32 to index
      %get3A_172 = arith.constant 0 : index
      %get3A_173 = tpu.vector_load %arg13[%get3A_171, %get3A_172] {strides = array<i32>} : memref<80x128xf32, #tpu.memory_space<vmem>>, vector<16xf32>,
      %add3A_174 = arith.addf %get3A_170, %get3A_173 : vector<16xf32>
      %get3A_175 = arith.index_cast %scan3A_168 : i32 to index
      %get3A_176 = arith.constant 0 : index
      %get3A_177 = tpu.vector_load %arg14[%get3A_175, %get3A_176] {strides = array<i32>} : memref<80x128xf32, #tpu.memory_space<vmem>>, vector<16xf32>,
      %add3A_178 = arith.addf %add3A_174, %get3A_177 : vector<16xf32>
      %swap3A = arith.index_cast %scan3A_168 : i32 to index
      %swap3A_179 = arith.constant 0 : index
      %swap3A_180 = tpu.vector_load %arg18[%swap3A, %swap3A_179] {strides = array<i32>} : memref<80x128xf32, #tpu.memory_space<vmem>>, vector<16xf32>,
      tpu.vector_store %arg18[%swap3A, %swap3A_179], %add3A_178 {strides = array<i32>} : memref<80x128xf32, #tpu.memory_space<vmem>>, vector<16xf32>,
      %get3A_181 = arith.index_cast %scan3A_168 : i32 to index
      %get3A_182 = arith.constant 16 : index
      %get3A_183 = tpu.vector_load %arg12[%get3A_181, %get3A_182] {strides = array<i32>} : memref<80x128xf32, #tpu.memory_space<vmem>>, vector<16xf32>,
      %get3A_184 = arith.index_cast %scan3A_168 : i32 to index
      %get3A_185 = arith.constant 16 : index
      %get3A_186 = tpu.vector_load %arg13[%get3A_184, %get3A_185] {strides = array<i32>} : memref<80x128xf32, #tpu.memory_space<vmem>>, vector<16xf32>,
      %add3A_187 = arith.addf %get3A_183, %get3A_186 : vector<16xf32>
      %get3A_188 = arith.index_cast %scan3A_168 : i32 to index
      %get3A_189 = arith.constant 16 : index
      %get3A_190 = tpu.vector_load %arg14[%get3A_188, %get3A_189] {strides = array<i32>} : memref<80x128xf32, #tpu.memory_space<vmem>>, vector<16xf32>,
      %add3A_191 = arith.addf %add3A_187, %get3A_190 : vector<16xf32>
      %swap3A_192 = arith.index_cast %scan3A_168 : i32 to index
      %swap3A_193 = arith.constant 16 : index
      %swap3A_194 = tpu.vector_load %arg18[%swap3A_192, %swap3A_193] {strides = array<i32>} : memref<80x128xf32, #tpu.memory_space<vmem>>, vector<16xf32>,
      tpu.vector_store %arg18[%swap3A_192, %swap3A_193], %add3A_191 {strides = array<i32>} : memref<80x128xf32, #tpu.memory_space<vmem>>, vector<16xf32>,
      %get3A_195 = arith.index_cast %scan3A_168 : i32 to index
      %get3A_196 = arith.constant 32 : index
      %get3A_197 = tpu.vector_load %arg12[%get3A_195, %get3A_196] {strides = array<i32>} : memref<80x128xf32, #tpu.memory_space<vmem>>, vector<16xf32>,
      %get3A_198 = arith.index_cast %scan3A_168 : i32 to index
      %get3A_199 = arith.constant 32 : index
      %get3A_200 = tpu.vector_load %arg13[%get3A_198, %get3A_199] {strides = array<i32>} : memref<80x128xf32, #tpu.memory_space<vmem>>, vector<16xf32>,
      %add3A_201 = arith.addf %get3A_197, %get3A_200 : vector<16xf32>
      %get3A_202 = arith.index_cast %scan3A_168 : i32 to index
      %get3A_203 = arith.constant 32 : index
      %get3A_204 = tpu.vector_load %arg14[%get3A_202, %get3A_203] {strides = array<i32>} : memref<80x128xf32, #tpu.memory_space<vmem>>, vector<16xf32>,
      %add3A_205 = arith.addf %add3A_201, %get3A_204 : vector<16xf32>
      %swap3A_206 = arith.index_cast %scan3A_168 : i32 to index
      %swap3A_207 = arith.constant 32 : index
      %swap3A_208 = tpu.vector_load %arg18[%swap3A_206, %swap3A_207] {strides = array<i32>} : memref<80x128xf32, #tpu.memory_space<vmem>>, vector<16xf32>,
      tpu.vector_store %arg18[%swap3A_206, %swap3A_207], %add3A_205 {strides = array<i32>} : memref<80x128xf32, #tpu.memory_space<vmem>>, vector<16xf32>,
      %get3A_209 = arith.index_cast %scan3A_168 : i32 to index
      %get3A_210 = arith.constant 48 : index
      %get3A_211 = tpu.vector_load %arg12[%get3A_209, %get3A_210] {strides = array<i32>} : memref<80x128xf32, #tpu.memory_space<vmem>>, vector<16xf32>,
      %get3A_212 = arith.index_cast %scan3A_168 : i32 to index
      %get3A_213 = arith.constant 48 : index
      %get3A_214 = tpu.vector_load %arg13[%get3A_212, %get3A_213] {strides = array<i32>} : memref<80x128xf32, #tpu.memory_space<vmem>>, vector<16xf32>,
      %add3A_215 = arith.addf %get3A_211, %get3A_214 : vector<16xf32>
      %get3A_216 = arith.index_cast %scan3A_168 : i32 to index
      %get3A_217 = arith.constant 48 : index
      %get3A_218 = tpu.vector_load %arg14[%get3A_216, %get3A_217] {strides = array<i32>} : memref<80x128xf32, #tpu.memory_space<vmem>>, vector<16xf32>,
      %add3A_219 = arith.addf %add3A_215, %get3A_218 : vector<16xf32>
      %swap3A_220 = arith.index_cast %scan3A_168 : i32 to index
      %swap3A_221 = arith.constant 48 : index
      %swap3A_222 = tpu.vector_load %arg18[%swap3A_220, %swap3A_221] {strides = array<i32>} : memref<80x128xf32, #tpu.memory_space<vmem>>, vector<16xf32>,
      tpu.vector_store %arg18[%swap3A_220, %swap3A_221], %add3A_219 {strides = array<i32>} : memref<80x128xf32, #tpu.memory_space<vmem>>, vector<16xf32>,
      %get3A_223 = arith.index_cast %scan3A_168 : i32 to index
      %get3A_224 = arith.constant 64 : index
      %get3A_225 = tpu.vector_load %arg12[%get3A_223, %get3A_224] {strides = array<i32>} : memref<80x128xf32, #tpu.memory_space<vmem>>, vector<16xf32>,
      %get3A_226 = arith.index_cast %scan3A_168 : i32 to index
      %get3A_227 = arith.constant 64 : index
      %get3A_228 = tpu.vector_load %arg13[%get3A_226, %get3A_227] {strides = array<i32>} : memref<80x128xf32, #tpu.memory_space<vmem>>, vector<16xf32>,
      %add3A_229 = arith.addf %get3A_225, %get3A_228 : vector<16xf32>
      %get3A_230 = arith.index_cast %scan3A_168 : i32 to index
      %get3A_231 = arith.constant 64 : index
      %get3A_232 = tpu.vector_load %arg14[%get3A_230, %get3A_231] {strides = array<i32>} : memref<80x128xf32, #tpu.memory_space<vmem>>, vector<16xf32>,
      %add3A_233 = arith.addf %add3A_229, %get3A_232 : vector<16xf32>
      %swap3A_234 = arith.index_cast %scan3A_168 : i32 to index
      %swap3A_235 = arith.constant 64 : index
      %swap3A_236 = tpu.vector_load %arg18[%swap3A_234, %swap3A_235] {strides = array<i32>} : memref<80x128xf32, #tpu.memory_space<vmem>>, vector<16xf32>,
      tpu.vector_store %arg18[%swap3A_234, %swap3A_235], %add3A_233 {strides = array<i32>} : memref<80x128xf32, #tpu.memory_space<vmem>>, vector<16xf32>,
      %get3A_237 = arith.index_cast %scan3A_168 : i32 to index
      %get3A_238 = arith.constant 80 : index
      %get3A_239 = tpu.vector_load %arg12[%get3A_237, %get3A_238] {strides = array<i32>} : memref<80x128xf32, #tpu.memory_space<vmem>>, vector<16xf32>,
      %get3A_240 = arith.index_cast %scan3A_168 : i32 to index
      %get3A_241 = arith.constant 80 : index
      %get3A_242 = tpu.vector_load %arg13[%get3A_240, %get3A_241] {strides = array<i32>} : memref<80x128xf32, #tpu.memory_space<vmem>>, vector<16xf32>,
      %add3A_243 = arith.addf %get3A_239, %get3A_242 : vector<16xf32>
      %get3A_244 = arith.index_cast %scan3A_168 : i32 to index
      %get3A_245 = arith.constant 80 : index
      %get3A_246 = tpu.vector_load %arg14[%get3A_244, %get3A_245] {strides = array<i32>} : memref<80x128xf32, #tpu.memory_space<vmem>>, vector<16xf32>,
      %add3A_247 = arith.addf %add3A_243, %get3A_246 : vector<16xf32>
      %swap3A_248 = arith.index_cast %scan3A_168 : i32 to index
      %swap3A_249 = arith.constant 80 : index
      %swap3A_250 = tpu.vector_load %arg18[%swap3A_248, %swap3A_249] {strides = array<i32>} : memref<80x128xf32, #tpu.memory_space<vmem>>, vector<16xf32>,
      tpu.vector_store %arg18[%swap3A_248, %swap3A_249], %add3A_247 {strides = array<i32>} : memref<80x128xf32, #tpu.memory_space<vmem>>, vector<16xf32>,
      %get3A_251 = arith.index_cast %scan3A_168 : i32 to index
      %get3A_252 = arith.constant 96 : index
      %get3A_253 = tpu.vector_load %arg12[%get3A_251, %get3A_252] {strides = array<i32>} : memref<80x128xf32, #tpu.memory_space<vmem>>, vector<16xf32>,
      %get3A_254 = arith.index_cast %scan3A_168 : i32 to index
      %get3A_255 = arith.constant 96 : index
      %get3A_256 = tpu.vector_load %arg13[%get3A_254, %get3A_255] {strides = array<i32>} : memref<80x128xf32, #tpu.memory_space<vmem>>, vector<16xf32>,
      %add3A_257 = arith.addf %get3A_253, %get3A_256 : vector<16xf32>
      %get3A_258 = arith.index_cast %scan3A_168 : i32 to index
      %get3A_259 = arith.constant 96 : index
      %get3A_260 = tpu.vector_load %arg14[%get3A_258, %get3A_259] {strides = array<i32>} : memref<80x128xf32, #tpu.memory_space<vmem>>, vector<16xf32>,
      %add3A_261 = arith.addf %add3A_257, %get3A_260 : vector<16xf32>
      %swap3A_262 = arith.index_cast %scan3A_168 : i32 to index
      %swap3A_263 = arith.constant 96 : index
      %swap3A_264 = tpu.vector_load %arg18[%swap3A_262, %swap3A_263] {strides = array<i32>} : memref<80x128xf32, #tpu.memory_space<vmem>>, vector<16xf32>,
      tpu.vector_store %arg18[%swap3A_262, %swap3A_263], %add3A_261 {strides = array<i32>} : memref<80x128xf32, #tpu.memory_space<vmem>>, vector<16xf32>,
      %get3A_265 = arith.index_cast %scan3A_168 : i32 to index
      %get3A_266 = arith.constant 112 : index
      %get3A_267 = tpu.vector_load %arg12[%get3A_265, %get3A_266] {strides = array<i32>} : memref<80x128xf32, #tpu.memory_space<vmem>>, vector<16xf32>,
      %get3A_268 = arith.index_cast %scan3A_168 : i32 to index
      %get3A_269 = arith.constant 112 : index
      %get3A_270 = tpu.vector_load %arg13[%get3A_268, %get3A_269] {strides = array<i32>} : memref<80x128xf32, #tpu.memory_space<vmem>>, vector<16xf32>,
      %add3A_271 = arith.addf %get3A_267, %get3A_270 : vector<16xf32>
      %get3A_272 = arith.index_cast %scan3A_168 : i32 to index
      %get3A_273 = arith.constant 112 : index
      %get3A_274 = tpu.vector_load %arg14[%get3A_272, %get3A_273] {strides = array<i32>} : memref<80x128xf32, #tpu.memory_space<vmem>>, vector<16xf32>,
      %add3A_275 = arith.addf %add3A_271, %get3A_274 : vector<16xf32>
      %swap3A_276 = arith.index_cast %scan3A_168 : i32 to index
      %swap3A_277 = arith.constant 112 : index
      %swap3A_278 = tpu.vector_load %arg18[%swap3A_276, %swap3A_277] {strides = array<i32>} : memref<80x128xf32, #tpu.memory_space<vmem>>, vector<16xf32>,
      tpu.vector_store %arg18[%swap3A_276, %swap3A_277], %add3A_275 {strides = array<i32>} : memref<80x128xf32, #tpu.memory_space<vmem>>, vector<16xf32>,
    }
    %scan3A_68 = arith.constant 80 : i32
    %add3A_69 = arith.constant 0 : i32
    %add3A_70 = arith.addi %mul3A_2, %add3A_69 : i32
    %dma_start3A_71 = arith.constant 0 : i32
    %dma_start3A_72 = tpu.memref_slice %arg8[%add3A_70, %dma_start3A_71] : memref<320000x128xf32, #tpu.memory_space<hbm>> -> memref<80x128xf32, #tpu.memory_space<hbm>>
    %dma_start3A_73 = arith.constant 0 : i32
    %dma_start3A_74 = tpu.memref_slice %arg8[%add3A_70, %dma_start3A_73] : memref<320000x128xf32, #tpu.memory_space<hbm>> -> memref<80x128xf32, #tpu.memory_space<hbm>>
    tpu.enqueue_dma source(%arg18 : memref<80x128xf32, #tpu.memory_space<vmem>>) target(%dma_start3A_74 : memref<80x128xf32, #tpu.memory_space<hbm>>) target_semaphore(%arg22 : memref<!tpu.dma_semaphore, #tpu.memory_space<semaphore_mem>>)
    %dma_start3A_75 = arith.constant 2 : i32
    %dma_start3A_76 = arith.constant 0 : i32
    %dma_start3A_77 = tpu.memref_slice %arg9[%dma_start3A_75, %dma_start3A_76] : memref<125x80xi32, #tpu.memory_space<vmem>> -> memref<1x80xi32, #tpu.memory_space<vmem>>
    %dma_start3A_78 = tpu.memref_squeeze %dma_start3A_77 : memref<1x80xi32, #tpu.memory_space<vmem>> -> memref<80xi32, #tpu.memory_space<vmem>>
    %dma_start3A_79 = arith.constant 0 : i32
    %dma_start3A_80 = arith.constant 0 : i32
    %dma_start3A_81 = tpu.memref_slice %arg2[%dma_start3A_79, %dma_start3A_80] : memref<40000x128xf32, #tpu.memory_space<hbm>> -> memref<40000x128xf32, #tpu.memory_space<hbm>>
    tpu.enqueue_indirect_dma source(%dma_start3A_81 : memref<40000x128xf32, #tpu.memory_space<hbm>>) target(%arg12 : memref<80x128xf32, #tpu.memory_space<vmem>>) offsets(%dma_start3A_78 : memref<80xi32, #tpu.memory_space<vmem>>) semaphore(%arg20 : memref<!tpu.dma_semaphore, #tpu.memory_space<semaphore_mem>>)
    %dma_start3A_82 = arith.constant 2 : i32
    %dma_start3A_83 = arith.constant 0 : i32
    %dma_start3A_84 = tpu.memref_slice %arg10[%dma_start3A_82, %dma_start3A_83] : memref<125x80xi32, #tpu.memory_space<vmem>> -> memref<1x80xi32, #tpu.memory_space<vmem>>
    %dma_start3A_85 = tpu.memref_squeeze %dma_start3A_84 : memref<1x80xi32, #tpu.memory_space<vmem>> -> memref<80xi32, #tpu.memory_space<vmem>>
    %dma_start3A_86 = arith.constant 0 : i32
    %dma_start3A_87 = arith.constant 0 : i32
    %dma_start3A_88 = tpu.memref_slice %arg3[%dma_start3A_86, %dma_start3A_87] : memref<10000x128xf32, #tpu.memory_space<hbm>> -> memref<10000x128xf32, #tpu.memory_space<hbm>>
    tpu.enqueue_indirect_dma source(%dma_start3A_88 : memref<10000x128xf32, #tpu.memory_space<hbm>>) target(%arg13 : memref<80x128xf32, #tpu.memory_space<vmem>>) offsets(%dma_start3A_85 : memref<80xi32, #tpu.memory_space<vmem>>) semaphore(%arg20 : memref<!tpu.dma_semaphore, #tpu.memory_space<semaphore_mem>>)
    %dma_start3A_89 = arith.constant 2 : i32
    %dma_start3A_90 = arith.constant 0 : i32
    %dma_start3A_91 = tpu.memref_slice %arg11[%dma_start3A_89, %dma_start3A_90] : memref<125x80xi32, #tpu.memory_space<vmem>> -> memref<1x80xi32, #tpu.memory_space<vmem>>
    %dma_start3A_92 = tpu.memref_squeeze %dma_start3A_91 : memref<1x80xi32, #tpu.memory_space<vmem>> -> memref<80xi32, #tpu.memory_space<vmem>>
    %dma_start3A_93 = arith.constant 0 : i32
    %dma_start3A_94 = arith.constant 0 : i32
    %dma_start3A_95 = tpu.memref_slice %arg4[%dma_start3A_93, %dma_start3A_94] : memref<10000x128xf32, #tpu.memory_space<hbm>> -> memref<10000x128xf32, #tpu.memory_space<hbm>>
    tpu.enqueue_indirect_dma source(%dma_start3A_95 : memref<10000x128xf32, #tpu.memory_space<hbm>>) target(%arg14 : memref<80x128xf32, #tpu.memory_space<vmem>>) offsets(%dma_start3A_92 : memref<80xi32, #tpu.memory_space<vmem>>) semaphore(%arg20 : memref<!tpu.dma_semaphore, #tpu.memory_space<semaphore_mem>>)
    %dma_wait3A_96 = arith.constant 0 : i32
    %dma_wait3A_97 = arith.constant 0 : i32
    %dma_wait3A_98 = tpu.memref_slice %arg9[%dma_wait3A_96, %dma_wait3A_97] : memref<125x80xi32, #tpu.memory_space<vmem>> -> memref<1x80xi32, #tpu.memory_space<vmem>>
    %dma_wait3A_99 = tpu.memref_squeeze %dma_wait3A_98 : memref<1x80xi32, #tpu.memory_space<vmem>> -> memref<80xi32, #tpu.memory_space<vmem>>
    %dma_wait3A_100 = arith.constant 0 : i32
    %dma_wait3A_101 = arith.constant 0 : i32
    %dma_wait3A_102 = tpu.memref_slice %arg2[%dma_wait3A_100, %dma_wait3A_101] : memref<40000x128xf32, #tpu.memory_space<hbm>> -> memref<40000x128xf32, #tpu.memory_space<hbm>>
    tpu.wait_indirect_dma semaphore(%arg21 : memref<!tpu.dma_semaphore, #tpu.memory_space<semaphore_mem>>) src(%dma_wait3A_102 : memref<40000x128xf32, #tpu.memory_space<hbm>>) dst(%arg15 : memref<80x128xf32, #tpu.memory_space<vmem>>)
    %dma_wait3A_103 = arith.constant 0 : i32
    %dma_wait3A_104 = arith.constant 0 : i32
    %dma_wait3A_105 = tpu.memref_slice %arg9[%dma_wait3A_103, %dma_wait3A_104] : memref<125x80xi32, #tpu.memory_space<vmem>> -> memref<1x80xi32, #tpu.memory_space<vmem>>
    %dma_wait3A_106 = tpu.memref_squeeze %dma_wait3A_105 : memref<1x80xi32, #tpu.memory_space<vmem>> -> memref<80xi32, #tpu.memory_space<vmem>>
    %dma_wait3A_107 = arith.constant 0 : i32
    %dma_wait3A_108 = arith.constant 0 : i32
    %dma_wait3A_109 = tpu.memref_slice %arg2[%dma_wait3A_107, %dma_wait3A_108] : memref<40000x128xf32, #tpu.memory_space<hbm>> -> memref<40000x128xf32, #tpu.memory_space<hbm>>
    tpu.wait_indirect_dma semaphore(%arg21 : memref<!tpu.dma_semaphore, #tpu.memory_space<semaphore_mem>>) src(%dma_wait3A_109 : memref<40000x128xf32, #tpu.memory_space<hbm>>) dst(%arg15 : memref<80x128xf32, #tpu.memory_space<vmem>>)
    %dma_wait3A_110 = arith.constant 0 : i32
    %dma_wait3A_111 = arith.constant 0 : i32
    %dma_wait3A_112 = tpu.memref_slice %arg9[%dma_wait3A_110, %dma_wait3A_111] : memref<125x80xi32, #tpu.memory_space<vmem>> -> memref<1x80xi32, #tpu.memory_space<vmem>>
    %dma_wait3A_113 = tpu.memref_squeeze %dma_wait3A_112 : memref<1x80xi32, #tpu.memory_space<vmem>> -> memref<80xi32, #tpu.memory_space<vmem>>
    %dma_wait3A_114 = arith.constant 0 : i32
    %dma_wait3A_115 = arith.constant 0 : i32
    %dma_wait3A_116 = tpu.memref_slice %arg2[%dma_wait3A_114, %dma_wait3A_115] : memref<40000x128xf32, #tpu.memory_space<hbm>> -> memref<40000x128xf32, #tpu.memory_space<hbm>>
    tpu.wait_indirect_dma semaphore(%arg21 : memref<!tpu.dma_semaphore, #tpu.memory_space<semaphore_mem>>) src(%dma_wait3A_116 : memref<40000x128xf32, #tpu.memory_space<hbm>>) dst(%arg15 : memref<80x128xf32, #tpu.memory_space<vmem>>)
    %scan3A_117 = arith.constant 0 : i32
    %scan3A_118 = arith.constant 0 : i32
    %scan3A_119 = arith.constant 80 : i32
    %scan3A_120 = arith.addi %scan3A_118, %scan3A_119 : i32
    %scan3A_121 = arith.constant 1 : i32
    scf.for %scan3A_168 = %scan3A_118 to %scan3A_120 step %scan3A_121  : i32 {
      %get3A = arith.index_cast %scan3A_168 : i32 to index
      %get3A_169 = arith.constant 0 : index
      %get3A_170 = tpu.vector_load %arg15[%get3A, %get3A_169] {strides = array<i32>} : memref<80x128xf32, #tpu.memory_space<vmem>>, vector<16xf32>,
      %get3A_171 = arith.index_cast %scan3A_168 : i32 to index
      %get3A_172 = arith.constant 0 : index
      %get3A_173 = tpu.vector_load %arg16[%get3A_171, %get3A_172] {strides = array<i32>} : memref<80x128xf32, #tpu.memory_space<vmem>>, vector<16xf32>,
      %add3A_174 = arith.addf %get3A_170, %get3A_173 : vector<16xf32>
      %get3A_175 = arith.index_cast %scan3A_168 : i32 to index
      %get3A_176 = arith.constant 0 : index
      %get3A_177 = tpu.vector_load %arg17[%get3A_175, %get3A_176] {strides = array<i32>} : memref<80x128xf32, #tpu.memory_space<vmem>>, vector<16xf32>,
      %add3A_178 = arith.addf %add3A_174, %get3A_177 : vector<16xf32>
      %swap3A = arith.index_cast %scan3A_168 : i32 to index
      %swap3A_179 = arith.constant 0 : index
      %swap3A_180 = tpu.vector_load %arg19[%swap3A, %swap3A_179] {strides = array<i32>} : memref<80x128xf32, #tpu.memory_space<vmem>>, vector<16xf32>,
      tpu.vector_store %arg19[%swap3A, %swap3A_179], %add3A_178 {strides = array<i32>} : memref<80x128xf32, #tpu.memory_space<vmem>>, vector<16xf32>,
      %get3A_181 = arith.index_cast %scan3A_168 : i32 to index
      %get3A_182 = arith.constant 16 : index
      %get3A_183 = tpu.vector_load %arg15[%get3A_181, %get3A_182] {strides = array<i32>} : memref<80x128xf32, #tpu.memory_space<vmem>>, vector<16xf32>,
      %get3A_184 = arith.index_cast %scan3A_168 : i32 to index
      %get3A_185 = arith.constant 16 : index
      %get3A_186 = tpu.vector_load %arg16[%get3A_184, %get3A_185] {strides = array<i32>} : memref<80x128xf32, #tpu.memory_space<vmem>>, vector<16xf32>,
      %add3A_187 = arith.addf %get3A_183, %get3A_186 : vector<16xf32>
      %get3A_188 = arith.index_cast %scan3A_168 : i32 to index
      %get3A_189 = arith.constant 16 : index
      %get3A_190 = tpu.vector_load %arg17[%get3A_188, %get3A_189] {strides = array<i32>} : memref<80x128xf32, #tpu.memory_space<vmem>>, vector<16xf32>,
      %add3A_191 = arith.addf %add3A_187, %get3A_190 : vector<16xf32>
      %swap3A_192 = arith.index_cast %scan3A_168 : i32 to index
      %swap3A_193 = arith.constant 16 : index
      %swap3A_194 = tpu.vector_load %arg19[%swap3A_192, %swap3A_193] {strides = array<i32>} : memref<80x128xf32, #tpu.memory_space<vmem>>, vector<16xf32>,
      tpu.vector_store %arg19[%swap3A_192, %swap3A_193], %add3A_191 {strides = array<i32>} : memref<80x128xf32, #tpu.memory_space<vmem>>, vector<16xf32>,
      %get3A_195 = arith.index_cast %scan3A_168 : i32 to index
      %get3A_196 = arith.constant 32 : index
      %get3A_197 = tpu.vector_load %arg15[%get3A_195, %get3A_196] {strides = array<i32>} : memref<80x128xf32, #tpu.memory_space<vmem>>, vector<16xf32>,
      %get3A_198 = arith.index_cast %scan3A_168 : i32 to index
      %get3A_199 = arith.constant 32 : index
      %get3A_200 = tpu.vector_load %arg16[%get3A_198, %get3A_199] {strides = array<i32>} : memref<80x128xf32, #tpu.memory_space<vmem>>, vector<16xf32>,
      %add3A_201 = arith.addf %get3A_197, %get3A_200 : vector<16xf32>
      %get3A_202 = arith.index_cast %scan3A_168 : i32 to index
      %get3A_203 = arith.constant 32 : index
      %get3A_204 = tpu.vector_load %arg17[%get3A_202, %get3A_203] {strides = array<i32>} : memref<80x128xf32, #tpu.memory_space<vmem>>, vector<16xf32>,
      %add3A_205 = arith.addf %add3A_201, %get3A_204 : vector<16xf32>
      %swap3A_206 = arith.index_cast %scan3A_168 : i32 to index
      %swap3A_207 = arith.constant 32 : index
      %swap3A_208 = tpu.vector_load %arg19[%swap3A_206, %swap3A_207] {strides = array<i32>} : memref<80x128xf32, #tpu.memory_space<vmem>>, vector<16xf32>,
      tpu.vector_store %arg19[%swap3A_206, %swap3A_207], %add3A_205 {strides = array<i32>} : memref<80x128xf32, #tpu.memory_space<vmem>>, vector<16xf32>,
      %get3A_209 = arith.index_cast %scan3A_168 : i32 to index
      %get3A_210 = arith.constant 48 : index
      %get3A_211 = tpu.vector_load %arg15[%get3A_209, %get3A_210] {strides = array<i32>} : memref<80x128xf32, #tpu.memory_space<vmem>>, vector<16xf32>,
      %get3A_212 = arith.index_cast %scan3A_168 : i32 to index
      %get3A_213 = arith.constant 48 : index
      %get3A_214 = tpu.vector_load %arg16[%get3A_212, %get3A_213] {strides = array<i32>} : memref<80x128xf32, #tpu.memory_space<vmem>>, vector<16xf32>,
      %add3A_215 = arith.addf %get3A_211, %get3A_214 : vector<16xf32>
      %get3A_216 = arith.index_cast %scan3A_168 : i32 to index
      %get3A_217 = arith.constant 48 : index
      %get3A_218 = tpu.vector_load %arg17[%get3A_216, %get3A_217] {strides = array<i32>} : memref<80x128xf32, #tpu.memory_space<vmem>>, vector<16xf32>,
      %add3A_219 = arith.addf %add3A_215, %get3A_218 : vector<16xf32>
      %swap3A_220 = arith.index_cast %scan3A_168 : i32 to index
      %swap3A_221 = arith.constant 48 : index
      %swap3A_222 = tpu.vector_load %arg19[%swap3A_220, %swap3A_221] {strides = array<i32>} : memref<80x128xf32, #tpu.memory_space<vmem>>, vector<16xf32>,
      tpu.vector_store %arg19[%swap3A_220, %swap3A_221], %add3A_219 {strides = array<i32>} : memref<80x128xf32, #tpu.memory_space<vmem>>, vector<16xf32>,
      %get3A_223 = arith.index_cast %scan3A_168 : i32 to index
      %get3A_224 = arith.constant 64 : index
      %get3A_225 = tpu.vector_load %arg15[%get3A_223, %get3A_224] {strides = array<i32>} : memref<80x128xf32, #tpu.memory_space<vmem>>, vector<16xf32>,
      %get3A_226 = arith.index_cast %scan3A_168 : i32 to index
      %get3A_227 = arith.constant 64 : index
      %get3A_228 = tpu.vector_load %arg16[%get3A_226, %get3A_227] {strides = array<i32>} : memref<80x128xf32, #tpu.memory_space<vmem>>, vector<16xf32>,
      %add3A_229 = arith.addf %get3A_225, %get3A_228 : vector<16xf32>
      %get3A_230 = arith.index_cast %scan3A_168 : i32 to index
      %get3A_231 = arith.constant 64 : index
      %get3A_232 = tpu.vector_load %arg17[%get3A_230, %get3A_231] {strides = array<i32>} : memref<80x128xf32, #tpu.memory_space<vmem>>, vector<16xf32>,
      %add3A_233 = arith.addf %add3A_229, %get3A_232 : vector<16xf32>
      %swap3A_234 = arith.index_cast %scan3A_168 : i32 to index
      %swap3A_235 = arith.constant 64 : index
      %swap3A_236 = tpu.vector_load %arg19[%swap3A_234, %swap3A_235] {strides = array<i32>} : memref<80x128xf32, #tpu.memory_space<vmem>>, vector<16xf32>,
      tpu.vector_store %arg19[%swap3A_234, %swap3A_235], %add3A_233 {strides = array<i32>} : memref<80x128xf32, #tpu.memory_space<vmem>>, vector<16xf32>,
      %get3A_237 = arith.index_cast %scan3A_168 : i32 to index
      %get3A_238 = arith.constant 80 : index
      %get3A_239 = tpu.vector_load %arg15[%get3A_237, %get3A_238] {strides = array<i32>} : memref<80x128xf32, #tpu.memory_space<vmem>>, vector<16xf32>,
      %get3A_240 = arith.index_cast %scan3A_168 : i32 to index
      %get3A_241 = arith.constant 80 : index
      %get3A_242 = tpu.vector_load %arg16[%get3A_240, %get3A_241] {strides = array<i32>} : memref<80x128xf32, #tpu.memory_space<vmem>>, vector<16xf32>,
      %add3A_243 = arith.addf %get3A_239, %get3A_242 : vector<16xf32>
      %get3A_244 = arith.index_cast %scan3A_168 : i32 to index
      %get3A_245 = arith.constant 80 : index
      %get3A_246 = tpu.vector_load %arg17[%get3A_244, %get3A_245] {strides = array<i32>} : memref<80x128xf32, #tpu.memory_space<vmem>>, vector<16xf32>,
      %add3A_247 = arith.addf %add3A_243, %get3A_246 : vector<16xf32>
      %swap3A_248 = arith.index_cast %scan3A_168 : i32 to index
      %swap3A_249 = arith.constant 80 : index
      %swap3A_250 = tpu.vector_load %arg19[%swap3A_248, %swap3A_249] {strides = array<i32>} : memref<80x128xf32, #tpu.memory_space<vmem>>, vector<16xf32>,
      tpu.vector_store %arg19[%swap3A_248, %swap3A_249], %add3A_247 {strides = array<i32>} : memref<80x128xf32, #tpu.memory_space<vmem>>, vector<16xf32>,
      %get3A_251 = arith.index_cast %scan3A_168 : i32 to index
      %get3A_252 = arith.constant 96 : index
      %get3A_253 = tpu.vector_load %arg15[%get3A_251, %get3A_252] {strides = array<i32>} : memref<80x128xf32, #tpu.memory_space<vmem>>, vector<16xf32>,
      %get3A_254 = arith.index_cast %scan3A_168 : i32 to index
      %get3A_255 = arith.constant 96 : index
      %get3A_256 = tpu.vector_load %arg16[%get3A_254, %get3A_255] {strides = array<i32>} : memref<80x128xf32, #tpu.memory_space<vmem>>, vector<16xf32>,
      %add3A_257 = arith.addf %get3A_253, %get3A_256 : vector<16xf32>
      %get3A_258 = arith.index_cast %scan3A_168 : i32 to index
      %get3A_259 = arith.constant 96 : index
      %get3A_260 = tpu.vector_load %arg17[%get3A_258, %get3A_259] {strides = array<i32>} : memref<80x128xf32, #tpu.memory_space<vmem>>, vector<16xf32>,
      %add3A_261 = arith.addf %add3A_257, %get3A_260 : vector<16xf32>
      %swap3A_262 = arith.index_cast %scan3A_168 : i32 to index
      %swap3A_263 = arith.constant 96 : index
      %swap3A_264 = tpu.vector_load %arg19[%swap3A_262, %swap3A_263] {strides = array<i32>} : memref<80x128xf32, #tpu.memory_space<vmem>>, vector<16xf32>,
      tpu.vector_store %arg19[%swap3A_262, %swap3A_263], %add3A_261 {strides = array<i32>} : memref<80x128xf32, #tpu.memory_space<vmem>>, vector<16xf32>,
      %get3A_265 = arith.index_cast %scan3A_168 : i32 to index
      %get3A_266 = arith.constant 112 : index
      %get3A_267 = tpu.vector_load %arg15[%get3A_265, %get3A_266] {strides = array<i32>} : memref<80x128xf32, #tpu.memory_space<vmem>>, vector<16xf32>,
      %get3A_268 = arith.index_cast %scan3A_168 : i32 to index
      %get3A_269 = arith.constant 112 : index
      %get3A_270 = tpu.vector_load %arg16[%get3A_268, %get3A_269] {strides = array<i32>} : memref<80x128xf32, #tpu.memory_space<vmem>>, vector<16xf32>,
      %add3A_271 = arith.addf %get3A_267, %get3A_270 : vector<16xf32>
      %get3A_272 = arith.index_cast %scan3A_168 : i32 to index
      %get3A_273 = arith.constant 112 : index
      %get3A_274 = tpu.vector_load %arg17[%get3A_272, %get3A_273] {strides = array<i32>} : memref<80x128xf32, #tpu.memory_space<vmem>>, vector<16xf32>,
      %add3A_275 = arith.addf %add3A_271, %get3A_274 : vector<16xf32>
      %swap3A_276 = arith.index_cast %scan3A_168 : i32 to index
      %swap3A_277 = arith.constant 112 : index
      %swap3A_278 = tpu.vector_load %arg19[%swap3A_276, %swap3A_277] {strides = array<i32>} : memref<80x128xf32, #tpu.memory_space<vmem>>, vector<16xf32>,
      tpu.vector_store %arg19[%swap3A_276, %swap3A_277], %add3A_275 {strides = array<i32>} : memref<80x128xf32, #tpu.memory_space<vmem>>, vector<16xf32>,
    }
    %scan3A_122 = arith.constant 80 : i32
    %add3A_123 = arith.constant 80 : i32
    %add3A_124 = arith.addi %mul3A_2, %add3A_123 : i32
    %dma_start3A_125 = arith.constant 0 : i32
    %dma_start3A_126 = tpu.memref_slice %arg8[%add3A_124, %dma_start3A_125] : memref<320000x128xf32, #tpu.memory_space<hbm>> -> memref<80x128xf32, #tpu.memory_space<hbm>>
    %dma_start3A_127 = arith.constant 0 : i32
    %dma_start3A_128 = tpu.memref_slice %arg8[%add3A_124, %dma_start3A_127] : memref<320000x128xf32, #tpu.memory_space<hbm>> -> memref<80x128xf32, #tpu.memory_space<hbm>>
    tpu.enqueue_dma source(%arg19 : memref<80x128xf32, #tpu.memory_space<vmem>>) target(%dma_start3A_128 : memref<80x128xf32, #tpu.memory_space<hbm>>) target_semaphore(%arg23 : memref<!tpu.dma_semaphore, #tpu.memory_space<semaphore_mem>>)
    %dma_start3A_129 = arith.constant 3 : i32
    %dma_start3A_130 = arith.constant 0 : i32
    %dma_start3A_131 = tpu.memref_slice %arg9[%dma_start3A_129, %dma_start3A_130] : memref<125x80xi32, #tpu.memory_space<vmem>> -> memref<1x80xi32, #tpu.memory_space<vmem>>
    %dma_start3A_132 = tpu.memref_squeeze %dma_start3A_131 : memref<1x80xi32, #tpu.memory_space<vmem>> -> memref<80xi32, #tpu.memory_space<vmem>>
    %dma_start3A_133 = arith.constant 0 : i32
    %dma_start3A_134 = arith.constant 0 : i32
    %dma_start3A_135 = tpu.memref_slice %arg2[%dma_start3A_133, %dma_start3A_134] : memref<40000x128xf32, #tpu.memory_space<hbm>> -> memref<40000x128xf32, #tpu.memory_space<hbm>>
    tpu.enqueue_indirect_dma source(%dma_start3A_135 : memref<40000x128xf32, #tpu.memory_space<hbm>>) target(%arg15 : memref<80x128xf32, #tpu.memory_space<vmem>>) offsets(%dma_start3A_132 : memref<80xi32, #tpu.memory_space<vmem>>) semaphore(%arg21 : memref<!tpu.dma_semaphore, #tpu.memory_space<semaphore_mem>>)
    %dma_start3A_136 = arith.constant 3 : i32
    %dma_start3A_137 = arith.constant 0 : i32
    %dma_start3A_138 = tpu.memref_slice %arg10[%dma_start3A_136, %dma_start3A_137] : memref<125x80xi32, #tpu.memory_space<vmem>> -> memref<1x80xi32, #tpu.memory_space<vmem>>
    %dma_start3A_139 = tpu.memref_squeeze %dma_start3A_138 : memref<1x80xi32, #tpu.memory_space<vmem>> -> memref<80xi32, #tpu.memory_space<vmem>>
    %dma_start3A_140 = arith.constant 0 : i32
    %dma_start3A_141 = arith.constant 0 : i32
    %dma_start3A_142 = tpu.memref_slice %arg3[%dma_start3A_140, %dma_start3A_141] : memref<10000x128xf32, #tpu.memory_space<hbm>> -> memref<10000x128xf32, #tpu.memory_space<hbm>>
    tpu.enqueue_indirect_dma source(%dma_start3A_142 : memref<10000x128xf32, #tpu.memory_space<hbm>>) target(%arg16 : memref<80x128xf32, #tpu.memory_space<vmem>>) offsets(%dma_start3A_139 : memref<80xi32, #tpu.memory_space<vmem>>) semaphore(%arg21 : memref<!tpu.dma_semaphore, #tpu.memory_space<semaphore_mem>>)
    %dma_start3A_143 = arith.constant 3 : i32
    %dma_start3A_144 = arith.constant 0 : i32
    %dma_start3A_145 = tpu.memref_slice %arg11[%dma_start3A_143, %dma_start3A_144] : memref<125x80xi32, #tpu.memory_space<vmem>> -> memref<1x80xi32, #tpu.memory_space<vmem>>
    %dma_start3A_146 = tpu.memref_squeeze %dma_start3A_145 : memref<1x80xi32, #tpu.memory_space<vmem>> -> memref<80xi32, #tpu.memory_space<vmem>>
    %dma_start3A_147 = arith.constant 0 : i32
    %dma_start3A_148 = arith.constant 0 : i32
    %dma_start3A_149 = tpu.memref_slice %arg4[%dma_start3A_147, %dma_start3A_148] : memref<10000x128xf32, #tpu.memory_space<hbm>> -> memref<10000x128xf32, #tpu.memory_space<hbm>>
    tpu.enqueue_indirect_dma source(%dma_start3A_149 : memref<10000x128xf32, #tpu.memory_space<hbm>>) target(%arg17 : memref<80x128xf32, #tpu.memory_space<vmem>>) offsets(%dma_start3A_146 : memref<80xi32, #tpu.memory_space<vmem>>) semaphore(%arg21 : memref<!tpu.dma_semaphore, #tpu.memory_space<semaphore_mem>>)
    %scan3A_150 = arith.constant 0 : i32
    %scan3A_151 = arith.constant 0 : i32
    %scan3A_152 = arith.constant 62 : i32
    %scan3A_153 = arith.addi %scan3A_151, %scan3A_152 : i32
    %scan3A_154 = arith.constant 1 : i32
    scf.for %scan3A_168 = %scan3A_151 to %scan3A_153 step %scan3A_154  : i32 {
      %mul3A_169 = arith.constant 2 : i32
      %mul3A_170 = arith.muli %scan3A_168, %mul3A_169 : i32
      %add3A_171 = arith.constant 2 : i32
      %add3A_172 = arith.addi %add3A_171, %mul3A_170 : i32
      %dma_wait3A_173 = arith.constant 0 : i32
      %dma_wait3A_174 = arith.constant 0 : i32
      %dma_wait3A_175 = tpu.memref_slice %arg9[%dma_wait3A_173, %dma_wait3A_174] : memref<125x80xi32, #tpu.memory_space<vmem>> -> memref<1x80xi32, #tpu.memory_space<vmem>>
      %dma_wait3A_176 = tpu.memref_squeeze %dma_wait3A_175 : memref<1x80xi32, #tpu.memory_space<vmem>> -> memref<80xi32, #tpu.memory_space<vmem>>
      %dma_wait3A_177 = arith.constant 0 : i32
      %dma_wait3A_178 = arith.constant 0 : i32
      %dma_wait3A_179 = tpu.memref_slice %arg2[%dma_wait3A_177, %dma_wait3A_178] : memref<40000x128xf32, #tpu.memory_space<hbm>> -> memref<40000x128xf32, #tpu.memory_space<hbm>>
      tpu.wait_indirect_dma semaphore(%arg20 : memref<!tpu.dma_semaphore, #tpu.memory_space<semaphore_mem>>) src(%dma_wait3A_179 : memref<40000x128xf32, #tpu.memory_space<hbm>>) dst(%arg12 : memref<80x128xf32, #tpu.memory_space<vmem>>)
      %dma_wait3A_180 = arith.constant 0 : i32
      %dma_wait3A_181 = arith.constant 0 : i32
      %dma_wait3A_182 = tpu.memref_slice %arg9[%dma_wait3A_180, %dma_wait3A_181] : memref<125x80xi32, #tpu.memory_space<vmem>> -> memref<1x80xi32, #tpu.memory_space<vmem>>
      %dma_wait3A_183 = tpu.memref_squeeze %dma_wait3A_182 : memref<1x80xi32, #tpu.memory_space<vmem>> -> memref<80xi32, #tpu.memory_space<vmem>>
      %dma_wait3A_184 = arith.constant 0 : i32
      %dma_wait3A_185 = arith.constant 0 : i32
      %dma_wait3A_186 = tpu.memref_slice %arg2[%dma_wait3A_184, %dma_wait3A_185] : memref<40000x128xf32, #tpu.memory_space<hbm>> -> memref<40000x128xf32, #tpu.memory_space<hbm>>
      tpu.wait_indirect_dma semaphore(%arg20 : memref<!tpu.dma_semaphore, #tpu.memory_space<semaphore_mem>>) src(%dma_wait3A_186 : memref<40000x128xf32, #tpu.memory_space<hbm>>) dst(%arg12 : memref<80x128xf32, #tpu.memory_space<vmem>>)
      %dma_wait3A_187 = arith.constant 0 : i32
      %dma_wait3A_188 = arith.constant 0 : i32
      %dma_wait3A_189 = tpu.memref_slice %arg9[%dma_wait3A_187, %dma_wait3A_188] : memref<125x80xi32, #tpu.memory_space<vmem>> -> memref<1x80xi32, #tpu.memory_space<vmem>>
      %dma_wait3A_190 = tpu.memref_squeeze %dma_wait3A_189 : memref<1x80xi32, #tpu.memory_space<vmem>> -> memref<80xi32, #tpu.memory_space<vmem>>
      %dma_wait3A_191 = arith.constant 0 : i32
      %dma_wait3A_192 = arith.constant 0 : i32
      %dma_wait3A_193 = tpu.memref_slice %arg2[%dma_wait3A_191, %dma_wait3A_192] : memref<40000x128xf32, #tpu.memory_space<hbm>> -> memref<40000x128xf32, #tpu.memory_space<hbm>>
      tpu.wait_indirect_dma semaphore(%arg20 : memref<!tpu.dma_semaphore, #tpu.memory_space<semaphore_mem>>) src(%dma_wait3A_193 : memref<40000x128xf32, #tpu.memory_space<hbm>>) dst(%arg12 : memref<80x128xf32, #tpu.memory_space<vmem>>)
      %dma_wait3A_194 = arith.constant 0 : i32
      %dma_wait3A_195 = arith.constant 0 : i32
      %dma_wait3A_196 = tpu.memref_slice %arg8[%dma_wait3A_194, %dma_wait3A_195] : memref<320000x128xf32, #tpu.memory_space<hbm>> -> memref<80x128xf32, #tpu.memory_space<hbm>>
      %dma_wait3A_197 = arith.constant 0 : i32
      %dma_wait3A_198 = arith.constant 0 : i32
      %dma_wait3A_199 = tpu.memref_slice %arg8[%dma_wait3A_197, %dma_wait3A_198] : memref<320000x128xf32, #tpu.memory_space<hbm>> -> memref<80x128xf32, #tpu.memory_space<hbm>>
      tpu.wait_dma2 semaphore(%arg22 : memref<!tpu.dma_semaphore, #tpu.memory_space<semaphore_mem>>) src(%arg18 : memref<80x128xf32, #tpu.memory_space<vmem>>) dst(%dma_wait3A_199 : memref<80x128xf32, #tpu.memory_space<hbm>>)
      %scan3A_200 = arith.constant 0 : i32
      %scan3A_201 = arith.constant 0 : i32
      %scan3A_202 = arith.constant 80 : i32
      %scan3A_203 = arith.addi %scan3A_201, %scan3A_202 : i32
      %scan3A_204 = arith.constant 1 : i32
      scf.for %scan3A_224 = %scan3A_201 to %scan3A_203 step %scan3A_204  : i32 {
        %get3A = arith.index_cast %scan3A_224 : i32 to index
        %get3A_225 = arith.constant 0 : index
        %get3A_226 = tpu.vector_load %arg12[%get3A, %get3A_225] {strides = array<i32>} : memref<80x128xf32, #tpu.memory_space<vmem>>, vector<16xf32>,
        %get3A_227 = arith.index_cast %scan3A_224 : i32 to index
        %get3A_228 = arith.constant 0 : index
        %get3A_229 = tpu.vector_load %arg13[%get3A_227, %get3A_228] {strides = array<i32>} : memref<80x128xf32, #tpu.memory_space<vmem>>, vector<16xf32>,
        %add3A_230 = arith.addf %get3A_226, %get3A_229 : vector<16xf32>
        %get3A_231 = arith.index_cast %scan3A_224 : i32 to index
        %get3A_232 = arith.constant 0 : index
        %get3A_233 = tpu.vector_load %arg14[%get3A_231, %get3A_232] {strides = array<i32>} : memref<80x128xf32, #tpu.memory_space<vmem>>, vector<16xf32>,
        %add3A_234 = arith.addf %add3A_230, %get3A_233 : vector<16xf32>
        %swap3A = arith.index_cast %scan3A_224 : i32 to index
        %swap3A_235 = arith.constant 0 : index
        %swap3A_236 = tpu.vector_load %arg18[%swap3A, %swap3A_235] {strides = array<i32>} : memref<80x128xf32, #tpu.memory_space<vmem>>, vector<16xf32>,
        tpu.vector_store %arg18[%swap3A, %swap3A_235], %add3A_234 {strides = array<i32>} : memref<80x128xf32, #tpu.memory_space<vmem>>, vector<16xf32>,
        %get3A_237 = arith.index_cast %scan3A_224 : i32 to index
        %get3A_238 = arith.constant 16 : index
        %get3A_239 = tpu.vector_load %arg12[%get3A_237, %get3A_238] {strides = array<i32>} : memref<80x128xf32, #tpu.memory_space<vmem>>, vector<16xf32>,
        %get3A_240 = arith.index_cast %scan3A_224 : i32 to index
        %get3A_241 = arith.constant 16 : index
        %get3A_242 = tpu.vector_load %arg13[%get3A_240, %get3A_241] {strides = array<i32>} : memref<80x128xf32, #tpu.memory_space<vmem>>, vector<16xf32>,
        %add3A_243 = arith.addf %get3A_239, %get3A_242 : vector<16xf32>
        %get3A_244 = arith.index_cast %scan3A_224 : i32 to index
        %get3A_245 = arith.constant 16 : index
        %get3A_246 = tpu.vector_load %arg14[%get3A_244, %get3A_245] {strides = array<i32>} : memref<80x128xf32, #tpu.memory_space<vmem>>, vector<16xf32>,
        %add3A_247 = arith.addf %add3A_243, %get3A_246 : vector<16xf32>
        %swap3A_248 = arith.index_cast %scan3A_224 : i32 to index
        %swap3A_249 = arith.constant 16 : index
        %swap3A_250 = tpu.vector_load %arg18[%swap3A_248, %swap3A_249] {strides = array<i32>} : memref<80x128xf32, #tpu.memory_space<vmem>>, vector<16xf32>,
        tpu.vector_store %arg18[%swap3A_248, %swap3A_249], %add3A_247 {strides = array<i32>} : memref<80x128xf32, #tpu.memory_space<vmem>>, vector<16xf32>,
        %get3A_251 = arith.index_cast %scan3A_224 : i32 to index
        %get3A_252 = arith.constant 32 : index
        %get3A_253 = tpu.vector_load %arg12[%get3A_251, %get3A_252] {strides = array<i32>} : memref<80x128xf32, #tpu.memory_space<vmem>>, vector<16xf32>,
        %get3A_254 = arith.index_cast %scan3A_224 : i32 to index
        %get3A_255 = arith.constant 32 : index
        %get3A_256 = tpu.vector_load %arg13[%get3A_254, %get3A_255] {strides = array<i32>} : memref<80x128xf32, #tpu.memory_space<vmem>>, vector<16xf32>,
        %add3A_257 = arith.addf %get3A_253, %get3A_256 : vector<16xf32>
        %get3A_258 = arith.index_cast %scan3A_224 : i32 to index
        %get3A_259 = arith.constant 32 : index
        %get3A_260 = tpu.vector_load %arg14[%get3A_258, %get3A_259] {strides = array<i32>} : memref<80x128xf32, #tpu.memory_space<vmem>>, vector<16xf32>,
        %add3A_261 = arith.addf %add3A_257, %get3A_260 : vector<16xf32>
        %swap3A_262 = arith.index_cast %scan3A_224 : i32 to index
        %swap3A_263 = arith.constant 32 : index
        %swap3A_264 = tpu.vector_load %arg18[%swap3A_262, %swap3A_263] {strides = array<i32>} : memref<80x128xf32, #tpu.memory_space<vmem>>, vector<16xf32>,
        tpu.vector_store %arg18[%swap3A_262, %swap3A_263], %add3A_261 {strides = array<i32>} : memref<80x128xf32, #tpu.memory_space<vmem>>, vector<16xf32>,
        %get3A_265 = arith.index_cast %scan3A_224 : i32 to index
        %get3A_266 = arith.constant 48 : index
        %get3A_267 = tpu.vector_load %arg12[%get3A_265, %get3A_266] {strides = array<i32>} : memref<80x128xf32, #tpu.memory_space<vmem>>, vector<16xf32>,
        %get3A_268 = arith.index_cast %scan3A_224 : i32 to index
        %get3A_269 = arith.constant 48 : index
        %get3A_270 = tpu.vector_load %arg13[%get3A_268, %get3A_269] {strides = array<i32>} : memref<80x128xf32, #tpu.memory_space<vmem>>, vector<16xf32>,
        %add3A_271 = arith.addf %get3A_267, %get3A_270 : vector<16xf32>
        %get3A_272 = arith.index_cast %scan3A_224 : i32 to index
        %get3A_273 = arith.constant 48 : index
        %get3A_274 = tpu.vector_load %arg14[%get3A_272, %get3A_273] {strides = array<i32>} : memref<80x128xf32, #tpu.memory_space<vmem>>, vector<16xf32>,
        %add3A_275 = arith.addf %add3A_271, %get3A_274 : vector<16xf32>
        %swap3A_276 = arith.index_cast %scan3A_224 : i32 to index
        %swap3A_277 = arith.constant 48 : index
        %swap3A_278 = tpu.vector_load %arg18[%swap3A_276, %swap3A_277] {strides = array<i32>} : memref<80x128xf32, #tpu.memory_space<vmem>>, vector<16xf32>,
        tpu.vector_store %arg18[%swap3A_276, %swap3A_277], %add3A_275 {strides = array<i32>} : memref<80x128xf32, #tpu.memory_space<vmem>>, vector<16xf32>,
        %get3A_279 = arith.index_cast %scan3A_224 : i32 to index
        %get3A_280 = arith.constant 64 : index
        %get3A_281 = tpu.vector_load %arg12[%get3A_279, %get3A_280] {strides = array<i32>} : memref<80x128xf32, #tpu.memory_space<vmem>>, vector<16xf32>,
        %get3A_282 = arith.index_cast %scan3A_224 : i32 to index
        %get3A_283 = arith.constant 64 : index
        %get3A_284 = tpu.vector_load %arg13[%get3A_282, %get3A_283] {strides = array<i32>} : memref<80x128xf32, #tpu.memory_space<vmem>>, vector<16xf32>,
        %add3A_285 = arith.addf %get3A_281, %get3A_284 : vector<16xf32>
        %get3A_286 = arith.index_cast %scan3A_224 : i32 to index
        %get3A_287 = arith.constant 64 : index
        %get3A_288 = tpu.vector_load %arg14[%get3A_286, %get3A_287] {strides = array<i32>} : memref<80x128xf32, #tpu.memory_space<vmem>>, vector<16xf32>,
        %add3A_289 = arith.addf %add3A_285, %get3A_288 : vector<16xf32>
        %swap3A_290 = arith.index_cast %scan3A_224 : i32 to index
        %swap3A_291 = arith.constant 64 : index
        %swap3A_292 = tpu.vector_load %arg18[%swap3A_290, %swap3A_291] {strides = array<i32>} : memref<80x128xf32, #tpu.memory_space<vmem>>, vector<16xf32>,
        tpu.vector_store %arg18[%swap3A_290, %swap3A_291], %add3A_289 {strides = array<i32>} : memref<80x128xf32, #tpu.memory_space<vmem>>, vector<16xf32>,
        %get3A_293 = arith.index_cast %scan3A_224 : i32 to index
        %get3A_294 = arith.constant 80 : index
        %get3A_295 = tpu.vector_load %arg12[%get3A_293, %get3A_294] {strides = array<i32>} : memref<80x128xf32, #tpu.memory_space<vmem>>, vector<16xf32>,
        %get3A_296 = arith.index_cast %scan3A_224 : i32 to index
        %get3A_297 = arith.constant 80 : index
        %get3A_298 = tpu.vector_load %arg13[%get3A_296, %get3A_297] {strides = array<i32>} : memref<80x128xf32, #tpu.memory_space<vmem>>, vector<16xf32>,
        %add3A_299 = arith.addf %get3A_295, %get3A_298 : vector<16xf32>
        %get3A_300 = arith.index_cast %scan3A_224 : i32 to index
        %get3A_301 = arith.constant 80 : index
        %get3A_302 = tpu.vector_load %arg14[%get3A_300, %get3A_301] {strides = array<i32>} : memref<80x128xf32, #tpu.memory_space<vmem>>, vector<16xf32>,
        %add3A_303 = arith.addf %add3A_299, %get3A_302 : vector<16xf32>
        %swap3A_304 = arith.index_cast %scan3A_224 : i32 to index
        %swap3A_305 = arith.constant 80 : index
        %swap3A_306 = tpu.vector_load %arg18[%swap3A_304, %swap3A_305] {strides = array<i32>} : memref<80x128xf32, #tpu.memory_space<vmem>>, vector<16xf32>,
        tpu.vector_store %arg18[%swap3A_304, %swap3A_305], %add3A_303 {strides = array<i32>} : memref<80x128xf32, #tpu.memory_space<vmem>>, vector<16xf32>,
        %get3A_307 = arith.index_cast %scan3A_224 : i32 to index
        %get3A_308 = arith.constant 96 : index
        %get3A_309 = tpu.vector_load %arg12[%get3A_307, %get3A_308] {strides = array<i32>} : memref<80x128xf32, #tpu.memory_space<vmem>>, vector<16xf32>,
        %get3A_310 = arith.index_cast %scan3A_224 : i32 to index
        %get3A_311 = arith.constant 96 : index
        %get3A_312 = tpu.vector_load %arg13[%get3A_310, %get3A_311] {strides = array<i32>} : memref<80x128xf32, #tpu.memory_space<vmem>>, vector<16xf32>,
        %add3A_313 = arith.addf %get3A_309, %get3A_312 : vector<16xf32>
        %get3A_314 = arith.index_cast %scan3A_224 : i32 to index
        %get3A_315 = arith.constant 96 : index
        %get3A_316 = tpu.vector_load %arg14[%get3A_314, %get3A_315] {strides = array<i32>} : memref<80x128xf32, #tpu.memory_space<vmem>>, vector<16xf32>,
        %add3A_317 = arith.addf %add3A_313, %get3A_316 : vector<16xf32>
        %swap3A_318 = arith.index_cast %scan3A_224 : i32 to index
        %swap3A_319 = arith.constant 96 : index
        %swap3A_320 = tpu.vector_load %arg18[%swap3A_318, %swap3A_319] {strides = array<i32>} : memref<80x128xf32, #tpu.memory_space<vmem>>, vector<16xf32>,
        tpu.vector_store %arg18[%swap3A_318, %swap3A_319], %add3A_317 {strides = array<i32>} : memref<80x128xf32, #tpu.memory_space<vmem>>, vector<16xf32>,
        %get3A_321 = arith.index_cast %scan3A_224 : i32 to index
        %get3A_322 = arith.constant 112 : index
        %get3A_323 = tpu.vector_load %arg12[%get3A_321, %get3A_322] {strides = array<i32>} : memref<80x128xf32, #tpu.memory_space<vmem>>, vector<16xf32>,
        %get3A_324 = arith.index_cast %scan3A_224 : i32 to index
        %get3A_325 = arith.constant 112 : index
        %get3A_326 = tpu.vector_load %arg13[%get3A_324, %get3A_325] {strides = array<i32>} : memref<80x128xf32, #tpu.memory_space<vmem>>, vector<16xf32>,
        %add3A_327 = arith.addf %get3A_323, %get3A_326 : vector<16xf32>
        %get3A_328 = arith.index_cast %scan3A_224 : i32 to index
        %get3A_329 = arith.constant 112 : index
        %get3A_330 = tpu.vector_load %arg14[%get3A_328, %get3A_329] {strides = array<i32>} : memref<80x128xf32, #tpu.memory_space<vmem>>, vector<16xf32>,
        %add3A_331 = arith.addf %add3A_327, %get3A_330 : vector<16xf32>
        %swap3A_332 = arith.index_cast %scan3A_224 : i32 to index
        %swap3A_333 = arith.constant 112 : index
        %swap3A_334 = tpu.vector_load %arg18[%swap3A_332, %swap3A_333] {strides = array<i32>} : memref<80x128xf32, #tpu.memory_space<vmem>>, vector<16xf32>,
        tpu.vector_store %arg18[%swap3A_332, %swap3A_333], %add3A_331 {strides = array<i32>} : memref<80x128xf32, #tpu.memory_space<vmem>>, vector<16xf32>,
      }
      %scan3A_205 = arith.constant 80 : i32
      %mul3A_206 = arith.constant 80 : i32
      %mul3A_207 = arith.muli %add3A_172, %mul3A_206 : i32
      %add3A_208 = arith.addi %mul3A_2, %mul3A_207 : i32
      %dma_start3A_209 = arith.constant 0 : i32
      %dma_start3A_210 = tpu.memref_slice %arg8[%add3A_208, %dma_start3A_209] : memref<320000x128xf32, #tpu.memory_space<hbm>> -> memref<80x128xf32, #tpu.memory_space<hbm>>
      %dma_start3A_211 = arith.constant 0 : i32
      %dma_start3A_212 = tpu.memref_slice %arg8[%add3A_208, %dma_start3A_211] : memref<320000x128xf32, #tpu.memory_space<hbm>> -> memref<80x128xf32, #tpu.memory_space<hbm>>
      tpu.enqueue_dma source(%arg18 : memref<80x128xf32, #tpu.memory_space<vmem>>) target(%dma_start3A_212 : memref<80x128xf32, #tpu.memory_space<hbm>>) target_semaphore(%arg22 : memref<!tpu.dma_semaphore, #tpu.memory_space<semaphore_mem>>)
      %add3A_213 = arith.constant 2 : i32
      %add3A_214 = arith.addi %add3A_172, %add3A_213 : i32
      %lt3A = arith.constant 125 : i32
      %lt3A_215 = arith.cmpi slt, %add3A_214, %lt3A : i32
      %convert_element_type3A = arith.extui %lt3A_215 : i1 to i32
      %cond3A = arith.constant 0 : i32
      %cond3A_216 = arith.cmpi ne, %convert_element_type3A, %cond3A : i32
      scf.if %cond3A_216 {
        %add3A_224 = arith.constant 2 : i32
        %add3A_225 = arith.addi %add3A_172, %add3A_224 : i32
        %dma_start3A_226 = arith.constant 0 : i32
        %dma_start3A_227 = tpu.memref_slice %arg9[%add3A_225, %dma_start3A_226] : memref<125x80xi32, #tpu.memory_space<vmem>> -> memref<1x80xi32, #tpu.memory_space<vmem>>
        %dma_start3A_228 = tpu.memref_squeeze %dma_start3A_227 : memref<1x80xi32, #tpu.memory_space<vmem>> -> memref<80xi32, #tpu.memory_space<vmem>>
        %dma_start3A_229 = arith.constant 0 : i32
        %dma_start3A_230 = arith.constant 0 : i32
        %dma_start3A_231 = tpu.memref_slice %arg2[%dma_start3A_229, %dma_start3A_230] : memref<40000x128xf32, #tpu.memory_space<hbm>> -> memref<40000x128xf32, #tpu.memory_space<hbm>>
        tpu.enqueue_indirect_dma source(%dma_start3A_231 : memref<40000x128xf32, #tpu.memory_space<hbm>>) target(%arg12 : memref<80x128xf32, #tpu.memory_space<vmem>>) offsets(%dma_start3A_228 : memref<80xi32, #tpu.memory_space<vmem>>) semaphore(%arg20 : memref<!tpu.dma_semaphore, #tpu.memory_space<semaphore_mem>>)
        %dma_start3A_232 = arith.constant 0 : i32
        %dma_start3A_233 = tpu.memref_slice %arg10[%add3A_225, %dma_start3A_232] : memref<125x80xi32, #tpu.memory_space<vmem>> -> memref<1x80xi32, #tpu.memory_space<vmem>>
        %dma_start3A_234 = tpu.memref_squeeze %dma_start3A_233 : memref<1x80xi32, #tpu.memory_space<vmem>> -> memref<80xi32, #tpu.memory_space<vmem>>
        %dma_start3A_235 = arith.constant 0 : i32
        %dma_start3A_236 = arith.constant 0 : i32
        %dma_start3A_237 = tpu.memref_slice %arg3[%dma_start3A_235, %dma_start3A_236] : memref<10000x128xf32, #tpu.memory_space<hbm>> -> memref<10000x128xf32, #tpu.memory_space<hbm>>
        tpu.enqueue_indirect_dma source(%dma_start3A_237 : memref<10000x128xf32, #tpu.memory_space<hbm>>) target(%arg13 : memref<80x128xf32, #tpu.memory_space<vmem>>) offsets(%dma_start3A_234 : memref<80xi32, #tpu.memory_space<vmem>>) semaphore(%arg20 : memref<!tpu.dma_semaphore, #tpu.memory_space<semaphore_mem>>)
        %dma_start3A_238 = arith.constant 0 : i32
        %dma_start3A_239 = tpu.memref_slice %arg11[%add3A_225, %dma_start3A_238] : memref<125x80xi32, #tpu.memory_space<vmem>> -> memref<1x80xi32, #tpu.memory_space<vmem>>
        %dma_start3A_240 = tpu.memref_squeeze %dma_start3A_239 : memref<1x80xi32, #tpu.memory_space<vmem>> -> memref<80xi32, #tpu.memory_space<vmem>>
        %dma_start3A_241 = arith.constant 0 : i32
        %dma_start3A_242 = arith.constant 0 : i32
        %dma_start3A_243 = tpu.memref_slice %arg4[%dma_start3A_241, %dma_start3A_242] : memref<10000x128xf32, #tpu.memory_space<hbm>> -> memref<10000x128xf32, #tpu.memory_space<hbm>>
        tpu.enqueue_indirect_dma source(%dma_start3A_243 : memref<10000x128xf32, #tpu.memory_space<hbm>>) target(%arg14 : memref<80x128xf32, #tpu.memory_space<vmem>>) offsets(%dma_start3A_240 : memref<80xi32, #tpu.memory_space<vmem>>) semaphore(%arg20 : memref<!tpu.dma_semaphore, #tpu.memory_space<semaphore_mem>>)
      } else {
      }
      %add3A_217 = arith.constant 1 : i32
      %add3A_218 = arith.addi %add3A_172, %add3A_217 : i32
      %lt3A_219 = arith.constant 125 : i32
      %lt3A_220 = arith.cmpi slt, %add3A_218, %lt3A_219 : i32
      %convert_element_type3A_221 = arith.extui %lt3A_220 : i1 to i32
      %cond3A_222 = arith.constant 0 : i32
      %cond3A_223 = arith.cmpi ne, %convert_element_type3A_221, %cond3A_222 : i32
      scf.if %cond3A_223 {
        %add3A_224 = arith.constant 1 : i32
        %add3A_225 = arith.addi %add3A_172, %add3A_224 : i32
        %dma_wait3A_226 = arith.constant 0 : i32
        %dma_wait3A_227 = arith.constant 0 : i32
        %dma_wait3A_228 = tpu.memref_slice %arg9[%dma_wait3A_226, %dma_wait3A_227] : memref<125x80xi32, #tpu.memory_space<vmem>> -> memref<1x80xi32, #tpu.memory_space<vmem>>
        %dma_wait3A_229 = tpu.memref_squeeze %dma_wait3A_228 : memref<1x80xi32, #tpu.memory_space<vmem>> -> memref<80xi32, #tpu.memory_space<vmem>>
        %dma_wait3A_230 = arith.constant 0 : i32
        %dma_wait3A_231 = arith.constant 0 : i32
        %dma_wait3A_232 = tpu.memref_slice %arg2[%dma_wait3A_230, %dma_wait3A_231] : memref<40000x128xf32, #tpu.memory_space<hbm>> -> memref<40000x128xf32, #tpu.memory_space<hbm>>
        tpu.wait_indirect_dma semaphore(%arg21 : memref<!tpu.dma_semaphore, #tpu.memory_space<semaphore_mem>>) src(%dma_wait3A_232 : memref<40000x128xf32, #tpu.memory_space<hbm>>) dst(%arg15 : memref<80x128xf32, #tpu.memory_space<vmem>>)
        %dma_wait3A_233 = arith.constant 0 : i32
        %dma_wait3A_234 = arith.constant 0 : i32
        %dma_wait3A_235 = tpu.memref_slice %arg9[%dma_wait3A_233, %dma_wait3A_234] : memref<125x80xi32, #tpu.memory_space<vmem>> -> memref<1x80xi32, #tpu.memory_space<vmem>>
        %dma_wait3A_236 = tpu.memref_squeeze %dma_wait3A_235 : memref<1x80xi32, #tpu.memory_space<vmem>> -> memref<80xi32, #tpu.memory_space<vmem>>
        %dma_wait3A_237 = arith.constant 0 : i32
        %dma_wait3A_238 = arith.constant 0 : i32
        %dma_wait3A_239 = tpu.memref_slice %arg2[%dma_wait3A_237, %dma_wait3A_238] : memref<40000x128xf32, #tpu.memory_space<hbm>> -> memref<40000x128xf32, #tpu.memory_space<hbm>>
        tpu.wait_indirect_dma semaphore(%arg21 : memref<!tpu.dma_semaphore, #tpu.memory_space<semaphore_mem>>) src(%dma_wait3A_239 : memref<40000x128xf32, #tpu.memory_space<hbm>>) dst(%arg15 : memref<80x128xf32, #tpu.memory_space<vmem>>)
        %dma_wait3A_240 = arith.constant 0 : i32
        %dma_wait3A_241 = arith.constant 0 : i32
        %dma_wait3A_242 = tpu.memref_slice %arg9[%dma_wait3A_240, %dma_wait3A_241] : memref<125x80xi32, #tpu.memory_space<vmem>> -> memref<1x80xi32, #tpu.memory_space<vmem>>
        %dma_wait3A_243 = tpu.memref_squeeze %dma_wait3A_242 : memref<1x80xi32, #tpu.memory_space<vmem>> -> memref<80xi32, #tpu.memory_space<vmem>>
        %dma_wait3A_244 = arith.constant 0 : i32
        %dma_wait3A_245 = arith.constant 0 : i32
        %dma_wait3A_246 = tpu.memref_slice %arg2[%dma_wait3A_244, %dma_wait3A_245] : memref<40000x128xf32, #tpu.memory_space<hbm>> -> memref<40000x128xf32, #tpu.memory_space<hbm>>
        tpu.wait_indirect_dma semaphore(%arg21 : memref<!tpu.dma_semaphore, #tpu.memory_space<semaphore_mem>>) src(%dma_wait3A_246 : memref<40000x128xf32, #tpu.memory_space<hbm>>) dst(%arg15 : memref<80x128xf32, #tpu.memory_space<vmem>>)
        %dma_wait3A_247 = arith.constant 0 : i32
        %dma_wait3A_248 = arith.constant 0 : i32
        %dma_wait3A_249 = tpu.memref_slice %arg8[%dma_wait3A_247, %dma_wait3A_248] : memref<320000x128xf32, #tpu.memory_space<hbm>> -> memref<80x128xf32, #tpu.memory_space<hbm>>
        %dma_wait3A_250 = arith.constant 0 : i32
        %dma_wait3A_251 = arith.constant 0 : i32
        %dma_wait3A_252 = tpu.memref_slice %arg8[%dma_wait3A_250, %dma_wait3A_251] : memref<320000x128xf32, #tpu.memory_space<hbm>> -> memref<80x128xf32, #tpu.memory_space<hbm>>
        tpu.wait_dma2 semaphore(%arg23 : memref<!tpu.dma_semaphore, #tpu.memory_space<semaphore_mem>>) src(%arg19 : memref<80x128xf32, #tpu.memory_space<vmem>>) dst(%dma_wait3A_252 : memref<80x128xf32, #tpu.memory_space<hbm>>)
        %scan3A_253 = arith.constant 0 : i32
        %scan3A_254 = arith.constant 0 : i32
        %scan3A_255 = arith.constant 80 : i32
        %scan3A_256 = arith.addi %scan3A_254, %scan3A_255 : i32
        %scan3A_257 = arith.constant 1 : i32
        scf.for %scan3A_273 = %scan3A_254 to %scan3A_256 step %scan3A_257  : i32 {
          %get3A = arith.index_cast %scan3A_273 : i32 to index
          %get3A_274 = arith.constant 0 : index
          %get3A_275 = tpu.vector_load %arg15[%get3A, %get3A_274] {strides = array<i32>} : memref<80x128xf32, #tpu.memory_space<vmem>>, vector<16xf32>,
          %get3A_276 = arith.index_cast %scan3A_273 : i32 to index
          %get3A_277 = arith.constant 0 : index
          %get3A_278 = tpu.vector_load %arg16[%get3A_276, %get3A_277] {strides = array<i32>} : memref<80x128xf32, #tpu.memory_space<vmem>>, vector<16xf32>,
          %add3A_279 = arith.addf %get3A_275, %get3A_278 : vector<16xf32>
          %get3A_280 = arith.index_cast %scan3A_273 : i32 to index
          %get3A_281 = arith.constant 0 : index
          %get3A_282 = tpu.vector_load %arg17[%get3A_280, %get3A_281] {strides = array<i32>} : memref<80x128xf32, #tpu.memory_space<vmem>>, vector<16xf32>,
          %add3A_283 = arith.addf %add3A_279, %get3A_282 : vector<16xf32>
          %swap3A = arith.index_cast %scan3A_273 : i32 to index
          %swap3A_284 = arith.constant 0 : index
          %swap3A_285 = tpu.vector_load %arg19[%swap3A, %swap3A_284] {strides = array<i32>} : memref<80x128xf32, #tpu.memory_space<vmem>>, vector<16xf32>,
          tpu.vector_store %arg19[%swap3A, %swap3A_284], %add3A_283 {strides = array<i32>} : memref<80x128xf32, #tpu.memory_space<vmem>>, vector<16xf32>,
          %get3A_286 = arith.index_cast %scan3A_273 : i32 to index
          %get3A_287 = arith.constant 16 : index
          %get3A_288 = tpu.vector_load %arg15[%get3A_286, %get3A_287] {strides = array<i32>} : memref<80x128xf32, #tpu.memory_space<vmem>>, vector<16xf32>,
          %get3A_289 = arith.index_cast %scan3A_273 : i32 to index
          %get3A_290 = arith.constant 16 : index
          %get3A_291 = tpu.vector_load %arg16[%get3A_289, %get3A_290] {strides = array<i32>} : memref<80x128xf32, #tpu.memory_space<vmem>>, vector<16xf32>,
          %add3A_292 = arith.addf %get3A_288, %get3A_291 : vector<16xf32>
          %get3A_293 = arith.index_cast %scan3A_273 : i32 to index
          %get3A_294 = arith.constant 16 : index
          %get3A_295 = tpu.vector_load %arg17[%get3A_293, %get3A_294] {strides = array<i32>} : memref<80x128xf32, #tpu.memory_space<vmem>>, vector<16xf32>,
          %add3A_296 = arith.addf %add3A_292, %get3A_295 : vector<16xf32>
          %swap3A_297 = arith.index_cast %scan3A_273 : i32 to index
          %swap3A_298 = arith.constant 16 : index
          %swap3A_299 = tpu.vector_load %arg19[%swap3A_297, %swap3A_298] {strides = array<i32>} : memref<80x128xf32, #tpu.memory_space<vmem>>, vector<16xf32>,
          tpu.vector_store %arg19[%swap3A_297, %swap3A_298], %add3A_296 {strides = array<i32>} : memref<80x128xf32, #tpu.memory_space<vmem>>, vector<16xf32>,
          %get3A_300 = arith.index_cast %scan3A_273 : i32 to index
          %get3A_301 = arith.constant 32 : index
          %get3A_302 = tpu.vector_load %arg15[%get3A_300, %get3A_301] {strides = array<i32>} : memref<80x128xf32, #tpu.memory_space<vmem>>, vector<16xf32>,
          %get3A_303 = arith.index_cast %scan3A_273 : i32 to index
          %get3A_304 = arith.constant 32 : index
          %get3A_305 = tpu.vector_load %arg16[%get3A_303, %get3A_304] {strides = array<i32>} : memref<80x128xf32, #tpu.memory_space<vmem>>, vector<16xf32>,
          %add3A_306 = arith.addf %get3A_302, %get3A_305 : vector<16xf32>
          %get3A_307 = arith.index_cast %scan3A_273 : i32 to index
          %get3A_308 = arith.constant 32 : index
          %get3A_309 = tpu.vector_load %arg17[%get3A_307, %get3A_308] {strides = array<i32>} : memref<80x128xf32, #tpu.memory_space<vmem>>, vector<16xf32>,
          %add3A_310 = arith.addf %add3A_306, %get3A_309 : vector<16xf32>
          %swap3A_311 = arith.index_cast %scan3A_273 : i32 to index
          %swap3A_312 = arith.constant 32 : index
          %swap3A_313 = tpu.vector_load %arg19[%swap3A_311, %swap3A_312] {strides = array<i32>} : memref<80x128xf32, #tpu.memory_space<vmem>>, vector<16xf32>,
          tpu.vector_store %arg19[%swap3A_311, %swap3A_312], %add3A_310 {strides = array<i32>} : memref<80x128xf32, #tpu.memory_space<vmem>>, vector<16xf32>,
          %get3A_314 = arith.index_cast %scan3A_273 : i32 to index
          %get3A_315 = arith.constant 48 : index
          %get3A_316 = tpu.vector_load %arg15[%get3A_314, %get3A_315] {strides = array<i32>} : memref<80x128xf32, #tpu.memory_space<vmem>>, vector<16xf32>,
          %get3A_317 = arith.index_cast %scan3A_273 : i32 to index
          %get3A_318 = arith.constant 48 : index
          %get3A_319 = tpu.vector_load %arg16[%get3A_317, %get3A_318] {strides = array<i32>} : memref<80x128xf32, #tpu.memory_space<vmem>>, vector<16xf32>,
          %add3A_320 = arith.addf %get3A_316, %get3A_319 : vector<16xf32>
          %get3A_321 = arith.index_cast %scan3A_273 : i32 to index
          %get3A_322 = arith.constant 48 : index
          %get3A_323 = tpu.vector_load %arg17[%get3A_321, %get3A_322] {strides = array<i32>} : memref<80x128xf32, #tpu.memory_space<vmem>>, vector<16xf32>,
          %add3A_324 = arith.addf %add3A_320, %get3A_323 : vector<16xf32>
          %swap3A_325 = arith.index_cast %scan3A_273 : i32 to index
          %swap3A_326 = arith.constant 48 : index
          %swap3A_327 = tpu.vector_load %arg19[%swap3A_325, %swap3A_326] {strides = array<i32>} : memref<80x128xf32, #tpu.memory_space<vmem>>, vector<16xf32>,
          tpu.vector_store %arg19[%swap3A_325, %swap3A_326], %add3A_324 {strides = array<i32>} : memref<80x128xf32, #tpu.memory_space<vmem>>, vector<16xf32>,
          %get3A_328 = arith.index_cast %scan3A_273 : i32 to index
          %get3A_329 = arith.constant 64 : index
          %get3A_330 = tpu.vector_load %arg15[%get3A_328, %get3A_329] {strides = array<i32>} : memref<80x128xf32, #tpu.memory_space<vmem>>, vector<16xf32>,
          %get3A_331 = arith.index_cast %scan3A_273 : i32 to index
          %get3A_332 = arith.constant 64 : index
          %get3A_333 = tpu.vector_load %arg16[%get3A_331, %get3A_332] {strides = array<i32>} : memref<80x128xf32, #tpu.memory_space<vmem>>, vector<16xf32>,
          %add3A_334 = arith.addf %get3A_330, %get3A_333 : vector<16xf32>
          %get3A_335 = arith.index_cast %scan3A_273 : i32 to index
          %get3A_336 = arith.constant 64 : index
          %get3A_337 = tpu.vector_load %arg17[%get3A_335, %get3A_336] {strides = array<i32>} : memref<80x128xf32, #tpu.memory_space<vmem>>, vector<16xf32>,
          %add3A_338 = arith.addf %add3A_334, %get3A_337 : vector<16xf32>
          %swap3A_339 = arith.index_cast %scan3A_273 : i32 to index
          %swap3A_340 = arith.constant 64 : index
          %swap3A_341 = tpu.vector_load %arg19[%swap3A_339, %swap3A_340] {strides = array<i32>} : memref<80x128xf32, #tpu.memory_space<vmem>>, vector<16xf32>,
          tpu.vector_store %arg19[%swap3A_339, %swap3A_340], %add3A_338 {strides = array<i32>} : memref<80x128xf32, #tpu.memory_space<vmem>>, vector<16xf32>,
          %get3A_342 = arith.index_cast %scan3A_273 : i32 to index
          %get3A_343 = arith.constant 80 : index
          %get3A_344 = tpu.vector_load %arg15[%get3A_342, %get3A_343] {strides = array<i32>} : memref<80x128xf32, #tpu.memory_space<vmem>>, vector<16xf32>,
          %get3A_345 = arith.index_cast %scan3A_273 : i32 to index
          %get3A_346 = arith.constant 80 : index
          %get3A_347 = tpu.vector_load %arg16[%get3A_345, %get3A_346] {strides = array<i32>} : memref<80x128xf32, #tpu.memory_space<vmem>>, vector<16xf32>,
          %add3A_348 = arith.addf %get3A_344, %get3A_347 : vector<16xf32>
          %get3A_349 = arith.index_cast %scan3A_273 : i32 to index
          %get3A_350 = arith.constant 80 : index
          %get3A_351 = tpu.vector_load %arg17[%get3A_349, %get3A_350] {strides = array<i32>} : memref<80x128xf32, #tpu.memory_space<vmem>>, vector<16xf32>,
          %add3A_352 = arith.addf %add3A_348, %get3A_351 : vector<16xf32>
          %swap3A_353 = arith.index_cast %scan3A_273 : i32 to index
          %swap3A_354 = arith.constant 80 : index
          %swap3A_355 = tpu.vector_load %arg19[%swap3A_353, %swap3A_354] {strides = array<i32>} : memref<80x128xf32, #tpu.memory_space<vmem>>, vector<16xf32>,
          tpu.vector_store %arg19[%swap3A_353, %swap3A_354], %add3A_352 {strides = array<i32>} : memref<80x128xf32, #tpu.memory_space<vmem>>, vector<16xf32>,
          %get3A_356 = arith.index_cast %scan3A_273 : i32 to index
          %get3A_357 = arith.constant 96 : index
          %get3A_358 = tpu.vector_load %arg15[%get3A_356, %get3A_357] {strides = array<i32>} : memref<80x128xf32, #tpu.memory_space<vmem>>, vector<16xf32>,
          %get3A_359 = arith.index_cast %scan3A_273 : i32 to index
          %get3A_360 = arith.constant 96 : index
          %get3A_361 = tpu.vector_load %arg16[%get3A_359, %get3A_360] {strides = array<i32>} : memref<80x128xf32, #tpu.memory_space<vmem>>, vector<16xf32>,
          %add3A_362 = arith.addf %get3A_358, %get3A_361 : vector<16xf32>
          %get3A_363 = arith.index_cast %scan3A_273 : i32 to index
          %get3A_364 = arith.constant 96 : index
          %get3A_365 = tpu.vector_load %arg17[%get3A_363, %get3A_364] {strides = array<i32>} : memref<80x128xf32, #tpu.memory_space<vmem>>, vector<16xf32>,
          %add3A_366 = arith.addf %add3A_362, %get3A_365 : vector<16xf32>
          %swap3A_367 = arith.index_cast %scan3A_273 : i32 to index
          %swap3A_368 = arith.constant 96 : index
          %swap3A_369 = tpu.vector_load %arg19[%swap3A_367, %swap3A_368] {strides = array<i32>} : memref<80x128xf32, #tpu.memory_space<vmem>>, vector<16xf32>,
          tpu.vector_store %arg19[%swap3A_367, %swap3A_368], %add3A_366 {strides = array<i32>} : memref<80x128xf32, #tpu.memory_space<vmem>>, vector<16xf32>,
          %get3A_370 = arith.index_cast %scan3A_273 : i32 to index
          %get3A_371 = arith.constant 112 : index
          %get3A_372 = tpu.vector_load %arg15[%get3A_370, %get3A_371] {strides = array<i32>} : memref<80x128xf32, #tpu.memory_space<vmem>>, vector<16xf32>,
          %get3A_373 = arith.index_cast %scan3A_273 : i32 to index
          %get3A_374 = arith.constant 112 : index
          %get3A_375 = tpu.vector_load %arg16[%get3A_373, %get3A_374] {strides = array<i32>} : memref<80x128xf32, #tpu.memory_space<vmem>>, vector<16xf32>,
          %add3A_376 = arith.addf %get3A_372, %get3A_375 : vector<16xf32>
          %get3A_377 = arith.index_cast %scan3A_273 : i32 to index
          %get3A_378 = arith.constant 112 : index
          %get3A_379 = tpu.vector_load %arg17[%get3A_377, %get3A_378] {strides = array<i32>} : memref<80x128xf32, #tpu.memory_space<vmem>>, vector<16xf32>,
          %add3A_380 = arith.addf %add3A_376, %get3A_379 : vector<16xf32>
          %swap3A_381 = arith.index_cast %scan3A_273 : i32 to index
          %swap3A_382 = arith.constant 112 : index
          %swap3A_383 = tpu.vector_load %arg19[%swap3A_381, %swap3A_382] {strides = array<i32>} : memref<80x128xf32, #tpu.memory_space<vmem>>, vector<16xf32>,
          tpu.vector_store %arg19[%swap3A_381, %swap3A_382], %add3A_380 {strides = array<i32>} : memref<80x128xf32, #tpu.memory_space<vmem>>, vector<16xf32>,
        }
        %scan3A_258 = arith.constant 80 : i32
        %mul3A_259 = arith.constant 80 : i32
        %mul3A_260 = arith.muli %add3A_225, %mul3A_259 : i32
        %add3A_261 = arith.addi %mul3A_2, %mul3A_260 : i32
        %dma_start3A_262 = arith.constant 0 : i32
        %dma_start3A_263 = tpu.memref_slice %arg8[%add3A_261, %dma_start3A_262] : memref<320000x128xf32, #tpu.memory_space<hbm>> -> memref<80x128xf32, #tpu.memory_space<hbm>>
        %dma_start3A_264 = arith.constant 0 : i32
        %dma_start3A_265 = tpu.memref_slice %arg8[%add3A_261, %dma_start3A_264] : memref<320000x128xf32, #tpu.memory_space<hbm>> -> memref<80x128xf32, #tpu.memory_space<hbm>>
        tpu.enqueue_dma source(%arg19 : memref<80x128xf32, #tpu.memory_space<vmem>>) target(%dma_start3A_265 : memref<80x128xf32, #tpu.memory_space<hbm>>) target_semaphore(%arg23 : memref<!tpu.dma_semaphore, #tpu.memory_space<semaphore_mem>>)
        %add3A_266 = arith.constant 3 : i32
        %add3A_267 = arith.addi %add3A_172, %add3A_266 : i32
        %lt3A_268 = arith.constant 125 : i32
        %lt3A_269 = arith.cmpi slt, %add3A_267, %lt3A_268 : i32
        %convert_element_type3A_270 = arith.extui %lt3A_269 : i1 to i32
        %cond3A_271 = arith.constant 0 : i32
        %cond3A_272 = arith.cmpi ne, %convert_element_type3A_270, %cond3A_271 : i32
        scf.if %cond3A_272 {
          %add3A_273 = arith.constant 3 : i32
          %add3A_274 = arith.addi %add3A_172, %add3A_273 : i32
          %dma_start3A_275 = arith.constant 0 : i32
          %dma_start3A_276 = tpu.memref_slice %arg9[%add3A_274, %dma_start3A_275] : memref<125x80xi32, #tpu.memory_space<vmem>> -> memref<1x80xi32, #tpu.memory_space<vmem>>
          %dma_start3A_277 = tpu.memref_squeeze %dma_start3A_276 : memref<1x80xi32, #tpu.memory_space<vmem>> -> memref<80xi32, #tpu.memory_space<vmem>>
          %dma_start3A_278 = arith.constant 0 : i32
          %dma_start3A_279 = arith.constant 0 : i32
          %dma_start3A_280 = tpu.memref_slice %arg2[%dma_start3A_278, %dma_start3A_279] : memref<40000x128xf32, #tpu.memory_space<hbm>> -> memref<40000x128xf32, #tpu.memory_space<hbm>>
          tpu.enqueue_indirect_dma source(%dma_start3A_280 : memref<40000x128xf32, #tpu.memory_space<hbm>>) target(%arg15 : memref<80x128xf32, #tpu.memory_space<vmem>>) offsets(%dma_start3A_277 : memref<80xi32, #tpu.memory_space<vmem>>) semaphore(%arg21 : memref<!tpu.dma_semaphore, #tpu.memory_space<semaphore_mem>>)
          %dma_start3A_281 = arith.constant 0 : i32
          %dma_start3A_282 = tpu.memref_slice %arg10[%add3A_274, %dma_start3A_281] : memref<125x80xi32, #tpu.memory_space<vmem>> -> memref<1x80xi32, #tpu.memory_space<vmem>>
          %dma_start3A_283 = tpu.memref_squeeze %dma_start3A_282 : memref<1x80xi32, #tpu.memory_space<vmem>> -> memref<80xi32, #tpu.memory_space<vmem>>
          %dma_start3A_284 = arith.constant 0 : i32
          %dma_start3A_285 = arith.constant 0 : i32
          %dma_start3A_286 = tpu.memref_slice %arg3[%dma_start3A_284, %dma_start3A_285] : memref<10000x128xf32, #tpu.memory_space<hbm>> -> memref<10000x128xf32, #tpu.memory_space<hbm>>
          tpu.enqueue_indirect_dma source(%dma_start3A_286 : memref<10000x128xf32, #tpu.memory_space<hbm>>) target(%arg16 : memref<80x128xf32, #tpu.memory_space<vmem>>) offsets(%dma_start3A_283 : memref<80xi32, #tpu.memory_space<vmem>>) semaphore(%arg21 : memref<!tpu.dma_semaphore, #tpu.memory_space<semaphore_mem>>)
          %dma_start3A_287 = arith.constant 0 : i32
          %dma_start3A_288 = tpu.memref_slice %arg11[%add3A_274, %dma_start3A_287] : memref<125x80xi32, #tpu.memory_space<vmem>> -> memref<1x80xi32, #tpu.memory_space<vmem>>
          %dma_start3A_289 = tpu.memref_squeeze %dma_start3A_288 : memref<1x80xi32, #tpu.memory_space<vmem>> -> memref<80xi32, #tpu.memory_space<vmem>>
          %dma_start3A_290 = arith.constant 0 : i32
          %dma_start3A_291 = arith.constant 0 : i32
          %dma_start3A_292 = tpu.memref_slice %arg4[%dma_start3A_290, %dma_start3A_291] : memref<10000x128xf32, #tpu.memory_space<hbm>> -> memref<10000x128xf32, #tpu.memory_space<hbm>>
          tpu.enqueue_indirect_dma source(%dma_start3A_292 : memref<10000x128xf32, #tpu.memory_space<hbm>>) target(%arg17 : memref<80x128xf32, #tpu.memory_space<vmem>>) offsets(%dma_start3A_289 : memref<80xi32, #tpu.memory_space<vmem>>) semaphore(%arg21 : memref<!tpu.dma_semaphore, #tpu.memory_space<semaphore_mem>>)
        } else {
        }
      } else {
      }
    }
    %scan3A_155 = arith.constant 62 : i32
    %dma_wait3A_156 = arith.constant 0 : i32
    %dma_wait3A_157 = arith.constant 0 : i32
    %dma_wait3A_158 = tpu.memref_slice %arg8[%dma_wait3A_156, %dma_wait3A_157] : memref<320000x128xf32, #tpu.memory_space<hbm>> -> memref<80x128xf32, #tpu.memory_space<hbm>>
    %dma_wait3A_159 = arith.constant 0 : i32
    %dma_wait3A_160 = arith.constant 0 : i32
    %dma_wait3A_161 = tpu.memref_slice %arg8[%dma_wait3A_159, %dma_wait3A_160] : memref<320000x128xf32, #tpu.memory_space<hbm>> -> memref<80x128xf32, #tpu.memory_space<hbm>>
    tpu.wait_dma2 semaphore(%arg22 : memref<!tpu.dma_semaphore, #tpu.memory_space<semaphore_mem>>) src(%arg18 : memref<80x128xf32, #tpu.memory_space<vmem>>) dst(%dma_wait3A_161 : memref<80x128xf32, #tpu.memory_space<hbm>>)
    %dma_wait3A_162 = arith.constant 0 : i32
    %dma_wait3A_163 = arith.constant 0 : i32
    %dma_wait3A_164 = tpu.memref_slice %arg8[%dma_wait3A_162, %dma_wait3A_163] : memref<320000x128xf32, #tpu.memory_space<hbm>> -> memref<80x128xf32, #tpu.memory_space<hbm>>
    %dma_wait3A_165 = arith.constant 0 : i32
    %dma_wait3A_166 = arith.constant 0 : i32
    %dma_wait3A_167 = tpu.memref_slice %arg8[%dma_wait3A_165, %dma_wait3A_166] : memref<320000x128xf32, #tpu.memory_space<hbm>> -> memref<80x128xf32, #tpu.memory_space<hbm>>
    tpu.wait_dma2 semaphore(%arg23 : memref<!tpu.dma_semaphore, #tpu.memory_space<semaphore_mem>>) src(%arg19 : memref<80x128xf32, #tpu.memory_space<vmem>>) dst(%dma_wait3A_167 : memref<80x128xf32, #tpu.memory_space<hbm>>)
    return
  }
}

module attributes {stable_mosaic.version = 14 : i64} {
  func.func @body(%arg0: i32, %arg1: memref<2000x128xf32, #tpu.memory_space<vmem>>, %arg2: memref<448x128xf32, #tpu.memory_space<vmem>>, %arg3: memref<1x128xf32, #tpu.memory_space<vmem>>, %arg4: memref<4x64xf32, #tpu.memory_space<vmem>>, %arg5: memref<8000x128xf32, #tpu.memory_space<vmem>>, %arg6: memref<2000x128xf32, #tpu.memory_space<vmem>>, %arg7: memref<2000x128xf32, #tpu.memory_space<vmem>>) attributes {dimension_semantics = [#tpu.dimension_semantics<arbitrary>], iteration_bounds = array<i64: 5>, scalar_prefetch = 0 : i64, scratch_operands = 0 : i64, tpu.core_type = #tpu.core_type<tc>, window_params = [{transform_indices = @transform_0, window_bounds = array<i64: 2000, 128>}, {pipeline_mode = #tpu.pipeline_mode<synchronous>, transform_indices = @transform_1, window_bounds = array<i64: 448, 128>}, {pipeline_mode = #tpu.pipeline_mode<synchronous>, transform_indices = @transform_2, window_bounds = array<i64: 1, 128>}, {pipeline_mode = #tpu.pipeline_mode<synchronous>, transform_indices = @transform_3, window_bounds = array<i64: 4, 64>}, {transform_indices = @transform_4, window_bounds = array<i64: 8000, 128>}, {transform_indices = @transform_5, window_bounds = array<i64: 2000, 128>}, {transform_indices = @transform_6, window_bounds = array<i64: 2000, 128>}]} {
    %get3A = arith.constant 0 : index
    %get3A_0 = arith.constant 0 : index
    %get3A_1 = vector.load %arg1[%get3A, %get3A_0] : memref<2000x128xf32, #tpu.memory_space<vmem>>, vector<2000x128xf32>
    %get3A_2 = arith.constant 0 : index
    %get3A_3 = arith.constant 0 : index
    %get3A_4 = vector.load %arg2[%get3A_2, %get3A_3] : memref<448x128xf32, #tpu.memory_space<vmem>>, vector<128x128xf32>
    %dot_general3A = arith.constant dense<0.000000e+00> : vector<2000x128xf32>
    %dot_general3A_5 = tpu.matmul %get3A_1, %get3A_4, %dot_general3A {dimension_numbers = #tpu.dot_dimension_numbers<[1], [0], [0], [1], [0, 0, 1, 1], [], []>, transpose_lhs_hint = false} : vector<2000x128xf32>, vector<128x128xf32>, vector<2000x128xf32> -> vector<2000x128xf32>
    %get3A_6 = arith.constant 0 : index
    %get3A_7 = arith.constant 0 : index
    %get3A_8 = vector.load %arg4[%get3A_6, %get3A_7] : memref<4x64xf32, #tpu.memory_space<vmem>>, vector<4x64xf32>
    %get3A_9 = arith.constant 384 : index
    %get3A_10 = arith.constant 0 : index
    %get3A_11 = vector.load %arg2[%get3A_9, %get3A_10] : memref<448x128xf32, #tpu.memory_space<vmem>>, vector<64x128xf32>
    %dot_general3A_12 = arith.constant dense<0.000000e+00> : vector<4x128xf32>
    %dot_general3A_13 = tpu.matmul %get3A_8, %get3A_11, %dot_general3A_12 {dimension_numbers = #tpu.dot_dimension_numbers<[1], [0], [0], [1], [0, 0, 1, 1], [], []>, transpose_lhs_hint = false} : vector<4x64xf32>, vector<64x128xf32>, vector<4x128xf32> -> vector<4x128xf32>
    %get3A_14 = arith.constant 0 : index
    %get3A_15 = arith.constant 0 : index
    %get3A_16 = vector.load %arg3[%get3A_14, %get3A_15] : memref<1x128xf32, #tpu.memory_space<vmem>>, vector<1x128xf32>
    %add3A = vector.broadcast %get3A_16 : vector<1x128xf32> to vector<4x128xf32>
    %add3A_17 = arith.addf %dot_general3A_13, %add3A : vector<4x128xf32>
    %broadcast_in_dim3A = vector.shape_cast %dot_general3A_5 : vector<2000x128xf32> to vector<2000x1x128xf32>
    %broadcast_in_dim3A_18 = vector.shape_cast %add3A_17 : vector<4x128xf32> to vector<1x4x128xf32>
    %add3A_19 = vector.broadcast %broadcast_in_dim3A : vector<2000x1x128xf32> to vector<2000x4x128xf32>
    %add3A_20 = vector.broadcast %broadcast_in_dim3A_18 : vector<1x4x128xf32> to vector<2000x4x128xf32>
    %add3A_21 = arith.addf %add3A_19, %add3A_20 : vector<2000x4x128xf32>
    %reshape3A = vector.shape_cast %add3A_21 : vector<2000x4x128xf32> to vector<8000x128xf32>
    %swap3A = arith.constant 0 : index
    %swap3A_22 = arith.constant 0 : index
    %swap3A_23 = vector.load %arg5[%swap3A, %swap3A_22] : memref<8000x128xf32, #tpu.memory_space<vmem>>, vector<8000x128xf32>
    tpu.vector_store %arg5[%swap3A, %swap3A_22], %reshape3A {strides = array<i32>} : memref<8000x128xf32, #tpu.memory_space<vmem>>, vector<8000x128xf32>,
    %get3A_24 = arith.constant 128 : index
    %get3A_25 = arith.constant 0 : index
    %get3A_26 = vector.load %arg2[%get3A_24, %get3A_25] : memref<448x128xf32, #tpu.memory_space<vmem>>, vector<128x128xf32>
    %dot_general3A_27 = arith.constant dense<0.000000e+00> : vector<2000x128xf32>
    %dot_general3A_28 = tpu.matmul %get3A_1, %get3A_26, %dot_general3A_27 {dimension_numbers = #tpu.dot_dimension_numbers<[1], [0], [0], [1], [0, 0, 1, 1], [], []>, transpose_lhs_hint = false} : vector<2000x128xf32>, vector<128x128xf32>, vector<2000x128xf32> -> vector<2000x128xf32>
    %swap3A_29 = arith.constant 0 : index
    %swap3A_30 = arith.constant 0 : index
    %swap3A_31 = vector.load %arg6[%swap3A_29, %swap3A_30] : memref<2000x128xf32, #tpu.memory_space<vmem>>, vector<2000x128xf32>
    tpu.vector_store %arg6[%swap3A_29, %swap3A_30], %dot_general3A_28 {strides = array<i32>} : memref<2000x128xf32, #tpu.memory_space<vmem>>, vector<2000x128xf32>,
    %get3A_32 = arith.constant 256 : index
    %get3A_33 = arith.constant 0 : index
    %get3A_34 = vector.load %arg2[%get3A_32, %get3A_33] : memref<448x128xf32, #tpu.memory_space<vmem>>, vector<128x128xf32>
    %dot_general3A_35 = arith.constant dense<0.000000e+00> : vector<2000x128xf32>
    %dot_general3A_36 = tpu.matmul %get3A_1, %get3A_34, %dot_general3A_35 {dimension_numbers = #tpu.dot_dimension_numbers<[1], [0], [0], [1], [0, 0, 1, 1], [], []>, transpose_lhs_hint = false} : vector<2000x128xf32>, vector<128x128xf32>, vector<2000x128xf32> -> vector<2000x128xf32>
    %swap3A_37 = arith.constant 0 : index
    %swap3A_38 = arith.constant 0 : index
    %swap3A_39 = vector.load %arg7[%swap3A_37, %swap3A_38] : memref<2000x128xf32, #tpu.memory_space<vmem>>, vector<2000x128xf32>
    tpu.vector_store %arg7[%swap3A_37, %swap3A_38], %dot_general3A_36 {strides = array<i32>} : memref<2000x128xf32, #tpu.memory_space<vmem>>, vector<2000x128xf32>,
    return
  }
  func.func @transform_0(%arg0: i32) -> (i32, i32) {
    %c0_i32 = arith.constant 0 : i32
    %c0_i32_0 = arith.constant 0 : i32
    return %arg0, %c0_i32 : i32, i32
  }
  func.func @transform_1(%arg0: i32) -> (i32, i32) {
    %c0_i32 = arith.constant 0 : i32
    %c0_i32_0 = arith.constant 0 : i32
    %c0_i32_1 = arith.constant 0 : i32
    return %c0_i32, %c0_i32_0 : i32, i32
  }
  func.func @transform_2(%arg0: i32) -> (i32, i32) {
    %c0_i32 = arith.constant 0 : i32
    %c0_i32_0 = arith.constant 0 : i32
    %c0_i32_1 = arith.constant 0 : i32
    return %c0_i32, %c0_i32_0 : i32, i32
  }
  func.func @transform_3(%arg0: i32) -> (i32, i32) {
    %c0_i32 = arith.constant 0 : i32
    %c0_i32_0 = arith.constant 0 : i32
    %c0_i32_1 = arith.constant 0 : i32
    return %c0_i32, %c0_i32_0 : i32, i32
  }
  func.func @transform_4(%arg0: i32) -> (i32, i32) {
    %c0_i32 = arith.constant 0 : i32
    %c0_i32_0 = arith.constant 0 : i32
    return %arg0, %c0_i32 : i32, i32
  }
  func.func @transform_5(%arg0: i32) -> (i32, i32) {
    %c0_i32 = arith.constant 0 : i32
    %c0_i32_0 = arith.constant 0 : i32
    return %arg0, %c0_i32 : i32, i32
  }
  func.func @transform_6(%arg0: i32) -> (i32, i32) {
    %c0_i32 = arith.constant 0 : i32
    %c0_i32_0 = arith.constant 0 : i32
    return %arg0, %c0_i32 : i32, i32
  }
}

module attributes {stable_mosaic.version = 14 : i64} {
  func.func @body(%arg0: i32, %arg1: memref<320000xf32, #tpu.memory_space<vmem>>, %arg2: memref<320000xf32, #tpu.memory_space<vmem>>, %arg3: memref<320000xf32, #tpu.memory_space<vmem>>, %arg4: memref<320000xf32, #tpu.memory_space<vmem>>, %arg5: memref<320000xf32, #tpu.memory_space<vmem>>, %arg6: memref<320000xf32, #tpu.memory_space<vmem>>, %arg7: memref<320000xf32, #tpu.memory_space<vmem>>, %arg8: memref<320000xf32, #tpu.memory_space<vmem>>, %arg9: memref<320000xf32, #tpu.memory_space<vmem>>, %arg10: memref<320000xf32, #tpu.memory_space<vmem>>, %arg11: memref<320000xf32, #tpu.memory_space<vmem>>, %arg12: memref<320000xf32, #tpu.memory_space<vmem>>, %arg13: memref<320000xf32, #tpu.memory_space<vmem>>, %arg14: memref<320000xf32, #tpu.memory_space<vmem>>, %arg15: memref<320000xf32, #tpu.memory_space<vmem>>, %arg16: memref<320000xf32, #tpu.memory_space<vmem>>, %arg17: memref<320000xf32, #tpu.memory_space<vmem>>, %arg18: memref<320000xf32, #tpu.memory_space<vmem>>, %arg19: memref<320000xf32, #tpu.memory_space<vmem>>, %arg20: memref<320000xf32, #tpu.memory_space<vmem>>, %arg21: memref<320000xf32, #tpu.memory_space<vmem>>, %arg22: memref<320000xf32, #tpu.memory_space<vmem>>, %arg23: memref<320000xf32, #tpu.memory_space<vmem>>) attributes {dimension_semantics = [#tpu.dimension_semantics<arbitrary>], iteration_bounds = array<i64: 125>, scalar_prefetch = 0 : i64, scratch_operands = 0 : i64, tpu.core_type = #tpu.core_type<tc>, window_params = [{pipeline_mode = #tpu.pipeline_mode<synchronous>, transform_indices = @transform_0, window_bounds = array<i64: 320000>}, {pipeline_mode = #tpu.pipeline_mode<synchronous>, transform_indices = @transform_1, window_bounds = array<i64: 320000>}, {pipeline_mode = #tpu.pipeline_mode<synchronous>, transform_indices = @transform_2, window_bounds = array<i64: 320000>}, {pipeline_mode = #tpu.pipeline_mode<synchronous>, transform_indices = @transform_3, window_bounds = array<i64: 320000>}, {pipeline_mode = #tpu.pipeline_mode<synchronous>, transform_indices = @transform_4, window_bounds = array<i64: 320000>}, {pipeline_mode = #tpu.pipeline_mode<synchronous>, transform_indices = @transform_5, window_bounds = array<i64: 320000>}, {pipeline_mode = #tpu.pipeline_mode<synchronous>, transform_indices = @transform_6, window_bounds = array<i64: 320000>}, {pipeline_mode = #tpu.pipeline_mode<synchronous>, transform_indices = @transform_7, window_bounds = array<i64: 320000>}, {pipeline_mode = #tpu.pipeline_mode<synchronous>, transform_indices = @transform_8, window_bounds = array<i64: 320000>}, {pipeline_mode = #tpu.pipeline_mode<synchronous>, transform_indices = @transform_9, window_bounds = array<i64: 320000>}, {pipeline_mode = #tpu.pipeline_mode<synchronous>, transform_indices = @transform_10, window_bounds = array<i64: 320000>}, {pipeline_mode = #tpu.pipeline_mode<synchronous>, transform_indices = @transform_11, window_bounds = array<i64: 320000>}, {pipeline_mode = #tpu.pipeline_mode<synchronous>, transform_indices = @transform_12, window_bounds = array<i64: 320000>}, {pipeline_mode = #tpu.pipeline_mode<synchronous>, transform_indices = @transform_13, window_bounds = array<i64: 320000>}, {pipeline_mode = #tpu.pipeline_mode<synchronous>, transform_indices = @transform_14, window_bounds = array<i64: 320000>}, {pipeline_mode = #tpu.pipeline_mode<synchronous>, transform_indices = @transform_15, window_bounds = array<i64: 320000>}, {pipeline_mode = #tpu.pipeline_mode<synchronous>, transform_indices = @transform_16, window_bounds = array<i64: 320000>}, {pipeline_mode = #tpu.pipeline_mode<synchronous>, transform_indices = @transform_17, window_bounds = array<i64: 320000>}, {pipeline_mode = #tpu.pipeline_mode<synchronous>, transform_indices = @transform_18, window_bounds = array<i64: 320000>}, {pipeline_mode = #tpu.pipeline_mode<synchronous>, transform_indices = @transform_19, window_bounds = array<i64: 320000>}, {pipeline_mode = #tpu.pipeline_mode<synchronous>, transform_indices = @transform_20, window_bounds = array<i64: 320000>}, {pipeline_mode = #tpu.pipeline_mode<synchronous>, transform_indices = @transform_21, window_bounds = array<i64: 320000>}, {pipeline_mode = #tpu.pipeline_mode<synchronous>, transform_indices = @transform_22, window_bounds = array<i64: 320000>}]} {
    %mul3A = arith.constant 2560 : i32
    %mul3A_0 = arith.muli %arg0, %mul3A : i32
    %get3A = arith.index_cast %mul3A_0 : i32 to index
    %get3A_1 = vector.load %arg3[%get3A] : memref<320000xf32, #tpu.memory_space<vmem>>, vector<2560xf32>
    %get3A_2 = arith.index_cast %mul3A_0 : i32 to index
    %get3A_3 = vector.load %arg4[%get3A_2] : memref<320000xf32, #tpu.memory_space<vmem>>, vector<2560xf32>
    %get3A_4 = arith.index_cast %mul3A_0 : i32 to index
    %get3A_5 = vector.load %arg5[%get3A_4] : memref<320000xf32, #tpu.memory_space<vmem>>, vector<2560xf32>
    %get3A_6 = arith.index_cast %mul3A_0 : i32 to index
    %get3A_7 = vector.load %arg6[%get3A_6] : memref<320000xf32, #tpu.memory_space<vmem>>, vector<2560xf32>
    %get3A_8 = arith.index_cast %mul3A_0 : i32 to index
    %get3A_9 = vector.load %arg7[%get3A_8] : memref<320000xf32, #tpu.memory_space<vmem>>, vector<2560xf32>
    %get3A_10 = arith.index_cast %mul3A_0 : i32 to index
    %get3A_11 = vector.load %arg8[%get3A_10] : memref<320000xf32, #tpu.memory_space<vmem>>, vector<2560xf32>
    %mul3A_12 = arith.mulf %get3A_1, %get3A_1 : vector<2560xf32>
    %mul3A_13 = arith.mulf %get3A_3, %get3A_3 : vector<2560xf32>
    %add3A = arith.addf %mul3A_12, %mul3A_13 : vector<2560xf32>
    %mul3A_14 = arith.mulf %get3A_5, %get3A_5 : vector<2560xf32>
    %add3A_15 = arith.addf %add3A, %mul3A_14 : vector<2560xf32>
    %sqrt3A = math.sqrt %add3A_15 : vector<2560xf32>
    %add3A_16 = arith.constant 9.99999996E-13 : f32
    %add3A_17 = vector.broadcast %add3A_16 : f32 to vector<2560xf32>
    %add3A_18 = arith.addf %sqrt3A, %add3A_17 : vector<2560xf32>
    %div3A = arith.constant 1.000000e+00 : f32
    %div3A_19 = vector.broadcast %div3A : f32 to vector<2560xf32>
    %div3A_20 = arith.divf %div3A_19, %add3A_18 : vector<2560xf32>
    %mul3A_21 = arith.mulf %get3A_7, %get3A_7 : vector<2560xf32>
    %mul3A_22 = arith.mulf %get3A_9, %get3A_9 : vector<2560xf32>
    %add3A_23 = arith.addf %mul3A_21, %mul3A_22 : vector<2560xf32>
    %mul3A_24 = arith.mulf %get3A_11, %get3A_11 : vector<2560xf32>
    %add3A_25 = arith.addf %add3A_23, %mul3A_24 : vector<2560xf32>
    %sqrt3A_26 = math.sqrt %add3A_25 : vector<2560xf32>
    %add3A_27 = arith.constant 9.99999996E-13 : f32
    %add3A_28 = vector.broadcast %add3A_27 : f32 to vector<2560xf32>
    %add3A_29 = arith.addf %sqrt3A_26, %add3A_28 : vector<2560xf32>
    %div3A_30 = arith.constant 1.000000e+00 : f32
    %div3A_31 = vector.broadcast %div3A_30 : f32 to vector<2560xf32>
    %div3A_32 = arith.divf %div3A_31, %add3A_29 : vector<2560xf32>
    %mul3A_33 = arith.mulf %get3A_1, %div3A_20 : vector<2560xf32>
    %mul3A_34 = arith.mulf %get3A_3, %div3A_20 : vector<2560xf32>
    %mul3A_35 = arith.mulf %get3A_5, %div3A_20 : vector<2560xf32>
    %mul3A_36 = arith.mulf %get3A_7, %div3A_32 : vector<2560xf32>
    %mul3A_37 = arith.mulf %get3A_9, %div3A_32 : vector<2560xf32>
    %mul3A_38 = arith.mulf %get3A_11, %div3A_32 : vector<2560xf32>
    %mul3A_39 = arith.mulf %mul3A_34, %mul3A_38 : vector<2560xf32>
    %mul3A_40 = arith.mulf %mul3A_35, %mul3A_37 : vector<2560xf32>
    %sub3A = arith.subf %mul3A_39, %mul3A_40 : vector<2560xf32>
    %mul3A_41 = arith.mulf %mul3A_35, %mul3A_36 : vector<2560xf32>
    %mul3A_42 = arith.mulf %mul3A_33, %mul3A_38 : vector<2560xf32>
    %sub3A_43 = arith.subf %mul3A_41, %mul3A_42 : vector<2560xf32>
    %mul3A_44 = arith.mulf %mul3A_33, %mul3A_37 : vector<2560xf32>
    %mul3A_45 = arith.mulf %mul3A_34, %mul3A_36 : vector<2560xf32>
    %sub3A_46 = arith.subf %mul3A_44, %mul3A_45 : vector<2560xf32>
    %mul3A_47 = arith.mulf %sub3A, %sub3A : vector<2560xf32>
    %mul3A_48 = arith.mulf %sub3A_43, %sub3A_43 : vector<2560xf32>
    %add3A_49 = arith.addf %mul3A_47, %mul3A_48 : vector<2560xf32>
    %mul3A_50 = arith.mulf %sub3A_46, %sub3A_46 : vector<2560xf32>
    %add3A_51 = arith.addf %add3A_49, %mul3A_50 : vector<2560xf32>
    %sqrt3A_52 = math.sqrt %add3A_51 : vector<2560xf32>
    %add3A_53 = arith.constant 9.99999996E-13 : f32
    %add3A_54 = vector.broadcast %add3A_53 : f32 to vector<2560xf32>
    %add3A_55 = arith.addf %sqrt3A_52, %add3A_54 : vector<2560xf32>
    %div3A_56 = arith.constant 1.000000e+00 : f32
    %div3A_57 = vector.broadcast %div3A_56 : f32 to vector<2560xf32>
    %div3A_58 = arith.divf %div3A_57, %add3A_55 : vector<2560xf32>
    %mul3A_59 = arith.mulf %sub3A, %div3A_58 : vector<2560xf32>
    %mul3A_60 = arith.mulf %sub3A_43, %div3A_58 : vector<2560xf32>
    %mul3A_61 = arith.mulf %sub3A_46, %div3A_58 : vector<2560xf32>
    %get3A_62 = arith.index_cast %mul3A_0 : i32 to index
    %get3A_63 = vector.load %arg1[%get3A_62] : memref<320000xf32, #tpu.memory_space<vmem>>, vector<2560xf32>
    %get3A_64 = arith.index_cast %mul3A_0 : i32 to index
    %get3A_65 = vector.load %arg9[%get3A_64] : memref<320000xf32, #tpu.memory_space<vmem>>, vector<2560xf32>
    %get3A_66 = arith.index_cast %mul3A_0 : i32 to index
    %get3A_67 = vector.load %arg10[%get3A_66] : memref<320000xf32, #tpu.memory_space<vmem>>, vector<2560xf32>
    %get3A_68 = arith.index_cast %mul3A_0 : i32 to index
    %get3A_69 = vector.load %arg11[%get3A_68] : memref<320000xf32, #tpu.memory_space<vmem>>, vector<2560xf32>
    %cos3A = math.cos %get3A_63 : vector<2560xf32>
    %sin3A = math.sin %get3A_63 : vector<2560xf32>
    %sub3A_70 = arith.constant 1.000000e+00 : f32
    %sub3A_71 = vector.broadcast %sub3A_70 : f32 to vector<2560xf32>
    %sub3A_72 = arith.subf %sub3A_71, %cos3A : vector<2560xf32>
    %mul3A_73 = arith.mulf %sub3A_72, %mul3A_59 : vector<2560xf32>
    %mul3A_74 = arith.mulf %mul3A_73, %mul3A_59 : vector<2560xf32>
    %add3A_75 = arith.addf %cos3A, %mul3A_74 : vector<2560xf32>
    %mul3A_76 = arith.mulf %add3A_75, %get3A_65 : vector<2560xf32>
    %mul3A_77 = arith.mulf %sub3A_72, %mul3A_59 : vector<2560xf32>
    %mul3A_78 = arith.mulf %mul3A_77, %mul3A_60 : vector<2560xf32>
    %mul3A_79 = arith.mulf %sin3A, %mul3A_61 : vector<2560xf32>
    %sub3A_80 = arith.subf %mul3A_78, %mul3A_79 : vector<2560xf32>
    %mul3A_81 = arith.mulf %sub3A_80, %get3A_67 : vector<2560xf32>
    %add3A_82 = arith.addf %mul3A_76, %mul3A_81 : vector<2560xf32>
    %mul3A_83 = arith.mulf %sub3A_72, %mul3A_59 : vector<2560xf32>
    %mul3A_84 = arith.mulf %mul3A_83, %mul3A_61 : vector<2560xf32>
    %mul3A_85 = arith.mulf %sin3A, %mul3A_60 : vector<2560xf32>
    %add3A_86 = arith.addf %mul3A_84, %mul3A_85 : vector<2560xf32>
    %mul3A_87 = arith.mulf %add3A_86, %get3A_69 : vector<2560xf32>
    %add3A_88 = arith.addf %add3A_82, %mul3A_87 : vector<2560xf32>
    %mul3A_89 = arith.mulf %sub3A_72, %mul3A_59 : vector<2560xf32>
    %mul3A_90 = arith.mulf %mul3A_89, %mul3A_60 : vector<2560xf32>
    %mul3A_91 = arith.mulf %sin3A, %mul3A_61 : vector<2560xf32>
    %add3A_92 = arith.addf %mul3A_90, %mul3A_91 : vector<2560xf32>
    %mul3A_93 = arith.mulf %add3A_92, %get3A_65 : vector<2560xf32>
    %mul3A_94 = arith.mulf %sub3A_72, %mul3A_60 : vector<2560xf32>
    %mul3A_95 = arith.mulf %mul3A_94, %mul3A_60 : vector<2560xf32>
    %add3A_96 = arith.addf %cos3A, %mul3A_95 : vector<2560xf32>
    %mul3A_97 = arith.mulf %add3A_96, %get3A_67 : vector<2560xf32>
    %add3A_98 = arith.addf %mul3A_93, %mul3A_97 : vector<2560xf32>
    %mul3A_99 = arith.mulf %sub3A_72, %mul3A_60 : vector<2560xf32>
    %mul3A_100 = arith.mulf %mul3A_99, %mul3A_61 : vector<2560xf32>
    %mul3A_101 = arith.mulf %sin3A, %mul3A_59 : vector<2560xf32>
    %sub3A_102 = arith.subf %mul3A_100, %mul3A_101 : vector<2560xf32>
    %mul3A_103 = arith.mulf %sub3A_102, %get3A_69 : vector<2560xf32>
    %add3A_104 = arith.addf %add3A_98, %mul3A_103 : vector<2560xf32>
    %mul3A_105 = arith.mulf %sub3A_72, %mul3A_59 : vector<2560xf32>
    %mul3A_106 = arith.mulf %mul3A_105, %mul3A_61 : vector<2560xf32>
    %mul3A_107 = arith.mulf %sin3A, %mul3A_60 : vector<2560xf32>
    %sub3A_108 = arith.subf %mul3A_106, %mul3A_107 : vector<2560xf32>
    %mul3A_109 = arith.mulf %sub3A_108, %get3A_65 : vector<2560xf32>
    %mul3A_110 = arith.mulf %sub3A_72, %mul3A_60 : vector<2560xf32>
    %mul3A_111 = arith.mulf %mul3A_110, %mul3A_61 : vector<2560xf32>
    %mul3A_112 = arith.mulf %sin3A, %mul3A_59 : vector<2560xf32>
    %add3A_113 = arith.addf %mul3A_111, %mul3A_112 : vector<2560xf32>
    %mul3A_114 = arith.mulf %add3A_113, %get3A_67 : vector<2560xf32>
    %add3A_115 = arith.addf %mul3A_109, %mul3A_114 : vector<2560xf32>
    %mul3A_116 = arith.mulf %sub3A_72, %mul3A_61 : vector<2560xf32>
    %mul3A_117 = arith.mulf %mul3A_116, %mul3A_61 : vector<2560xf32>
    %add3A_118 = arith.addf %cos3A, %mul3A_117 : vector<2560xf32>
    %mul3A_119 = arith.mulf %add3A_118, %get3A_69 : vector<2560xf32>
    %add3A_120 = arith.addf %add3A_115, %mul3A_119 : vector<2560xf32>
    %get3A_121 = arith.index_cast %mul3A_0 : i32 to index
    %get3A_122 = vector.load %arg2[%get3A_121] : memref<320000xf32, #tpu.memory_space<vmem>>, vector<2560xf32>
    %neg3A = arith.constant 0.000000e+00 : f32
    %neg3A_123 = vector.broadcast %neg3A : f32 to vector<2560xf32>
    %neg3A_124 = arith.subf %neg3A_123, %mul3A_59 : vector<2560xf32>
    %neg3A_125 = arith.constant 0.000000e+00 : f32
    %neg3A_126 = vector.broadcast %neg3A_125 : f32 to vector<2560xf32>
    %neg3A_127 = arith.subf %neg3A_126, %mul3A_60 : vector<2560xf32>
    %neg3A_128 = arith.constant 0.000000e+00 : f32
    %neg3A_129 = vector.broadcast %neg3A_128 : f32 to vector<2560xf32>
    %neg3A_130 = arith.subf %neg3A_129, %mul3A_61 : vector<2560xf32>
    %get3A_131 = arith.index_cast %mul3A_0 : i32 to index
    %get3A_132 = vector.load %arg12[%get3A_131] : memref<320000xf32, #tpu.memory_space<vmem>>, vector<2560xf32>
    %get3A_133 = arith.index_cast %mul3A_0 : i32 to index
    %get3A_134 = vector.load %arg13[%get3A_133] : memref<320000xf32, #tpu.memory_space<vmem>>, vector<2560xf32>
    %get3A_135 = arith.index_cast %mul3A_0 : i32 to index
    %get3A_136 = vector.load %arg14[%get3A_135] : memref<320000xf32, #tpu.memory_space<vmem>>, vector<2560xf32>
    %cos3A_137 = math.cos %get3A_122 : vector<2560xf32>
    %sin3A_138 = math.sin %get3A_122 : vector<2560xf32>
    %sub3A_139 = arith.constant 1.000000e+00 : f32
    %sub3A_140 = vector.broadcast %sub3A_139 : f32 to vector<2560xf32>
    %sub3A_141 = arith.subf %sub3A_140, %cos3A_137 : vector<2560xf32>
    %mul3A_142 = arith.mulf %sub3A_141, %neg3A_124 : vector<2560xf32>
    %mul3A_143 = arith.mulf %mul3A_142, %neg3A_124 : vector<2560xf32>
    %add3A_144 = arith.addf %cos3A_137, %mul3A_143 : vector<2560xf32>
    %mul3A_145 = arith.mulf %add3A_144, %get3A_132 : vector<2560xf32>
    %mul3A_146 = arith.mulf %sub3A_141, %neg3A_124 : vector<2560xf32>
    %mul3A_147 = arith.mulf %mul3A_146, %neg3A_127 : vector<2560xf32>
    %mul3A_148 = arith.mulf %sin3A_138, %neg3A_130 : vector<2560xf32>
    %sub3A_149 = arith.subf %mul3A_147, %mul3A_148 : vector<2560xf32>
    %mul3A_150 = arith.mulf %sub3A_149, %get3A_134 : vector<2560xf32>
    %add3A_151 = arith.addf %mul3A_145, %mul3A_150 : vector<2560xf32>
    %mul3A_152 = arith.mulf %sub3A_141, %neg3A_124 : vector<2560xf32>
    %mul3A_153 = arith.mulf %mul3A_152, %neg3A_130 : vector<2560xf32>
    %mul3A_154 = arith.mulf %sin3A_138, %neg3A_127 : vector<2560xf32>
    %add3A_155 = arith.addf %mul3A_153, %mul3A_154 : vector<2560xf32>
    %mul3A_156 = arith.mulf %add3A_155, %get3A_136 : vector<2560xf32>
    %add3A_157 = arith.addf %add3A_151, %mul3A_156 : vector<2560xf32>
    %mul3A_158 = arith.mulf %sub3A_141, %neg3A_124 : vector<2560xf32>
    %mul3A_159 = arith.mulf %mul3A_158, %neg3A_127 : vector<2560xf32>
    %mul3A_160 = arith.mulf %sin3A_138, %neg3A_130 : vector<2560xf32>
    %add3A_161 = arith.addf %mul3A_159, %mul3A_160 : vector<2560xf32>
    %mul3A_162 = arith.mulf %add3A_161, %get3A_132 : vector<2560xf32>
    %mul3A_163 = arith.mulf %sub3A_141, %neg3A_127 : vector<2560xf32>
    %mul3A_164 = arith.mulf %mul3A_163, %neg3A_127 : vector<2560xf32>
    %add3A_165 = arith.addf %cos3A_137, %mul3A_164 : vector<2560xf32>
    %mul3A_166 = arith.mulf %add3A_165, %get3A_134 : vector<2560xf32>
    %add3A_167 = arith.addf %mul3A_162, %mul3A_166 : vector<2560xf32>
    %mul3A_168 = arith.mulf %sub3A_141, %neg3A_127 : vector<2560xf32>
    %mul3A_169 = arith.mulf %mul3A_168, %neg3A_130 : vector<2560xf32>
    %mul3A_170 = arith.mulf %sin3A_138, %neg3A_124 : vector<2560xf32>
    %sub3A_171 = arith.subf %mul3A_169, %mul3A_170 : vector<2560xf32>
    %mul3A_172 = arith.mulf %sub3A_171, %get3A_136 : vector<2560xf32>
    %add3A_173 = arith.addf %add3A_167, %mul3A_172 : vector<2560xf32>
    %mul3A_174 = arith.mulf %sub3A_141, %neg3A_124 : vector<2560xf32>
    %mul3A_175 = arith.mulf %mul3A_174, %neg3A_130 : vector<2560xf32>
    %mul3A_176 = arith.mulf %sin3A_138, %neg3A_127 : vector<2560xf32>
    %sub3A_177 = arith.subf %mul3A_175, %mul3A_176 : vector<2560xf32>
    %mul3A_178 = arith.mulf %sub3A_177, %get3A_132 : vector<2560xf32>
    %mul3A_179 = arith.mulf %sub3A_141, %neg3A_127 : vector<2560xf32>
    %mul3A_180 = arith.mulf %mul3A_179, %neg3A_130 : vector<2560xf32>
    %mul3A_181 = arith.mulf %sin3A_138, %neg3A_124 : vector<2560xf32>
    %add3A_182 = arith.addf %mul3A_180, %mul3A_181 : vector<2560xf32>
    %mul3A_183 = arith.mulf %add3A_182, %get3A_134 : vector<2560xf32>
    %add3A_184 = arith.addf %mul3A_178, %mul3A_183 : vector<2560xf32>
    %mul3A_185 = arith.mulf %sub3A_141, %neg3A_130 : vector<2560xf32>
    %mul3A_186 = arith.mulf %mul3A_185, %neg3A_130 : vector<2560xf32>
    %add3A_187 = arith.addf %cos3A_137, %mul3A_186 : vector<2560xf32>
    %mul3A_188 = arith.mulf %add3A_187, %get3A_136 : vector<2560xf32>
    %add3A_189 = arith.addf %add3A_184, %mul3A_188 : vector<2560xf32>
    %get3A_190 = arith.index_cast %mul3A_0 : i32 to index
    %get3A_191 = vector.load %arg15[%get3A_190] : memref<320000xf32, #tpu.memory_space<vmem>>, vector<2560xf32>
    %add3A_192 = arith.addf %add3A_88, %get3A_191 : vector<2560xf32>
    %swap3A = arith.index_cast %mul3A_0 : i32 to index
    %swap3A_193 = vector.load %arg18[%swap3A] : memref<320000xf32, #tpu.memory_space<vmem>>, vector<2560xf32>
    tpu.vector_store %arg18[%swap3A], %add3A_192 {strides = array<i32>} : memref<320000xf32, #tpu.memory_space<vmem>>, vector<2560xf32>,
    %get3A_194 = arith.index_cast %mul3A_0 : i32 to index
    %get3A_195 = vector.load %arg16[%get3A_194] : memref<320000xf32, #tpu.memory_space<vmem>>, vector<2560xf32>
    %add3A_196 = arith.addf %add3A_104, %get3A_195 : vector<2560xf32>
    %swap3A_197 = arith.index_cast %mul3A_0 : i32 to index
    %swap3A_198 = vector.load %arg19[%swap3A_197] : memref<320000xf32, #tpu.memory_space<vmem>>, vector<2560xf32>
    tpu.vector_store %arg19[%swap3A_197], %add3A_196 {strides = array<i32>} : memref<320000xf32, #tpu.memory_space<vmem>>, vector<2560xf32>,
    %get3A_199 = arith.index_cast %mul3A_0 : i32 to index
    %get3A_200 = vector.load %arg17[%get3A_199] : memref<320000xf32, #tpu.memory_space<vmem>>, vector<2560xf32>
    %add3A_201 = arith.addf %add3A_120, %get3A_200 : vector<2560xf32>
    %swap3A_202 = arith.index_cast %mul3A_0 : i32 to index
    %swap3A_203 = vector.load %arg20[%swap3A_202] : memref<320000xf32, #tpu.memory_space<vmem>>, vector<2560xf32>
    tpu.vector_store %arg20[%swap3A_202], %add3A_201 {strides = array<i32>} : memref<320000xf32, #tpu.memory_space<vmem>>, vector<2560xf32>,
    %get3A_204 = arith.index_cast %mul3A_0 : i32 to index
    %get3A_205 = vector.load %arg15[%get3A_204] : memref<320000xf32, #tpu.memory_space<vmem>>, vector<2560xf32>
    %add3A_206 = arith.addf %add3A_157, %get3A_205 : vector<2560xf32>
    %swap3A_207 = arith.index_cast %mul3A_0 : i32 to index
    %swap3A_208 = vector.load %arg21[%swap3A_207] : memref<320000xf32, #tpu.memory_space<vmem>>, vector<2560xf32>
    tpu.vector_store %arg21[%swap3A_207], %add3A_206 {strides = array<i32>} : memref<320000xf32, #tpu.memory_space<vmem>>, vector<2560xf32>,
    %get3A_209 = arith.index_cast %mul3A_0 : i32 to index
    %get3A_210 = vector.load %arg16[%get3A_209] : memref<320000xf32, #tpu.memory_space<vmem>>, vector<2560xf32>
    %add3A_211 = arith.addf %add3A_173, %get3A_210 : vector<2560xf32>
    %swap3A_212 = arith.index_cast %mul3A_0 : i32 to index
    %swap3A_213 = vector.load %arg22[%swap3A_212] : memref<320000xf32, #tpu.memory_space<vmem>>, vector<2560xf32>
    tpu.vector_store %arg22[%swap3A_212], %add3A_211 {strides = array<i32>} : memref<320000xf32, #tpu.memory_space<vmem>>, vector<2560xf32>,
    %get3A_214 = arith.index_cast %mul3A_0 : i32 to index
    %get3A_215 = vector.load %arg17[%get3A_214] : memref<320000xf32, #tpu.memory_space<vmem>>, vector<2560xf32>
    %add3A_216 = arith.addf %add3A_189, %get3A_215 : vector<2560xf32>
    %swap3A_217 = arith.index_cast %mul3A_0 : i32 to index
    %swap3A_218 = vector.load %arg23[%swap3A_217] : memref<320000xf32, #tpu.memory_space<vmem>>, vector<2560xf32>
    tpu.vector_store %arg23[%swap3A_217], %add3A_216 {strides = array<i32>} : memref<320000xf32, #tpu.memory_space<vmem>>, vector<2560xf32>,
    return
  }
  func.func @transform_0(%arg0: i32) -> i32 {
    %c0_i32 = arith.constant 0 : i32
    %c0_i32_0 = arith.constant 0 : i32
    return %c0_i32 : i32
  }
  func.func @transform_1(%arg0: i32) -> i32 {
    %c0_i32 = arith.constant 0 : i32
    %c0_i32_0 = arith.constant 0 : i32
    return %c0_i32 : i32
  }
  func.func @transform_2(%arg0: i32) -> i32 {
    %c0_i32 = arith.constant 0 : i32
    %c0_i32_0 = arith.constant 0 : i32
    return %c0_i32 : i32
  }
  func.func @transform_3(%arg0: i32) -> i32 {
    %c0_i32 = arith.constant 0 : i32
    %c0_i32_0 = arith.constant 0 : i32
    return %c0_i32 : i32
  }
  func.func @transform_4(%arg0: i32) -> i32 {
    %c0_i32 = arith.constant 0 : i32
    %c0_i32_0 = arith.constant 0 : i32
    return %c0_i32 : i32
  }
  func.func @transform_5(%arg0: i32) -> i32 {
    %c0_i32 = arith.constant 0 : i32
    %c0_i32_0 = arith.constant 0 : i32
    return %c0_i32 : i32
  }
  func.func @transform_6(%arg0: i32) -> i32 {
    %c0_i32 = arith.constant 0 : i32
    %c0_i32_0 = arith.constant 0 : i32
    return %c0_i32 : i32
  }
  func.func @transform_7(%arg0: i32) -> i32 {
    %c0_i32 = arith.constant 0 : i32
    %c0_i32_0 = arith.constant 0 : i32
    return %c0_i32 : i32
  }
  func.func @transform_8(%arg0: i32) -> i32 {
    %c0_i32 = arith.constant 0 : i32
    %c0_i32_0 = arith.constant 0 : i32
    return %c0_i32 : i32
  }
  func.func @transform_9(%arg0: i32) -> i32 {
    %c0_i32 = arith.constant 0 : i32
    %c0_i32_0 = arith.constant 0 : i32
    return %c0_i32 : i32
  }
  func.func @transform_10(%arg0: i32) -> i32 {
    %c0_i32 = arith.constant 0 : i32
    %c0_i32_0 = arith.constant 0 : i32
    return %c0_i32 : i32
  }
  func.func @transform_11(%arg0: i32) -> i32 {
    %c0_i32 = arith.constant 0 : i32
    %c0_i32_0 = arith.constant 0 : i32
    return %c0_i32 : i32
  }
  func.func @transform_12(%arg0: i32) -> i32 {
    %c0_i32 = arith.constant 0 : i32
    %c0_i32_0 = arith.constant 0 : i32
    return %c0_i32 : i32
  }
  func.func @transform_13(%arg0: i32) -> i32 {
    %c0_i32 = arith.constant 0 : i32
    %c0_i32_0 = arith.constant 0 : i32
    return %c0_i32 : i32
  }
  func.func @transform_14(%arg0: i32) -> i32 {
    %c0_i32 = arith.constant 0 : i32
    %c0_i32_0 = arith.constant 0 : i32
    return %c0_i32 : i32
  }
  func.func @transform_15(%arg0: i32) -> i32 {
    %c0_i32 = arith.constant 0 : i32
    %c0_i32_0 = arith.constant 0 : i32
    return %c0_i32 : i32
  }
  func.func @transform_16(%arg0: i32) -> i32 {
    %c0_i32 = arith.constant 0 : i32
    %c0_i32_0 = arith.constant 0 : i32
    return %c0_i32 : i32
  }
  func.func @transform_17(%arg0: i32) -> i32 {
    %c0_i32 = arith.constant 0 : i32
    %c0_i32_0 = arith.constant 0 : i32
    return %c0_i32 : i32
  }
  func.func @transform_18(%arg0: i32) -> i32 {
    %c0_i32 = arith.constant 0 : i32
    %c0_i32_0 = arith.constant 0 : i32
    return %c0_i32 : i32
  }
  func.func @transform_19(%arg0: i32) -> i32 {
    %c0_i32 = arith.constant 0 : i32
    %c0_i32_0 = arith.constant 0 : i32
    return %c0_i32 : i32
  }
  func.func @transform_20(%arg0: i32) -> i32 {
    %c0_i32 = arith.constant 0 : i32
    %c0_i32_0 = arith.constant 0 : i32
    return %c0_i32 : i32
  }
  func.func @transform_21(%arg0: i32) -> i32 {
    %c0_i32 = arith.constant 0 : i32
    %c0_i32_0 = arith.constant 0 : i32
    return %c0_i32 : i32
  }
  func.func @transform_22(%arg0: i32) -> i32 {
    %c0_i32 = arith.constant 0 : i32
    %c0_i32_0 = arith.constant 0 : i32
    return %c0_i32 : i32
  }
}

module attributes {stable_mosaic.version = 14 : i64} {
  func.func @body(%arg0: i32, %arg1: memref<6400x128xf32, #tpu.memory_space<vmem>>, %arg2: memref<128x128xf32, #tpu.memory_space<vmem>>, %arg3: memref<1x128xf32, #tpu.memory_space<vmem>>, %arg4: memref<1x128xf32, #tpu.memory_space<vmem>>, %arg5: memref<1x128xf32, #tpu.memory_space<vmem>>, %arg6: memref<128x128xf32, #tpu.memory_space<vmem>>, %arg7: memref<1x128xf32, #tpu.memory_space<vmem>>, %arg8: memref<1x128xf32, #tpu.memory_space<vmem>>, %arg9: memref<1x128xf32, #tpu.memory_space<vmem>>, %arg10: memref<2x128xf32, #tpu.memory_space<vmem>>, %arg11: memref<1x128xf32, #tpu.memory_space<vmem>>, %arg12: memref<320000xf32, #tpu.memory_space<vmem>>, %arg13: memref<320000xf32, #tpu.memory_space<vmem>>) attributes {dimension_semantics = [#tpu.dimension_semantics<arbitrary>], iteration_bounds = array<i64: 50>, scalar_prefetch = 0 : i64, scratch_operands = 0 : i64, tpu.core_type = #tpu.core_type<tc>, window_params = [{transform_indices = @transform_0, window_bounds = array<i64: 6400, 128>}, {pipeline_mode = #tpu.pipeline_mode<synchronous>, transform_indices = @transform_1, window_bounds = array<i64: 128, 128>}, {pipeline_mode = #tpu.pipeline_mode<synchronous>, transform_indices = @transform_2, window_bounds = array<i64: 1, 128>}, {pipeline_mode = #tpu.pipeline_mode<synchronous>, transform_indices = @transform_3, window_bounds = array<i64: 1, 128>}, {pipeline_mode = #tpu.pipeline_mode<synchronous>, transform_indices = @transform_4, window_bounds = array<i64: 1, 128>}, {pipeline_mode = #tpu.pipeline_mode<synchronous>, transform_indices = @transform_5, window_bounds = array<i64: 128, 128>}, {pipeline_mode = #tpu.pipeline_mode<synchronous>, transform_indices = @transform_6, window_bounds = array<i64: 1, 128>}, {pipeline_mode = #tpu.pipeline_mode<synchronous>, transform_indices = @transform_7, window_bounds = array<i64: 1, 128>}, {pipeline_mode = #tpu.pipeline_mode<synchronous>, transform_indices = @transform_8, window_bounds = array<i64: 1, 128>}, {pipeline_mode = #tpu.pipeline_mode<synchronous>, transform_indices = @transform_9, window_bounds = array<i64: 2, 128>}, {pipeline_mode = #tpu.pipeline_mode<synchronous>, transform_indices = @transform_10, window_bounds = array<i64: 1, 128>}, {pipeline_mode = #tpu.pipeline_mode<synchronous>, transform_indices = @transform_11, window_bounds = array<i64: 320000>}, {pipeline_mode = #tpu.pipeline_mode<synchronous>, transform_indices = @transform_12, window_bounds = array<i64: 320000>}]} {
    %get3A = arith.constant 0 : index
    %get3A_0 = arith.constant 0 : index
    %get3A_1 = vector.load %arg1[%get3A, %get3A_0] : memref<6400x128xf32, #tpu.memory_space<vmem>>, vector<6400x128xf32>
    %ge3A = arith.constant 0.000000e+00 : f32
    %ge3A_2 = vector.broadcast %ge3A : f32 to vector<6400x128xf32>
    %ge3A_3 = arith.cmpf oge, %get3A_1, %ge3A_2 : vector<6400x128xf32>
    %mul3A = arith.constant 1.000000e-03 : f32
    %mul3A_4 = vector.broadcast %mul3A : f32 to vector<6400x128xf32>
    %mul3A_5 = arith.mulf %mul3A_4, %get3A_1 : vector<6400x128xf32>
    %select_n3A = arith.select %ge3A_3, %get3A_1, %mul3A_5 : vector<6400x128xi1>, vector<6400x128xf32>
    %get3A_6 = arith.constant 0 : index
    %get3A_7 = arith.constant 0 : index
    %get3A_8 = vector.load %arg2[%get3A_6, %get3A_7] : memref<128x128xf32, #tpu.memory_space<vmem>>, vector<128x128xf32>
    %dot_general3A = arith.constant dense<0.000000e+00> : vector<6400x128xf32>
    %dot_general3A_9 = tpu.matmul %select_n3A, %get3A_8, %dot_general3A {dimension_numbers = #tpu.dot_dimension_numbers<[1], [0], [0], [1], [0, 0, 1, 1], [], []>, transpose_lhs_hint = false} : vector<6400x128xf32>, vector<128x128xf32>, vector<6400x128xf32> -> vector<6400x128xf32>
    %get3A_10 = arith.constant 0 : index
    %get3A_11 = arith.constant 0 : index
    %get3A_12 = vector.load %arg3[%get3A_10, %get3A_11] : memref<1x128xf32, #tpu.memory_space<vmem>>, vector<1x128xf32>
    %add3A = vector.broadcast %get3A_12 : vector<1x128xf32> to vector<6400x128xf32>
    %add3A_13 = arith.addf %dot_general3A_9, %add3A : vector<6400x128xf32>
    %get3A_14 = arith.constant 0 : index
    %get3A_15 = arith.constant 0 : index
    %get3A_16 = vector.load %arg4[%get3A_14, %get3A_15] : memref<1x128xf32, #tpu.memory_space<vmem>>, vector<1x128xf32>
    %get3A_17 = arith.constant 0 : index
    %get3A_18 = arith.constant 0 : index
    %get3A_19 = vector.load %arg5[%get3A_17, %get3A_18] : memref<1x128xf32, #tpu.memory_space<vmem>>, vector<1x128xf32>
    %reduce_sum3A = arith.constant dense<0.000000e+00> : vector<6400xf32>
    %reduce_sum3A_20 = vector.multi_reduction <add>, %add3A_13, %reduce_sum3A [1] : vector<6400x128xf32> to vector<6400xf32>
    %broadcast_in_dim3A = vector.shape_cast %reduce_sum3A_20 : vector<6400xf32> to vector<6400x1xf32>
    %div3A = arith.constant 1.280000e+02 : f32
    %div3A_21 = vector.broadcast %div3A : f32 to vector<6400x1xf32>
    %div3A_22 = arith.divf %broadcast_in_dim3A, %div3A_21 : vector<6400x1xf32>
    %mul3A_23 = arith.mulf %add3A_13, %add3A_13 : vector<6400x128xf32>
    %reduce_sum3A_24 = arith.constant dense<0.000000e+00> : vector<6400xf32>
    %reduce_sum3A_25 = vector.multi_reduction <add>, %mul3A_23, %reduce_sum3A_24 [1] : vector<6400x128xf32> to vector<6400xf32>
    %broadcast_in_dim3A_26 = vector.shape_cast %reduce_sum3A_25 : vector<6400xf32> to vector<6400x1xf32>
    %div3A_27 = arith.constant 1.280000e+02 : f32
    %div3A_28 = vector.broadcast %div3A_27 : f32 to vector<6400x1xf32>
    %div3A_29 = arith.divf %broadcast_in_dim3A_26, %div3A_28 : vector<6400x1xf32>
    %mul3A_30 = arith.mulf %div3A_22, %div3A_22 : vector<6400x1xf32>
    %sub3A = arith.subf %div3A_29, %mul3A_30 : vector<6400x1xf32>
    %max3A = arith.constant 0.000000e+00 : f32
    %max3A_31 = vector.broadcast %max3A : f32 to vector<6400x1xf32>
    %max3A_32 = arith.maximumf %sub3A, %max3A_31 : vector<6400x1xf32>
    %add3A_33 = arith.constant 9.99999974E-6 : f32
    %add3A_34 = vector.broadcast %add3A_33 : f32 to vector<6400x1xf32>
    %add3A_35 = arith.addf %max3A_32, %add3A_34 : vector<6400x1xf32>
    %rsqrt3A = math.rsqrt %add3A_35 : vector<6400x1xf32>
    %sub3A_36 = vector.broadcast %div3A_22 : vector<6400x1xf32> to vector<6400x128xf32>
    %sub3A_37 = arith.subf %add3A_13, %sub3A_36 : vector<6400x128xf32>
    %mul3A_38 = vector.broadcast %rsqrt3A : vector<6400x1xf32> to vector<6400x128xf32>
    %mul3A_39 = arith.mulf %sub3A_37, %mul3A_38 : vector<6400x128xf32>
    %mul3A_40 = vector.broadcast %get3A_16 : vector<1x128xf32> to vector<6400x128xf32>
    %mul3A_41 = arith.mulf %mul3A_39, %mul3A_40 : vector<6400x128xf32>
    %add3A_42 = vector.broadcast %get3A_19 : vector<1x128xf32> to vector<6400x128xf32>
    %add3A_43 = arith.addf %mul3A_41, %add3A_42 : vector<6400x128xf32>
    %ge3A_44 = arith.constant 0.000000e+00 : f32
    %ge3A_45 = vector.broadcast %ge3A_44 : f32 to vector<6400x128xf32>
    %ge3A_46 = arith.cmpf oge, %add3A_43, %ge3A_45 : vector<6400x128xf32>
    %mul3A_47 = arith.constant 1.000000e-03 : f32
    %mul3A_48 = vector.broadcast %mul3A_47 : f32 to vector<6400x128xf32>
    %mul3A_49 = arith.mulf %mul3A_48, %add3A_43 : vector<6400x128xf32>
    %select_n3A_50 = arith.select %ge3A_46, %add3A_43, %mul3A_49 : vector<6400x128xi1>, vector<6400x128xf32>
    %get3A_51 = arith.constant 0 : index
    %get3A_52 = arith.constant 0 : index
    %get3A_53 = vector.load %arg6[%get3A_51, %get3A_52] : memref<128x128xf32, #tpu.memory_space<vmem>>, vector<128x128xf32>
    %dot_general3A_54 = arith.constant dense<0.000000e+00> : vector<6400x128xf32>
    %dot_general3A_55 = tpu.matmul %select_n3A_50, %get3A_53, %dot_general3A_54 {dimension_numbers = #tpu.dot_dimension_numbers<[1], [0], [0], [1], [0, 0, 1, 1], [], []>, transpose_lhs_hint = false} : vector<6400x128xf32>, vector<128x128xf32>, vector<6400x128xf32> -> vector<6400x128xf32>
    %get3A_56 = arith.constant 0 : index
    %get3A_57 = arith.constant 0 : index
    %get3A_58 = vector.load %arg7[%get3A_56, %get3A_57] : memref<1x128xf32, #tpu.memory_space<vmem>>, vector<1x128xf32>
    %add3A_59 = vector.broadcast %get3A_58 : vector<1x128xf32> to vector<6400x128xf32>
    %add3A_60 = arith.addf %dot_general3A_55, %add3A_59 : vector<6400x128xf32>
    %get3A_61 = arith.constant 0 : index
    %get3A_62 = arith.constant 0 : index
    %get3A_63 = vector.load %arg8[%get3A_61, %get3A_62] : memref<1x128xf32, #tpu.memory_space<vmem>>, vector<1x128xf32>
    %get3A_64 = arith.constant 0 : index
    %get3A_65 = arith.constant 0 : index
    %get3A_66 = vector.load %arg9[%get3A_64, %get3A_65] : memref<1x128xf32, #tpu.memory_space<vmem>>, vector<1x128xf32>
    %reduce_sum3A_67 = arith.constant dense<0.000000e+00> : vector<6400xf32>
    %reduce_sum3A_68 = vector.multi_reduction <add>, %add3A_60, %reduce_sum3A_67 [1] : vector<6400x128xf32> to vector<6400xf32>
    %broadcast_in_dim3A_69 = vector.shape_cast %reduce_sum3A_68 : vector<6400xf32> to vector<6400x1xf32>
    %div3A_70 = arith.constant 1.280000e+02 : f32
    %div3A_71 = vector.broadcast %div3A_70 : f32 to vector<6400x1xf32>
    %div3A_72 = arith.divf %broadcast_in_dim3A_69, %div3A_71 : vector<6400x1xf32>
    %mul3A_73 = arith.mulf %add3A_60, %add3A_60 : vector<6400x128xf32>
    %reduce_sum3A_74 = arith.constant dense<0.000000e+00> : vector<6400xf32>
    %reduce_sum3A_75 = vector.multi_reduction <add>, %mul3A_73, %reduce_sum3A_74 [1] : vector<6400x128xf32> to vector<6400xf32>
    %broadcast_in_dim3A_76 = vector.shape_cast %reduce_sum3A_75 : vector<6400xf32> to vector<6400x1xf32>
    %div3A_77 = arith.constant 1.280000e+02 : f32
    %div3A_78 = vector.broadcast %div3A_77 : f32 to vector<6400x1xf32>
    %div3A_79 = arith.divf %broadcast_in_dim3A_76, %div3A_78 : vector<6400x1xf32>
    %mul3A_80 = arith.mulf %div3A_72, %div3A_72 : vector<6400x1xf32>
    %sub3A_81 = arith.subf %div3A_79, %mul3A_80 : vector<6400x1xf32>
    %max3A_82 = arith.constant 0.000000e+00 : f32
    %max3A_83 = vector.broadcast %max3A_82 : f32 to vector<6400x1xf32>
    %max3A_84 = arith.maximumf %sub3A_81, %max3A_83 : vector<6400x1xf32>
    %add3A_85 = arith.constant 9.99999974E-6 : f32
    %add3A_86 = vector.broadcast %add3A_85 : f32 to vector<6400x1xf32>
    %add3A_87 = arith.addf %max3A_84, %add3A_86 : vector<6400x1xf32>
    %rsqrt3A_88 = math.rsqrt %add3A_87 : vector<6400x1xf32>
    %sub3A_89 = vector.broadcast %div3A_72 : vector<6400x1xf32> to vector<6400x128xf32>
    %sub3A_90 = arith.subf %add3A_60, %sub3A_89 : vector<6400x128xf32>
    %mul3A_91 = vector.broadcast %rsqrt3A_88 : vector<6400x1xf32> to vector<6400x128xf32>
    %mul3A_92 = arith.mulf %sub3A_90, %mul3A_91 : vector<6400x128xf32>
    %mul3A_93 = vector.broadcast %get3A_63 : vector<1x128xf32> to vector<6400x128xf32>
    %mul3A_94 = arith.mulf %mul3A_92, %mul3A_93 : vector<6400x128xf32>
    %add3A_95 = vector.broadcast %get3A_66 : vector<1x128xf32> to vector<6400x128xf32>
    %add3A_96 = arith.addf %mul3A_94, %add3A_95 : vector<6400x128xf32>
    %ge3A_97 = arith.constant 0.000000e+00 : f32
    %ge3A_98 = vector.broadcast %ge3A_97 : f32 to vector<6400x128xf32>
    %ge3A_99 = arith.cmpf oge, %add3A_96, %ge3A_98 : vector<6400x128xf32>
    %mul3A_100 = arith.constant 1.000000e-03 : f32
    %mul3A_101 = vector.broadcast %mul3A_100 : f32 to vector<6400x128xf32>
    %mul3A_102 = arith.mulf %mul3A_101, %add3A_96 : vector<6400x128xf32>
    %select_n3A_103 = arith.select %ge3A_99, %add3A_96, %mul3A_102 : vector<6400x128xi1>, vector<6400x128xf32>
    %get3A_104 = arith.constant 0 : index
    %get3A_105 = arith.constant 0 : index
    %get3A_106 = vector.load %arg10[%get3A_104, %get3A_105] : memref<2x128xf32, #tpu.memory_space<vmem>>, vector<2x128xf32>
    %dot_general3A_107 = arith.constant dense<0.000000e+00> : vector<2x6400xf32>
    %dot_general3A_108 = tpu.matmul %get3A_106, %select_n3A_103, %dot_general3A_107 {dimension_numbers = #tpu.dot_dimension_numbers<[1], [1], [0], [0], [0, 0, 1, 0], [], []>, transpose_lhs_hint = false} : vector<2x128xf32>, vector<6400x128xf32>, vector<2x6400xf32> -> vector<2x6400xf32>
    %mul3A_109 = arith.constant 6400 : i32
    %mul3A_110 = arith.muli %arg0, %mul3A_109 : i32
    %slice3A = vector.extract_strided_slice %dot_general3A_108 {offsets = [0, 0], sizes = [1, 6400], strides = [1, 1]} : vector<2x6400xf32> to vector<1x6400xf32>
    %squeeze3A = vector.shape_cast %slice3A : vector<1x6400xf32> to vector<6400xf32>
    %get3A_111 = arith.constant 0 : index
    %get3A_112 = arith.constant 0 : index
    %get3A_113 = vector.load %arg11[%get3A_111, %get3A_112] : memref<1x128xf32, #tpu.memory_space<vmem>>, vector<1x1xf32>
    %squeeze3A_114 = vector.extract %get3A_113[0, 0] : f32 from vector<1x1xf32>
    %add3A_115 = vector.broadcast %squeeze3A_114 : f32 to vector<6400xf32>
    %add3A_116 = arith.addf %squeeze3A, %add3A_115 : vector<6400xf32>
    %mul3A_117 = arith.constant 5.000000e-01 : f32
    %mul3A_118 = vector.broadcast %mul3A_117 : f32 to vector<6400xf32>
    %mul3A_119 = arith.mulf %add3A_116, %mul3A_118 : vector<6400xf32>
    %swap3A = arith.index_cast %mul3A_110 : i32 to index
    %swap3A_120 = vector.load %arg12[%swap3A] : memref<320000xf32, #tpu.memory_space<vmem>>, vector<6400xf32>
    tpu.vector_store %arg12[%swap3A], %mul3A_119 {strides = array<i32>} : memref<320000xf32, #tpu.memory_space<vmem>>, vector<6400xf32>,
    %slice3A_121 = vector.extract_strided_slice %dot_general3A_108 {offsets = [1, 0], sizes = [1, 6400], strides = [1, 1]} : vector<2x6400xf32> to vector<1x6400xf32>
    %squeeze3A_122 = vector.shape_cast %slice3A_121 : vector<1x6400xf32> to vector<6400xf32>
    %get3A_123 = arith.constant 0 : index
    %get3A_124 = arith.constant 1 : index
    %get3A_125 = vector.load %arg11[%get3A_123, %get3A_124] : memref<1x128xf32, #tpu.memory_space<vmem>>, vector<1x1xf32>
    %squeeze3A_126 = vector.extract %get3A_125[0, 0] : f32 from vector<1x1xf32>
    %add3A_127 = vector.broadcast %squeeze3A_126 : f32 to vector<6400xf32>
    %add3A_128 = arith.addf %squeeze3A_122, %add3A_127 : vector<6400xf32>
    %mul3A_129 = arith.constant 5.000000e-01 : f32
    %mul3A_130 = vector.broadcast %mul3A_129 : f32 to vector<6400xf32>
    %mul3A_131 = arith.mulf %add3A_128, %mul3A_130 : vector<6400xf32>
    %swap3A_132 = arith.index_cast %mul3A_110 : i32 to index
    %swap3A_133 = vector.load %arg13[%swap3A_132] : memref<320000xf32, #tpu.memory_space<vmem>>, vector<6400xf32>
    tpu.vector_store %arg13[%swap3A_132], %mul3A_131 {strides = array<i32>} : memref<320000xf32, #tpu.memory_space<vmem>>, vector<6400xf32>,
    return
  }
  func.func @transform_0(%arg0: i32) -> (i32, i32) {
    %c0_i32 = arith.constant 0 : i32
    %c0_i32_0 = arith.constant 0 : i32
    return %arg0, %c0_i32 : i32, i32
  }
  func.func @transform_1(%arg0: i32) -> (i32, i32) {
    %c0_i32 = arith.constant 0 : i32
    %c0_i32_0 = arith.constant 0 : i32
    %c0_i32_1 = arith.constant 0 : i32
    return %c0_i32, %c0_i32_0 : i32, i32
  }
  func.func @transform_2(%arg0: i32) -> (i32, i32) {
    %c0_i32 = arith.constant 0 : i32
    %c0_i32_0 = arith.constant 0 : i32
    %c0_i32_1 = arith.constant 0 : i32
    return %c0_i32, %c0_i32_0 : i32, i32
  }
  func.func @transform_3(%arg0: i32) -> (i32, i32) {
    %c0_i32 = arith.constant 0 : i32
    %c0_i32_0 = arith.constant 0 : i32
    %c0_i32_1 = arith.constant 0 : i32
    return %c0_i32, %c0_i32_0 : i32, i32
  }
  func.func @transform_4(%arg0: i32) -> (i32, i32) {
    %c0_i32 = arith.constant 0 : i32
    %c0_i32_0 = arith.constant 0 : i32
    %c0_i32_1 = arith.constant 0 : i32
    return %c0_i32, %c0_i32_0 : i32, i32
  }
  func.func @transform_5(%arg0: i32) -> (i32, i32) {
    %c0_i32 = arith.constant 0 : i32
    %c0_i32_0 = arith.constant 0 : i32
    %c0_i32_1 = arith.constant 0 : i32
    return %c0_i32, %c0_i32_0 : i32, i32
  }
  func.func @transform_6(%arg0: i32) -> (i32, i32) {
    %c0_i32 = arith.constant 0 : i32
    %c0_i32_0 = arith.constant 0 : i32
    %c0_i32_1 = arith.constant 0 : i32
    return %c0_i32, %c0_i32_0 : i32, i32
  }
  func.func @transform_7(%arg0: i32) -> (i32, i32) {
    %c0_i32 = arith.constant 0 : i32
    %c0_i32_0 = arith.constant 0 : i32
    %c0_i32_1 = arith.constant 0 : i32
    return %c0_i32, %c0_i32_0 : i32, i32
  }
  func.func @transform_8(%arg0: i32) -> (i32, i32) {
    %c0_i32 = arith.constant 0 : i32
    %c0_i32_0 = arith.constant 0 : i32
    %c0_i32_1 = arith.constant 0 : i32
    return %c0_i32, %c0_i32_0 : i32, i32
  }
  func.func @transform_9(%arg0: i32) -> (i32, i32) {
    %c0_i32 = arith.constant 0 : i32
    %c0_i32_0 = arith.constant 0 : i32
    %c0_i32_1 = arith.constant 0 : i32
    return %c0_i32, %c0_i32_0 : i32, i32
  }
  func.func @transform_10(%arg0: i32) -> (i32, i32) {
    %c0_i32 = arith.constant 0 : i32
    %c0_i32_0 = arith.constant 0 : i32
    %c0_i32_1 = arith.constant 0 : i32
    return %c0_i32, %c0_i32_0 : i32, i32
  }
  func.func @transform_11(%arg0: i32) -> i32 {
    %c0_i32 = arith.constant 0 : i32
    %c0_i32_0 = arith.constant 0 : i32
    return %c0_i32 : i32
  }
  func.func @transform_12(%arg0: i32) -> i32 {
    %c0_i32 = arith.constant 0 : i32
    %c0_i32_0 = arith.constant 0 : i32
    return %c0_i32 : i32
  }
}

module attributes {stable_mosaic.version = 14 : i64} {
  func.func @body(%arg0: memref<2x10112x16xf32, #tpu.memory_space<vmem>>, %arg1: memref<10112x16xf32, #tpu.memory_space<vmem>>, %arg2: memref<10112x16xf32, #tpu.memory_space<vmem>>) attributes {dimension_semantics = [], scalar_prefetch = 0 : i64, scratch_operands = 0 : i64, tpu.core_type = #tpu.core_type<tc>} {
    %get3A = arith.constant 0 : index
    %get3A_0 = arith.constant 0 : index
    %get3A_1 = arith.constant 0 : index
    %get3A_2 = vector.load %arg0[%get3A, %get3A_0, %get3A_1] : memref<2x10112x16xf32, #tpu.memory_space<vmem>>, vector<1x10112x16xf32>
    %get3A_3 = vector.shape_cast %get3A_2 : vector<1x10112x16xf32> to vector<10112x16xf32>
    %get3A_4 = arith.constant 1 : index
    %get3A_5 = arith.constant 0 : index
    %get3A_6 = arith.constant 0 : index
    %get3A_7 = vector.load %arg0[%get3A_4, %get3A_5, %get3A_6] : memref<2x10112x16xf32, #tpu.memory_space<vmem>>, vector<1x10112x16xf32>
    %get3A_8 = vector.shape_cast %get3A_7 : vector<1x10112x16xf32> to vector<10112x16xf32>
    %add3A = arith.addf %get3A_3, %get3A_8 : vector<10112x16xf32>
    %slice3A = vector.extract_strided_slice %add3A {offsets = [0, 3], sizes = [10112, 1], strides = [1, 1]} : vector<10112x16xf32> to vector<10112x1xf32>
    %max3A = arith.constant 1.000000e+00 : f32
    %max3A_9 = vector.broadcast %max3A : f32 to vector<10112x1xf32>
    %max3A_10 = arith.maximumf %slice3A, %max3A_9 : vector<10112x1xf32>
    %div3A = vector.broadcast %max3A_10 : vector<10112x1xf32> to vector<10112x16xf32>
    %div3A_11 = arith.divf %add3A, %div3A : vector<10112x16xf32>
    %gt3A = arith.constant 0.000000e+00 : f32
    %gt3A_12 = vector.broadcast %gt3A : f32 to vector<10112x1xf32>
    %gt3A_13 = arith.cmpf ogt, %slice3A, %gt3A_12 : vector<10112x1xf32>
    %get3A_14 = arith.constant 0 : index
    %get3A_15 = arith.constant 0 : index
    %get3A_16 = vector.load %arg1[%get3A_14, %get3A_15] : memref<10112x16xf32, #tpu.memory_space<vmem>>, vector<10112x16xf32>
    %broadcast_in_dim3A = vector.shape_cast %gt3A_13 : vector<10112x1xi1> to vector<10112x1xi1>
    %broadcast_in_dim3A_17 = vector.broadcast %broadcast_in_dim3A : vector<10112x1xi1> to vector<10112x16xi1>
    %select_n3A = arith.select %broadcast_in_dim3A_17, %div3A_11, %get3A_16 : vector<10112x16xi1>, vector<10112x16xf32>
    %swap3A = arith.constant 0 : index
    %swap3A_18 = arith.constant 0 : index
    %swap3A_19 = vector.load %arg2[%swap3A, %swap3A_18] : memref<10112x16xf32, #tpu.memory_space<vmem>>, vector<10112x16xf32>
    tpu.vector_store %arg2[%swap3A, %swap3A_18], %select_n3A {strides = array<i32>} : memref<10112x16xf32, #tpu.memory_space<vmem>>, vector<10112x16xf32>,
    return
  }
}

</mosaic_0001>

<sc_bundles>
// kernel: kernel.12.cloned.1.call-start
scs
__scs_entry_jumppad:
0x0: {  	(pc) =	sbr.rel $0x88, $3  }
0x1: {  	(tag) =	ssettag $0x0;
	lr =	simm.s32 $0x1  }
0x2: {  	[smem:$0x3F8F] =	sst lr;
	_ =	strace $0xD0000000  }
0x3: {  	_ = 	snop  }
0x4: {  	_ = 	snop  }
0x5: {  	_ = 	snop  }
0x6: {  	_ = 	snop  }
0x7: {  	_ = 	snop  }
__scs_overlays_trampoline_lowered:
0x8: {  	[smem:$0x3F9E] =	sst s0  }
0x9: {  	[smem:$0x3F9F] =	sst s1  }
0xa: {  	[smem:$0x3FA0] =	sst s2  }
0xb: {  	[smem:$0x3FA1] =	sst s3  }
0xc: {  	[smem:$0x3FA2] =	sst s4  }
0xd: {  	[smem:$0x3FA3] =	sst s5  }
0xe: {  	[smem:$0x3FA4] =	sst s6  }
0xf: {  	[smem:$0x3FA5] =	sst s7  }
0x10: {  	[smem:$0x3FA6] =	sst s8  }
0x11: {  	[smem:$0x3FA7] =	sst s9;
	s0 =	simm.s32 @!p0 $0x0  }
0x12: {  	s1 =	sld [smem:$0x3F8D];
	s0 =	simm.s32 @p0 $0x1  }
0x13: {  	[smem:$0x3FA8] =	sst s0;
	s0 =	simm.s32 @!p1 $0x0  }
0x14: {  	s2 =	sld [smem:$0x3F8C];
	s0 =	simm.s32 @p1 $0x1  }
0x15: {  	[smem:$0x3FA9] =	sst s0;
	s0 =	simm.s32 @!p2 $0x0  }
0x16: {  	s3 =	sld [smem:$0x3FDB];
	s0 =	simm.s32 @p2 $0x1  }
0x17: {  	s4 =	simm.s32 $0x1BF5;
	[smem:$0x3FAB] =	sst s0  }
0x18: {  	s0 =	sld [smem:$0x3F8E];
	_ =	swait.ge [sflag:s4], $0x0  }
0x19: {  	s7 =	sld [smem:$0x3F8F]  }
0x1a: {  	s8 =	sadd.s32 $0xFFFFE003, lr  }
0x1b: {  	s9 =	sadd.s32 $0xFFFFFEF7, lr;
	s5 =	simm.s32 $0xFFFFFFFF;
	p2 =	slt.u32 s8, $0xFFFFF086  }
0x1c: {  	p1 =	slt.u32 s9, $0xF7A;
	s5 =	simm.s32 @!p2 $0x0  }
0x1d: {  	s5 =	simm.s32 @p1 $0x1;
	p0 =	seq.s32 s7, s2  }
0x1e: {  	s7 =	smul.u32 @!p0 $0xF7A, s2;
	p2 =	seq.s32 @!p0 s5, $0x0  }
0x1f: {  	s9 =	smul.u32 $0xF7A, s1;
	s8 =	simm.s32 @!p0 $0x1BF5;
	p2 =	por !p2, p0  }
0x20: {  	[sflag:s8] =	ssyncset.s32 @!p0 $0xFFFFF086;
	s6 =	sadd.s32 @!p0 s3, s7;
	s7 =	simm.s32 @!p0 $0x108  }
0x21: {  	s3 =	sadd.s32 s3, s9;
	s6 =	sadd.s32 @!p0 $0x88, s6;
	s7 =	simm.s32 @p2 $0x1082  }
0x22: {  	[simem:s7], [sflag:s8] =	dma.local @!p0 [hbm:s6], $0xF7A  }
0x23: {  	s9 =	sor.u32 $0xD0000000, s2;
	s6 =	simm.s32 $0x108;
	_ =	swait.ge @!p0 [sflag:s8], $0x0  }
0x24: {  	s3 =	sadd.s32 $0x88, s3;
	s6 =	simm.s32 @!p1 $0x1082;
	[sflag:s4] =	ssyncset.s32 $0xFFFFF086  }
0x25: {  	[simem:s6], [sflag:s4] =	dma.local [hbm:s3], $0xF7A  }
0x26: {  	[smem:$0x3F8F] =	sst s1;
	(tag) =	ssettag s2;
	_ =	strace s9  }
0x27: {  	s1 =	sld [smem:$0x3F9F]  }
0x28: {  	s2 =	sld [smem:$0x3FA0]  }
0x29: {  	s4 =	sld [smem:$0x3FA2]  }
0x2a: {  	p0 =	seq.s32 s5, $0x0;
	s5 =	sld [smem:$0x3FA3]  }
0x2b: {  	s6 =	sld [smem:$0x3FA4]  }
0x2c: {  	s7 =	sld [smem:$0x3FA5]  }
0x2d: {  	s3 =	simm.s32 $0x108;
	s8 =	sld [smem:$0x3FA6]  }
0x2e: {  	s3 =	simm.s32 @!p0 $0x1082;
	s9 =	sld [smem:$0x3FA7]  }
0x2f: {  	lr =	sadd.s32 s0, s3;
	s0 =	sld [smem:$0x3F9E]  }
0x30: {  	s3 =	sld [smem:$0x3FA1]  }
0x31: {  	[smem:$0x3FAA] =	sst s10  }
0x32: {  	s10 =	sld [smem:$0x3FA8];
	_ =	sdelay $0x3  }
0x33: {  	p0 =	seq.s32 s10, $0x1;
	s10 =	sld [smem:$0x3FAA];
	_ =	sdelay $0x3  }
0x34: {  	[smem:$0x3FAA] =	sst s10  }
0x35: {  	s10 =	sld [smem:$0x3FA9];
	_ =	sdelay $0x3  }
0x36: {  	p1 =	seq.s32 s10, $0x1;
	s10 =	sld [smem:$0x3FAA];
	_ =	sdelay $0x3  }
0x37: {  	[smem:$0x3FAA] =	sst s10  }
0x38: {  	s10 =	sld [smem:$0x3FAB]  }
0x39: {  	_ = 	snop;
	(pc) =	sbr.ind lr, $3  }
0x3a: {  	_ = 	snop  }
0x3b: {  	_ = 	snop  }
0x3c: {  	p2 =	seq.s32 s10, $0x1;
	s10 =	sld [smem:$0x3FAA]  }
0x3d: {  	_ =	shalt  }
0x3e: {  	_ =	shalt  }
0x3f: {  	_ =	shalt  }
0x40: {  	_ =	shalt  }
0x41: {  	_ =	shalt  }
0x42: {  	_ =	shalt  }
0x43: {  	_ =	shalt  }
0x44: {  	_ =	shalt  }
0x45: {  	_ =	shalt  }
0x46: {  	_ =	shalt  }
0x47: {  	_ =	shalt  }
0x48: {  	_ =	shalt  }
0x49: {  	_ =	shalt  }
0x4a: {  	_ =	shalt  }
0x4b: {  	_ =	shalt  }
0x4c: {  	_ =	shalt  }
0x4d: {  	_ =	shalt  }
0x4e: {  	_ =	shalt  }
0x4f: {  	_ =	shalt  }
0x50: {  	_ =	shalt  }
0x51: {  	_ =	shalt  }
0x52: {  	_ =	shalt  }
0x53: {  	_ =	shalt  }
0x54: {  	_ =	shalt  }
0x55: {  	_ =	shalt  }
0x56: {  	_ =	shalt  }
0x57: {  	_ =	shalt  }
0x58: {  	_ =	shalt  }
0x59: {  	_ =	shalt  }
0x5a: {  	_ =	shalt  }
0x5b: {  	_ =	shalt  }
0x5c: {  	_ =	shalt  }
0x5d: {  	_ =	shalt  }
0x5e: {  	_ =	shalt  }
0x5f: {  	_ =	shalt  }
0x60: {  	_ =	shalt  }
0x61: {  	_ =	shalt  }
0x62: {  	_ =	shalt  }
0x63: {  	_ =	shalt  }
0x64: {  	_ =	shalt  }
0x65: {  	_ =	shalt  }
0x66: {  	_ =	shalt  }
0x67: {  	_ =	shalt  }
0x68: {  	_ =	shalt  }
0x69: {  	_ =	shalt  }
0x6a: {  	_ =	shalt  }
0x6b: {  	_ =	shalt  }
0x6c: {  	_ =	shalt  }
0x6d: {  	_ =	shalt  }
0x6e: {  	_ =	shalt  }
0x6f: {  	_ =	shalt  }
0x70: {  	_ =	shalt  }
0x71: {  	_ =	shalt  }
0x72: {  	_ =	shalt  }
0x73: {  	_ =	shalt  }
0x74: {  	_ =	shalt  }
0x75: {  	_ =	shalt  }
0x76: {  	_ =	shalt  }
0x77: {  	_ =	shalt  }
0x78: {  	_ =	shalt  }
0x79: {  	_ =	shalt  }
0x7a: {  	_ =	shalt  }
0x7b: {  	_ =	shalt  }
0x7c: {  	_ =	shalt  }
0x7d: {  	_ =	shalt  }
0x7e: {  	_ =	shalt  }
0x7f: {  	_ =	shalt  }
0x80: {  	_ =	shalt  }
0x81: {  	_ =	shalt  }
0x82: {  	_ =	shalt  }
0x83: {  	_ =	shalt  }
0x84: {  	_ =	shalt  }
0x85: {  	_ =	shalt  }
0x86: {  	_ =	shalt  }
0x87: {  	_ =	shalt  }
.Lfunc_end0:
.L_simem_size_0:
called_computation.1_lowered:
.L_overlay_start_0:
0x88: {  	s2 =	sld [smem:$0x3FD9]  }
0x89: {  	s3 =	sld [smem:$0x3FFE];
	_ =	sdelay $0x1  }
0x8a: {  	s1 =	srdreg.scid  }
0x8b: {  	s0 =	sand.u32 $0x1, s1  }
0x8c: {  	s17 =	sshll.u32 s0, $0xA;
	s2 =	sadd.s32 s3, s2  }
0x8d: {  	s2 =	sadd.s32 s2, s17  }
0x8e: {  	[smem:$0x3FB6] =	sst s2  }
0x8f: {  	_ = 	snop  }
0x90: {  	s18 =	sld [smem:$0x3FD0];
	(tm) =	ssettm $0x1  }
0x91: {  	s19 =	sld [smem:$0x3FFB];
	_ =	sdelay $0x3  }
0x92: {  	_ =	strace s19  }
0x93: {  	s2 =	sld [smem:$0x3FFC];
	_ =	sdelay $0x3  }
0x94: {  	_ =	strace s2  }
0x95: {  	s2 =	sld [smem:$0x3FFD];
	_ =	sdelay $0x3  }
0x96: {  	_ =	strace s2  }
0x97: {  	_ =	strace $0x8FFFFFFF  }
0x98: {  	s20 =	sld [smem:$0x3FDB];
	_ =	sdelay $0x1  }
0x99: {  	s4 =	simm.s32 $_scs_section_size  }
0x9a: {  	s5 =	simm.s32 $_size__tile_overlayer_lowered;
	s6 =	simm.s32 $_tile_overlayer_lowered  }
0x9b: {  	s7 =	simm.s32 $0x1BFF;
	s21 =	sshll.u32 s6, $0x1;
	s4 =	sadd.s32 s4, s20  }
0x9c: {  	s22 =	simm.s32 $0x0;
	s5 =	sshll.u32 s5, $0x1;
	s6 =	sadd.s32 s21, s4  }
0x9d: {  	[timem:s22], [sflag:s7] =	dma.local [hbm:s6], s5  }
0x9e: {  	_ =	swait.ge [sflag:s7], s5  }
0x9f: {  	s5 =	ssub.s32 $0x0, s5;
	[sflag:s7] =	ssyncset.done $0x0  }
0xa0: {  	[sflag:s7] =	ssyncadd.s32 s5;
	_ =	sdelay $0x1  }
0xa1: {  	s23 =	simm.s32 $0x1B8B  }
0xa2: {  	_ =	swait.ge [sflag:s23], $0x1  }
0xa3: {  	[sflag:s23] =	ssyncset.done $0x0  }
0xa4: {  	[sflag:s23] =	ssyncadd.s32 $0xFFFFFFFF  }
0xa5: {  	s5 =	sld [smem:$0x0]  }
0xa6: {  	s6 =	sand.u32 $0xFFFFFFFE, s1  }
0xa7: {  	p0 =	sne.s32 s1, s6  }
0xa8: {  	s6 =	sshll.u32 @p0 s6, $0xE  }
0xa9: {  	s6 =	sadd.s32 @p0 $0x11B8D, s6;
	s7 =	sshll.u32 @p0 s5, $0x11  }
0xaa: {  	s6 =	sor.u32 @p0 s7, s6  }
0xab: {  	[sflag:s6] =	ssyncadd.remote.s32 @p0 $0x1;
	_ =	sdelay $0x1  }
0xac: {  	s6 =	simm.s32 @p0 $0x1B8D  }
0xad: {  	_ =	swait.eq @p0 [sflag:s6], $0x1  }
0xae: {  	[sflag:s6] =	ssyncadd.s32 @p0 $0xFFFFFFFF  }
0xaf: {  	s7 =	sshll.u32 @!p0 s1, $0xE  }
0xb0: {  	s7 =	sor.u32 @!p0 $0x4000, s7;
	s6 =	simm.s32 @!p0 $0x1B8D  }
0xb1: {  	s5 =	sshll.u32 @!p0 s5, $0x11;
	s7 =	sadd.s32 @!p0 $0x11B8D, s7;
	_ =	swait.eq @!p0 [sflag:s6], $0x1  }
0xb2: {  	s5 =	sor.u32 @!p0 s5, s7;
	[sflag:s6] =	ssyncadd.s32 @!p0 $0xFFFFFFFF  }
0xb3: {  	s25 =	simm.s32 $0x1B8E;
	s24 =	sld [smem:$0x3FFE];
	[sflag:s5] =	ssyncadd.remote.s32 @!p0 $0x1  }
0xb4: {  	s26 =	simm.s32 $execute0_lowered;
	[smem:$0x3FD2] =	sst s25  }
0xb5: {  	s6 =	sshll.u32 s26, $0x1;
	_ =	strace $0x80000049;
	[dreg:$0x1] =	wrdreg $0xFFFFFFFF  }
0xb6: {  	s28 =	simm.s32 $_size_execute0_lowered;
	s4 =	sadd.s32 s4, s6;
	[dreg:$0x0] =	wrdreg $0x0  }
0xb7: {  	s6 =	sshll.u32 s28, $0x1;
	[dreg:$0x2] =	wrdreg s4  }
0xb8: {  	[dreg:$0x3] =	wrdreg s6  }
0xb9: {  	[dreg:$0x4] =	wrdreg $0xC0  }
0xba: {  	_ =	task [dreg:s22], $0x5FFFF  }
0xbb: {  	[dreg:$0x1] =	wrdreg $0xFFFFFFFF  }
0xbc: {  	[dreg:$0x0] =	wrdreg $0x60  }
0xbd: {  	[dreg:$0x2] =	wrdreg s24  }
0xbe: {  	[dreg:$0x3] =	wrdreg s18  }
0xbf: {  	[dreg:$0x4] =	wrdreg $0xA  }
0xc0: {  	_ =	task.clear_ibuf [dreg:s22], $0x5FFFF;
	_ =	strace $0x90000049  }
0xc1: {  	s29 =	simm.s32 $0xA;
	_ =	strace $0x8000004B  }
0xc2: {  	_ =	swait.ge [sflag:s29], $0x1  }
0xc3: {  	[sflag:s29] =	ssyncadd.s32 $0xFFFFFFFF  }
0xc4: {  	_ =	strace $0x9000004B  }
0xc5: {  	_ =	sfence  }
0xc6: {  	s30 =	sld [smem:$0x0];
	_ =	sdelay $0x2  }
0xc7: {  	s31 =	sshll.u32 s1, $0xD;
	s1 =	sshrl.u32 s1, $0x2  }
0xc8: {  	s4 =	sand.u32 $0x4000, s31;
	s1 =	sadd.s32 s1, s30  }
0xc9: {  	s0 =	sor.u32 s4, s0;
	s1 =	sshll.u32 s1, $0x11  }
0xca: {  	s0 =	sor.u32 s1, s0  }
0xcb: {  	s0 =	sadd.s32 $0x8F2B, s0  }
0xcc: {  	[sflag:s0] =	ssyncadd.remote.s32 $0x1  }
0xcd: {  	_ =	sfence.sel $0xFFFF  }
0xce: {  	[dreg:$0x0] =	wrdreg $0xFFFFFFFF;
	(pc) =	sbr.abs _section_cstart, $3  }
0xcf: {  	[dreg:$0x1] =	wrdreg $0xFFFFFFFF  }
0xd0: {  	_ =	task.clear_ibuf [dreg:s22], $0x2FFFF;
	_ =	strace $0x9FFFFFFF  }
0xd1: {  	(tm) =	ssettm $0x7FFFFFFF  }
tec
execute0_lowered:
.L_overlay_start_1:
0x0: {  	(tag) =	ssettag $0x1  }
0x1: {  	s0 =	rddreg [dreg:$0x0];
	s2 =	simm.s32 $0x0;
	s25 =	srdreg.scid  }
0x2: {  	s5 =	stileid.u32;
	s31 =	simm.s32 $0x2710;
	s17 =	simm.s32 $0x7530  }
0x3: {  	s30 =	simm.s32 $0x1;
	s1 =	sadd.s32 $0x5F7400, s0;
	s20 =	sadd.s32 $0x5F6E00, s0  }
0x4: {  	[smem:$0x7FF] =	sst s2;
	s21 =	sadd.s32 $0x5F8600, s0;
	s22 =	sadd.s32 $0x5F8000, s0  }
0x5: {  	s23 =	sadd.s32 $0x5F7A00, s0;
	s24 =	sadd.s32 $0x16A00, s0;
	s9 =	sadd.s32 $0xCC00, s0  }
0x6: {  	s10 =	sadd.s32 $0x2E00, s0;
	_ =	strace $0x8000004A;
	[dreg:$0x3] =	wrdreg s1  }
0x7: {  	s11 =	sadd.s32 $0x5F8C00, s0;
	s12 =	sadd.s32 $0x602A00, s0;
	[dreg:$0x4] =	wrdreg s20  }
0x8: {  	s13 =	sadd.s32 $0x60C800, s0;
	s14 =	sadd.s32 $0x616600, s0;
	[dreg:$0x5] =	wrdreg s21  }
0x9: {  	s15 =	sadd.s32 $0x620400, s0;
	s16 =	sadd.s32 $0x62A200, s0;
	[dreg:$0x6] =	wrdreg s22  }
0xa: {  	s18 =	sadd.s32 $0x63DE00, s0;
	s19 =	sadd.s32 $0x647C00, s0;
	[dreg:$0x7] =	wrdreg s23  }
0xb: {  	s26 =	sshll.u32 s5, $0x1;
	s5 =	simm.s32 $0x0;
	[dreg:$0x8] =	wrdreg s24  }
0xc: {  	s1 =	sand.u32 $0x1, s25;
	s20 =	sadd.s32 $0x651A00, s0;
	s21 =	sadd.s32 $0x65B800, s0  }
0xd: {  	s22 =	sadd.s32 $0x665600, s0;
	s23 =	sadd.s32 $0x66F400, s0;
	s3 =	ssub.s32 $0x2, s1  }
0xe: {  	s24 =	sadd.s32 $0x634000, s0;
	s25 =	sadd.s32 $0x679200, s0;
	s4 =	sshrl.u32 s3, $0x1  }
0xf: {  	s1 =	sor.u32 s1, s26;
	s26 =	sadd.s32 $0x683000, s0;
	s3 =	ssub.s32 s3, s4  }
0x10: {  	s0 =	simm.s32 $0x4E20;
	s28 =	smul.u32 $0x2710, s1;
	s29 =	smax.u32 s3, $0x1  }
0x11: {  	s1 =	simm.s32 $0x9C40;
	s3 =	simm.s32 $0xC350;
	[dreg:$0x9] =	wrdreg s29  }
.LBB2_1:
0x12: {  	[dreg:$0xa] =	wrdreg s5  }
0x13: {  	s4 =	rddreg [dreg:$0x3]  }
0x14: {  	[tilespmem:s2], [sflag:$0x1] =	stream.linear.gather [hbm4b:s4+s2], $0x2710, $0x38;
	[tilespmem:$0x17700] =	vst v63  }
0x15: {  	_ =	swait.ge [sflag:s30], $0x2710  }
0x16: {  	[sflag:s30] =	ssyncset.done $0x0  }
0x17: {  	s5 =	rddreg [dreg:$0x4];
	[sflag:s30] =	ssyncadd.s32 $0xFFFFD8F0  }
0x18: {  	[tilespmem:s31], [sflag:$0x1] =	stream.linear.gather [hbm4b:s5+s2], $0x2710, $0x38;
	[tilespmem:$0x17700] =	vst v63  }
0x19: {  	_ =	swait.ge [sflag:s30], $0x2710  }
0x1a: {  	[sflag:s30] =	ssyncset.done $0x0  }
0x1b: {  	[sflag:s30] =	ssyncadd.s32 $0xFFFFD8F0  }
0x1c: {  	s6 =	rddreg [dreg:$0x1]  }
0x1d: {  	[tilespmem:s0], [sflag:$0x1] =	stream.linear.gather [hbm4b:s6+s2], $0x2710, $0x38;
	[tilespmem:$0x17700] =	vst v63  }
0x1e: {  	_ =	swait.ge [sflag:s30], $0x2710  }
0x1f: {  	[sflag:s30] =	ssyncset.done $0x0  }
0x20: {  	s7 =	rddreg [dreg:$0x5];
	[sflag:s30] =	ssyncadd.s32 $0xFFFFD8F0  }
0x21: {  	[tilespmem:s17], [sflag:$0x1] =	stream.linear.gather [hbm4b:s7+s2], $0x2710, $0x38;
	[tilespmem:$0x17700] =	vst v63  }
0x22: {  	_ =	swait.ge [sflag:s30], $0x2710  }
0x23: {  	[sflag:s30] =	ssyncset.done $0x0  }
0x24: {  	s8 =	rddreg [dreg:$0x6];
	[sflag:s30] =	ssyncadd.s32 $0xFFFFD8F0  }
0x25: {  	[tilespmem:s1], [sflag:$0x1] =	stream.linear.gather [hbm4b:s8+s2], $0x2710, $0x38;
	[tilespmem:$0x17700] =	vst v63  }
0x26: {  	_ =	swait.ge [sflag:s30], $0x2710  }
0x27: {  	[sflag:s30] =	ssyncset.done $0x0  }
0x28: {  	s29 =	rddreg [dreg:$0x7];
	[sflag:s30] =	ssyncadd.s32 $0xFFFFD8F0  }
0x29: {  	[tilespmem:s3], [sflag:$0x1] =	stream.linear.gather [hbm4b:s29+s2], $0x2710, $0x38;
	[tilespmem:$0x17700] =	vst v63  }
0x2a: {  	_ =	swait.ge [sflag:s30], $0x2710  }
0x2b: {  	[sflag:s30] =	ssyncset.done $0x0  }
0x2c: {  	s7 =	simm.s32 $0x0;
	[sflag:s30] =	ssyncadd.s32 $0xFFFFD8F0  }
.LBB2_2:
0x2d: {  	s4 =	smul.u32 $0x7D0, s7;
	_ =	sdelay $0x1  }
0x2e: {  	s4 =	sadd.s32 s28, s4  }
0x2f: {  	s5 =	rddreg [dreg:$0x8];
	s29 =	sshrl.u32 s4, $0x3  }
0x30: {  	s6 =	simm.s32 $0xEA60;
	s4 =	sadd.s32 s5, s29;
	s5 =	simm.s32 $0x0  }
0x31: {  	[tilespmem:s6], [sflag:$0x1] =	stream.linear.gather [hbm4b:s4+s5], $0x7D0, $0x38;
	[tilespmem:$0x17700] =	vst v63  }
0x32: {  	_ =	swait.ge [sflag:s30], $0x7D0  }
0x33: {  	[sflag:s30] =	ssyncset.done $0x0  }
0x34: {  	s8 =	simm.s32 $0xF230;
	s6 =	sadd.s32 s9, s29;
	[sflag:s30] =	ssyncadd.s32 $0xFFFFF830  }
0x35: {  	[tilespmem:s8], [sflag:$0x1] =	stream.linear.gather [hbm4b:s6+s5], $0x7D0, $0x38;
	[tilespmem:$0x17700] =	vst v63  }
0x36: {  	_ =	swait.ge [sflag:s30], $0x7D0  }
0x37: {  	[sflag:s30] =	ssyncset.done $0x0  }
0x38: {  	s6 =	sadd.s32 s10, s29;
	s8 =	simm.s32 $0xFA00;
	[sflag:s30] =	ssyncadd.s32 $0xFFFFF830  }
0x39: {  	[tilespmem:s8], [sflag:$0x1] =	stream.linear.gather [hbm4b:s6+s5], $0x7D0, $0x38;
	[tilespmem:$0x17700] =	vst v63  }
0x3a: {  	_ =	swait.ge [sflag:s30], $0x7D0  }
0x3b: {  	[sflag:s30] =	ssyncset.done $0x0  }
0x3c: {  	s4 =	simm.s32 $0x0;
	[sflag:s30] =	ssyncadd.s32 $0xFFFFF830  }
0x3d: {  	v0 =	vld [tilespmem:s4+$0xEA60]  }
0x3e: {  	v1 =	vld [tilespmem:s4+$0xF230];
	_ =	sdelay $0x6  }
0x3f: {  	v2 =	vld.idx.msk [tilespmem:v0+s2+$0x0], $0xffff  }
0x40: {  	v3 =	vld.idx.msk [tilespmem:v1+s2+$0x0], $0xffff;
	_ =	sdelay $0x4  }
0x41: {  	v2 =	vsub.f32 v2, v3  }
0x42: {  	v4 =	vld.idx.msk [tilespmem:v1+s0+$0x0], $0xffff  }
0x43: {  	v5 =	vld.idx.msk [tilespmem:v1+s31+$0x0], $0xffff;
	[tilespmem:s4+$0x101D0] =	vst v2  }
0x44: {  	v2 =	vld.idx.msk [tilespmem:v0+s31+$0x0], $0xffff;
	_ =	sdelay $0x4  }
0x45: {  	v2 =	vsub.f32 v2, v5;
	_ =	sdelay $0x1  }
0x46: {  	v6 =	vld [tilespmem:s4+$0xFA00];
	[tilespmem:s4+$0x109A0] =	vst v2  }
0x47: {  	v2 =	vld.idx.msk [tilespmem:v0+s0+$0x0], $0xffff;
	_ =	sdelay $0x4  }
0x48: {  	v2 =	vsub.f32 v2, v4;
	_ =	sdelay $0x1  }
0x49: {  	[tilespmem:s4+$0x11170] =	vst v2  }
0x4a: {  	v2 =	vld.idx.msk [tilespmem:v6+s2+$0x0], $0xffff;
	_ =	sdelay $0x4  }
0x4b: {  	v2 =	vsub.f32 v2, v3;
	_ =	sdelay $0x1  }
0x4c: {  	[tilespmem:s4+$0x11940] =	vst v2  }
0x4d: {  	v2 =	vld.idx.msk [tilespmem:v6+s31+$0x0], $0xffff;
	_ =	sdelay $0x4  }
0x4e: {  	v2 =	vsub.f32 v2, v5;
	_ =	sdelay $0x1  }
0x4f: {  	[tilespmem:s4+$0x12110] =	vst v2  }
0x50: {  	v2 =	vld.idx.msk [tilespmem:v6+s0+$0x0], $0xffff;
	_ =	sdelay $0x4  }
0x51: {  	v2 =	vsub.f32 v2, v4;
	_ =	sdelay $0x1  }
0x52: {  	[tilespmem:s4+$0x128E0] =	vst v2  }
0x53: {  	v4 =	vld.idx.msk [tilespmem:v1+s17+$0x0], $0xffff  }
0x54: {  	v3 =	vld.idx.msk [tilespmem:v0+s17+$0x0], $0xffff;
	_ =	sdelay $0x4  }
0x55: {  	v3 =	vsub.f32 v3, v4  }
0x56: {  	v2 =	vld.idx.msk [tilespmem:v1+s3+$0x0], $0xffff  }
0x57: {  	v5 =	vld.idx.msk [tilespmem:v1+s1+$0x0], $0xffff;
	[tilespmem:s4+$0x130B0] =	vst v3  }
0x58: {  	v1 =	vld.idx.msk [tilespmem:v0+s1+$0x0], $0xffff;
	_ =	sdelay $0x4  }
0x59: {  	v1 =	vsub.f32 v1, v5;
	_ =	sdelay $0x1  }
0x5a: {  	[tilespmem:s4+$0x13880] =	vst v1  }
0x5b: {  	v0 =	vld.idx.msk [tilespmem:v0+s3+$0x0], $0xffff;
	_ =	sdelay $0x4  }
0x5c: {  	v0 =	vsub.f32 v0, v2;
	_ =	sdelay $0x1  }
0x5d: {  	[tilespmem:s4+$0x14050] =	vst v0  }
0x5e: {  	v0 =	vld.idx.msk [tilespmem:v6+s17+$0x0], $0xffff;
	_ =	sdelay $0x4  }
0x5f: {  	v0 =	vsub.f32 v0, v4;
	_ =	sdelay $0x1  }
0x60: {  	[tilespmem:s4+$0x14820] =	vst v0  }
0x61: {  	v0 =	vld.idx.msk [tilespmem:v6+s1+$0x0], $0xffff;
	_ =	sdelay $0x4  }
0x62: {  	v0 =	vsub.f32 v0, v5;
	_ =	sdelay $0x1  }
0x63: {  	[tilespmem:s4+$0x14FF0] =	vst v0  }
0x64: {  	s8 =	simm.s32 $0x10;
	v3 =	vld.idx.msk [tilespmem:v6+s3+$0x0], $0xffff  }
0x65: {  	v0 =	vld [tilespmem:s8+$0xEA60];
	[tilespmem:s4+$0x15F90] =	vst v4  }
0x66: {  	v1 =	vld [tilespmem:s8+$0xF230];
	[tilespmem:s4+$0x16760] =	vst v5  }
0x67: {  	s5 =	simm.s32 $0x80;
	[tilespmem:s4+$0x16F30] =	vst v2  }
.LBB2_3:
0x68: {  	_ =	sdelay $0x1  }
0x69: {  	p0 =	sne.s32 s5, $0x1F00;
	s6 =	smov.u32 s5;
	s5 =	sadd.s32 $0x40, s5;
	v2 =	vsub.f32 v3, v2  }
0x6a: {  	_ = 	snop  }
0x6b: {  	[tilespmem:s4+$0x157C0] =	vst v2;
	s4 =	smov.u32 s8  }
0x6c: {  	v2 =	vld.idx.msk [tilespmem:v0+s2+$0x0], $0xffff  }
0x6d: {  	v3 =	vld.idx.msk [tilespmem:v1+s2+$0x0], $0xffff;
	_ =	sdelay $0x4  }
0x6e: {  	v4 =	vld.idx.msk [tilespmem:v1+s0+$0x0], $0xffff  }
0x6f: {  	v2 =	vsub.f32 v2, v3;
	v5 =	vld.idx.msk [tilespmem:v1+s31+$0x0], $0xffff;
	_ =	sdelay $0x1  }
0x70: {  	[tilespmem:s4+$0x101D0] =	vst v2  }
0x71: {  	v2 =	vld.idx.msk [tilespmem:v0+s31+$0x0], $0xffff;
	_ =	sdelay $0x5  }
0x72: {  	v2 =	vsub.f32 v2, v5;
	_ =	sdelay $0x1  }
0x73: {  	v6 =	vld [tilespmem:s4+$0xFA00];
	[tilespmem:s4+$0x109A0] =	vst v2  }
0x74: {  	v2 =	vld.idx.msk [tilespmem:v0+s0+$0x0], $0xffff;
	_ =	sdelay $0x5  }
0x75: {  	v2 =	vsub.f32 v2, v4;
	_ =	sdelay $0x1  }
0x76: {  	[tilespmem:s4+$0x11170] =	vst v2  }
0x77: {  	v2 =	vld.idx.msk [tilespmem:v6+s2+$0x0], $0xffff;
	_ =	sdelay $0x5  }
0x78: {  	v2 =	vsub.f32 v2, v3;
	_ =	sdelay $0x1  }
0x79: {  	[tilespmem:s4+$0x11940] =	vst v2  }
0x7a: {  	v2 =	vld.idx.msk [tilespmem:v6+s31+$0x0], $0xffff;
	_ =	sdelay $0x5  }
0x7b: {  	v2 =	vsub.f32 v2, v5;
	_ =	sdelay $0x1  }
0x7c: {  	[tilespmem:s4+$0x12110] =	vst v2  }
0x7d: {  	v2 =	vld.idx.msk [tilespmem:v6+s0+$0x0], $0xffff;
	_ =	sdelay $0x5  }
0x7e: {  	v2 =	vsub.f32 v2, v4;
	_ =	sdelay $0x1  }
0x7f: {  	[tilespmem:s4+$0x128E0] =	vst v2  }
0x80: {  	v4 =	vld.idx.msk [tilespmem:v1+s17+$0x0], $0xffff  }
0x81: {  	v3 =	vld.idx.msk [tilespmem:v0+s17+$0x0], $0xffff;
	_ =	sdelay $0x3  }
0x82: {  	v2 =	vld.idx.msk [tilespmem:v1+s3+$0x0], $0xffff  }
0x83: {  	v5 =	vld.idx.msk [tilespmem:v1+s1+$0x0], $0xffff  }
0x84: {  	v1 =	vsub.f32 v3, v4;
	_ =	sdelay $0x1  }
0x85: {  	[tilespmem:s4+$0x130B0] =	vst v1  }
0x86: {  	v1 =	vld.idx.msk [tilespmem:v0+s1+$0x0], $0xffff;
	_ =	sdelay $0x5  }
0x87: {  	v1 =	vsub.f32 v1, v5;
	_ =	sdelay $0x1  }
0x88: {  	[tilespmem:s4+$0x13880] =	vst v1  }
0x89: {  	v0 =	vld.idx.msk [tilespmem:v0+s3+$0x0], $0xffff;
	_ =	sdelay $0x5  }
0x8a: {  	v0 =	vsub.f32 v0, v2;
	_ =	sdelay $0x1  }
0x8b: {  	[tilespmem:s4+$0x14050] =	vst v0  }
0x8c: {  	v0 =	vld.idx.msk [tilespmem:v6+s17+$0x0], $0xffff;
	_ =	sdelay $0x5  }
0x8d: {  	v0 =	vsub.f32 v0, v4;
	_ =	sdelay $0x1  }
0x8e: {  	[tilespmem:s4+$0x14820] =	vst v0  }
0x8f: {  	v0 =	vld.idx.msk [tilespmem:v6+s1+$0x0], $0xffff;
	_ =	sdelay $0x5  }
0x90: {  	v0 =	vsub.f32 v0, v5;
	_ =	sdelay $0x1  }
.Ltmp0:
0x91: {  	[tilespmem:s4+$0x14FF0] =	vst v0;
	(pc) =	sbr.rel @p0 .LBB2_3-.Ltmp0, $4  }
0x92: {  	s8 =	sshra.s32 s6, $0x2;
	v3 =	vld.idx.msk [tilespmem:v6+s3+$0x0], $0xffff  }
0x93: {  	v0 =	vld [tilespmem:s8+$0xEA60];
	[tilespmem:s4+$0x15F90] =	vst v4  }
0x94: {  	v1 =	vld [tilespmem:s8+$0xF230];
	[tilespmem:s4+$0x16760] =	vst v5  }
0x95: {  	[tilespmem:s4+$0x16F30] =	vst v2  }
0x96: {  	_ =	sdelay $0x2  }
0x97: {  	v2 =	vsub.f32 v3, v2;
	_ =	sdelay $0x1  }
0x98: {  	[tilespmem:s4+$0x157C0] =	vst v2  }
0x99: {  	v2 =	vld.idx.msk [tilespmem:v0+s2+$0x0], $0xffff  }
0x9a: {  	v59 =	vld.idx.msk [tilespmem:v1+s2+$0x0], $0xffff;
	_ =	sdelay $0x4  }
0x9b: {  	v2 =	vsub.f32 v2, v59  }
0x9c: {  	v4 =	vld.idx.msk [tilespmem:v1+s0+$0x0], $0xffff  }
0x9d: {  	v5 =	vld.idx.msk [tilespmem:v1+s31+$0x0], $0xffff;
	[tilespmem:s8+$0x101D0] =	vst v2  }
0x9e: {  	v2 =	vld.idx.msk [tilespmem:v0+s31+$0x0], $0xffff;
	_ =	sdelay $0x4  }
0x9f: {  	v2 =	vsub.f32 v2, v5;
	_ =	sdelay $0x1  }
0xa0: {  	v6 =	vld [tilespmem:s8+$0xFA00];
	[tilespmem:s8+$0x109A0] =	vst v2  }
0xa1: {  	v2 =	vld.idx.msk [tilespmem:v0+s0+$0x0], $0xffff;
	_ =	sdelay $0x4  }
0xa2: {  	v2 =	vsub.f32 v2, v4;
	_ =	sdelay $0x1  }
0xa3: {  	[tilespmem:s8+$0x11170] =	vst v2  }
0xa4: {  	v2 =	vld.idx.msk [tilespmem:v6+s2+$0x0], $0xffff;
	_ =	sdelay $0x4  }
0xa5: {  	v2 =	vsub.f32 v2, v59;
	_ =	sdelay $0x1  }
0xa6: {  	[tilespmem:s8+$0x11940] =	vst v2  }
0xa7: {  	v2 =	vld.idx.msk [tilespmem:v6+s31+$0x0], $0xffff;
	_ =	sdelay $0x4  }
0xa8: {  	v2 =	vsub.f32 v2, v5;
	_ =	sdelay $0x1  }
0xa9: {  	[tilespmem:s8+$0x12110] =	vst v2  }
0xaa: {  	v2 =	vld.idx.msk [tilespmem:v6+s0+$0x0], $0xffff;
	_ =	sdelay $0x4  }
0xab: {  	v2 =	vsub.f32 v2, v4;
	_ =	sdelay $0x1  }
0xac: {  	[tilespmem:s8+$0x128E0] =	vst v2  }
0xad: {  	v2 =	vld.idx.msk [tilespmem:v1+s17+$0x0], $0xffff  }
0xae: {  	v60 =	vld.idx.msk [tilespmem:v0+s17+$0x0], $0xffff;
	_ =	sdelay $0x4  }
0xaf: {  	v3 =	vsub.f32 v60, v2  }
0xb0: {  	v61 =	vld.idx.msk [tilespmem:v1+s3+$0x0], $0xffff  }
0xb1: {  	v62 =	vld.idx.msk [tilespmem:v1+s1+$0x0], $0xffff;
	[tilespmem:s8+$0x130B0] =	vst v3  }
0xb2: {  	v3 =	vld.idx.msk [tilespmem:v0+s1+$0x0], $0xffff;
	_ =	sdelay $0x4  }
0xb3: {  	v3 =	vsub.f32 v3, v62;
	_ =	sdelay $0x1  }
0xb4: {  	[tilespmem:s8+$0x13880] =	vst v3  }
0xb5: {  	v63 =	vld.idx.msk [tilespmem:v0+s3+$0x0], $0xffff;
	_ =	sdelay $0x4  }
0xb6: {  	v0 =	vsub.f32 v63, v61;
	_ =	sdelay $0x1  }
0xb7: {  	[tilespmem:s8+$0x14050] =	vst v0  }
0xb8: {  	v0 =	vld.idx.msk [tilespmem:v6+s17+$0x0], $0xffff;
	_ =	sdelay $0x4  }
0xb9: {  	v0 =	vsub.f32 v0, v2;
	_ =	sdelay $0x1  }
0xba: {  	[tilespmem:s8+$0x14820] =	vst v0  }
0xbb: {  	v0 =	vld.idx.msk [tilespmem:v6+s1+$0x0], $0xffff;
	_ =	sdelay $0x4  }
0xbc: {  	v0 =	vsub.f32 v0, v62;
	_ =	sdelay $0x1  }
0xbd: {  	[tilespmem:s8+$0x14FF0] =	vst v0  }
0xbe: {  	v0 =	vld.idx.msk [tilespmem:v6+s3+$0x0], $0xffff;
	_ =	sdelay $0x3  }
0xbf: {  	[tilespmem:s8+$0x15F90] =	vst v2  }
0xc0: {  	[tilespmem:s8+$0x16760] =	vst v62;
	v0 =	vsub.f32 v0, v61  }
0xc1: {  	[tilespmem:s8+$0x16F30] =	vst v61  }
0xc2: {  	s5 =	simm.s32 $0x101D0;
	[tilespmem:s8+$0x157C0] =	vst v0;
	s8 =	sadd.s32 s11, s29  }
0xc3: {  	[hbm4b:s8+s2] =	stream.linear.scatter [tilespmem:s5], [sflag:$0x1], $0x7D0, $0x38;
	[tilespmem:$0x17700] =	vst v63  }
0xc4: {  	_ =	swait.ge [sflag:s30], $0x7D0  }
0xc5: {  	[sflag:s30] =	ssyncset.done $0x0  }
0xc6: {  	s6 =	sadd.s32 s12, s29;
	s8 =	simm.s32 $0x109A0;
	[sflag:s30] =	ssyncadd.s32 $0xFFFFF830  }
0xc7: {  	[hbm4b:s6+s2] =	stream.linear.scatter [tilespmem:s8], [sflag:$0x1], $0x7D0, $0x38;
	[tilespmem:$0x17700] =	vst v63  }
0xc8: {  	_ =	swait.ge [sflag:s30], $0x7D0  }
0xc9: {  	[sflag:s30] =	ssyncset.done $0x0  }
0xca: {  	s6 =	sadd.s32 s13, s29;
	s8 =	simm.s32 $0x11170;
	[sflag:s30] =	ssyncadd.s32 $0xFFFFF830  }
0xcb: {  	[hbm4b:s6+s2] =	stream.linear.scatter [tilespmem:s8], [sflag:$0x1], $0x7D0, $0x38;
	[tilespmem:$0x17700] =	vst v63  }
0xcc: {  	_ =	swait.ge [sflag:s30], $0x7D0  }
0xcd: {  	[sflag:s30] =	ssyncset.done $0x0  }
0xce: {  	s6 =	sadd.s32 s14, s29;
	s8 =	simm.s32 $0x11940;
	[sflag:s30] =	ssyncadd.s32 $0xFFFFF830  }
0xcf: {  	[hbm4b:s6+s2] =	stream.linear.scatter [tilespmem:s8], [sflag:$0x1], $0x7D0, $0x38;
	[tilespmem:$0x17700] =	vst v63  }
0xd0: {  	_ =	swait.ge [sflag:s30], $0x7D0  }
0xd1: {  	[sflag:s30] =	ssyncset.done $0x0  }
0xd2: {  	s6 =	sadd.s32 s15, s29;
	s8 =	simm.s32 $0x12110;
	[sflag:s30] =	ssyncadd.s32 $0xFFFFF830  }
0xd3: {  	[hbm4b:s6+s2] =	stream.linear.scatter [tilespmem:s8], [sflag:$0x1], $0x7D0, $0x38;
	[tilespmem:$0x17700] =	vst v63  }
0xd4: {  	_ =	swait.ge [sflag:s30], $0x7D0  }
0xd5: {  	[sflag:s30] =	ssyncset.done $0x0  }
0xd6: {  	s6 =	sadd.s32 s16, s29;
	s8 =	simm.s32 $0x128E0;
	[sflag:s30] =	ssyncadd.s32 $0xFFFFF830  }
0xd7: {  	[hbm4b:s6+s2] =	stream.linear.scatter [tilespmem:s8], [sflag:$0x1], $0x7D0, $0x38;
	[tilespmem:$0x17700] =	vst v63  }
0xd8: {  	_ =	swait.ge [sflag:s30], $0x7D0  }
0xd9: {  	[sflag:s30] =	ssyncset.done $0x0  }
0xda: {  	s6 =	sadd.s32 s24, s29;
	s8 =	simm.s32 $0x130B0;
	[sflag:s30] =	ssyncadd.s32 $0xFFFFF830  }
0xdb: {  	[hbm4b:s6+s2] =	stream.linear.scatter [tilespmem:s8], [sflag:$0x1], $0x7D0, $0x38;
	[tilespmem:$0x17700] =	vst v63  }
0xdc: {  	_ =	swait.ge [sflag:s30], $0x7D0  }
0xdd: {  	[sflag:s30] =	ssyncset.done $0x0  }
0xde: {  	s6 =	sadd.s32 s18, s29;
	s8 =	simm.s32 $0x13880;
	[sflag:s30] =	ssyncadd.s32 $0xFFFFF830  }
0xdf: {  	[hbm4b:s6+s2] =	stream.linear.scatter [tilespmem:s8], [sflag:$0x1], $0x7D0, $0x38;
	[tilespmem:$0x17700] =	vst v63  }
0xe0: {  	_ =	swait.ge [sflag:s30], $0x7D0  }
0xe1: {  	[sflag:s30] =	ssyncset.done $0x0  }
0xe2: {  	s6 =	sadd.s32 s19, s29;
	s8 =	simm.s32 $0x14050;
	[sflag:s30] =	ssyncadd.s32 $0xFFFFF830  }
0xe3: {  	[hbm4b:s6+s2] =	stream.linear.scatter [tilespmem:s8], [sflag:$0x1], $0x7D0, $0x38;
	[tilespmem:$0x17700] =	vst v63  }
0xe4: {  	_ =	swait.ge [sflag:s30], $0x7D0  }
0xe5: {  	[sflag:s30] =	ssyncset.done $0x0  }
0xe6: {  	s6 =	sadd.s32 s20, s29;
	s8 =	simm.s32 $0x14820;
	[sflag:s30] =	ssyncadd.s32 $0xFFFFF830  }
0xe7: {  	[hbm4b:s6+s2] =	stream.linear.scatter [tilespmem:s8], [sflag:$0x1], $0x7D0, $0x38;
	[tilespmem:$0x17700] =	vst v63  }
0xe8: {  	_ =	swait.ge [sflag:s30], $0x7D0  }
0xe9: {  	[sflag:s30] =	ssyncset.done $0x0  }
0xea: {  	s6 =	sadd.s32 s21, s29;
	s8 =	simm.s32 $0x14FF0;
	[sflag:s30] =	ssyncadd.s32 $0xFFFFF830  }
0xeb: {  	[hbm4b:s6+s2] =	stream.linear.scatter [tilespmem:s8], [sflag:$0x1], $0x7D0, $0x38;
	[tilespmem:$0x17700] =	vst v63  }
0xec: {  	_ =	swait.ge [sflag:s30], $0x7D0  }
0xed: {  	[sflag:s30] =	ssyncset.done $0x0  }
0xee: {  	s6 =	sadd.s32 s22, s29;
	s8 =	simm.s32 $0x157C0;
	[sflag:s30] =	ssyncadd.s32 $0xFFFFF830  }
0xef: {  	[hbm4b:s6+s2] =	stream.linear.scatter [tilespmem:s8], [sflag:$0x1], $0x7D0, $0x38;
	[tilespmem:$0x17700] =	vst v63  }
0xf0: {  	_ =	swait.ge [sflag:s30], $0x7D0  }
0xf1: {  	[sflag:s30] =	ssyncset.done $0x0  }
0xf2: {  	s6 =	sadd.s32 s23, s29;
	s8 =	simm.s32 $0x15F90;
	[sflag:s30] =	ssyncadd.s32 $0xFFFFF830  }
0xf3: {  	[hbm4b:s6+s2] =	stream.linear.scatter [tilespmem:s8], [sflag:$0x1], $0x7D0, $0x38;
	[tilespmem:$0x17700] =	vst v63  }
0xf4: {  	_ =	swait.ge [sflag:s30], $0x7D0  }
0xf5: {  	[sflag:s30] =	ssyncset.done $0x0  }
0xf6: {  	s5 =	sadd.s32 s25, s29;
	s6 =	simm.s32 $0x16760;
	[sflag:s30] =	ssyncadd.s32 $0xFFFFF830  }
0xf7: {  	[hbm4b:s5+s2] =	stream.linear.scatter [tilespmem:s6], [sflag:$0x1], $0x7D0, $0x38;
	[tilespmem:$0x17700] =	vst v63  }
0xf8: {  	s7 =	sadd.s32 $0x1, s7;
	_ =	swait.ge [sflag:s30], $0x7D0  }
0xf9: {  	p0 =	sne.s32 s7, $0x5;
	s8 =	sadd.s32 s26, s29;
	[sflag:s30] =	ssyncset.done $0x0  }
.Ltmp1:
0xfa: {  	s29 =	simm.s32 $0x16F30;
	[sflag:s30] =	ssyncadd.s32 $0xFFFFF830;
	(pc) =	sbr.rel @p0 .LBB2_2-.Ltmp1, $4  }
0xfb: {  	[hbm4b:s8+s2] =	stream.linear.scatter [tilespmem:s29], [sflag:$0x1], $0x7D0, $0x38;
	[tilespmem:$0x17700] =	vst v63  }
0xfc: {  	_ =	swait.ge [sflag:s30], $0x7D0  }
0xfd: {  	[sflag:s30] =	ssyncset.done $0x0  }
0xfe: {  	[sflag:s30] =	ssyncadd.s32 $0xFFFFF830  }
0xff: {  	s5 =	rddreg [dreg:$0xa]  }
0x100: {  	s4 =	rddreg [dreg:$0x9];
	s5 =	sadd.s32 $0x1, s5  }
0x101: {  	p0 =	sne.s32 s5, s4  }
.Ltmp2:
0x102: {  	_ = 	snop;
	(pc) =	sbr.rel @p0 .LBB2_1-.Ltmp2, $1  }
0x103: {  	_ =	sdelay $0x3  }
0x104: {  	_ =	sfence.sel $0x180000  }
0x105: {  	[bflag:$0x0] =	sbarrier.arrive $0xFFFF  }
0x106: {  	_ =	strace $0x9000004A  }
0x107: {  	s0 =	stileid.u32;
	[bflag:$0x2] =	sbarrier.arrive $0xFFFF  }
0x108: {  	p0 =	sne.s32 s0, $0x0;
	s0 =	rddreg [dreg:$0x2]  }
0x109: {  	s0 =	sadd.s32 @!p0 $0x100000, s0  }
0x10a: {  	[sflag:s0] =	ssyncadd.tile.s32 @!p0 $0x1;
	_ =	shalt  }
.Lfunc_end2:
_tile_overlayer_lowered:
.L_overlay_start_2:
0x10b: {  	(tag) =	ssettag $0x2  }
0x10c: {  	s0 =	rddreg [dreg:$0x0];
	s2 =	stileid.u32  }
0x10d: {  	s1 =	rddreg [dreg:$0x1];
	p0 =	sne.s32 s2, $0x0  }
0x10e: {  	s3 =	rddreg [dreg:$0x2];
	[bflag:$0x3] =	sbarrier.arrive $0xFFFF;
	s2 =	simm.s32 @!p0 $0x1C01  }
0x10f: {  	[timem:s3], [sflag:s2] =	dma.local @!p0 [hbm:s0], s1  }
0x110: {  	s0 =	simm.s32 @!p0 $0x1  }
0x111: {  	_ =	swait.ge @!p0 [sflag:s0], s1  }
0x112: {  	s1 =	ssub.s32 @!p0 $0x0, s1;
	[sflag:s0] =	ssyncset.done @!p0 $0x0  }
0x113: {  	[sflag:s0] =	ssyncadd.s32 @!p0 s1  }
0x114: {  	[bflag:$0x3] =	sbarrier.arrive $0xFFFF  }
0x115: {  	_ =	shalt  }

// kernel: kernel.15.cloned.1.call-start
scs
__scs_entry_jumppad:
0x0: {  	(pc) =	sbr.rel $0x88, $3  }
0x1: {  	(tag) =	ssettag $0x0;
	lr =	simm.s32 $0x1  }
0x2: {  	[smem:$0x3F8F] =	sst lr;
	_ =	strace $0xD0000000  }
0x3: {  	_ = 	snop  }
0x4: {  	_ = 	snop  }
0x5: {  	_ = 	snop  }
0x6: {  	_ = 	snop  }
0x7: {  	_ = 	snop  }
__scs_overlays_trampoline_lowered:
0x8: {  	[smem:$0x3F9E] =	sst s0  }
0x9: {  	[smem:$0x3F9F] =	sst s1  }
0xa: {  	[smem:$0x3FA0] =	sst s2  }
0xb: {  	[smem:$0x3FA1] =	sst s3  }
0xc: {  	[smem:$0x3FA2] =	sst s4  }
0xd: {  	[smem:$0x3FA3] =	sst s5  }
0xe: {  	[smem:$0x3FA4] =	sst s6  }
0xf: {  	[smem:$0x3FA5] =	sst s7  }
0x10: {  	[smem:$0x3FA6] =	sst s8  }
0x11: {  	[smem:$0x3FA7] =	sst s9;
	s0 =	simm.s32 @!p0 $0x0  }
0x12: {  	s1 =	sld [smem:$0x3F8D];
	s0 =	simm.s32 @p0 $0x1  }
0x13: {  	[smem:$0x3FA8] =	sst s0;
	s0 =	simm.s32 @!p1 $0x0  }
0x14: {  	s2 =	sld [smem:$0x3F8C];
	s0 =	simm.s32 @p1 $0x1  }
0x15: {  	[smem:$0x3FA9] =	sst s0;
	s0 =	simm.s32 @!p2 $0x0  }
0x16: {  	s3 =	sld [smem:$0x3FDB];
	s0 =	simm.s32 @p2 $0x1  }
0x17: {  	s4 =	simm.s32 $0x1BF5;
	[smem:$0x3FAB] =	sst s0  }
0x18: {  	s0 =	sld [smem:$0x3F8E];
	_ =	swait.ge [sflag:s4], $0x0  }
0x19: {  	s7 =	sld [smem:$0x3F8F]  }
0x1a: {  	s8 =	sadd.s32 $0xFFFFE003, lr  }
0x1b: {  	s9 =	sadd.s32 $0xFFFFFEF7, lr;
	s5 =	simm.s32 $0xFFFFFFFF;
	p2 =	slt.u32 s8, $0xFFFFF086  }
0x1c: {  	p1 =	slt.u32 s9, $0xF7A;
	s5 =	simm.s32 @!p2 $0x0  }
0x1d: {  	s5 =	simm.s32 @p1 $0x1;
	p0 =	seq.s32 s7, s2  }
0x1e: {  	s7 =	smul.u32 @!p0 $0xF7A, s2;
	p2 =	seq.s32 @!p0 s5, $0x0  }
0x1f: {  	s9 =	smul.u32 $0xF7A, s1;
	s8 =	simm.s32 @!p0 $0x1BF5;
	p2 =	por !p2, p0  }
0x20: {  	[sflag:s8] =	ssyncset.s32 @!p0 $0xFFFFF086;
	s6 =	sadd.s32 @!p0 s3, s7;
	s7 =	simm.s32 @!p0 $0x108  }
0x21: {  	s3 =	sadd.s32 s3, s9;
	s6 =	sadd.s32 @!p0 $0x88, s6;
	s7 =	simm.s32 @p2 $0x1082  }
0x22: {  	[simem:s7], [sflag:s8] =	dma.local @!p0 [hbm:s6], $0xF7A  }
0x23: {  	s9 =	sor.u32 $0xD0000000, s2;
	s6 =	simm.s32 $0x108;
	_ =	swait.ge @!p0 [sflag:s8], $0x0  }
0x24: {  	s3 =	sadd.s32 $0x88, s3;
	s6 =	simm.s32 @!p1 $0x1082;
	[sflag:s4] =	ssyncset.s32 $0xFFFFF086  }
0x25: {  	[simem:s6], [sflag:s4] =	dma.local [hbm:s3], $0xF7A  }
0x26: {  	[smem:$0x3F8F] =	sst s1;
	(tag) =	ssettag s2;
	_ =	strace s9  }
0x27: {  	s1 =	sld [smem:$0x3F9F]  }
0x28: {  	s2 =	sld [smem:$0x3FA0]  }
0x29: {  	s4 =	sld [smem:$0x3FA2]  }
0x2a: {  	p0 =	seq.s32 s5, $0x0;
	s5 =	sld [smem:$0x3FA3]  }
0x2b: {  	s6 =	sld [smem:$0x3FA4]  }
0x2c: {  	s7 =	sld [smem:$0x3FA5]  }
0x2d: {  	s3 =	simm.s32 $0x108;
	s8 =	sld [smem:$0x3FA6]  }
0x2e: {  	s3 =	simm.s32 @!p0 $0x1082;
	s9 =	sld [smem:$0x3FA7]  }
0x2f: {  	lr =	sadd.s32 s0, s3;
	s0 =	sld [smem:$0x3F9E]  }
0x30: {  	s3 =	sld [smem:$0x3FA1]  }
0x31: {  	[smem:$0x3FAA] =	sst s10  }
0x32: {  	s10 =	sld [smem:$0x3FA8];
	_ =	sdelay $0x3  }
0x33: {  	p0 =	seq.s32 s10, $0x1;
	s10 =	sld [smem:$0x3FAA];
	_ =	sdelay $0x3  }
0x34: {  	[smem:$0x3FAA] =	sst s10  }
0x35: {  	s10 =	sld [smem:$0x3FA9];
	_ =	sdelay $0x3  }
0x36: {  	p1 =	seq.s32 s10, $0x1;
	s10 =	sld [smem:$0x3FAA];
	_ =	sdelay $0x3  }
0x37: {  	[smem:$0x3FAA] =	sst s10  }
0x38: {  	s10 =	sld [smem:$0x3FAB]  }
0x39: {  	_ = 	snop;
	(pc) =	sbr.ind lr, $3  }
0x3a: {  	_ = 	snop  }
0x3b: {  	_ = 	snop  }
0x3c: {  	p2 =	seq.s32 s10, $0x1;
	s10 =	sld [smem:$0x3FAA]  }
0x3d: {  	_ =	shalt  }
0x3e: {  	_ =	shalt  }
0x3f: {  	_ =	shalt  }
0x40: {  	_ =	shalt  }
0x41: {  	_ =	shalt  }
0x42: {  	_ =	shalt  }
0x43: {  	_ =	shalt  }
0x44: {  	_ =	shalt  }
0x45: {  	_ =	shalt  }
0x46: {  	_ =	shalt  }
0x47: {  	_ =	shalt  }
0x48: {  	_ =	shalt  }
0x49: {  	_ =	shalt  }
0x4a: {  	_ =	shalt  }
0x4b: {  	_ =	shalt  }
0x4c: {  	_ =	shalt  }
0x4d: {  	_ =	shalt  }
0x4e: {  	_ =	shalt  }
0x4f: {  	_ =	shalt  }
0x50: {  	_ =	shalt  }
0x51: {  	_ =	shalt  }
0x52: {  	_ =	shalt  }
0x53: {  	_ =	shalt  }
0x54: {  	_ =	shalt  }
0x55: {  	_ =	shalt  }
0x56: {  	_ =	shalt  }
0x57: {  	_ =	shalt  }
0x58: {  	_ =	shalt  }
0x59: {  	_ =	shalt  }
0x5a: {  	_ =	shalt  }
0x5b: {  	_ =	shalt  }
0x5c: {  	_ =	shalt  }
0x5d: {  	_ =	shalt  }
0x5e: {  	_ =	shalt  }
0x5f: {  	_ =	shalt  }
0x60: {  	_ =	shalt  }
0x61: {  	_ =	shalt  }
0x62: {  	_ =	shalt  }
0x63: {  	_ =	shalt  }
0x64: {  	_ =	shalt  }
0x65: {  	_ =	shalt  }
0x66: {  	_ =	shalt  }
0x67: {  	_ =	shalt  }
0x68: {  	_ =	shalt  }
0x69: {  	_ =	shalt  }
0x6a: {  	_ =	shalt  }
0x6b: {  	_ =	shalt  }
0x6c: {  	_ =	shalt  }
0x6d: {  	_ =	shalt  }
0x6e: {  	_ =	shalt  }
0x6f: {  	_ =	shalt  }
0x70: {  	_ =	shalt  }
0x71: {  	_ =	shalt  }
0x72: {  	_ =	shalt  }
0x73: {  	_ =	shalt  }
0x74: {  	_ =	shalt  }
0x75: {  	_ =	shalt  }
0x76: {  	_ =	shalt  }
0x77: {  	_ =	shalt  }
0x78: {  	_ =	shalt  }
0x79: {  	_ =	shalt  }
0x7a: {  	_ =	shalt  }
0x7b: {  	_ =	shalt  }
0x7c: {  	_ =	shalt  }
0x7d: {  	_ =	shalt  }
0x7e: {  	_ =	shalt  }
0x7f: {  	_ =	shalt  }
0x80: {  	_ =	shalt  }
0x81: {  	_ =	shalt  }
0x82: {  	_ =	shalt  }
0x83: {  	_ =	shalt  }
0x84: {  	_ =	shalt  }
0x85: {  	_ =	shalt  }
0x86: {  	_ =	shalt  }
0x87: {  	_ =	shalt  }
.Lfunc_end0:
.L_simem_size_0:
called_computation.2_lowered:
.L_overlay_start_0:
0x88: {  	s2 =	sld [smem:$0x3FD9]  }
0x89: {  	s3 =	sld [smem:$0x3FFE];
	_ =	sdelay $0x1  }
0x8a: {  	s1 =	srdreg.scid  }
0x8b: {  	s0 =	sand.u32 $0x1, s1  }
0x8c: {  	s16 =	sshll.u32 s0, $0xA;
	s2 =	sadd.s32 s3, s2  }
0x8d: {  	s2 =	sadd.s32 s2, s16  }
0x8e: {  	[smem:$0x3FB6] =	sst s2  }
0x8f: {  	_ = 	snop  }
0x90: {  	(tm) =	ssettm $0x1  }
0x91: {  	s17 =	sld [smem:$0x3FFB];
	_ =	sdelay $0x3  }
0x92: {  	_ =	strace s17  }
0x93: {  	s2 =	sld [smem:$0x3FFC];
	_ =	sdelay $0x3  }
0x94: {  	_ =	strace s2  }
0x95: {  	s2 =	sld [smem:$0x3FFD];
	_ =	sdelay $0x3  }
0x96: {  	_ =	strace s2  }
0x97: {  	_ =	strace $0x8FFFFFFF  }
0x98: {  	s18 =	sld [smem:$0x3FDB];
	_ =	sdelay $0x1  }
0x99: {  	s19 =	simm.s32 $_scs_section_size  }
0x9a: {  	s4 =	simm.s32 $_size__tile_overlayer_lowered;
	s5 =	simm.s32 $_tile_overlayer_lowered  }
0x9b: {  	s22 =	simm.s32 $0x1BFF;
	s21 =	sshll.u32 s5, $0x1;
	s2 =	sadd.s32 s19, s18  }
0x9c: {  	s6 =	simm.s32 $0x0;
	s20 =	sshll.u32 s4, $0x1;
	s4 =	sadd.s32 s21, s2  }
0x9d: {  	[timem:s6], [sflag:s22] =	dma.local [hbm:s4], s20  }
0x9e: {  	_ =	swait.ge [sflag:s22], s20  }
0x9f: {  	s3 =	ssub.s32 $0x0, s20;
	[sflag:s22] =	ssyncset.done $0x0  }
0xa0: {  	[sflag:s22] =	ssyncadd.s32 s3;
	_ =	sdelay $0x1  }
0xa1: {  	s23 =	simm.s32 $0x1B8B  }
0xa2: {  	_ =	swait.ge [sflag:s23], $0x1  }
0xa3: {  	[sflag:s23] =	ssyncset.done $0x0  }
0xa4: {  	s25 =	simm.s32 $0x1B8E;
	s24 =	sld [smem:$0x3FFE];
	[sflag:s23] =	ssyncadd.s32 $0xFFFFFFFF  }
0xa5: {  	s26 =	simm.s32 $execute0_lowered;
	[smem:$0x3FD2] =	sst s25  }
0xa6: {  	s4 =	sshll.u32 s26, $0x1;
	_ =	strace $0x8000004C;
	[dreg:$0x1] =	wrdreg $0xFFFFFFFF  }
0xa7: {  	s28 =	simm.s32 $_size_execute0_lowered;
	s2 =	sadd.s32 s2, s4;
	[dreg:$0x0] =	wrdreg $0x0  }
0xa8: {  	s4 =	sshll.u32 s28, $0x1;
	[dreg:$0x2] =	wrdreg s2  }
0xa9: {  	[dreg:$0x3] =	wrdreg s4  }
0xaa: {  	[dreg:$0x4] =	wrdreg $0xC0  }
0xab: {  	_ =	task [dreg:s6], $0x5FFFF  }
0xac: {  	[dreg:$0x1] =	wrdreg $0xFFFFFFFF  }
0xad: {  	[dreg:$0x0] =	wrdreg $0x60  }
0xae: {  	[dreg:$0x2] =	wrdreg s24  }
0xaf: {  	[dreg:$0x3] =	wrdreg $0x0  }
0xb0: {  	[dreg:$0x4] =	wrdreg $0x9  }
0xb1: {  	_ =	task.clear_ibuf [dreg:s6], $0x5FFFF;
	_ =	strace $0x9000004C  }
0xb2: {  	s29 =	simm.s32 $0x9;
	_ =	strace $0x8000004E  }
0xb3: {  	_ =	swait.ge [sflag:s29], $0x1  }
0xb4: {  	[sflag:s29] =	ssyncadd.s32 $0xFFFFFFFF  }
0xb5: {  	_ =	strace $0x9000004E  }
0xb6: {  	_ =	sfence  }
0xb7: {  	s30 =	sld [smem:$0x0];
	_ =	sdelay $0x2  }
0xb8: {  	s31 =	sshll.u32 s1, $0xD;
	s1 =	sshrl.u32 s1, $0x2  }
0xb9: {  	s3 =	sand.u32 $0x4000, s31;
	s1 =	sadd.s32 s1, s30  }
0xba: {  	s0 =	sor.u32 s3, s0;
	s1 =	sshll.u32 s1, $0x11  }
0xbb: {  	s0 =	sor.u32 s1, s0  }
0xbc: {  	s0 =	sadd.s32 $0x8F2B, s0  }
0xbd: {  	[sflag:s0] =	ssyncadd.remote.s32 $0x1  }
0xbe: {  	_ =	sfence.sel $0xFFFF  }
0xbf: {  	[dreg:$0x0] =	wrdreg $0xFFFFFFFF;
	(pc) =	sbr.abs _section_cstart, $3  }
0xc0: {  	[dreg:$0x1] =	wrdreg $0xFFFFFFFF  }
0xc1: {  	_ =	task.clear_ibuf [dreg:s6], $0x2FFFF;
	_ =	strace $0x9FFFFFFF  }
0xc2: {  	(tm) =	ssettm $0x7FFFFFFF  }
0xc3: {  	_ =	shalt  }
tec
execute0_lowered:
.L_overlay_start_1:
0x0: {  	(tag) =	ssettag $0x1  }
0x1: {  	s0 =	rddreg [dreg:$0x0]  }
0x2: {  	s1 =	rddreg [dreg:$0x1];
	s2 =	simm.s32 $0x0;
	s3 =	srdreg.scid  }
0x3: {  	s8 =	stileid.u32;
	[smem:$0x7FF] =	sst s2;
	s9 =	sadd.s32 $0x20800, s0  }
0x4: {  	s10 =	sadd.s32 $0x2A600, s0;
	s11 =	sadd.s32 $0x34400, s0;
	s12 =	sadd.s32 $0x66F400, s0  }
0x5: {  	s13 =	sadd.s32 $0x679200, s0;
	s14 =	sadd.s32 $0x683000, s0;
	s15 =	sadd.s32 $0x3E200, s0  }
0x6: {  	s3 =	sand.u32 $0x1, s3;
	s4 =	smul.u32 $0x2780, s8;
	s16 =	sadd.s32 $0x48000, s0  }
0x7: {  	s24 =	sadd.s32 $0x51E00, s0;
	s17 =	sadd.s32 $0x16A00, s0;
	s6 =	sshll.u32 s8, $0x1  }
0x8: {  	s19 =	sadd.s32 $0xCC00, s0;
	s5 =	smul.u32 $0x27800, s3;
	s6 =	sor.u32 s3, s6  }
0x9: {  	s25 =	sadd.s32 $0x2E00, s0;
	s7 =	ssub.s32 $0x2, s3;
	s6 =	smul.u32 $0x2710, s6  }
0xa: {  	_ =	strace $0x8000004D;
	[dreg:$0x3] =	wrdreg s9;
	s22 =	sshrl.u32 s7, $0x1  }
0xb: {  	s29 =	sadd.s32 s4, s1;
	s5 =	sadd.s32 s4, s5;
	s6 =	sshrl.u32 s6, $0x3  }
0xc: {  	[dreg:$0x4] =	wrdreg s29;
	s5 =	sshrl.u32 s5, $0x3;
	s23 =	sadd.s32 s17, s6  }
0xd: {  	s0 =	sadd.s32 s5, s0;
	s26 =	sadd.s32 s9, s6;
	[dreg:$0x5] =	wrdreg s23  }
0xe: {  	s5 =	ssub.s32 s7, s22;
	s7 =	sadd.s32 s10, s6;
	[dreg:$0x6] =	wrdreg s26  }
0xf: {  	s18 =	sadd.s32 s11, s6;
	[dreg:$0x7] =	wrdreg s7  }
0x10: {  	s8 =	smul.u32 $0x4E20, s8;
	s20 =	sadd.s32 s19, s6;
	[dreg:$0x8] =	wrdreg s18  }
0x11: {  	s3 =	smul.u32 $0x2710, s3;
	s21 =	sadd.s32 s12, s6;
	[dreg:$0x9] =	wrdreg s20  }
0x12: {  	s22 =	sadd.s32 s13, s6;
	[dreg:$0xa] =	wrdreg s21  }
0x13: {  	s3 =	sadd.s32 s3, s8;
	s8 =	sadd.s32 s15, s6;
	[dreg:$0xb] =	wrdreg s22  }
0x14: {  	s23 =	sadd.s32 s14, s6;
	[dreg:$0xe] =	wrdreg s8  }
0x15: {  	s26 =	sadd.s32 s25, s6;
	[dreg:$0xc] =	wrdreg s23  }
0x16: {  	s18 =	sadd.s32 s16, s6;
	[dreg:$0xd] =	wrdreg s26  }
0x17: {  	s4 =	sadd.s32 $0xA, s6;
	s6 =	sadd.s32 s24, s6;
	[dreg:$0xf] =	wrdreg s18  }
0x18: {  	s20 =	sadd.s32 s17, s4;
	[dreg:$0x10] =	wrdreg s6  }
0x19: {  	s21 =	sadd.s32 s9, s4;
	[dreg:$0x11] =	wrdreg s20  }
0x1a: {  	s22 =	sadd.s32 s10, s4;
	[dreg:$0x12] =	wrdreg s21  }
0x1b: {  	s7 =	sadd.s32 s12, s4;
	[dreg:$0x13] =	wrdreg s22  }
0x1c: {  	s8 =	sadd.s32 s13, s4;
	[dreg:$0x16] =	wrdreg s7  }
0x1d: {  	s0 =	sadd.s32 $0x5BC00, s0;
	[dreg:$0x17] =	wrdreg s8  }
0x1e: {  	s23 =	sadd.s32 s11, s4;
	[dreg:$0x1d] =	wrdreg s0  }
0x1f: {  	s26 =	sadd.s32 s19, s4;
	[dreg:$0x14] =	wrdreg s23  }
0x20: {  	s28 =	simm.s32 $0x5040;
	s18 =	sadd.s32 s14, s4;
	[dreg:$0x15] =	wrdreg s26  }
0x21: {  	s31 =	smov.u32 s10;
	s20 =	sadd.s32 s25, s4;
	[dreg:$0x18] =	wrdreg s18  }
0x22: {  	s30 =	smov.u32 s25;
	s21 =	sadd.s32 s15, s4;
	[dreg:$0x19] =	wrdreg s20  }
0x23: {  	s22 =	sadd.s32 s16, s4;
	s4 =	sadd.s32 s24, s4;
	[dreg:$0x1a] =	wrdreg s21  }
0x24: {  	s6 =	smax.u32 s5, $0x1;
	s7 =	sadd.s32 $0xA0, s3;
	[dreg:$0x1b] =	wrdreg s22  }
0x25: {  	s0 =	smov.u32 s11;
	s23 =	sadd.s32 $0xF0, s3;
	[dreg:$0x1c] =	wrdreg s4  }
0x26: {  	s5 =	simm.s32 $0x50E0;
	[dreg:$0x1e] =	wrdreg s6;
	s26 =	sshrl.u32 s23, $0x3  }
0x27: {  	[dreg:$0x1f] =	wrdreg s7;
	s22 =	smov.u32 s17;
	s8 =	sadd.s32 s26, s9  }
0x28: {  	s6 =	smov.u32 s12;
	s9 =	sadd.s32 s26, s10;
	[smem:$0x7F2] =	sst s8  }
0x29: {  	s18 =	smov.u32 s14;
	s10 =	sadd.s32 s26, s11;
	[smem:$0x7F3] =	sst s9  }
0x2a: {  	s3 =	simm.s32 $0x4F50;
	s11 =	sadd.s32 s26, s17;
	[smem:$0x7F4] =	sst s10  }
0x2b: {  	s4 =	simm.s32 $0x5090;
	s12 =	sadd.s32 s26, s12;
	[smem:$0x7F5] =	sst s11  }
0x2c: {  	s17 =	smov.u32 s13;
	s13 =	sadd.s32 s26, s13;
	[smem:$0x7F6] =	sst s12  }
0x2d: {  	v0 =	vlaneseq.u32;
	s7 =	simm.s32 $0x5130;
	s14 =	sadd.s32 s26, s14;
	[smem:$0x7F7] =	sst s13  }
0x2e: {  	v0 =	vmul.u32 $0x10, v0;
	s23 =	smov.u32 s19;
	s19 =	sadd.s32 s26, s19;
	[smem:$0x7F8] =	sst s14  }
0x2f: {  	s20 =	sadd.s32 s26, s15;
	s21 =	sadd.s32 s26, s16;
	[smem:$0x7F9] =	sst s19  }
0x30: {  	v1 =	vimm.f32 $0.0e+00;
	v5 =	vimm.f32 $1.000000000e+00;
	v2 =	vor.u32 $0x1, v0;
	s19 =	smov.u32 s15;
	[smem:$0x7FA] =	sst s20;
	s20 =	smov.u32 s16  }
0x31: {  	v3 =	vor.u32 $0x2, v0;
	v4 =	vor.u32 $0x3, v0;
	v6 =	vor.u32 $0x100, v0;
	[smem:$0x7FB] =	sst s21;
	s21 =	smov.u32 s24;
	s24 =	sadd.s32 s26, s24  }
.Ltmp0:
0x32: {  	v7 =	vor.u32 $0x101, v0;
	v8 =	vor.u32 $0x102, v0;
	v9 =	vor.u32 $0x103, v0;
	s26 =	sadd.s32 s26, s25;
	s15 =	simm.s32 $0x2780;
	(pc) =	sbr.rel .LBB2_1-.Ltmp0, $4  }
0x33: {  	v10 =	vor.u32 $0x200, v0;
	v11 =	vor.u32 $0x201, v0;
	v12 =	vor.u32 $0x202, v0;
	s25 =	simm.s32 $0x3;
	s16 =	simm.s32 $0x4FF0;
	s8 =	simm.s32 $0x1  }
0x34: {  	v13 =	vor.u32 $0x203, v0;
	v14 =	vor.u32 $0x300, v0;
	v15 =	vor.u32 $0x301, v0;
	s9 =	simm.s32 $0x5180;
	s10 =	simm.s32 $0x50;
	s11 =	simm.s32 $0x2  }
0x35: {  	v16 =	vor.u32 $0x302, v0;
	v17 =	vor.u32 $0x303, v0;
	v18 =	vor.u32 $0x400, v0;
	s12 =	simm.s32 $0x5680;
	s14 =	simm.s32 $0x0;
	[smem:$0x7FC] =	sst s24  }
0x36: {  	v19 =	vor.u32 $0x401, v0;
	v20 =	vor.u32 $0x402, v0;
	v21 =	vor.u32 $0x403, v0;
	[smem:$0x7FD] =	sst s26;
	s26 =	simm.s32 $0x4F00;
	s24 =	simm.s32 $0x4FA0  }
.LBB2_14:
0x37: {  	_ =	swait.ge [sflag:s8], $0x50  }
0x38: {  	[sflag:s8] =	ssyncset.done $0x0  }
0x39: {  	[sflag:s8] =	ssyncadd.s32 $0xFFFFFFB0  }
0x3a: {  	_ =	swait.ge [sflag:s8], $0x50  }
0x3b: {  	[sflag:s8] =	ssyncset.done $0x0  }
0x3c: {  	[sflag:s8] =	ssyncadd.s32 $0xFFFFFFB0  }
0x3d: {  	_ =	swait.ge [sflag:s8], $0x50  }
0x3e: {  	[sflag:s8] =	ssyncset.done $0x0  }
0x3f: {  	[sflag:s8] =	ssyncadd.s32 $0xFFFFFFB0  }
0x40: {  	_ =	swait.ge [sflag:s8], $0x50  }
0x41: {  	[sflag:s8] =	ssyncset.done $0x0  }
0x42: {  	[sflag:s8] =	ssyncadd.s32 $0xFFFFFFB0  }
0x43: {  	v22 =	vld [tilespmem:$0x4FA0];
	_ =	sdelay $0x4  }
0x44: {  	[tilespmem:v0+s9+$0x0] =	vst.idx.msk $0xffff, v22  }
0x45: {  	v22 =	vld [tilespmem:$0x4FF0];
	_ =	sdelay $0x4  }
0x46: {  	[tilespmem:v2+s9+$0x0] =	vst.idx.msk $0xffff, v22  }
0x47: {  	v22 =	vld [tilespmem:$0x5040];
	_ =	sdelay $0x4  }
0x48: {  	[tilespmem:v3+s9+$0x0] =	vst.idx.msk $0xffff, v22  }
0x49: {  	[tilespmem:v4+s9+$0x0] =	vst.idx.msk $0xffff, v5  }
0x4a: {  	v22 =	vld [tilespmem:$0x4FB0];
	_ =	sdelay $0x4  }
0x4b: {  	[tilespmem:v6+s9+$0x0] =	vst.idx.msk $0xffff, v22  }
0x4c: {  	v22 =	vld [tilespmem:$0x5000];
	_ =	sdelay $0x4  }
0x4d: {  	[tilespmem:v7+s9+$0x0] =	vst.idx.msk $0xffff, v22  }
0x4e: {  	v22 =	vld [tilespmem:$0x5050];
	_ =	sdelay $0x4  }
0x4f: {  	[tilespmem:v8+s9+$0x0] =	vst.idx.msk $0xffff, v22  }
0x50: {  	[tilespmem:v9+s9+$0x0] =	vst.idx.msk $0xffff, v5  }
0x51: {  	v22 =	vld [tilespmem:$0x4FC0];
	_ =	sdelay $0x4  }
0x52: {  	[tilespmem:v10+s9+$0x0] =	vst.idx.msk $0xffff, v22  }
0x53: {  	v22 =	vld [tilespmem:$0x5010];
	_ =	sdelay $0x4  }
0x54: {  	[tilespmem:v11+s9+$0x0] =	vst.idx.msk $0xffff, v22  }
0x55: {  	v22 =	vld [tilespmem:$0x5060];
	_ =	sdelay $0x4  }
0x56: {  	[tilespmem:v12+s9+$0x0] =	vst.idx.msk $0xffff, v22  }
0x57: {  	[tilespmem:v13+s9+$0x0] =	vst.idx.msk $0xffff, v5  }
0x58: {  	v22 =	vld [tilespmem:$0x4FD0];
	_ =	sdelay $0x4  }
0x59: {  	[tilespmem:v14+s9+$0x0] =	vst.idx.msk $0xffff, v22  }
0x5a: {  	v22 =	vld [tilespmem:$0x5020];
	_ =	sdelay $0x4  }
0x5b: {  	[tilespmem:v15+s9+$0x0] =	vst.idx.msk $0xffff, v22  }
0x5c: {  	v22 =	vld [tilespmem:$0x5070];
	_ =	sdelay $0x4  }
0x5d: {  	[tilespmem:v16+s9+$0x0] =	vst.idx.msk $0xffff, v22  }
0x5e: {  	[tilespmem:v17+s9+$0x0] =	vst.idx.msk $0xffff, v5  }
0x5f: {  	v22 =	vld [tilespmem:$0x4FE0];
	_ =	sdelay $0x4  }
0x60: {  	[tilespmem:v18+s9+$0x0] =	vst.idx.msk $0xffff, v22  }
0x61: {  	v22 =	vld [tilespmem:$0x5030];
	_ =	sdelay $0x4  }
0x62: {  	[tilespmem:v19+s9+$0x0] =	vst.idx.msk $0xffff, v22  }
0x63: {  	v22 =	vld [tilespmem:$0x5080];
	_ =	sdelay $0x4  }
0x64: {  	[tilespmem:v20+s9+$0x0] =	vst.idx.msk $0xffff, v22  }
0x65: {  	[tilespmem:v21+s9+$0x0] =	vst.idx.msk $0xffff, v5  }
0x66: {  	[spmem:s1] =	stream.indirect.scatter.add.f32 [tilespmem:s9], [sflag:$0x3], $0x10, s26, s10, $0xb8;
	[tilespmem:$0x5B80] =	vst v63  }
0x67: {  	_ =	swait.ge [sflag:s25], $0x500  }
0x68: {  	[sflag:s25] =	ssyncset.done $0x0  }
0x69: {  	[sflag:s25] =	ssyncadd.s32 $0xFFFFFB00  }
0x6a: {  	[bflag:$0x0] =	sbarrier.arrive $0xFFFF  }
0x6b: {  	s15 =	simm.s32 $0x2780;
	s29 =	rddreg [dreg:$0x4]  }
0x6c: {  	[tilespmem:s15], [sflag:$0x3] =	stream.linear.gather [spmem:s29], $0x2780, $0x38;
	[tilespmem:$0x5B80] =	vst v63  }
0x6d: {  	_ =	swait.ge [sflag:s25], $0x2780  }
0x6e: {  	[sflag:s25] =	ssyncset.done $0x0  }
0x6f: {  	s13 =	rddreg [dreg:$0x1d];
	[sflag:s25] =	ssyncadd.s32 $0xFFFFD880  }
0x70: {  	[hbm4b:s13+s2] =	stream.linear.scatter [tilespmem:s15], [sflag:$0x3], $0x2780, $0x38;
	[tilespmem:$0x5B80] =	vst v63  }
0x71: {  	_ =	swait.ge [sflag:s25], $0x2780  }
0x72: {  	s14 =	sld [smem:$0x7F1];
	_ =	sdelay $0x2  }
0x73: {  	s13 =	rddreg [dreg:$0x1e];
	s14 =	sadd.s32 $0x1, s14  }
0x74: {  	p0 =	sne.s32 s14, s13  }
.Ltmp1:
0x75: {  	_ = 	snop;
	(pc) =	sbr.rel @!p0 .LBB2_15-.Ltmp1, $3  }
0x76: {  	_ =	sdelay $0x1  }
0x77: {  	[sflag:s25] =	ssyncset.done $0x0  }
0x78: {  	[sflag:s25] =	ssyncadd.s32 $0xFFFFD880  }
.LBB2_1:
0x79: {  	[smem:$0x7F1] =	sst s14;
	s13 =	simm.s32 $0x40;
	s14 =	simm.s32 $0x0  }
.LBB2_2:
0x7a: {  	p0 =	sne.s32 s13, $0x9DC0;
	[tilespmem:s14+$0x2780] =	vst v1;
	s14 =	smov.u32 s13;
	s13 =	sadd.s32 $0x40, s13  }
.Ltmp2:
0x7b: {  	(pc) =	sbr.rel @p0 .LBB2_2-.Ltmp2, $2  }
0x7c: {  	_ =	sdelay $0x2  }
0x7d: {  	s14 =	sshra.s32 s14, $0x2  }
0x7e: {  	[tilespmem:s14+$0x2780] =	vst v1  }
0x7f: {  	[spmem:s29] =	stream.linear.scatter [tilespmem:s15], [sflag:$0x3], $0x2780, $0x38;
	[tilespmem:$0x5B80] =	vst v63  }
0x80: {  	_ =	swait.ge [sflag:s25], $0x2780  }
0x81: {  	[sflag:s25] =	ssyncset.done $0x0  }
0x82: {  	s13 =	simm.s32 $0x40;
	s14 =	simm.s32 $0x0;
	[sflag:s25] =	ssyncadd.s32 $0xFFFFD880  }
.LBB2_4:
0x83: {  	p0 =	sne.s32 s13, $0x13C0;
	[tilespmem:s14+$0x5180] =	vst v1;
	s15 =	smov.u32 s13;
	s13 =	sadd.s32 $0x40, s13  }
.Ltmp3:
0x84: {  	[tilespmem:s14+$0x5680] =	vst v1;
	(pc) =	sbr.rel @p0 .LBB2_4-.Ltmp3, $2  }
0x85: {  	_ =	sdelay $0x2  }
0x86: {  	s14 =	sshra.s32 s15, $0x2  }
0x87: {  	[tilespmem:s14+$0x5180] =	vst v1  }
0x88: {  	[tilespmem:s14+$0x5680] =	vst v1  }
0x89: {  	[bflag:$0x0] =	sbarrier.arrive $0xFFFF  }
0x8a: {  	s15 =	rddreg [dreg:$0x5]  }
0x8b: {  	s13 =	simm.s32 $0x0;
	s29 =	rddreg [dreg:$0x6]  }
0x8c: {  	[tilespmem:s26], [sflag:$0x1] =	stream.linear.gather [hbm4b:s15+s13], $0x50, $0x38;
	[tilespmem:$0x5B80] =	vst v63  }
0x8d: {  	s14 =	rddreg [dreg:$0x1f]  }
0x8e: {  	[tilespmem:s24], [sflag:$0x1] =	stream.linear.gather [hbm4b:s29+s13], $0x50, $0x38;
	[tilespmem:$0x5B80] =	vst v63  }
0x8f: {  	s15 =	rddreg [dreg:$0x7]  }
0x90: {  	[tilespmem:s16], [sflag:$0x1] =	stream.linear.gather [hbm4b:s15+s13], $0x50, $0x38;
	[tilespmem:$0x5B80] =	vst v63  }
0x91: {  	s29 =	rddreg [dreg:$0x8]  }
0x92: {  	[tilespmem:s28], [sflag:$0x1] =	stream.linear.gather [hbm4b:s29+s13], $0x50, $0x38;
	[tilespmem:$0x5B80] =	vst v63  }
0x93: {  	s15 =	rddreg [dreg:$0x11]  }
0x94: {  	[tilespmem:s3], [sflag:$0x2] =	stream.linear.gather [hbm4b:s15+s13], $0x50, $0x38;
	[tilespmem:$0x5B80] =	vst v63  }
0x95: {  	s29 =	rddreg [dreg:$0x12]  }
0x96: {  	[tilespmem:s4], [sflag:$0x2] =	stream.linear.gather [hbm4b:s29+s13], $0x50, $0x38;
	[tilespmem:$0x5B80] =	vst v63  }
0x97: {  	s15 =	rddreg [dreg:$0x13]  }
0x98: {  	[tilespmem:s5], [sflag:$0x2] =	stream.linear.gather [hbm4b:s15+s13], $0x50, $0x38;
	[tilespmem:$0x5B80] =	vst v63  }
0x99: {  	s29 =	rddreg [dreg:$0x14]  }
0x9a: {  	[tilespmem:s7], [sflag:$0x2] =	stream.linear.gather [hbm4b:s29+s13], $0x50, $0x38;
	[tilespmem:$0x5B80] =	vst v63  }
.LBB2_6:
0x9b: {  	_ =	swait.ge [sflag:s8], $0x50  }
0x9c: {  	[sflag:s8] =	ssyncset.done $0x0  }
0x9d: {  	[sflag:s8] =	ssyncadd.s32 $0xFFFFFFB0  }
0x9e: {  	_ =	swait.ge [sflag:s8], $0x50  }
0x9f: {  	[sflag:s8] =	ssyncset.done $0x0  }
0xa0: {  	[sflag:s8] =	ssyncadd.s32 $0xFFFFFFB0  }
0xa1: {  	_ =	swait.ge [sflag:s8], $0x50  }
0xa2: {  	[sflag:s8] =	ssyncset.done $0x0  }
0xa3: {  	[sflag:s8] =	ssyncadd.s32 $0xFFFFFFB0  }
0xa4: {  	_ =	swait.ge [sflag:s8], $0x50  }
0xa5: {  	[sflag:s8] =	ssyncset.done $0x0  }
0xa6: {  	[sflag:s8] =	ssyncadd.s32 $0xFFFFFFB0  }
0xa7: {  	v22 =	vld [tilespmem:$0x4FA0];
	_ =	sdelay $0x4  }
0xa8: {  	[tilespmem:v0+s9+$0x0] =	vst.idx.msk $0xffff, v22  }
0xa9: {  	v22 =	vld [tilespmem:$0x4FF0];
	_ =	sdelay $0x4  }
0xaa: {  	[tilespmem:v2+s9+$0x0] =	vst.idx.msk $0xffff, v22  }
0xab: {  	v22 =	vld [tilespmem:$0x5040];
	_ =	sdelay $0x4  }
0xac: {  	[tilespmem:v3+s9+$0x0] =	vst.idx.msk $0xffff, v22  }
0xad: {  	[tilespmem:v4+s9+$0x0] =	vst.idx.msk $0xffff, v5  }
0xae: {  	v22 =	vld [tilespmem:$0x4FB0];
	_ =	sdelay $0x4  }
0xaf: {  	[tilespmem:v6+s9+$0x0] =	vst.idx.msk $0xffff, v22  }
0xb0: {  	v22 =	vld [tilespmem:$0x5000];
	_ =	sdelay $0x4  }
0xb1: {  	[tilespmem:v7+s9+$0x0] =	vst.idx.msk $0xffff, v22  }
0xb2: {  	v22 =	vld [tilespmem:$0x5050];
	_ =	sdelay $0x4  }
0xb3: {  	[tilespmem:v8+s9+$0x0] =	vst.idx.msk $0xffff, v22  }
0xb4: {  	[tilespmem:v9+s9+$0x0] =	vst.idx.msk $0xffff, v5  }
0xb5: {  	v22 =	vld [tilespmem:$0x4FC0];
	_ =	sdelay $0x4  }
0xb6: {  	[tilespmem:v10+s9+$0x0] =	vst.idx.msk $0xffff, v22  }
0xb7: {  	v22 =	vld [tilespmem:$0x5010];
	_ =	sdelay $0x4  }
0xb8: {  	[tilespmem:v11+s9+$0x0] =	vst.idx.msk $0xffff, v22  }
0xb9: {  	v22 =	vld [tilespmem:$0x5060];
	_ =	sdelay $0x4  }
0xba: {  	[tilespmem:v12+s9+$0x0] =	vst.idx.msk $0xffff, v22  }
0xbb: {  	[tilespmem:v13+s9+$0x0] =	vst.idx.msk $0xffff, v5  }
0xbc: {  	v22 =	vld [tilespmem:$0x4FD0];
	_ =	sdelay $0x4  }
0xbd: {  	[tilespmem:v14+s9+$0x0] =	vst.idx.msk $0xffff, v22  }
0xbe: {  	v22 =	vld [tilespmem:$0x5020];
	_ =	sdelay $0x4  }
0xbf: {  	[tilespmem:v15+s9+$0x0] =	vst.idx.msk $0xffff, v22  }
0xc0: {  	v22 =	vld [tilespmem:$0x5070];
	_ =	sdelay $0x4  }
0xc1: {  	[tilespmem:v16+s9+$0x0] =	vst.idx.msk $0xffff, v22  }
0xc2: {  	[tilespmem:v17+s9+$0x0] =	vst.idx.msk $0xffff, v5  }
0xc3: {  	v22 =	vld [tilespmem:$0x4FE0];
	_ =	sdelay $0x4  }
0xc4: {  	[tilespmem:v18+s9+$0x0] =	vst.idx.msk $0xffff, v22  }
0xc5: {  	v22 =	vld [tilespmem:$0x5030];
	_ =	sdelay $0x4  }
0xc6: {  	[tilespmem:v19+s9+$0x0] =	vst.idx.msk $0xffff, v22  }
0xc7: {  	v22 =	vld [tilespmem:$0x5080];
	_ =	sdelay $0x4  }
0xc8: {  	[tilespmem:v20+s9+$0x0] =	vst.idx.msk $0xffff, v22  }
0xc9: {  	[tilespmem:v21+s9+$0x0] =	vst.idx.msk $0xffff, v5  }
0xca: {  	[spmem:s1] =	stream.indirect.scatter.add.f32 [tilespmem:s9], [sflag:$0x3], $0x10, s26, s10, $0xb8;
	[tilespmem:$0x5B80] =	vst v63  }
0xcb: {  	_ =	swait.ge [sflag:s25], $0x500  }
0xcc: {  	s15 =	sshrl.u32 s14, $0x3;
	[sflag:s25] =	ssyncset.done $0x0  }
0xcd: {  	s29 =	sadd.s32 s22, s15;
	[sflag:s25] =	ssyncadd.s32 $0xFFFFFB00  }
0xce: {  	[tilespmem:s26], [sflag:$0x1] =	stream.linear.gather [hbm4b:s29+s2], $0x50, $0x38;
	[tilespmem:$0x5B80] =	vst v63  }
0xcf: {  	s29 =	rddreg [dreg:$0x3]  }
0xd0: {  	s29 =	sadd.s32 s29, s15  }
0xd1: {  	[tilespmem:s24], [sflag:$0x1] =	stream.linear.gather [hbm4b:s29+s2], $0x50, $0x38;
	[tilespmem:$0x5B80] =	vst v63  }
0xd2: {  	s29 =	sadd.s32 s31, s15  }
0xd3: {  	[tilespmem:s16], [sflag:$0x1] =	stream.linear.gather [hbm4b:s29+s2], $0x50, $0x38;
	[tilespmem:$0x5B80] =	vst v63  }
0xd4: {  	s15 =	sadd.s32 s0, s15  }
0xd5: {  	[tilespmem:s28], [sflag:$0x1] =	stream.linear.gather [hbm4b:s15+s2], $0x50, $0x38;
	[tilespmem:$0x5B80] =	vst v63  }
0xd6: {  	_ =	swait.ge [sflag:s11], $0x50  }
0xd7: {  	[sflag:s11] =	ssyncset.done $0x0  }
0xd8: {  	[sflag:s11] =	ssyncadd.s32 $0xFFFFFFB0  }
0xd9: {  	_ =	swait.ge [sflag:s11], $0x50  }
0xda: {  	[sflag:s11] =	ssyncset.done $0x0  }
0xdb: {  	[sflag:s11] =	ssyncadd.s32 $0xFFFFFFB0  }
0xdc: {  	_ =	swait.ge [sflag:s11], $0x50  }
0xdd: {  	[sflag:s11] =	ssyncset.done $0x0  }
0xde: {  	[sflag:s11] =	ssyncadd.s32 $0xFFFFFFB0  }
0xdf: {  	_ =	swait.ge [sflag:s11], $0x50  }
0xe0: {  	[sflag:s11] =	ssyncset.done $0x0  }
0xe1: {  	[sflag:s11] =	ssyncadd.s32 $0xFFFFFFB0  }
0xe2: {  	v22 =	vld [tilespmem:$0x5090];
	_ =	sdelay $0x4  }
0xe3: {  	[tilespmem:v0+s12+$0x0] =	vst.idx.msk $0xffff, v22  }
0xe4: {  	v22 =	vld [tilespmem:$0x50E0];
	_ =	sdelay $0x4  }
0xe5: {  	[tilespmem:v2+s12+$0x0] =	vst.idx.msk $0xffff, v22  }
0xe6: {  	v22 =	vld [tilespmem:$0x5130];
	_ =	sdelay $0x4  }
0xe7: {  	[tilespmem:v3+s12+$0x0] =	vst.idx.msk $0xffff, v22  }
0xe8: {  	[tilespmem:v4+s12+$0x0] =	vst.idx.msk $0xffff, v5  }
0xe9: {  	v22 =	vld [tilespmem:$0x50A0];
	_ =	sdelay $0x4  }
0xea: {  	[tilespmem:v6+s12+$0x0] =	vst.idx.msk $0xffff, v22  }
0xeb: {  	v22 =	vld [tilespmem:$0x50F0];
	_ =	sdelay $0x4  }
0xec: {  	[tilespmem:v7+s12+$0x0] =	vst.idx.msk $0xffff, v22  }
0xed: {  	v22 =	vld [tilespmem:$0x5140];
	_ =	sdelay $0x4  }
0xee: {  	[tilespmem:v8+s12+$0x0] =	vst.idx.msk $0xffff, v22  }
0xef: {  	[tilespmem:v9+s12+$0x0] =	vst.idx.msk $0xffff, v5  }
0xf0: {  	v22 =	vld [tilespmem:$0x50B0];
	_ =	sdelay $0x4  }
0xf1: {  	[tilespmem:v10+s12+$0x0] =	vst.idx.msk $0xffff, v22  }
0xf2: {  	v22 =	vld [tilespmem:$0x5100];
	_ =	sdelay $0x4  }
0xf3: {  	[tilespmem:v11+s12+$0x0] =	vst.idx.msk $0xffff, v22  }
0xf4: {  	v22 =	vld [tilespmem:$0x5150];
	_ =	sdelay $0x4  }
0xf5: {  	[tilespmem:v12+s12+$0x0] =	vst.idx.msk $0xffff, v22  }
0xf6: {  	[tilespmem:v13+s12+$0x0] =	vst.idx.msk $0xffff, v5  }
0xf7: {  	v22 =	vld [tilespmem:$0x50C0];
	_ =	sdelay $0x4  }
0xf8: {  	[tilespmem:v14+s12+$0x0] =	vst.idx.msk $0xffff, v22  }
0xf9: {  	v22 =	vld [tilespmem:$0x5110];
	_ =	sdelay $0x4  }
0xfa: {  	[tilespmem:v15+s12+$0x0] =	vst.idx.msk $0xffff, v22  }
0xfb: {  	v22 =	vld [tilespmem:$0x5160];
	_ =	sdelay $0x4  }
0xfc: {  	[tilespmem:v16+s12+$0x0] =	vst.idx.msk $0xffff, v22  }
0xfd: {  	[tilespmem:v17+s12+$0x0] =	vst.idx.msk $0xffff, v5  }
0xfe: {  	v22 =	vld [tilespmem:$0x50D0];
	_ =	sdelay $0x4  }
0xff: {  	[tilespmem:v18+s12+$0x0] =	vst.idx.msk $0xffff, v22  }
0x100: {  	v22 =	vld [tilespmem:$0x5120];
	_ =	sdelay $0x4  }
0x101: {  	[tilespmem:v19+s12+$0x0] =	vst.idx.msk $0xffff, v22  }
0x102: {  	v22 =	vld [tilespmem:$0x5170];
	_ =	sdelay $0x4  }
0x103: {  	p0 =	seq.s32 s13, $0x4C4;
	[tilespmem:v20+s12+$0x0] =	vst.idx.msk $0xffff, v22  }
.Ltmp4:
0x104: {  	[tilespmem:v21+s12+$0x0] =	vst.idx.msk $0xffff, v5;
	(pc) =	sbr.rel @p0 .LBB2_8-.Ltmp4, $4  }
0x105: {  	[spmem:s1] =	stream.indirect.scatter.add.f32 [tilespmem:s12], [sflag:$0x3], $0x10, s3, s10, $0xb8;
	[tilespmem:$0x5B80] =	vst v63  }
0x106: {  	_ =	swait.ge [sflag:s25], $0x500  }
0x107: {  	[sflag:s25] =	ssyncset.done $0x0  }
0x108: {  	[sflag:s25] =	ssyncadd.s32 $0xFFFFFB00  }
0x109: {  	s15 =	sld [smem:$0x7F5];
	_ =	sdelay $0x1  }
0x10a: {  	s29 =	sld [smem:$0x7F2]  }
0x10b: {  	s15 =	sadd.s32 s13, s15  }
0x10c: {  	[tilespmem:s3], [sflag:$0x2] =	stream.linear.gather [hbm4b:s15+s2], $0x50, $0x38;
	[tilespmem:$0x5B80] =	vst v63  }
0x10d: {  	s15 =	sadd.s32 s13, s29;
	s29 =	sld [smem:$0x7F3];
	_ =	sdelay $0x1  }
0x10e: {  	[tilespmem:s4], [sflag:$0x2] =	stream.linear.gather [hbm4b:s15+s2], $0x50, $0x38;
	[tilespmem:$0x5B80] =	vst v63  }
.Ltmp5:
0x10f: {  	s15 =	sadd.s32 s13, s29;
	s29 =	sld [smem:$0x7F4];
	(pc) =	sbr.rel .LBB2_6-.Ltmp5, $4  }
0x110: {  	_ = 	snop  }
0x111: {  	[tilespmem:s5], [sflag:$0x2] =	stream.linear.gather [hbm4b:s15+s2], $0x50, $0x38;
	[tilespmem:$0x5B80] =	vst v63  }
0x112: {  	s14 =	sadd.s32 $0xA0, s14;
	s15 =	sadd.s32 s13, s29;
	s13 =	sadd.s32 $0x14, s13  }
0x113: {  	[tilespmem:s7], [sflag:$0x2] =	stream.linear.gather [hbm4b:s15+s2], $0x50, $0x38;
	[tilespmem:$0x5B80] =	vst v63  }
.LBB2_8:
0x114: {  	_ =	swait.ge [sflag:s8], $0x50  }
0x115: {  	[sflag:s8] =	ssyncset.done $0x0  }
0x116: {  	[sflag:s8] =	ssyncadd.s32 $0xFFFFFFB0  }
0x117: {  	_ =	swait.ge [sflag:s8], $0x50  }
0x118: {  	[sflag:s8] =	ssyncset.done $0x0  }
0x119: {  	[sflag:s8] =	ssyncadd.s32 $0xFFFFFFB0  }
0x11a: {  	_ =	swait.ge [sflag:s8], $0x50  }
0x11b: {  	[sflag:s8] =	ssyncset.done $0x0  }
0x11c: {  	[sflag:s8] =	ssyncadd.s32 $0xFFFFFFB0  }
0x11d: {  	_ =	swait.ge [sflag:s8], $0x50  }
0x11e: {  	[sflag:s8] =	ssyncset.done $0x0  }
0x11f: {  	[sflag:s8] =	ssyncadd.s32 $0xFFFFFFB0  }
0x120: {  	v22 =	vld [tilespmem:$0x4FA0];
	_ =	sdelay $0x4  }
0x121: {  	[tilespmem:v0+s9+$0x0] =	vst.idx.msk $0xffff, v22  }
0x122: {  	v22 =	vld [tilespmem:$0x4FF0];
	_ =	sdelay $0x4  }
0x123: {  	[tilespmem:v2+s9+$0x0] =	vst.idx.msk $0xffff, v22  }
0x124: {  	v22 =	vld [tilespmem:$0x5040];
	_ =	sdelay $0x4  }
0x125: {  	[tilespmem:v3+s9+$0x0] =	vst.idx.msk $0xffff, v22  }
0x126: {  	[tilespmem:v4+s9+$0x0] =	vst.idx.msk $0xffff, v5  }
0x127: {  	v22 =	vld [tilespmem:$0x4FB0];
	_ =	sdelay $0x4  }
0x128: {  	[tilespmem:v6+s9+$0x0] =	vst.idx.msk $0xffff, v22  }
0x129: {  	v22 =	vld [tilespmem:$0x5000];
	_ =	sdelay $0x4  }
0x12a: {  	[tilespmem:v7+s9+$0x0] =	vst.idx.msk $0xffff, v22  }
0x12b: {  	v22 =	vld [tilespmem:$0x5050];
	_ =	sdelay $0x4  }
0x12c: {  	[tilespmem:v8+s9+$0x0] =	vst.idx.msk $0xffff, v22  }
0x12d: {  	[tilespmem:v9+s9+$0x0] =	vst.idx.msk $0xffff, v5  }
0x12e: {  	v22 =	vld [tilespmem:$0x4FC0];
	_ =	sdelay $0x4  }
0x12f: {  	[tilespmem:v10+s9+$0x0] =	vst.idx.msk $0xffff, v22  }
0x130: {  	v22 =	vld [tilespmem:$0x5010];
	_ =	sdelay $0x4  }
0x131: {  	[tilespmem:v11+s9+$0x0] =	vst.idx.msk $0xffff, v22  }
0x132: {  	v22 =	vld [tilespmem:$0x5060];
	_ =	sdelay $0x4  }
0x133: {  	[tilespmem:v12+s9+$0x0] =	vst.idx.msk $0xffff, v22  }
0x134: {  	[tilespmem:v13+s9+$0x0] =	vst.idx.msk $0xffff, v5  }
0x135: {  	v22 =	vld [tilespmem:$0x4FD0];
	_ =	sdelay $0x4  }
0x136: {  	[tilespmem:v14+s9+$0x0] =	vst.idx.msk $0xffff, v22  }
0x137: {  	v22 =	vld [tilespmem:$0x5020];
	_ =	sdelay $0x4  }
0x138: {  	[tilespmem:v15+s9+$0x0] =	vst.idx.msk $0xffff, v22  }
0x139: {  	v22 =	vld [tilespmem:$0x5070];
	_ =	sdelay $0x4  }
0x13a: {  	[tilespmem:v16+s9+$0x0] =	vst.idx.msk $0xffff, v22  }
0x13b: {  	[tilespmem:v17+s9+$0x0] =	vst.idx.msk $0xffff, v5  }
0x13c: {  	v22 =	vld [tilespmem:$0x4FE0];
	_ =	sdelay $0x4  }
0x13d: {  	[tilespmem:v18+s9+$0x0] =	vst.idx.msk $0xffff, v22  }
0x13e: {  	v22 =	vld [tilespmem:$0x5030];
	_ =	sdelay $0x4  }
0x13f: {  	[tilespmem:v19+s9+$0x0] =	vst.idx.msk $0xffff, v22  }
0x140: {  	v22 =	vld [tilespmem:$0x5080];
	_ =	sdelay $0x4  }
0x141: {  	[tilespmem:v20+s9+$0x0] =	vst.idx.msk $0xffff, v22  }
0x142: {  	[tilespmem:v21+s9+$0x0] =	vst.idx.msk $0xffff, v5  }
0x143: {  	[spmem:s1] =	stream.indirect.scatter.add.f32 [tilespmem:s9], [sflag:$0x3], $0x10, s26, s10, $0xb8;
	[tilespmem:$0x5B80] =	vst v63  }
0x144: {  	_ =	swait.ge [sflag:s25], $0x500  }
0x145: {  	[sflag:s25] =	ssyncset.done $0x0;
	s14 =	rddreg [dreg:$0x9]  }
0x146: {  	s13 =	simm.s32 $0x0;
	s29 =	rddreg [dreg:$0xa];
	[sflag:s25] =	ssyncadd.s32 $0xFFFFFB00  }
0x147: {  	[tilespmem:s26], [sflag:$0x1] =	stream.linear.gather [hbm4b:s14+s13], $0x50, $0x38;
	[tilespmem:$0x5B80] =	vst v63  }
0x148: {  	s15 =	rddreg [dreg:$0xb]  }
0x149: {  	[tilespmem:s24], [sflag:$0x1] =	stream.linear.gather [hbm4b:s29+s13], $0x50, $0x38;
	[tilespmem:$0x5B80] =	vst v63  }
0x14a: {  	s14 =	rddreg [dreg:$0x1f]  }
0x14b: {  	[tilespmem:s16], [sflag:$0x1] =	stream.linear.gather [hbm4b:s15+s13], $0x50, $0x38;
	[tilespmem:$0x5B80] =	vst v63  }
0x14c: {  	s29 =	rddreg [dreg:$0xc]  }
0x14d: {  	[tilespmem:s28], [sflag:$0x1] =	stream.linear.gather [hbm4b:s29+s13], $0x50, $0x38;
	[tilespmem:$0x5B80] =	vst v63  }
0x14e: {  	s15 =	rddreg [dreg:$0x15]  }
0x14f: {  	[tilespmem:s3], [sflag:$0x2] =	stream.linear.gather [hbm4b:s15+s13], $0x50, $0x38;
	[tilespmem:$0x5B80] =	vst v63  }
0x150: {  	s29 =	rddreg [dreg:$0x16]  }
0x151: {  	[tilespmem:s4], [sflag:$0x2] =	stream.linear.gather [hbm4b:s29+s13], $0x50, $0x38;
	[tilespmem:$0x5B80] =	vst v63  }
0x152: {  	s15 =	rddreg [dreg:$0x17]  }
0x153: {  	[tilespmem:s5], [sflag:$0x2] =	stream.linear.gather [hbm4b:s15+s13], $0x50, $0x38;
	[tilespmem:$0x5B80] =	vst v63  }
0x154: {  	s29 =	rddreg [dreg:$0x18]  }
0x155: {  	[tilespmem:s7], [sflag:$0x2] =	stream.linear.gather [hbm4b:s29+s13], $0x50, $0x38;
	[tilespmem:$0x5B80] =	vst v63  }
.LBB2_9:
0x156: {  	_ =	swait.ge [sflag:s8], $0x50  }
0x157: {  	[sflag:s8] =	ssyncset.done $0x0  }
0x158: {  	[sflag:s8] =	ssyncadd.s32 $0xFFFFFFB0  }
0x159: {  	_ =	swait.ge [sflag:s8], $0x50  }
0x15a: {  	[sflag:s8] =	ssyncset.done $0x0  }
0x15b: {  	[sflag:s8] =	ssyncadd.s32 $0xFFFFFFB0  }
0x15c: {  	_ =	swait.ge [sflag:s8], $0x50  }
0x15d: {  	[sflag:s8] =	ssyncset.done $0x0  }
0x15e: {  	[sflag:s8] =	ssyncadd.s32 $0xFFFFFFB0  }
0x15f: {  	_ =	swait.ge [sflag:s8], $0x50  }
0x160: {  	[sflag:s8] =	ssyncset.done $0x0  }
0x161: {  	[sflag:s8] =	ssyncadd.s32 $0xFFFFFFB0  }
0x162: {  	v22 =	vld [tilespmem:$0x4FA0];
	_ =	sdelay $0x4  }
0x163: {  	[tilespmem:v0+s9+$0x0] =	vst.idx.msk $0xffff, v22  }
0x164: {  	v22 =	vld [tilespmem:$0x4FF0];
	_ =	sdelay $0x4  }
0x165: {  	[tilespmem:v2+s9+$0x0] =	vst.idx.msk $0xffff, v22  }
0x166: {  	v22 =	vld [tilespmem:$0x5040];
	_ =	sdelay $0x4  }
0x167: {  	[tilespmem:v3+s9+$0x0] =	vst.idx.msk $0xffff, v22  }
0x168: {  	[tilespmem:v4+s9+$0x0] =	vst.idx.msk $0xffff, v5  }
0x169: {  	v22 =	vld [tilespmem:$0x4FB0];
	_ =	sdelay $0x4  }
0x16a: {  	[tilespmem:v6+s9+$0x0] =	vst.idx.msk $0xffff, v22  }
0x16b: {  	v22 =	vld [tilespmem:$0x5000];
	_ =	sdelay $0x4  }
0x16c: {  	[tilespmem:v7+s9+$0x0] =	vst.idx.msk $0xffff, v22  }
0x16d: {  	v22 =	vld [tilespmem:$0x5050];
	_ =	sdelay $0x4  }
0x16e: {  	[tilespmem:v8+s9+$0x0] =	vst.idx.msk $0xffff, v22  }
0x16f: {  	[tilespmem:v9+s9+$0x0] =	vst.idx.msk $0xffff, v5  }
0x170: {  	v22 =	vld [tilespmem:$0x4FC0];
	_ =	sdelay $0x4  }
0x171: {  	[tilespmem:v10+s9+$0x0] =	vst.idx.msk $0xffff, v22  }
0x172: {  	v22 =	vld [tilespmem:$0x5010];
	_ =	sdelay $0x4  }
0x173: {  	[tilespmem:v11+s9+$0x0] =	vst.idx.msk $0xffff, v22  }
0x174: {  	v22 =	vld [tilespmem:$0x5060];
	_ =	sdelay $0x4  }
0x175: {  	[tilespmem:v12+s9+$0x0] =	vst.idx.msk $0xffff, v22  }
0x176: {  	[tilespmem:v13+s9+$0x0] =	vst.idx.msk $0xffff, v5  }
0x177: {  	v22 =	vld [tilespmem:$0x4FD0];
	_ =	sdelay $0x4  }
0x178: {  	[tilespmem:v14+s9+$0x0] =	vst.idx.msk $0xffff, v22  }
0x179: {  	v22 =	vld [tilespmem:$0x5020];
	_ =	sdelay $0x4  }
0x17a: {  	[tilespmem:v15+s9+$0x0] =	vst.idx.msk $0xffff, v22  }
0x17b: {  	v22 =	vld [tilespmem:$0x5070];
	_ =	sdelay $0x4  }
0x17c: {  	[tilespmem:v16+s9+$0x0] =	vst.idx.msk $0xffff, v22  }
0x17d: {  	[tilespmem:v17+s9+$0x0] =	vst.idx.msk $0xffff, v5  }
0x17e: {  	v22 =	vld [tilespmem:$0x4FE0];
	_ =	sdelay $0x4  }
0x17f: {  	[tilespmem:v18+s9+$0x0] =	vst.idx.msk $0xffff, v22  }
0x180: {  	v22 =	vld [tilespmem:$0x5030];
	_ =	sdelay $0x4  }
0x181: {  	[tilespmem:v19+s9+$0x0] =	vst.idx.msk $0xffff, v22  }
0x182: {  	v22 =	vld [tilespmem:$0x5080];
	_ =	sdelay $0x4  }
0x183: {  	[tilespmem:v20+s9+$0x0] =	vst.idx.msk $0xffff, v22  }
0x184: {  	[tilespmem:v21+s9+$0x0] =	vst.idx.msk $0xffff, v5  }
0x185: {  	[spmem:s1] =	stream.indirect.scatter.add.f32 [tilespmem:s9], [sflag:$0x3], $0x10, s26, s10, $0xb8;
	[tilespmem:$0x5B80] =	vst v63  }
0x186: {  	_ =	swait.ge [sflag:s25], $0x500  }
0x187: {  	s15 =	sshrl.u32 s14, $0x3;
	[sflag:s25] =	ssyncset.done $0x0  }
0x188: {  	s29 =	sadd.s32 s23, s15;
	[sflag:s25] =	ssyncadd.s32 $0xFFFFFB00  }
0x189: {  	[tilespmem:s26], [sflag:$0x1] =	stream.linear.gather [hbm4b:s29+s2], $0x50, $0x38;
	[tilespmem:$0x5B80] =	vst v63  }
0x18a: {  	s29 =	sadd.s32 s6, s15  }
0x18b: {  	[tilespmem:s24], [sflag:$0x1] =	stream.linear.gather [hbm4b:s29+s2], $0x50, $0x38;
	[tilespmem:$0x5B80] =	vst v63  }
0x18c: {  	s29 =	sadd.s32 s17, s15  }
0x18d: {  	[tilespmem:s16], [sflag:$0x1] =	stream.linear.gather [hbm4b:s29+s2], $0x50, $0x38;
	[tilespmem:$0x5B80] =	vst v63  }
0x18e: {  	s15 =	sadd.s32 s18, s15  }
0x18f: {  	[tilespmem:s28], [sflag:$0x1] =	stream.linear.gather [hbm4b:s15+s2], $0x50, $0x38;
	[tilespmem:$0x5B80] =	vst v63  }
0x190: {  	_ =	swait.ge [sflag:s11], $0x50  }
0x191: {  	[sflag:s11] =	ssyncset.done $0x0  }
0x192: {  	[sflag:s11] =	ssyncadd.s32 $0xFFFFFFB0  }
0x193: {  	_ =	swait.ge [sflag:s11], $0x50  }
0x194: {  	[sflag:s11] =	ssyncset.done $0x0  }
0x195: {  	[sflag:s11] =	ssyncadd.s32 $0xFFFFFFB0  }
0x196: {  	_ =	swait.ge [sflag:s11], $0x50  }
0x197: {  	[sflag:s11] =	ssyncset.done $0x0  }
0x198: {  	[sflag:s11] =	ssyncadd.s32 $0xFFFFFFB0  }
0x199: {  	_ =	swait.ge [sflag:s11], $0x50  }
0x19a: {  	[sflag:s11] =	ssyncset.done $0x0  }
0x19b: {  	[sflag:s11] =	ssyncadd.s32 $0xFFFFFFB0  }
0x19c: {  	v22 =	vld [tilespmem:$0x5090];
	_ =	sdelay $0x4  }
0x19d: {  	[tilespmem:v0+s12+$0x0] =	vst.idx.msk $0xffff, v22  }
0x19e: {  	v22 =	vld [tilespmem:$0x50E0];
	_ =	sdelay $0x4  }
0x19f: {  	[tilespmem:v2+s12+$0x0] =	vst.idx.msk $0xffff, v22  }
0x1a0: {  	v22 =	vld [tilespmem:$0x5130];
	_ =	sdelay $0x4  }
0x1a1: {  	[tilespmem:v3+s12+$0x0] =	vst.idx.msk $0xffff, v22  }
0x1a2: {  	[tilespmem:v4+s12+$0x0] =	vst.idx.msk $0xffff, v5  }
0x1a3: {  	v22 =	vld [tilespmem:$0x50A0];
	_ =	sdelay $0x4  }
0x1a4: {  	[tilespmem:v6+s12+$0x0] =	vst.idx.msk $0xffff, v22  }
0x1a5: {  	v22 =	vld [tilespmem:$0x50F0];
	_ =	sdelay $0x4  }
0x1a6: {  	[tilespmem:v7+s12+$0x0] =	vst.idx.msk $0xffff, v22  }
0x1a7: {  	v22 =	vld [tilespmem:$0x5140];
	_ =	sdelay $0x4  }
0x1a8: {  	[tilespmem:v8+s12+$0x0] =	vst.idx.msk $0xffff, v22  }
0x1a9: {  	[tilespmem:v9+s12+$0x0] =	vst.idx.msk $0xffff, v5  }
0x1aa: {  	v22 =	vld [tilespmem:$0x50B0];
	_ =	sdelay $0x4  }
0x1ab: {  	[tilespmem:v10+s12+$0x0] =	vst.idx.msk $0xffff, v22  }
0x1ac: {  	v22 =	vld [tilespmem:$0x5100];
	_ =	sdelay $0x4  }
0x1ad: {  	[tilespmem:v11+s12+$0x0] =	vst.idx.msk $0xffff, v22  }
0x1ae: {  	v22 =	vld [tilespmem:$0x5150];
	_ =	sdelay $0x4  }
0x1af: {  	[tilespmem:v12+s12+$0x0] =	vst.idx.msk $0xffff, v22  }
0x1b0: {  	[tilespmem:v13+s12+$0x0] =	vst.idx.msk $0xffff, v5  }
0x1b1: {  	v22 =	vld [tilespmem:$0x50C0];
	_ =	sdelay $0x4  }
0x1b2: {  	[tilespmem:v14+s12+$0x0] =	vst.idx.msk $0xffff, v22  }
0x1b3: {  	v22 =	vld [tilespmem:$0x5110];
	_ =	sdelay $0x4  }
0x1b4: {  	[tilespmem:v15+s12+$0x0] =	vst.idx.msk $0xffff, v22  }
0x1b5: {  	v22 =	vld [tilespmem:$0x5160];
	_ =	sdelay $0x4  }
0x1b6: {  	[tilespmem:v16+s12+$0x0] =	vst.idx.msk $0xffff, v22  }
0x1b7: {  	[tilespmem:v17+s12+$0x0] =	vst.idx.msk $0xffff, v5  }
0x1b8: {  	v22 =	vld [tilespmem:$0x50D0];
	_ =	sdelay $0x4  }
0x1b9: {  	[tilespmem:v18+s12+$0x0] =	vst.idx.msk $0xffff, v22  }
0x1ba: {  	v22 =	vld [tilespmem:$0x5120];
	_ =	sdelay $0x4  }
0x1bb: {  	[tilespmem:v19+s12+$0x0] =	vst.idx.msk $0xffff, v22  }
0x1bc: {  	v22 =	vld [tilespmem:$0x5170];
	_ =	sdelay $0x4  }
0x1bd: {  	p0 =	seq.s32 s13, $0x4C4;
	[tilespmem:v20+s12+$0x0] =	vst.idx.msk $0xffff, v22  }
.Ltmp6:
0x1be: {  	[tilespmem:v21+s12+$0x0] =	vst.idx.msk $0xffff, v5;
	(pc) =	sbr.rel @p0 .LBB2_11-.Ltmp6, $4  }
0x1bf: {  	[spmem:s1] =	stream.indirect.scatter.add.f32 [tilespmem:s12], [sflag:$0x3], $0x10, s3, s10, $0xb8;
	[tilespmem:$0x5B80] =	vst v63  }
0x1c0: {  	_ =	swait.ge [sflag:s25], $0x500  }
0x1c1: {  	[sflag:s25] =	ssyncset.done $0x0  }
0x1c2: {  	[sflag:s25] =	ssyncadd.s32 $0xFFFFFB00  }
0x1c3: {  	s15 =	sld [smem:$0x7F9];
	_ =	sdelay $0x1  }
0x1c4: {  	s29 =	sld [smem:$0x7F6]  }
0x1c5: {  	s15 =	sadd.s32 s13, s15  }
0x1c6: {  	[tilespmem:s3], [sflag:$0x2] =	stream.linear.gather [hbm4b:s15+s2], $0x50, $0x38;
	[tilespmem:$0x5B80] =	vst v63  }
0x1c7: {  	s15 =	sadd.s32 s13, s29;
	s29 =	sld [smem:$0x7F7];
	_ =	sdelay $0x1  }
0x1c8: {  	[tilespmem:s4], [sflag:$0x2] =	stream.linear.gather [hbm4b:s15+s2], $0x50, $0x38;
	[tilespmem:$0x5B80] =	vst v63  }
.Ltmp7:
0x1c9: {  	s15 =	sadd.s32 s13, s29;
	s29 =	sld [smem:$0x7F8];
	(pc) =	sbr.rel .LBB2_9-.Ltmp7, $4  }
0x1ca: {  	_ = 	snop  }
0x1cb: {  	[tilespmem:s5], [sflag:$0x2] =	stream.linear.gather [hbm4b:s15+s2], $0x50, $0x38;
	[tilespmem:$0x5B80] =	vst v63  }
0x1cc: {  	s14 =	sadd.s32 $0xA0, s14;
	s15 =	sadd.s32 s13, s29;
	s13 =	sadd.s32 $0x14, s13  }
0x1cd: {  	[tilespmem:s7], [sflag:$0x2] =	stream.linear.gather [hbm4b:s15+s2], $0x50, $0x38;
	[tilespmem:$0x5B80] =	vst v63  }
.LBB2_11:
0x1ce: {  	_ =	swait.ge [sflag:s8], $0x50  }
0x1cf: {  	[sflag:s8] =	ssyncset.done $0x0  }
0x1d0: {  	[sflag:s8] =	ssyncadd.s32 $0xFFFFFFB0  }
0x1d1: {  	_ =	swait.ge [sflag:s8], $0x50  }
0x1d2: {  	[sflag:s8] =	ssyncset.done $0x0  }
0x1d3: {  	[sflag:s8] =	ssyncadd.s32 $0xFFFFFFB0  }
0x1d4: {  	_ =	swait.ge [sflag:s8], $0x50  }
0x1d5: {  	[sflag:s8] =	ssyncset.done $0x0  }
0x1d6: {  	[sflag:s8] =	ssyncadd.s32 $0xFFFFFFB0  }
0x1d7: {  	_ =	swait.ge [sflag:s8], $0x50  }
0x1d8: {  	[sflag:s8] =	ssyncset.done $0x0  }
0x1d9: {  	[sflag:s8] =	ssyncadd.s32 $0xFFFFFFB0  }
0x1da: {  	v22 =	vld [tilespmem:$0x4FA0];
	_ =	sdelay $0x4  }
0x1db: {  	[tilespmem:v0+s9+$0x0] =	vst.idx.msk $0xffff, v22  }
0x1dc: {  	v22 =	vld [tilespmem:$0x4FF0];
	_ =	sdelay $0x4  }
0x1dd: {  	[tilespmem:v2+s9+$0x0] =	vst.idx.msk $0xffff, v22  }
0x1de: {  	v22 =	vld [tilespmem:$0x5040];
	_ =	sdelay $0x4  }
0x1df: {  	[tilespmem:v3+s9+$0x0] =	vst.idx.msk $0xffff, v22  }
0x1e0: {  	[tilespmem:v4+s9+$0x0] =	vst.idx.msk $0xffff, v5  }
0x1e1: {  	v22 =	vld [tilespmem:$0x4FB0];
	_ =	sdelay $0x4  }
0x1e2: {  	[tilespmem:v6+s9+$0x0] =	vst.idx.msk $0xffff, v22  }
0x1e3: {  	v22 =	vld [tilespmem:$0x5000];
	_ =	sdelay $0x4  }
0x1e4: {  	[tilespmem:v7+s9+$0x0] =	vst.idx.msk $0xffff, v22  }
0x1e5: {  	v22 =	vld [tilespmem:$0x5050];
	_ =	sdelay $0x4  }
0x1e6: {  	[tilespmem:v8+s9+$0x0] =	vst.idx.msk $0xffff, v22  }
0x1e7: {  	[tilespmem:v9+s9+$0x0] =	vst.idx.msk $0xffff, v5  }
0x1e8: {  	v22 =	vld [tilespmem:$0x4FC0];
	_ =	sdelay $0x4  }
0x1e9: {  	[tilespmem:v10+s9+$0x0] =	vst.idx.msk $0xffff, v22  }
0x1ea: {  	v22 =	vld [tilespmem:$0x5010];
	_ =	sdelay $0x4  }
0x1eb: {  	[tilespmem:v11+s9+$0x0] =	vst.idx.msk $0xffff, v22  }
0x1ec: {  	v22 =	vld [tilespmem:$0x5060];
	_ =	sdelay $0x4  }
0x1ed: {  	[tilespmem:v12+s9+$0x0] =	vst.idx.msk $0xffff, v22  }
0x1ee: {  	[tilespmem:v13+s9+$0x0] =	vst.idx.msk $0xffff, v5  }
0x1ef: {  	v22 =	vld [tilespmem:$0x4FD0];
	_ =	sdelay $0x4  }
0x1f0: {  	[tilespmem:v14+s9+$0x0] =	vst.idx.msk $0xffff, v22  }
0x1f1: {  	v22 =	vld [tilespmem:$0x5020];
	_ =	sdelay $0x4  }
0x1f2: {  	[tilespmem:v15+s9+$0x0] =	vst.idx.msk $0xffff, v22  }
0x1f3: {  	v22 =	vld [tilespmem:$0x5070];
	_ =	sdelay $0x4  }
0x1f4: {  	[tilespmem:v16+s9+$0x0] =	vst.idx.msk $0xffff, v22  }
0x1f5: {  	[tilespmem:v17+s9+$0x0] =	vst.idx.msk $0xffff, v5  }
0x1f6: {  	v22 =	vld [tilespmem:$0x4FE0];
	_ =	sdelay $0x4  }
0x1f7: {  	[tilespmem:v18+s9+$0x0] =	vst.idx.msk $0xffff, v22  }
0x1f8: {  	v22 =	vld [tilespmem:$0x5030];
	_ =	sdelay $0x4  }
0x1f9: {  	[tilespmem:v19+s9+$0x0] =	vst.idx.msk $0xffff, v22  }
0x1fa: {  	v22 =	vld [tilespmem:$0x5080];
	_ =	sdelay $0x4  }
0x1fb: {  	[tilespmem:v20+s9+$0x0] =	vst.idx.msk $0xffff, v22  }
0x1fc: {  	[tilespmem:v21+s9+$0x0] =	vst.idx.msk $0xffff, v5  }
0x1fd: {  	[spmem:s1] =	stream.indirect.scatter.add.f32 [tilespmem:s9], [sflag:$0x3], $0x10, s26, s10, $0xb8;
	[tilespmem:$0x5B80] =	vst v63  }
0x1fe: {  	_ =	swait.ge [sflag:s25], $0x500  }
0x1ff: {  	[sflag:s25] =	ssyncset.done $0x0;
	s14 =	rddreg [dreg:$0xd]  }
0x200: {  	s13 =	simm.s32 $0x0;
	s29 =	rddreg [dreg:$0xe];
	[sflag:s25] =	ssyncadd.s32 $0xFFFFFB00  }
0x201: {  	[tilespmem:s26], [sflag:$0x1] =	stream.linear.gather [hbm4b:s14+s13], $0x50, $0x38;
	[tilespmem:$0x5B80] =	vst v63  }
0x202: {  	s15 =	rddreg [dreg:$0xf]  }
0x203: {  	[tilespmem:s24], [sflag:$0x1] =	stream.linear.gather [hbm4b:s29+s13], $0x50, $0x38;
	[tilespmem:$0x5B80] =	vst v63  }
0x204: {  	s14 =	rddreg [dreg:$0x1f]  }
0x205: {  	[tilespmem:s16], [sflag:$0x1] =	stream.linear.gather [hbm4b:s15+s13], $0x50, $0x38;
	[tilespmem:$0x5B80] =	vst v63  }
0x206: {  	s29 =	rddreg [dreg:$0x10]  }
0x207: {  	[tilespmem:s28], [sflag:$0x1] =	stream.linear.gather [hbm4b:s29+s13], $0x50, $0x38;
	[tilespmem:$0x5B80] =	vst v63  }
0x208: {  	s15 =	rddreg [dreg:$0x19]  }
0x209: {  	[tilespmem:s3], [sflag:$0x2] =	stream.linear.gather [hbm4b:s15+s13], $0x50, $0x38;
	[tilespmem:$0x5B80] =	vst v63  }
0x20a: {  	s29 =	rddreg [dreg:$0x1a]  }
0x20b: {  	[tilespmem:s4], [sflag:$0x2] =	stream.linear.gather [hbm4b:s29+s13], $0x50, $0x38;
	[tilespmem:$0x5B80] =	vst v63  }
0x20c: {  	s15 =	rddreg [dreg:$0x1b]  }
0x20d: {  	[tilespmem:s5], [sflag:$0x2] =	stream.linear.gather [hbm4b:s15+s13], $0x50, $0x38;
	[tilespmem:$0x5B80] =	vst v63  }
0x20e: {  	s29 =	rddreg [dreg:$0x1c]  }
0x20f: {  	[tilespmem:s7], [sflag:$0x2] =	stream.linear.gather [hbm4b:s29+s13], $0x50, $0x38;
	[tilespmem:$0x5B80] =	vst v63  }
.LBB2_12:
0x210: {  	_ =	swait.ge [sflag:s8], $0x50  }
0x211: {  	[sflag:s8] =	ssyncset.done $0x0  }
0x212: {  	[sflag:s8] =	ssyncadd.s32 $0xFFFFFFB0  }
0x213: {  	_ =	swait.ge [sflag:s8], $0x50  }
0x214: {  	[sflag:s8] =	ssyncset.done $0x0  }
0x215: {  	[sflag:s8] =	ssyncadd.s32 $0xFFFFFFB0  }
0x216: {  	_ =	swait.ge [sflag:s8], $0x50  }
0x217: {  	[sflag:s8] =	ssyncset.done $0x0  }
0x218: {  	[sflag:s8] =	ssyncadd.s32 $0xFFFFFFB0  }
0x219: {  	_ =	swait.ge [sflag:s8], $0x50  }
0x21a: {  	[sflag:s8] =	ssyncset.done $0x0  }
0x21b: {  	[sflag:s8] =	ssyncadd.s32 $0xFFFFFFB0  }
0x21c: {  	v22 =	vld [tilespmem:$0x4FA0];
	_ =	sdelay $0x4  }
0x21d: {  	[tilespmem:v0+s9+$0x0] =	vst.idx.msk $0xffff, v22  }
0x21e: {  	v22 =	vld [tilespmem:$0x4FF0];
	_ =	sdelay $0x4  }
0x21f: {  	[tilespmem:v2+s9+$0x0] =	vst.idx.msk $0xffff, v22  }
0x220: {  	v22 =	vld [tilespmem:$0x5040];
	_ =	sdelay $0x4  }
0x221: {  	[tilespmem:v3+s9+$0x0] =	vst.idx.msk $0xffff, v22  }
0x222: {  	[tilespmem:v4+s9+$0x0] =	vst.idx.msk $0xffff, v5  }
0x223: {  	v22 =	vld [tilespmem:$0x4FB0];
	_ =	sdelay $0x4  }
0x224: {  	[tilespmem:v6+s9+$0x0] =	vst.idx.msk $0xffff, v22  }
0x225: {  	v22 =	vld [tilespmem:$0x5000];
	_ =	sdelay $0x4  }
0x226: {  	[tilespmem:v7+s9+$0x0] =	vst.idx.msk $0xffff, v22  }
0x227: {  	v22 =	vld [tilespmem:$0x5050];
	_ =	sdelay $0x4  }
0x228: {  	[tilespmem:v8+s9+$0x0] =	vst.idx.msk $0xffff, v22  }
0x229: {  	[tilespmem:v9+s9+$0x0] =	vst.idx.msk $0xffff, v5  }
0x22a: {  	v22 =	vld [tilespmem:$0x4FC0];
	_ =	sdelay $0x4  }
0x22b: {  	[tilespmem:v10+s9+$0x0] =	vst.idx.msk $0xffff, v22  }
0x22c: {  	v22 =	vld [tilespmem:$0x5010];
	_ =	sdelay $0x4  }
0x22d: {  	[tilespmem:v11+s9+$0x0] =	vst.idx.msk $0xffff, v22  }
0x22e: {  	v22 =	vld [tilespmem:$0x5060];
	_ =	sdelay $0x4  }
0x22f: {  	[tilespmem:v12+s9+$0x0] =	vst.idx.msk $0xffff, v22  }
0x230: {  	[tilespmem:v13+s9+$0x0] =	vst.idx.msk $0xffff, v5  }
0x231: {  	v22 =	vld [tilespmem:$0x4FD0];
	_ =	sdelay $0x4  }
0x232: {  	[tilespmem:v14+s9+$0x0] =	vst.idx.msk $0xffff, v22  }
0x233: {  	v22 =	vld [tilespmem:$0x5020];
	_ =	sdelay $0x4  }
0x234: {  	[tilespmem:v15+s9+$0x0] =	vst.idx.msk $0xffff, v22  }
0x235: {  	v22 =	vld [tilespmem:$0x5070];
	_ =	sdelay $0x4  }
0x236: {  	[tilespmem:v16+s9+$0x0] =	vst.idx.msk $0xffff, v22  }
0x237: {  	[tilespmem:v17+s9+$0x0] =	vst.idx.msk $0xffff, v5  }
0x238: {  	v22 =	vld [tilespmem:$0x4FE0];
	_ =	sdelay $0x4  }
0x239: {  	[tilespmem:v18+s9+$0x0] =	vst.idx.msk $0xffff, v22  }
0x23a: {  	v22 =	vld [tilespmem:$0x5030];
	_ =	sdelay $0x4  }
0x23b: {  	[tilespmem:v19+s9+$0x0] =	vst.idx.msk $0xffff, v22  }
0x23c: {  	v22 =	vld [tilespmem:$0x5080];
	_ =	sdelay $0x4  }
0x23d: {  	[tilespmem:v20+s9+$0x0] =	vst.idx.msk $0xffff, v22  }
0x23e: {  	[tilespmem:v21+s9+$0x0] =	vst.idx.msk $0xffff, v5  }
0x23f: {  	[spmem:s1] =	stream.indirect.scatter.add.f32 [tilespmem:s9], [sflag:$0x3], $0x10, s26, s10, $0xb8;
	[tilespmem:$0x5B80] =	vst v63  }
0x240: {  	_ =	swait.ge [sflag:s25], $0x500  }
0x241: {  	s15 =	sshrl.u32 s14, $0x3;
	[sflag:s25] =	ssyncset.done $0x0  }
0x242: {  	s29 =	sadd.s32 s30, s15;
	[sflag:s25] =	ssyncadd.s32 $0xFFFFFB00  }
0x243: {  	[tilespmem:s26], [sflag:$0x1] =	stream.linear.gather [hbm4b:s29+s2], $0x50, $0x38;
	[tilespmem:$0x5B80] =	vst v63  }
0x244: {  	s29 =	sadd.s32 s19, s15  }
0x245: {  	[tilespmem:s24], [sflag:$0x1] =	stream.linear.gather [hbm4b:s29+s2], $0x50, $0x38;
	[tilespmem:$0x5B80] =	vst v63  }
0x246: {  	s29 =	sadd.s32 s20, s15  }
0x247: {  	[tilespmem:s16], [sflag:$0x1] =	stream.linear.gather [hbm4b:s29+s2], $0x50, $0x38;
	[tilespmem:$0x5B80] =	vst v63  }
0x248: {  	s15 =	sadd.s32 s21, s15  }
0x249: {  	[tilespmem:s28], [sflag:$0x1] =	stream.linear.gather [hbm4b:s15+s2], $0x50, $0x38;
	[tilespmem:$0x5B80] =	vst v63  }
0x24a: {  	_ =	swait.ge [sflag:s11], $0x50  }
0x24b: {  	[sflag:s11] =	ssyncset.done $0x0  }
0x24c: {  	[sflag:s11] =	ssyncadd.s32 $0xFFFFFFB0  }
0x24d: {  	_ =	swait.ge [sflag:s11], $0x50  }
0x24e: {  	[sflag:s11] =	ssyncset.done $0x0  }
0x24f: {  	[sflag:s11] =	ssyncadd.s32 $0xFFFFFFB0  }
0x250: {  	_ =	swait.ge [sflag:s11], $0x50  }
0x251: {  	[sflag:s11] =	ssyncset.done $0x0  }
0x252: {  	[sflag:s11] =	ssyncadd.s32 $0xFFFFFFB0  }
0x253: {  	_ =	swait.ge [sflag:s11], $0x50  }
0x254: {  	[sflag:s11] =	ssyncset.done $0x0  }
0x255: {  	[sflag:s11] =	ssyncadd.s32 $0xFFFFFFB0  }
0x256: {  	v22 =	vld [tilespmem:$0x5090];
	_ =	sdelay $0x4  }
0x257: {  	[tilespmem:v0+s12+$0x0] =	vst.idx.msk $0xffff, v22  }
0x258: {  	v22 =	vld [tilespmem:$0x50E0];
	_ =	sdelay $0x4  }
0x259: {  	[tilespmem:v2+s12+$0x0] =	vst.idx.msk $0xffff, v22  }
0x25a: {  	v22 =	vld [tilespmem:$0x5130];
	_ =	sdelay $0x4  }
0x25b: {  	[tilespmem:v3+s12+$0x0] =	vst.idx.msk $0xffff, v22  }
0x25c: {  	[tilespmem:v4+s12+$0x0] =	vst.idx.msk $0xffff, v5  }
0x25d: {  	v22 =	vld [tilespmem:$0x50A0];
	_ =	sdelay $0x4  }
0x25e: {  	[tilespmem:v6+s12+$0x0] =	vst.idx.msk $0xffff, v22  }
0x25f: {  	v22 =	vld [tilespmem:$0x50F0];
	_ =	sdelay $0x4  }
0x260: {  	[tilespmem:v7+s12+$0x0] =	vst.idx.msk $0xffff, v22  }
0x261: {  	v22 =	vld [tilespmem:$0x5140];
	_ =	sdelay $0x4  }
0x262: {  	[tilespmem:v8+s12+$0x0] =	vst.idx.msk $0xffff, v22  }
0x263: {  	[tilespmem:v9+s12+$0x0] =	vst.idx.msk $0xffff, v5  }
0x264: {  	v22 =	vld [tilespmem:$0x50B0];
	_ =	sdelay $0x4  }
0x265: {  	[tilespmem:v10+s12+$0x0] =	vst.idx.msk $0xffff, v22  }
0x266: {  	v22 =	vld [tilespmem:$0x5100];
	_ =	sdelay $0x4  }
0x267: {  	[tilespmem:v11+s12+$0x0] =	vst.idx.msk $0xffff, v22  }
0x268: {  	v22 =	vld [tilespmem:$0x5150];
	_ =	sdelay $0x4  }
0x269: {  	[tilespmem:v12+s12+$0x0] =	vst.idx.msk $0xffff, v22  }
0x26a: {  	[tilespmem:v13+s12+$0x0] =	vst.idx.msk $0xffff, v5  }
0x26b: {  	v22 =	vld [tilespmem:$0x50C0];
	_ =	sdelay $0x4  }
0x26c: {  	[tilespmem:v14+s12+$0x0] =	vst.idx.msk $0xffff, v22  }
0x26d: {  	v22 =	vld [tilespmem:$0x5110];
	_ =	sdelay $0x4  }
0x26e: {  	[tilespmem:v15+s12+$0x0] =	vst.idx.msk $0xffff, v22  }
0x26f: {  	v22 =	vld [tilespmem:$0x5160];
	_ =	sdelay $0x4  }
0x270: {  	[tilespmem:v16+s12+$0x0] =	vst.idx.msk $0xffff, v22  }
0x271: {  	[tilespmem:v17+s12+$0x0] =	vst.idx.msk $0xffff, v5  }
0x272: {  	v22 =	vld [tilespmem:$0x50D0];
	_ =	sdelay $0x4  }
0x273: {  	[tilespmem:v18+s12+$0x0] =	vst.idx.msk $0xffff, v22  }
0x274: {  	v22 =	vld [tilespmem:$0x5120];
	_ =	sdelay $0x4  }
0x275: {  	[tilespmem:v19+s12+$0x0] =	vst.idx.msk $0xffff, v22  }
0x276: {  	v22 =	vld [tilespmem:$0x5170];
	_ =	sdelay $0x4  }
0x277: {  	p0 =	seq.s32 s13, $0x4C4;
	[tilespmem:v20+s12+$0x0] =	vst.idx.msk $0xffff, v22  }
.Ltmp8:
0x278: {  	[tilespmem:v21+s12+$0x0] =	vst.idx.msk $0xffff, v5;
	(pc) =	sbr.rel @p0 .LBB2_14-.Ltmp8, $4  }
0x279: {  	[spmem:s1] =	stream.indirect.scatter.add.f32 [tilespmem:s12], [sflag:$0x3], $0x10, s3, s10, $0xb8;
	[tilespmem:$0x5B80] =	vst v63  }
0x27a: {  	_ =	swait.ge [sflag:s25], $0x500  }
0x27b: {  	[sflag:s25] =	ssyncset.done $0x0  }
0x27c: {  	[sflag:s25] =	ssyncadd.s32 $0xFFFFFB00  }
0x27d: {  	s15 =	sld [smem:$0x7FD];
	_ =	sdelay $0x1  }
0x27e: {  	s29 =	sld [smem:$0x7FA]  }
0x27f: {  	s15 =	sadd.s32 s13, s15  }
0x280: {  	[tilespmem:s3], [sflag:$0x2] =	stream.linear.gather [hbm4b:s15+s2], $0x50, $0x38;
	[tilespmem:$0x5B80] =	vst v63  }
0x281: {  	s15 =	sadd.s32 s13, s29;
	s29 =	sld [smem:$0x7FB];
	_ =	sdelay $0x1  }
0x282: {  	[tilespmem:s4], [sflag:$0x2] =	stream.linear.gather [hbm4b:s15+s2], $0x50, $0x38;
	[tilespmem:$0x5B80] =	vst v63  }
.Ltmp9:
0x283: {  	s15 =	sadd.s32 s13, s29;
	s29 =	sld [smem:$0x7FC];
	(pc) =	sbr.rel .LBB2_12-.Ltmp9, $4  }
0x284: {  	_ = 	snop  }
0x285: {  	[tilespmem:s5], [sflag:$0x2] =	stream.linear.gather [hbm4b:s15+s2], $0x50, $0x38;
	[tilespmem:$0x5B80] =	vst v63  }
0x286: {  	s14 =	sadd.s32 $0xA0, s14;
	s15 =	sadd.s32 s13, s29;
	s13 =	sadd.s32 $0x14, s13  }
0x287: {  	[tilespmem:s7], [sflag:$0x2] =	stream.linear.gather [hbm4b:s15+s2], $0x50, $0x38;
	[tilespmem:$0x5B80] =	vst v63  }
.LBB2_15:
0x288: {  	_ =	sfence.sel $0x180000  }
0x289: {  	[bflag:$0x0] =	sbarrier.arrive $0xFFFF  }
0x28a: {  	_ =	strace $0x9000004D  }
0x28b: {  	s0 =	stileid.u32;
	[bflag:$0x2] =	sbarrier.arrive $0xFFFF  }
0x28c: {  	p0 =	sne.s32 s0, $0x0;
	s0 =	rddreg [dreg:$0x2]  }
0x28d: {  	s0 =	sadd.s32 @!p0 $0x100000, s0  }
0x28e: {  	[sflag:s0] =	ssyncadd.tile.s32 @!p0 $0x1;
	_ =	shalt  }
.Lfunc_end2:
_tile_overlayer_lowered:
.L_overlay_start_2:
0x28f: {  	(tag) =	ssettag $0x2  }
0x290: {  	s0 =	rddreg [dreg:$0x0];
	s2 =	stileid.u32  }
0x291: {  	s1 =	rddreg [dreg:$0x1];
	p0 =	sne.s32 s2, $0x0  }
0x292: {  	s3 =	rddreg [dreg:$0x2];
	[bflag:$0x3] =	sbarrier.arrive $0xFFFF;
	s2 =	simm.s32 @!p0 $0x1C03  }
0x293: {  	[timem:s3], [sflag:s2] =	dma.local @!p0 [hbm:s0], s1  }
0x294: {  	s0 =	simm.s32 @!p0 $0x3  }
0x295: {  	_ =	swait.ge @!p0 [sflag:s0], s1  }
0x296: {  	s1 =	ssub.s32 @!p0 $0x0, s1;
	[sflag:s0] =	ssyncset.done @!p0 $0x0  }
0x297: {  	[sflag:s0] =	ssyncadd.s32 @!p0 s1  }
0x298: {  	[bflag:$0x3] =	sbarrier.arrive $0xFFFF  }
0x299: {  	_ =	shalt  }

// kernel: kernel.9.cloned.1.call-start
scs
__scs_entry_jumppad:
0x0: {  	(pc) =	sbr.rel $0x88, $3  }
0x1: {  	(tag) =	ssettag $0x0;
	lr =	simm.s32 $0x1  }
0x2: {  	[smem:$0x3F8F] =	sst lr;
	_ =	strace $0xD0000000  }
0x3: {  	_ = 	snop  }
0x4: {  	_ = 	snop  }
0x5: {  	_ = 	snop  }
0x6: {  	_ = 	snop  }
0x7: {  	_ = 	snop  }
__scs_overlays_trampoline_lowered:
0x8: {  	[smem:$0x3F9E] =	sst s0  }
0x9: {  	[smem:$0x3F9F] =	sst s1  }
0xa: {  	[smem:$0x3FA0] =	sst s2  }
0xb: {  	[smem:$0x3FA1] =	sst s3  }
0xc: {  	[smem:$0x3FA2] =	sst s4  }
0xd: {  	[smem:$0x3FA3] =	sst s5  }
0xe: {  	[smem:$0x3FA4] =	sst s6  }
0xf: {  	[smem:$0x3FA5] =	sst s7  }
0x10: {  	[smem:$0x3FA6] =	sst s8  }
0x11: {  	[smem:$0x3FA7] =	sst s9;
	s0 =	simm.s32 @!p0 $0x0  }
0x12: {  	s1 =	sld [smem:$0x3F8D];
	s0 =	simm.s32 @p0 $0x1  }
0x13: {  	[smem:$0x3FA8] =	sst s0;
	s0 =	simm.s32 @!p1 $0x0  }
0x14: {  	s2 =	sld [smem:$0x3F8C];
	s0 =	simm.s32 @p1 $0x1  }
0x15: {  	[smem:$0x3FA9] =	sst s0;
	s0 =	simm.s32 @!p2 $0x0  }
0x16: {  	s3 =	sld [smem:$0x3FDB];
	s0 =	simm.s32 @p2 $0x1  }
0x17: {  	s4 =	simm.s32 $0x1BF5;
	[smem:$0x3FAB] =	sst s0  }
0x18: {  	s0 =	sld [smem:$0x3F8E];
	_ =	swait.ge [sflag:s4], $0x0  }
0x19: {  	s7 =	sld [smem:$0x3F8F]  }
0x1a: {  	s8 =	sadd.s32 $0xFFFFE003, lr  }
0x1b: {  	s9 =	sadd.s32 $0xFFFFFEF7, lr;
	s5 =	simm.s32 $0xFFFFFFFF;
	p2 =	slt.u32 s8, $0xFFFFF086  }
0x1c: {  	p1 =	slt.u32 s9, $0xF7A;
	s5 =	simm.s32 @!p2 $0x0  }
0x1d: {  	s5 =	simm.s32 @p1 $0x1;
	p0 =	seq.s32 s7, s2  }
0x1e: {  	s7 =	smul.u32 @!p0 $0xF7A, s2;
	p2 =	seq.s32 @!p0 s5, $0x0  }
0x1f: {  	s9 =	smul.u32 $0xF7A, s1;
	s8 =	simm.s32 @!p0 $0x1BF5;
	p2 =	por !p2, p0  }
0x20: {  	[sflag:s8] =	ssyncset.s32 @!p0 $0xFFFFF086;
	s6 =	sadd.s32 @!p0 s3, s7;
	s7 =	simm.s32 @!p0 $0x108  }
0x21: {  	s3 =	sadd.s32 s3, s9;
	s6 =	sadd.s32 @!p0 $0x88, s6;
	s7 =	simm.s32 @p2 $0x1082  }
0x22: {  	[simem:s7], [sflag:s8] =	dma.local @!p0 [hbm:s6], $0xF7A  }
0x23: {  	s9 =	sor.u32 $0xD0000000, s2;
	s6 =	simm.s32 $0x108;
	_ =	swait.ge @!p0 [sflag:s8], $0x0  }
0x24: {  	s3 =	sadd.s32 $0x88, s3;
	s6 =	simm.s32 @!p1 $0x1082;
	[sflag:s4] =	ssyncset.s32 $0xFFFFF086  }
0x25: {  	[simem:s6], [sflag:s4] =	dma.local [hbm:s3], $0xF7A  }
0x26: {  	[smem:$0x3F8F] =	sst s1;
	(tag) =	ssettag s2;
	_ =	strace s9  }
0x27: {  	s1 =	sld [smem:$0x3F9F]  }
0x28: {  	s2 =	sld [smem:$0x3FA0]  }
0x29: {  	s4 =	sld [smem:$0x3FA2]  }
0x2a: {  	p0 =	seq.s32 s5, $0x0;
	s5 =	sld [smem:$0x3FA3]  }
0x2b: {  	s6 =	sld [smem:$0x3FA4]  }
0x2c: {  	s7 =	sld [smem:$0x3FA5]  }
0x2d: {  	s3 =	simm.s32 $0x108;
	s8 =	sld [smem:$0x3FA6]  }
0x2e: {  	s3 =	simm.s32 @!p0 $0x1082;
	s9 =	sld [smem:$0x3FA7]  }
0x2f: {  	lr =	sadd.s32 s0, s3;
	s0 =	sld [smem:$0x3F9E]  }
0x30: {  	s3 =	sld [smem:$0x3FA1]  }
0x31: {  	[smem:$0x3FAA] =	sst s10  }
0x32: {  	s10 =	sld [smem:$0x3FA8];
	_ =	sdelay $0x3  }
0x33: {  	p0 =	seq.s32 s10, $0x1;
	s10 =	sld [smem:$0x3FAA];
	_ =	sdelay $0x3  }
0x34: {  	[smem:$0x3FAA] =	sst s10  }
0x35: {  	s10 =	sld [smem:$0x3FA9];
	_ =	sdelay $0x3  }
0x36: {  	p1 =	seq.s32 s10, $0x1;
	s10 =	sld [smem:$0x3FAA];
	_ =	sdelay $0x3  }
0x37: {  	[smem:$0x3FAA] =	sst s10  }
0x38: {  	s10 =	sld [smem:$0x3FAB]  }
0x39: {  	_ = 	snop;
	(pc) =	sbr.ind lr, $3  }
0x3a: {  	_ = 	snop  }
0x3b: {  	_ = 	snop  }
0x3c: {  	p2 =	seq.s32 s10, $0x1;
	s10 =	sld [smem:$0x3FAA]  }
0x3d: {  	_ =	shalt  }
0x3e: {  	_ =	shalt  }
0x3f: {  	_ =	shalt  }
0x40: {  	_ =	shalt  }
0x41: {  	_ =	shalt  }
0x42: {  	_ =	shalt  }
0x43: {  	_ =	shalt  }
0x44: {  	_ =	shalt  }
0x45: {  	_ =	shalt  }
0x46: {  	_ =	shalt  }
0x47: {  	_ =	shalt  }
0x48: {  	_ =	shalt  }
0x49: {  	_ =	shalt  }
0x4a: {  	_ =	shalt  }
0x4b: {  	_ =	shalt  }
0x4c: {  	_ =	shalt  }
0x4d: {  	_ =	shalt  }
0x4e: {  	_ =	shalt  }
0x4f: {  	_ =	shalt  }
0x50: {  	_ =	shalt  }
0x51: {  	_ =	shalt  }
0x52: {  	_ =	shalt  }
0x53: {  	_ =	shalt  }
0x54: {  	_ =	shalt  }
0x55: {  	_ =	shalt  }
0x56: {  	_ =	shalt  }
0x57: {  	_ =	shalt  }
0x58: {  	_ =	shalt  }
0x59: {  	_ =	shalt  }
0x5a: {  	_ =	shalt  }
0x5b: {  	_ =	shalt  }
0x5c: {  	_ =	shalt  }
0x5d: {  	_ =	shalt  }
0x5e: {  	_ =	shalt  }
0x5f: {  	_ =	shalt  }
0x60: {  	_ =	shalt  }
0x61: {  	_ =	shalt  }
0x62: {  	_ =	shalt  }
0x63: {  	_ =	shalt  }
0x64: {  	_ =	shalt  }
0x65: {  	_ =	shalt  }
0x66: {  	_ =	shalt  }
0x67: {  	_ =	shalt  }
0x68: {  	_ =	shalt  }
0x69: {  	_ =	shalt  }
0x6a: {  	_ =	shalt  }
0x6b: {  	_ =	shalt  }
0x6c: {  	_ =	shalt  }
0x6d: {  	_ =	shalt  }
0x6e: {  	_ =	shalt  }
0x6f: {  	_ =	shalt  }
0x70: {  	_ =	shalt  }
0x71: {  	_ =	shalt  }
0x72: {  	_ =	shalt  }
0x73: {  	_ =	shalt  }
0x74: {  	_ =	shalt  }
0x75: {  	_ =	shalt  }
0x76: {  	_ =	shalt  }
0x77: {  	_ =	shalt  }
0x78: {  	_ =	shalt  }
0x79: {  	_ =	shalt  }
0x7a: {  	_ =	shalt  }
0x7b: {  	_ =	shalt  }
0x7c: {  	_ =	shalt  }
0x7d: {  	_ =	shalt  }
0x7e: {  	_ =	shalt  }
0x7f: {  	_ =	shalt  }
0x80: {  	_ =	shalt  }
0x81: {  	_ =	shalt  }
0x82: {  	_ =	shalt  }
0x83: {  	_ =	shalt  }
0x84: {  	_ =	shalt  }
0x85: {  	_ =	shalt  }
0x86: {  	_ =	shalt  }
0x87: {  	_ =	shalt  }
.Lfunc_end0:
.L_simem_size_0:
called_computation_lowered:
.L_overlay_start_0:
0x88: {  	s2 =	sld [smem:$0x3FD9]  }
0x89: {  	s3 =	sld [smem:$0x3FFE];
	_ =	sdelay $0x1  }
0x8a: {  	s1 =	srdreg.scid  }
0x8b: {  	s0 =	sand.u32 $0x1, s1  }
0x8c: {  	s16 =	sshll.u32 s0, $0xA;
	s2 =	sadd.s32 s3, s2  }
0x8d: {  	s2 =	sadd.s32 s2, s16  }
0x8e: {  	[smem:$0x3FB6] =	sst s2  }
0x8f: {  	_ = 	snop  }
0x90: {  	(tm) =	ssettm $0x1  }
0x91: {  	s17 =	sld [smem:$0x3FFB];
	_ =	sdelay $0x3  }
0x92: {  	_ =	strace s17  }
0x93: {  	s2 =	sld [smem:$0x3FFC];
	_ =	sdelay $0x3  }
0x94: {  	_ =	strace s2  }
0x95: {  	s2 =	sld [smem:$0x3FFD];
	_ =	sdelay $0x3  }
0x96: {  	_ =	strace s2  }
0x97: {  	_ =	strace $0x8FFFFFFF  }
0x98: {  	s18 =	sld [smem:$0x3FDB];
	_ =	sdelay $0x1  }
0x99: {  	s19 =	simm.s32 $_scs_section_size  }
0x9a: {  	s4 =	simm.s32 $_size__tile_overlayer_lowered;
	s5 =	simm.s32 $_tile_overlayer_lowered  }
0x9b: {  	s22 =	simm.s32 $0x1BFF;
	s21 =	sshll.u32 s5, $0x1;
	s2 =	sadd.s32 s19, s18  }
0x9c: {  	s6 =	simm.s32 $0x0;
	s20 =	sshll.u32 s4, $0x1;
	s4 =	sadd.s32 s21, s2  }
0x9d: {  	[timem:s6], [sflag:s22] =	dma.local [hbm:s4], s20  }
0x9e: {  	_ =	swait.ge [sflag:s22], s20  }
0x9f: {  	s3 =	ssub.s32 $0x0, s20;
	[sflag:s22] =	ssyncset.done $0x0  }
0xa0: {  	[sflag:s22] =	ssyncadd.s32 s3;
	_ =	sdelay $0x1  }
0xa1: {  	s23 =	simm.s32 $0x1B8B  }
0xa2: {  	_ =	swait.ge [sflag:s23], $0x1  }
0xa3: {  	[sflag:s23] =	ssyncset.done $0x0  }
0xa4: {  	s25 =	simm.s32 $0x1B8E;
	s24 =	sld [smem:$0x3FFE];
	[sflag:s23] =	ssyncadd.s32 $0xFFFFFFFF  }
0xa5: {  	s26 =	simm.s32 $execute0_lowered;
	[smem:$0x3FD2] =	sst s25  }
0xa6: {  	s4 =	sshll.u32 s26, $0x1;
	_ =	strace $0x80000046;
	[dreg:$0x1] =	wrdreg $0xFFFFFFFF  }
0xa7: {  	s28 =	simm.s32 $_size_execute0_lowered;
	s2 =	sadd.s32 s2, s4;
	[dreg:$0x0] =	wrdreg $0x0  }
0xa8: {  	s4 =	sshll.u32 s28, $0x1;
	[dreg:$0x2] =	wrdreg s2  }
0xa9: {  	[dreg:$0x3] =	wrdreg s4  }
0xaa: {  	[dreg:$0x4] =	wrdreg $0xC0  }
0xab: {  	_ =	task [dreg:s6], $0x5FFFF  }
0xac: {  	[dreg:$0x1] =	wrdreg $0xFFFFFFFF  }
0xad: {  	[dreg:$0x0] =	wrdreg $0x60  }
0xae: {  	[dreg:$0x2] =	wrdreg s24  }
0xaf: {  	[dreg:$0x3] =	wrdreg $0x9  }
0xb0: {  	_ =	task.clear_ibuf [dreg:s6], $0x4FFFF;
	_ =	strace $0x90000046  }
0xb1: {  	s29 =	simm.s32 $0x9;
	_ =	strace $0x80000048  }
0xb2: {  	_ =	swait.ge [sflag:s29], $0x1  }
0xb3: {  	[sflag:s29] =	ssyncadd.s32 $0xFFFFFFFF  }
0xb4: {  	_ =	strace $0x90000048  }
0xb5: {  	_ =	sfence  }
0xb6: {  	s30 =	sld [smem:$0x0];
	_ =	sdelay $0x2  }
0xb7: {  	s31 =	sshll.u32 s1, $0xD;
	s1 =	sshrl.u32 s1, $0x2  }
0xb8: {  	s3 =	sand.u32 $0x4000, s31;
	s1 =	sadd.s32 s1, s30  }
0xb9: {  	s0 =	sor.u32 s3, s0;
	s1 =	sshll.u32 s1, $0x11  }
0xba: {  	s0 =	sor.u32 s1, s0  }
0xbb: {  	s0 =	sadd.s32 $0x8F2B, s0  }
0xbc: {  	[sflag:s0] =	ssyncadd.remote.s32 $0x1  }
0xbd: {  	_ =	sfence.sel $0xFFFF  }
0xbe: {  	[dreg:$0x0] =	wrdreg $0xFFFFFFFF;
	(pc) =	sbr.abs _section_cstart, $3  }
0xbf: {  	[dreg:$0x1] =	wrdreg $0xFFFFFFFF  }
0xc0: {  	_ =	task.clear_ibuf [dreg:s6], $0x2FFFF;
	_ =	strace $0x9FFFFFFF  }
0xc1: {  	(tm) =	ssettm $0x7FFFFFFF  }
tec
execute0_lowered:
.L_overlay_start_1:
0x0: {  	(tag) =	ssettag $0x1  }
0x1: {  	s0 =	rddreg [dreg:$0x0]  }
0x2: {  	s1 =	srdreg.scid;
	s3 =	stileid.u32;
	s2 =	simm.s32 $0x0  }
0x3: {  	s15 =	simm.s32 $0x5;
	s18 =	simm.s32 $0x50;
	s19 =	simm.s32 $0x7530  }
0x4: {  	s20 =	simm.s32 $0x9D30;
	s21 =	simm.s32 $0xC530;
	s22 =	simm.s32 $0xED30  }
0x5: {  	s28 =	simm.s32 $0x1;
	s29 =	simm.s32 $0x16530;
	s30 =	simm.s32 $0x0  }
0x6: {  	s1 =	sand.u32 $0x1, s1;
	s3 =	sshll.u32 s3, $0x1;
	[smem:$0x7FF] =	sst s2  }
0x7: {  	s4 =	sadd.s32 $0xC6A00, s0;
	s5 =	sadd.s32 $0xEDC00, s0;
	s7 =	sor.u32 s1, s3  }
0x8: {  	_ =	strace $0x80000047;
	s1 =	ssub.s32 $0x2, s1;
	s8 =	smul.u32 $0x2710, s7  }
0x9: {  	s3 =	sadd.s32 $0x2A600, s0;
	s9 =	sshrl.u32 s1, $0x1;
	s10 =	smul.u32 $0x138800, s7  }
0xa: {  	s25 =	smul.u32 $0x27100, s7;
	s23 =	ssub.s32 s1, s9;
	s1 =	simm.s32 $0x2  }
0xb: {  	s6 =	sshrl.u32 s8, $0x3;
	s26 =	sshrl.u32 s10, $0x3;
	s12 =	sadd.s32 $0xA0, s8  }
0xc: {  	s13 =	sadd.s32 $0xF0, s8;
	s14 =	smax.u32 s23, $0x1;
	s23 =	simm.s32 $0x18D30  }
.Ltmp0:
0xd: {  	s11 =	sadd.s32 s6, s0;
	s6 =	sadd.s32 $0x114E00, s0;
	(pc) =	sbr.rel .LBB2_1-.Ltmp0, $4  }
0xe: {  	s0 =	simm.s32 $0x3;
	s24 =	sadd.s32 $0x20800, s11;
	s31 =	sadd.s32 $0xCC00, s11  }
0xf: {  	s9 =	sadd.s32 $0x2E00, s11;
	s7 =	sadd.s32 s6, s26;
	s10 =	sadd.s32 s6, s25  }
0x10: {  	s26 =	simm.s32 $0x13D30;
	s25 =	simm.s32 $0x4;
	[dreg:$0x2] =	wrdreg s24  }
0x11: {  	[dreg:$0x3] =	wrdreg s31;
	s11 =	sadd.s32 $0x500, s7;
	s24 =	simm.s32 $0x11530  }
.LBB2_12:
0x12: {  	s30 =	sadd.s32 $0x1, s30  }
0x13: {  	_ =	swait.ge [sflag:s0], $0x2800;
	p0 =	sne.s32 s30, s14  }
.Ltmp1:
0x14: {  	[sflag:s0] =	ssyncset.done $0x0;
	(pc) =	sbr.rel @!p0 .LBB2_13-.Ltmp1, $4  }
0x15: {  	[sflag:s0] =	ssyncadd.s32 $0xFFFFD800  }
0x16: {  	_ =	swait.ge [sflag:s25], $0x2800  }
0x17: {  	[sflag:s25] =	ssyncset.done $0x0  }
0x18: {  	[sflag:s25] =	ssyncadd.s32 $0xFFFFD800  }
.LBB2_1:
0x19: {  	s7 =	rddreg [dreg:$0x2]  }
0x1a: {  	[tilespmem:s2], [sflag:$0x5] =	stream.linear.gather [hbm4b:s7+s2], $0x2710, $0x38;
	[tilespmem:$0x1B530] =	vst v63  }
0x1b: {  	_ =	swait.ge [sflag:s15], $0x2710  }
0x1c: {  	[sflag:s15] =	ssyncset.done $0x0  }
0x1d: {  	s8 =	simm.s32 $0x2710;
	s31 =	rddreg [dreg:$0x3];
	[sflag:s15] =	ssyncadd.s32 $0xFFFFD8F0  }
0x1e: {  	[tilespmem:s8], [sflag:$0x5] =	stream.linear.gather [hbm4b:s31+s2], $0x2710, $0x38;
	[tilespmem:$0x1B530] =	vst v63  }
0x1f: {  	_ =	swait.ge [sflag:s15], $0x2710  }
0x20: {  	[sflag:s15] =	ssyncset.done $0x0  }
0x21: {  	s16 =	simm.s32 $0x4E20;
	[sflag:s15] =	ssyncadd.s32 $0xFFFFD8F0  }
0x22: {  	[tilespmem:s16], [sflag:$0x5] =	stream.linear.gather [hbm4b:s9+s2], $0x2710, $0x38;
	[tilespmem:$0x1B530] =	vst v63  }
0x23: {  	_ =	swait.ge [sflag:s15], $0x2710  }
0x24: {  	[sflag:s15] =	ssyncset.done $0x0  }
0x25: {  	[sflag:s15] =	ssyncadd.s32 $0xFFFFD8F0  }
0x26: {  	[tilespmem:s19], [sflag:$0x1] =	stream.indirect.gather [hbm4b:s3+s18], $0x80, s2, s18, $0xb8;
	[tilespmem:$0x1B530] =	vst v63  }
0x27: {  	_ = 	snop  }
0x28: {  	[tilespmem:s20], [sflag:$0x1] =	stream.indirect.gather [hbm4b:s4+s18], $0x80, s8, s18, $0xb8;
	[tilespmem:$0x1B530] =	vst v63  }
0x29: {  	_ = 	snop  }
0x2a: {  	[tilespmem:s21], [sflag:$0x1] =	stream.indirect.gather [hbm4b:s5+s18], $0x80, s16, s18, $0xb8;
	[tilespmem:$0x1B530] =	vst v63  }
0x2b: {  	_ = 	snop  }
0x2c: {  	[tilespmem:s22], [sflag:$0x2] =	stream.indirect.gather [hbm4b:s3+s18], $0x80, s18, s18, $0xb8;
	[tilespmem:$0x1B530] =	vst v63  }
0x2d: {  	s17 =	simm.s32 $0x2760  }
0x2e: {  	[tilespmem:s24], [sflag:$0x2] =	stream.indirect.gather [hbm4b:s4+s18], $0x80, s17, s18, $0xb8;
	[tilespmem:$0x1B530] =	vst v63  }
0x2f: {  	s31 =	simm.s32 $0x4E70  }
0x30: {  	[tilespmem:s26], [sflag:$0x2] =	stream.indirect.gather [hbm4b:s5+s18], $0x80, s31, s18, $0xb8;
	[tilespmem:$0x1B530] =	vst v63  }
0x31: {  	_ =	swait.ge [sflag:s28], $0x2800  }
0x32: {  	[sflag:s28] =	ssyncset.done $0x0  }
0x33: {  	[sflag:s28] =	ssyncadd.s32 $0xFFFFD800  }
0x34: {  	_ =	swait.ge [sflag:s28], $0x2800  }
0x35: {  	[sflag:s28] =	ssyncset.done $0x0  }
0x36: {  	[sflag:s28] =	ssyncadd.s32 $0xFFFFD800  }
0x37: {  	_ =	swait.ge [sflag:s28], $0x2800  }
0x38: {  	[sflag:s28] =	ssyncset.done $0x0  }
0x39: {  	s16 =	simm.s32 $0x0;
	[sflag:s28] =	ssyncadd.s32 $0xFFFFD800  }
0x3a: {  	v0 =	vld [tilespmem:s16+$0x75A0]  }
0x3b: {  	v1 =	vld [tilespmem:s16+$0x9DA0]  }
0x3c: {  	v2 =	vld [tilespmem:s16+$0x7530]  }
0x3d: {  	v3 =	vld [tilespmem:s16+$0xC5A0]  }
0x3e: {  	v4 =	vld [tilespmem:s16+$0x9D30]  }
0x3f: {  	v5 =	vld [tilespmem:s16+$0x7540]  }
0x40: {  	v6 =	vld [tilespmem:s16+$0x9D40]  }
0x41: {  	v7 =	vld [tilespmem:s16+$0x9D50]  }
0x42: {  	v9 =	vld [tilespmem:s16+$0x9D60]  }
0x43: {  	v10 =	vld [tilespmem:s16+$0x7570]  }
0x44: {  	v11 =	vld [tilespmem:s16+$0x9D70]  }
0x45: {  	v12 =	vld [tilespmem:s16+$0x7580]  }
0x46: {  	v13 =	vld [tilespmem:s16+$0x9D80]  }
0x47: {  	v14 =	vld [tilespmem:s16+$0x7590]  }
0x48: {  	v15 =	vld [tilespmem:s16+$0x9D90]  }
0x49: {  	v16 =	vld [tilespmem:s16+$0xC530]  }
0x4a: {  	v0 =	vadd.f32 v1, v0;
	v1 =	vld [tilespmem:s16+$0x7550]  }
0x4b: {  	v17 =	vld [tilespmem:s16+$0xC540]  }
0x4c: {  	v0 =	vadd.f32 v3, v0;
	v3 =	vld [tilespmem:s16+$0x7560]  }
0x4d: {  	v18 =	vld [tilespmem:s16+$0xC550]  }
0x4e: {  	v8 =	vld [tilespmem:s16+$0xC560];
	v2 =	vadd.f32 v4, v2;
	v19 =	vadd.f32 v6, v5  }
0x4f: {  	v5 =	vld [tilespmem:s16+$0xC570];
	v4 =	vadd.f32 v13, v12;
	v20 =	vadd.f32 v7, v1  }
0x50: {  	v6 =	vld [tilespmem:s16+$0xC580];
	v1 =	vadd.f32 v11, v10;
	v10 =	vadd.f32 v16, v2  }
0x51: {  	s7 =	simm.s32 $0x80;
	[tilespmem:s16+$0x165A0] =	vst v0;
	v7 =	vld [tilespmem:s16+$0xC590];
	v0 =	vadd.f32 v9, v3;
	v9 =	vadd.f32 v17, v19  }
0x52: {  	s17 =	simm.s32 $0x400;
	v2 =	vadd.f32 v15, v14;
	v3 =	vld [tilespmem:s7+$0x75A0];
	[tilespmem:s16+$0x16530] =	vst v10;
	v10 =	vadd.f32 v18, v20  }
.LBB2_2:
0x53: {  	p0 =	sne.s32 s17, $0x9E00;
	v11 =	vld [tilespmem:s7+$0x9DA0];
	[tilespmem:s16+$0x16540] =	vst v9;
	v0 =	vadd.f32 v8, v0  }
0x54: {  	v8 =	vld [tilespmem:s7+$0x7530];
	[tilespmem:s16+$0x16550] =	vst v10;
	v1 =	vadd.f32 v5, v1  }
0x55: {  	v5 =	vld [tilespmem:s7+$0xC5A0];
	[tilespmem:s16+$0x16560] =	vst v0;
	v0 =	vadd.f32 v6, v4  }
0x56: {  	v4 =	vld [tilespmem:s7+$0x9D30];
	[tilespmem:s16+$0x16570] =	vst v1;
	v1 =	vadd.f32 v7, v2  }
0x57: {  	v2 =	vld [tilespmem:s7+$0x7540];
	[tilespmem:s16+$0x16580] =	vst v0  }
0x58: {  	v0 =	vld [tilespmem:s7+$0x9D40];
	v3 =	vadd.f32 v11, v3;
	[tilespmem:s16+$0x16590] =	vst v1;
	s16 =	smov.u32 s7  }
0x59: {  	v1 =	vld [tilespmem:s16+$0x7550]  }
0x5a: {  	v6 =	vld [tilespmem:s16+$0x9D50];
	v3 =	vadd.f32 v5, v3  }
0x5b: {  	v7 =	vadd.f32 v4, v8;
	v4 =	vld [tilespmem:s16+$0x7560]  }
0x5c: {  	v5 =	vld [tilespmem:s16+$0x9D60];
	[tilespmem:s16+$0x165A0] =	vst v3  }
0x5d: {  	v3 =	vadd.f32 v0, v2;
	v2 =	vld [tilespmem:s16+$0x7570]  }
0x5e: {  	v8 =	vld [tilespmem:s16+$0x9D70]  }
0x5f: {  	v10 =	vadd.f32 v6, v1;
	v6 =	vld [tilespmem:s16+$0x7580]  }
0x60: {  	v9 =	vld [tilespmem:s16+$0x9D80]  }
0x61: {  	v0 =	vadd.f32 v5, v4;
	v11 =	vld [tilespmem:s16+$0x7590]  }
0x62: {  	v12 =	vld [tilespmem:s16+$0x9D90]  }
0x63: {  	v13 =	vld [tilespmem:s16+$0xC530];
	v1 =	vadd.f32 v8, v2  }
0x64: {  	v14 =	vld [tilespmem:s16+$0xC540]  }
0x65: {  	v15 =	vld [tilespmem:s16+$0xC550];
	v4 =	vadd.f32 v9, v6  }
.Ltmp2:
0x66: {  	v8 =	vld [tilespmem:s16+$0xC560];
	(pc) =	sbr.rel @p0 .LBB2_2-.Ltmp2, $4  }
0x67: {  	v5 =	vld [tilespmem:s16+$0xC570];
	v2 =	vadd.f32 v12, v11  }
0x68: {  	v11 =	vadd.f32 v13, v7;
	v6 =	vld [tilespmem:s16+$0xC580]  }
0x69: {  	s7 =	sshra.s32 s17, $0x2;
	v9 =	vadd.f32 v14, v3;
	v7 =	vld [tilespmem:s16+$0xC590]  }
0x6a: {  	s17 =	sadd.s32 $0x200, s17;
	v3 =	vld [tilespmem:s7+$0x75A0];
	[tilespmem:s16+$0x16530] =	vst v11;
	v10 =	vadd.f32 v15, v10  }
0x6b: {  	v11 =	vld [tilespmem:s7+$0x9DA0];
	[tilespmem:s16+$0x16540] =	vst v9;
	v0 =	vadd.f32 v8, v0  }
0x6c: {  	v9 =	vld [tilespmem:s7+$0x7530];
	[tilespmem:s16+$0x16550] =	vst v10;
	v1 =	vadd.f32 v5, v1  }
0x6d: {  	v8 =	vld [tilespmem:s7+$0xC5A0];
	[tilespmem:s16+$0x16560] =	vst v0;
	v4 =	vadd.f32 v6, v4  }
0x6e: {  	v0 =	vld [tilespmem:s7+$0x9D30];
	[tilespmem:s16+$0x16570] =	vst v1;
	v2 =	vadd.f32 v7, v2  }
0x6f: {  	v1 =	vld [tilespmem:s7+$0x7540];
	[tilespmem:s16+$0x16580] =	vst v4  }
0x70: {  	v4 =	vld [tilespmem:s7+$0x9D40];
	[tilespmem:s16+$0x16590] =	vst v2  }
0x71: {  	v2 =	vadd.f32 v11, v3;
	v3 =	vld [tilespmem:s7+$0x7550]  }
0x72: {  	v5 =	vld [tilespmem:s7+$0x9D50]  }
0x73: {  	v6 =	vld [tilespmem:s7+$0x7560]  }
0x74: {  	v7 =	vld [tilespmem:s7+$0x9D60]  }
0x75: {  	v10 =	vld [tilespmem:s7+$0x7580]  }
0x76: {  	v11 =	vld [tilespmem:s7+$0x9D80]  }
0x77: {  	v12 =	vld [tilespmem:s7+$0x7590]  }
0x78: {  	v13 =	vld [tilespmem:s7+$0x9D90]  }
0x79: {  	v14 =	vld [tilespmem:s7+$0xC530]  }
0x7a: {  	v15 =	vld [tilespmem:s7+$0xC540]  }
0x7b: {  	v16 =	vld [tilespmem:s7+$0xC550];
	v2 =	vadd.f32 v8, v2  }
0x7c: {  	v8 =	vld [tilespmem:s7+$0x9D70]  }
0x7d: {  	[tilespmem:s7+$0x165A0] =	vst v2;
	v2 =	vld [tilespmem:s7+$0x7570]  }
0x7e: {  	v0 =	vadd.f32 v0, v9;
	v9 =	vld [tilespmem:s7+$0xC560]  }
0x7f: {  	v1 =	vadd.f32 v4, v1;
	v4 =	vld [tilespmem:s7+$0xC570]  }
0x80: {  	v3 =	vadd.f32 v5, v3;
	v0 =	vadd.f32 v14, v0;
	v5 =	vld [tilespmem:s7+$0xC580]  }
0x81: {  	v6 =	vadd.f32 v7, v6;
	v7 =	vld [tilespmem:s7+$0xC590];
	v1 =	vadd.f32 v15, v1  }
0x82: {  	[tilespmem:s7+$0x16530] =	vst v0;
	v0 =	vadd.f32 v16, v3;
	v2 =	vadd.f32 v8, v2  }
0x83: {  	v3 =	vadd.f32 v11, v10;
	[tilespmem:s7+$0x16540] =	vst v1;
	v1 =	vadd.f32 v9, v6  }
0x84: {  	v6 =	vadd.f32 v13, v12;
	[tilespmem:s7+$0x16550] =	vst v0;
	v0 =	vadd.f32 v4, v2  }
0x85: {  	[tilespmem:s7+$0x16560] =	vst v1;
	v1 =	vadd.f32 v5, v3  }
0x86: {  	[tilespmem:s7+$0x16570] =	vst v0;
	v0 =	vadd.f32 v7, v6  }
0x87: {  	[tilespmem:s7+$0x16580] =	vst v1  }
0x88: {  	s8 =	simm.s32 $0x0;
	[tilespmem:s7+$0x16590] =	vst v0  }
0x89: {  	[hbm4b:s10+s8] =	stream.linear.scatter [tilespmem:s29], [sflag:$0x3], $0x2800, $0x38;
	[tilespmem:$0x1B530] =	vst v63  }
0x8a: {  	s16 =	simm.s32 $0xA0  }
0x8b: {  	[tilespmem:s19], [sflag:$0x1] =	stream.indirect.gather [hbm4b:s3+s18], $0x80, s16, s18, $0xb8;
	[tilespmem:$0x1B530] =	vst v63  }
0x8c: {  	s17 =	simm.s32 $0x27B0  }
0x8d: {  	[tilespmem:s20], [sflag:$0x1] =	stream.indirect.gather [hbm4b:s4+s18], $0x80, s17, s18, $0xb8;
	[tilespmem:$0x1B530] =	vst v63  }
0x8e: {  	s31 =	simm.s32 $0x4EC0  }
0x8f: {  	[tilespmem:s21], [sflag:$0x1] =	stream.indirect.gather [hbm4b:s5+s18], $0x80, s31, s18, $0xb8;
	[tilespmem:$0x1B530] =	vst v63  }
0x90: {  	_ =	swait.ge [sflag:s1], $0x2800  }
0x91: {  	[sflag:s1] =	ssyncset.done $0x0  }
0x92: {  	[sflag:s1] =	ssyncadd.s32 $0xFFFFD800  }
0x93: {  	_ =	swait.ge [sflag:s1], $0x2800  }
0x94: {  	[sflag:s1] =	ssyncset.done $0x0  }
0x95: {  	[sflag:s1] =	ssyncadd.s32 $0xFFFFD800  }
0x96: {  	_ =	swait.ge [sflag:s1], $0x2800  }
0x97: {  	[sflag:s1] =	ssyncset.done $0x0  }
0x98: {  	s16 =	simm.s32 $0x0;
	[sflag:s1] =	ssyncadd.s32 $0xFFFFD800  }
0x99: {  	v0 =	vld [tilespmem:s16+$0xEDA0]  }
0x9a: {  	v1 =	vld [tilespmem:s16+$0x115A0]  }
0x9b: {  	v2 =	vld [tilespmem:s16+$0xED30]  }
0x9c: {  	v3 =	vld [tilespmem:s16+$0x13DA0]  }
0x9d: {  	v4 =	vld [tilespmem:s16+$0x11530]  }
0x9e: {  	v5 =	vld [tilespmem:s16+$0xED40]  }
0x9f: {  	v6 =	vld [tilespmem:s16+$0x11540]  }
0xa0: {  	v7 =	vld [tilespmem:s16+$0x11550]  }
0xa1: {  	v9 =	vld [tilespmem:s16+$0x11560]  }
0xa2: {  	v10 =	vld [tilespmem:s16+$0xED70]  }
0xa3: {  	v11 =	vld [tilespmem:s16+$0x11570]  }
0xa4: {  	v59 =	vld [tilespmem:s16+$0xED80]  }
0xa5: {  	v60 =	vld [tilespmem:s16+$0x11580]  }
0xa6: {  	v61 =	vld [tilespmem:s16+$0xED90]  }
0xa7: {  	v62 =	vld [tilespmem:s16+$0x11590]  }
0xa8: {  	v63 =	vld [tilespmem:s16+$0x13D30]  }
0xa9: {  	v0 =	vadd.f32 v1, v0;
	v1 =	vld [tilespmem:s16+$0xED50]  }
0xaa: {  	v17 =	vld [tilespmem:s16+$0x13D40]  }
0xab: {  	v0 =	vadd.f32 v3, v0;
	v3 =	vld [tilespmem:s16+$0xED60]  }
0xac: {  	v18 =	vld [tilespmem:s16+$0x13D50]  }
0xad: {  	v8 =	vld [tilespmem:s16+$0x13D60];
	v2 =	vadd.f32 v4, v2;
	v19 =	vadd.f32 v6, v5  }
0xae: {  	v5 =	vld [tilespmem:s16+$0x13D70];
	v4 =	vadd.f32 v60, v59;
	v20 =	vadd.f32 v7, v1  }
0xaf: {  	v6 =	vld [tilespmem:s16+$0x13D80];
	v1 =	vadd.f32 v11, v10;
	v10 =	vadd.f32 v63, v2  }
0xb0: {  	s7 =	simm.s32 $0x80;
	[tilespmem:s16+$0x18DA0] =	vst v0;
	v7 =	vld [tilespmem:s16+$0x13D90];
	v0 =	vadd.f32 v9, v3;
	v9 =	vadd.f32 v17, v19  }
0xb1: {  	s17 =	simm.s32 $0x400;
	v2 =	vadd.f32 v62, v61;
	v3 =	vld [tilespmem:s7+$0xEDA0];
	[tilespmem:s16+$0x18D30] =	vst v10;
	v10 =	vadd.f32 v18, v20  }
.LBB2_4:
0xb2: {  	p0 =	sne.s32 s17, $0x9E00;
	v11 =	vld [tilespmem:s7+$0x115A0];
	[tilespmem:s16+$0x18D40] =	vst v9;
	v0 =	vadd.f32 v8, v0  }
0xb3: {  	v8 =	vld [tilespmem:s7+$0xED30];
	[tilespmem:s16+$0x18D50] =	vst v10;
	v1 =	vadd.f32 v5, v1  }
0xb4: {  	v5 =	vld [tilespmem:s7+$0x13DA0];
	[tilespmem:s16+$0x18D60] =	vst v0;
	v0 =	vadd.f32 v6, v4  }
0xb5: {  	v4 =	vld [tilespmem:s7+$0x11530];
	[tilespmem:s16+$0x18D70] =	vst v1;
	v1 =	vadd.f32 v7, v2  }
0xb6: {  	v2 =	vld [tilespmem:s7+$0xED40];
	[tilespmem:s16+$0x18D80] =	vst v0  }
0xb7: {  	v0 =	vld [tilespmem:s7+$0x11540];
	v3 =	vadd.f32 v11, v3;
	[tilespmem:s16+$0x18D90] =	vst v1;
	s16 =	smov.u32 s7  }
0xb8: {  	v1 =	vld [tilespmem:s16+$0xED50]  }
0xb9: {  	v6 =	vld [tilespmem:s16+$0x11550];
	v3 =	vadd.f32 v5, v3  }
0xba: {  	v7 =	vadd.f32 v4, v8;
	v4 =	vld [tilespmem:s16+$0xED60]  }
0xbb: {  	v5 =	vld [tilespmem:s16+$0x11560];
	[tilespmem:s16+$0x18DA0] =	vst v3  }
0xbc: {  	v3 =	vadd.f32 v0, v2;
	v2 =	vld [tilespmem:s16+$0xED70]  }
0xbd: {  	v8 =	vld [tilespmem:s16+$0x11570]  }
0xbe: {  	v10 =	vadd.f32 v6, v1;
	v6 =	vld [tilespmem:s16+$0xED80]  }
0xbf: {  	v9 =	vld [tilespmem:s16+$0x11580]  }
0xc0: {  	v0 =	vadd.f32 v5, v4;
	v11 =	vld [tilespmem:s16+$0xED90]  }
0xc1: {  	v12 =	vld [tilespmem:s16+$0x11590]  }
0xc2: {  	v13 =	vld [tilespmem:s16+$0x13D30];
	v1 =	vadd.f32 v8, v2  }
0xc3: {  	v14 =	vld [tilespmem:s16+$0x13D40]  }
0xc4: {  	v15 =	vld [tilespmem:s16+$0x13D50];
	v4 =	vadd.f32 v9, v6  }
.Ltmp3:
0xc5: {  	v8 =	vld [tilespmem:s16+$0x13D60];
	(pc) =	sbr.rel @p0 .LBB2_4-.Ltmp3, $4  }
0xc6: {  	v5 =	vld [tilespmem:s16+$0x13D70];
	v2 =	vadd.f32 v12, v11  }
0xc7: {  	v11 =	vadd.f32 v13, v7;
	v6 =	vld [tilespmem:s16+$0x13D80]  }
0xc8: {  	s7 =	sshra.s32 s17, $0x2;
	v9 =	vadd.f32 v14, v3;
	v7 =	vld [tilespmem:s16+$0x13D90]  }
0xc9: {  	s17 =	sadd.s32 $0x200, s17;
	v3 =	vld [tilespmem:s7+$0xEDA0];
	[tilespmem:s16+$0x18D30] =	vst v11;
	v10 =	vadd.f32 v15, v10  }
0xca: {  	v11 =	vld [tilespmem:s7+$0x115A0];
	[tilespmem:s16+$0x18D40] =	vst v9;
	v0 =	vadd.f32 v8, v0  }
0xcb: {  	v9 =	vld [tilespmem:s7+$0xED30];
	[tilespmem:s16+$0x18D50] =	vst v10;
	v1 =	vadd.f32 v5, v1  }
0xcc: {  	v44 =	vld [tilespmem:s7+$0x13DA0];
	[tilespmem:s16+$0x18D60] =	vst v0;
	v4 =	vadd.f32 v6, v4  }
0xcd: {  	v0 =	vld [tilespmem:s7+$0x11530];
	[tilespmem:s16+$0x18D70] =	vst v1;
	v2 =	vadd.f32 v7, v2  }
0xce: {  	v1 =	vld [tilespmem:s7+$0xED40];
	[tilespmem:s16+$0x18D80] =	vst v4  }
0xcf: {  	v4 =	vld [tilespmem:s7+$0x11540];
	[tilespmem:s16+$0x18D90] =	vst v2  }
0xd0: {  	v46 =	vld [tilespmem:s7+$0xED50]  }
0xd1: {  	v47 =	vld [tilespmem:s7+$0x11550]  }
0xd2: {  	v48 =	vld [tilespmem:s7+$0xED60]  }
0xd3: {  	v49 =	vld [tilespmem:s7+$0x11560]  }
0xd4: {  	v50 =	vld [tilespmem:s7+$0xED70]  }
0xd5: {  	v51 =	vld [tilespmem:s7+$0x11570]  }
0xd6: {  	v10 =	vld [tilespmem:s7+$0xED80]  }
0xd7: {  	v52 =	vld [tilespmem:s7+$0x11580]  }
0xd8: {  	v12 =	vld [tilespmem:s7+$0xED90]  }
0xd9: {  	v13 =	vld [tilespmem:s7+$0x11590]  }
0xda: {  	v14 =	vld [tilespmem:s7+$0x13D30]  }
0xdb: {  	v15 =	vld [tilespmem:s7+$0x13D40]  }
0xdc: {  	v45 =	vadd.f32 v11, v3;
	v16 =	vld [tilespmem:s7+$0x13D50]  }
0xdd: {  	v53 =	vld [tilespmem:s7+$0x13D60];
	v0 =	vadd.f32 v0, v9  }
0xde: {  	v54 =	vld [tilespmem:s7+$0x13D70];
	v2 =	vadd.f32 v44, v45;
	v1 =	vadd.f32 v4, v1  }
0xdf: {  	v55 =	vld [tilespmem:s7+$0x13D80];
	v3 =	vadd.f32 v47, v46;
	v0 =	vadd.f32 v14, v0  }
0xe0: {  	v56 =	vld [tilespmem:s7+$0x13D90];
	[tilespmem:s7+$0x18DA0] =	vst v2;
	v6 =	vadd.f32 v49, v48;
	v1 =	vadd.f32 v15, v1  }
0xe1: {  	v2 =	vadd.f32 v51, v50;
	[tilespmem:s7+$0x18D30] =	vst v0;
	v57 =	vadd.f32 v16, v3  }
0xe2: {  	v58 =	vadd.f32 v52, v10;
	v59 =	vadd.f32 v53, v6;
	[tilespmem:s7+$0x18D40] =	vst v1  }
0xe3: {  	v60 =	vadd.f32 v13, v12;
	v61 =	vadd.f32 v54, v2;
	[tilespmem:s7+$0x18D50] =	vst v57  }
0xe4: {  	v62 =	vadd.f32 v55, v58;
	[tilespmem:s7+$0x18D60] =	vst v59  }
0xe5: {  	v63 =	vadd.f32 v56, v60;
	[tilespmem:s7+$0x18D70] =	vst v61  }
0xe6: {  	[tilespmem:s7+$0x18D80] =	vst v62  }
0xe7: {  	s31 =	simm.s32 $0x0;
	[tilespmem:s7+$0x18D90] =	vst v63  }
0xe8: {  	[hbm4b:s11+s31] =	stream.linear.scatter [tilespmem:s23], [sflag:$0x4], $0x2800, $0x38;
	[tilespmem:$0x1B530] =	vst v63  }
0xe9: {  	s8 =	simm.s32 $0xF0  }
0xea: {  	[tilespmem:s22], [sflag:$0x2] =	stream.indirect.gather [hbm4b:s3+s18], $0x80, s8, s18, $0xb8;
	[tilespmem:$0x1B530] =	vst v63  }
0xeb: {  	s16 =	simm.s32 $0x2800  }
0xec: {  	[tilespmem:s24], [sflag:$0x2] =	stream.indirect.gather [hbm4b:s4+s18], $0x80, s16, s18, $0xb8;
	[tilespmem:$0x1B530] =	vst v63  }
0xed: {  	s17 =	simm.s32 $0x4F10  }
0xee: {  	[tilespmem:s26], [sflag:$0x2] =	stream.indirect.gather [hbm4b:s5+s18], $0x80, s17, s18, $0xb8;
	[tilespmem:$0x1B530] =	vst v63  }
.LBB2_6:
0xef: {  	_ =	swait.ge [sflag:s28], $0x2800  }
0xf0: {  	[sflag:s28] =	ssyncset.done $0x0  }
0xf1: {  	[sflag:s28] =	ssyncadd.s32 $0xFFFFD800  }
0xf2: {  	_ =	swait.ge [sflag:s28], $0x2800  }
0xf3: {  	[sflag:s28] =	ssyncset.done $0x0  }
0xf4: {  	[sflag:s28] =	ssyncadd.s32 $0xFFFFD800  }
0xf5: {  	_ =	swait.ge [sflag:s28], $0x2800  }
0xf6: {  	[sflag:s28] =	ssyncset.done $0x0  }
0xf7: {  	[sflag:s28] =	ssyncadd.s32 $0xFFFFD800  }
0xf8: {  	_ =	swait.ge [sflag:s0], $0x2800  }
0xf9: {  	[sflag:s0] =	ssyncset.done $0x0  }
0xfa: {  	s16 =	simm.s32 $0x0;
	[sflag:s0] =	ssyncadd.s32 $0xFFFFD800  }
0xfb: {  	v0 =	vld [tilespmem:s16+$0x75A0]  }
0xfc: {  	v1 =	vld [tilespmem:s16+$0x9DA0]  }
0xfd: {  	v2 =	vld [tilespmem:s16+$0x7530]  }
0xfe: {  	v3 =	vld [tilespmem:s16+$0xC5A0]  }
0xff: {  	v4 =	vld [tilespmem:s16+$0x9D30]  }
0x100: {  	v5 =	vld [tilespmem:s16+$0x7540]  }
0x101: {  	v6 =	vld [tilespmem:s16+$0x9D40]  }
0x102: {  	v7 =	vld [tilespmem:s16+$0x9D50]  }
0x103: {  	v9 =	vld [tilespmem:s16+$0x9D60]  }
0x104: {  	v10 =	vld [tilespmem:s16+$0x7570]  }
0x105: {  	v11 =	vld [tilespmem:s16+$0x9D70]  }
0x106: {  	v12 =	vld [tilespmem:s16+$0x7580]  }
0x107: {  	v13 =	vld [tilespmem:s16+$0x9D80]  }
0x108: {  	v14 =	vld [tilespmem:s16+$0x7590]  }
0x109: {  	v15 =	vld [tilespmem:s16+$0x9D90]  }
0x10a: {  	v16 =	vld [tilespmem:s16+$0xC530]  }
0x10b: {  	v0 =	vadd.f32 v1, v0;
	v1 =	vld [tilespmem:s16+$0x7550]  }
0x10c: {  	v17 =	vld [tilespmem:s16+$0xC540]  }
0x10d: {  	v0 =	vadd.f32 v3, v0;
	v3 =	vld [tilespmem:s16+$0x7560]  }
0x10e: {  	v18 =	vld [tilespmem:s16+$0xC550]  }
0x10f: {  	v8 =	vld [tilespmem:s16+$0xC560];
	v2 =	vadd.f32 v4, v2;
	v19 =	vadd.f32 v6, v5  }
0x110: {  	v5 =	vld [tilespmem:s16+$0xC570];
	v4 =	vadd.f32 v13, v12;
	v20 =	vadd.f32 v7, v1  }
0x111: {  	v6 =	vld [tilespmem:s16+$0xC580];
	v1 =	vadd.f32 v11, v10;
	v10 =	vadd.f32 v16, v2  }
0x112: {  	s17 =	simm.s32 $0x80;
	[tilespmem:s16+$0x165A0] =	vst v0;
	v7 =	vld [tilespmem:s16+$0xC590];
	v0 =	vadd.f32 v9, v3;
	v9 =	vadd.f32 v17, v19  }
0x113: {  	s7 =	simm.s32 $0x400;
	v2 =	vadd.f32 v15, v14;
	v3 =	vld [tilespmem:s17+$0x75A0];
	[tilespmem:s16+$0x16530] =	vst v10;
	v10 =	vadd.f32 v18, v20  }
.LBB2_7:
0x114: {  	p0 =	sne.s32 s7, $0x9E00;
	v11 =	vld [tilespmem:s17+$0x9DA0];
	[tilespmem:s16+$0x16540] =	vst v9;
	v0 =	vadd.f32 v8, v0  }
0x115: {  	v8 =	vld [tilespmem:s17+$0x7530];
	[tilespmem:s16+$0x16550] =	vst v10;
	v1 =	vadd.f32 v5, v1  }
0x116: {  	v5 =	vld [tilespmem:s17+$0xC5A0];
	[tilespmem:s16+$0x16560] =	vst v0;
	v0 =	vadd.f32 v6, v4  }
0x117: {  	v4 =	vld [tilespmem:s17+$0x9D30];
	[tilespmem:s16+$0x16570] =	vst v1;
	v1 =	vadd.f32 v7, v2  }
0x118: {  	v2 =	vld [tilespmem:s17+$0x7540];
	[tilespmem:s16+$0x16580] =	vst v0  }
0x119: {  	v0 =	vld [tilespmem:s17+$0x9D40];
	v3 =	vadd.f32 v11, v3;
	[tilespmem:s16+$0x16590] =	vst v1;
	s16 =	smov.u32 s17  }
0x11a: {  	v1 =	vld [tilespmem:s16+$0x7550]  }
0x11b: {  	v6 =	vld [tilespmem:s16+$0x9D50];
	v3 =	vadd.f32 v5, v3  }
0x11c: {  	v7 =	vadd.f32 v4, v8;
	v4 =	vld [tilespmem:s16+$0x7560]  }
0x11d: {  	v5 =	vld [tilespmem:s16+$0x9D60];
	[tilespmem:s16+$0x165A0] =	vst v3  }
0x11e: {  	v3 =	vadd.f32 v0, v2;
	v2 =	vld [tilespmem:s16+$0x7570]  }
0x11f: {  	v8 =	vld [tilespmem:s16+$0x9D70]  }
0x120: {  	v10 =	vadd.f32 v6, v1;
	v6 =	vld [tilespmem:s16+$0x7580]  }
0x121: {  	v9 =	vld [tilespmem:s16+$0x9D80]  }
0x122: {  	v0 =	vadd.f32 v5, v4;
	v11 =	vld [tilespmem:s16+$0x7590]  }
0x123: {  	v12 =	vld [tilespmem:s16+$0x9D90]  }
0x124: {  	v13 =	vld [tilespmem:s16+$0xC530];
	v1 =	vadd.f32 v8, v2  }
0x125: {  	v14 =	vld [tilespmem:s16+$0xC540]  }
0x126: {  	v15 =	vld [tilespmem:s16+$0xC550];
	v4 =	vadd.f32 v9, v6  }
.Ltmp4:
0x127: {  	v8 =	vld [tilespmem:s16+$0xC560];
	(pc) =	sbr.rel @p0 .LBB2_7-.Ltmp4, $4  }
0x128: {  	v5 =	vld [tilespmem:s16+$0xC570];
	v2 =	vadd.f32 v12, v11  }
0x129: {  	v11 =	vadd.f32 v13, v7;
	v6 =	vld [tilespmem:s16+$0xC580]  }
0x12a: {  	s17 =	sshra.s32 s7, $0x2;
	v9 =	vadd.f32 v14, v3;
	v7 =	vld [tilespmem:s16+$0xC590]  }
0x12b: {  	s7 =	sadd.s32 $0x200, s7;
	v3 =	vld [tilespmem:s17+$0x75A0];
	[tilespmem:s16+$0x16530] =	vst v11;
	v10 =	vadd.f32 v15, v10  }
0x12c: {  	v11 =	vld [tilespmem:s17+$0x9DA0];
	[tilespmem:s16+$0x16540] =	vst v9;
	v0 =	vadd.f32 v8, v0  }
0x12d: {  	v9 =	vld [tilespmem:s17+$0x7530];
	[tilespmem:s16+$0x16550] =	vst v10;
	v1 =	vadd.f32 v5, v1  }
0x12e: {  	v44 =	vld [tilespmem:s17+$0xC5A0];
	[tilespmem:s16+$0x16560] =	vst v0;
	v4 =	vadd.f32 v6, v4  }
0x12f: {  	v0 =	vld [tilespmem:s17+$0x9D30];
	[tilespmem:s16+$0x16570] =	vst v1;
	v2 =	vadd.f32 v7, v2  }
0x130: {  	v1 =	vld [tilespmem:s17+$0x7540];
	[tilespmem:s16+$0x16580] =	vst v4  }
0x131: {  	v4 =	vld [tilespmem:s17+$0x9D40];
	[tilespmem:s16+$0x16590] =	vst v2  }
0x132: {  	v46 =	vld [tilespmem:s17+$0x7550]  }
0x133: {  	v47 =	vld [tilespmem:s17+$0x9D50]  }
0x134: {  	v48 =	vld [tilespmem:s17+$0x7560]  }
0x135: {  	v49 =	vld [tilespmem:s17+$0x9D60]  }
0x136: {  	v50 =	vld [tilespmem:s17+$0x7570]  }
0x137: {  	v51 =	vld [tilespmem:s17+$0x9D70]  }
0x138: {  	v10 =	vld [tilespmem:s17+$0x7580]  }
0x139: {  	v52 =	vld [tilespmem:s17+$0x9D80]  }
0x13a: {  	v12 =	vld [tilespmem:s17+$0x7590]  }
0x13b: {  	v13 =	vld [tilespmem:s17+$0x9D90]  }
0x13c: {  	v14 =	vld [tilespmem:s17+$0xC530]  }
0x13d: {  	v15 =	vld [tilespmem:s17+$0xC540]  }
0x13e: {  	v45 =	vadd.f32 v11, v3;
	v16 =	vld [tilespmem:s17+$0xC550]  }
0x13f: {  	v53 =	vld [tilespmem:s17+$0xC560];
	v0 =	vadd.f32 v0, v9  }
0x140: {  	v54 =	vld [tilespmem:s17+$0xC570];
	v2 =	vadd.f32 v44, v45;
	v1 =	vadd.f32 v4, v1  }
0x141: {  	v55 =	vld [tilespmem:s17+$0xC580];
	v3 =	vadd.f32 v47, v46;
	v0 =	vadd.f32 v14, v0  }
0x142: {  	v56 =	vld [tilespmem:s17+$0xC590];
	[tilespmem:s17+$0x165A0] =	vst v2;
	v6 =	vadd.f32 v49, v48;
	v1 =	vadd.f32 v15, v1  }
0x143: {  	v2 =	vadd.f32 v51, v50;
	[tilespmem:s17+$0x16530] =	vst v0;
	v57 =	vadd.f32 v16, v3  }
0x144: {  	s16 =	smul.u32 $0xA0, s31;
	v58 =	vadd.f32 v52, v10;
	v59 =	vadd.f32 v53, v6;
	[tilespmem:s17+$0x16540] =	vst v1  }
0x145: {  	p0 =	seq.s32 s31, $0x3D;
	v60 =	vadd.f32 v13, v12;
	v61 =	vadd.f32 v54, v2;
	[tilespmem:s17+$0x16550] =	vst v57  }
.Ltmp5:
0x146: {  	s7 =	sadd.s32 s16, s12;
	v62 =	vadd.f32 v55, v58;
	[tilespmem:s17+$0x16560] =	vst v59;
	(pc) =	sbr.rel @p0 .LBB2_12-.Ltmp5, $4  }
0x147: {  	s7 =	sshll.u32 s7, $0x4;
	v63 =	vadd.f32 v56, v60;
	[tilespmem:s17+$0x16570] =	vst v61  }
0x148: {  	s7 =	sand.u32 $0x1FFFFF00, s7;
	[tilespmem:s17+$0x16580] =	vst v62  }
0x149: {  	s7 =	sadd.s32 s6, s7;
	[tilespmem:s17+$0x16590] =	vst v63  }
0x14a: {  	[hbm4b:s7+s2] =	stream.linear.scatter [tilespmem:s29], [sflag:$0x3], $0x2800, $0x38;
	[tilespmem:$0x1B530] =	vst v63  }
0x14b: {  	s7 =	sadd.s32 $0x140, s16  }
0x14c: {  	[tilespmem:s19], [sflag:$0x1] =	stream.indirect.gather [hbm4b:s3+s18], $0x80, s7, s18, $0xb8;
	[tilespmem:$0x1B530] =	vst v63  }
0x14d: {  	s8 =	sadd.s32 $0x2850, s16  }
0x14e: {  	[tilespmem:s20], [sflag:$0x1] =	stream.indirect.gather [hbm4b:s4+s18], $0x80, s8, s18, $0xb8;
	[tilespmem:$0x1B530] =	vst v63  }
0x14f: {  	s17 =	sadd.s32 $0x4F60, s16  }
0x150: {  	[tilespmem:s21], [sflag:$0x1] =	stream.indirect.gather [hbm4b:s5+s18], $0x80, s17, s18, $0xb8;
	[tilespmem:$0x1B530] =	vst v63  }
0x151: {  	_ =	swait.ge [sflag:s1], $0x2800  }
0x152: {  	[sflag:s1] =	ssyncset.done $0x0  }
0x153: {  	[sflag:s1] =	ssyncadd.s32 $0xFFFFD800  }
0x154: {  	_ =	swait.ge [sflag:s1], $0x2800  }
0x155: {  	[sflag:s1] =	ssyncset.done $0x0  }
0x156: {  	[sflag:s1] =	ssyncadd.s32 $0xFFFFD800  }
0x157: {  	_ =	swait.ge [sflag:s1], $0x2800  }
0x158: {  	[sflag:s1] =	ssyncset.done $0x0  }
0x159: {  	[sflag:s1] =	ssyncadd.s32 $0xFFFFD800  }
0x15a: {  	_ =	swait.ge [sflag:s25], $0x2800  }
0x15b: {  	[sflag:s25] =	ssyncset.done $0x0  }
0x15c: {  	s17 =	simm.s32 $0x0;
	[sflag:s25] =	ssyncadd.s32 $0xFFFFD800  }
0x15d: {  	v0 =	vld [tilespmem:s17+$0xEDA0]  }
0x15e: {  	v1 =	vld [tilespmem:s17+$0x115A0]  }
0x15f: {  	v2 =	vld [tilespmem:s17+$0xED30]  }
0x160: {  	v3 =	vld [tilespmem:s17+$0x13DA0]  }
0x161: {  	v4 =	vld [tilespmem:s17+$0x11530]  }
0x162: {  	v5 =	vld [tilespmem:s17+$0xED40]  }
0x163: {  	v6 =	vld [tilespmem:s17+$0x11540]  }
0x164: {  	v7 =	vld [tilespmem:s17+$0x11550]  }
0x165: {  	v9 =	vld [tilespmem:s17+$0x11560]  }
0x166: {  	v10 =	vld [tilespmem:s17+$0xED70]  }
0x167: {  	v11 =	vld [tilespmem:s17+$0x11570]  }
0x168: {  	v12 =	vld [tilespmem:s17+$0xED80]  }
0x169: {  	v13 =	vld [tilespmem:s17+$0x11580]  }
0x16a: {  	v14 =	vld [tilespmem:s17+$0xED90]  }
0x16b: {  	v15 =	vld [tilespmem:s17+$0x11590]  }
0x16c: {  	v16 =	vld [tilespmem:s17+$0x13D30]  }
0x16d: {  	v0 =	vadd.f32 v1, v0;
	v1 =	vld [tilespmem:s17+$0xED50]  }
0x16e: {  	v17 =	vld [tilespmem:s17+$0x13D40]  }
0x16f: {  	v0 =	vadd.f32 v3, v0;
	v3 =	vld [tilespmem:s17+$0xED60]  }
0x170: {  	v18 =	vld [tilespmem:s17+$0x13D50]  }
0x171: {  	v8 =	vld [tilespmem:s17+$0x13D60];
	v2 =	vadd.f32 v4, v2;
	v19 =	vadd.f32 v6, v5  }
0x172: {  	v5 =	vld [tilespmem:s17+$0x13D70];
	v4 =	vadd.f32 v13, v12;
	v20 =	vadd.f32 v7, v1  }
0x173: {  	v6 =	vld [tilespmem:s17+$0x13D80];
	v1 =	vadd.f32 v11, v10;
	v10 =	vadd.f32 v16, v2  }
0x174: {  	s7 =	simm.s32 $0x80;
	[tilespmem:s17+$0x18DA0] =	vst v0;
	v7 =	vld [tilespmem:s17+$0x13D90];
	v0 =	vadd.f32 v9, v3;
	v9 =	vadd.f32 v17, v19  }
0x175: {  	s8 =	simm.s32 $0x400;
	v2 =	vadd.f32 v15, v14;
	v3 =	vld [tilespmem:s7+$0xEDA0];
	[tilespmem:s17+$0x18D30] =	vst v10;
	v10 =	vadd.f32 v18, v20  }
.LBB2_10:
0x176: {  	p0 =	sne.s32 s8, $0x9E00;
	v11 =	vld [tilespmem:s7+$0x115A0];
	[tilespmem:s17+$0x18D40] =	vst v9;
	v0 =	vadd.f32 v8, v0  }
0x177: {  	v8 =	vld [tilespmem:s7+$0xED30];
	[tilespmem:s17+$0x18D50] =	vst v10;
	v1 =	vadd.f32 v5, v1  }
0x178: {  	v5 =	vld [tilespmem:s7+$0x13DA0];
	[tilespmem:s17+$0x18D60] =	vst v0;
	v0 =	vadd.f32 v6, v4  }
0x179: {  	v4 =	vld [tilespmem:s7+$0x11530];
	[tilespmem:s17+$0x18D70] =	vst v1;
	v1 =	vadd.f32 v7, v2  }
0x17a: {  	v2 =	vld [tilespmem:s7+$0xED40];
	[tilespmem:s17+$0x18D80] =	vst v0  }
0x17b: {  	v0 =	vld [tilespmem:s7+$0x11540];
	v3 =	vadd.f32 v11, v3;
	[tilespmem:s17+$0x18D90] =	vst v1;
	s17 =	smov.u32 s7  }
0x17c: {  	v1 =	vld [tilespmem:s17+$0xED50]  }
0x17d: {  	v6 =	vld [tilespmem:s17+$0x11550];
	v3 =	vadd.f32 v5, v3  }
0x17e: {  	v7 =	vadd.f32 v4, v8;
	v4 =	vld [tilespmem:s17+$0xED60]  }
0x17f: {  	v5 =	vld [tilespmem:s17+$0x11560];
	[tilespmem:s17+$0x18DA0] =	vst v3  }
0x180: {  	v3 =	vadd.f32 v0, v2;
	v2 =	vld [tilespmem:s17+$0xED70]  }
0x181: {  	v8 =	vld [tilespmem:s17+$0x11570]  }
0x182: {  	v10 =	vadd.f32 v6, v1;
	v6 =	vld [tilespmem:s17+$0xED80]  }
0x183: {  	v9 =	vld [tilespmem:s17+$0x11580]  }
0x184: {  	v0 =	vadd.f32 v5, v4;
	v11 =	vld [tilespmem:s17+$0xED90]  }
0x185: {  	v12 =	vld [tilespmem:s17+$0x11590]  }
0x186: {  	v13 =	vld [tilespmem:s17+$0x13D30];
	v1 =	vadd.f32 v8, v2  }
0x187: {  	v14 =	vld [tilespmem:s17+$0x13D40]  }
0x188: {  	v15 =	vld [tilespmem:s17+$0x13D50];
	v4 =	vadd.f32 v9, v6  }
.Ltmp6:
0x189: {  	v8 =	vld [tilespmem:s17+$0x13D60];
	(pc) =	sbr.rel @p0 .LBB2_10-.Ltmp6, $4  }
0x18a: {  	v5 =	vld [tilespmem:s17+$0x13D70];
	v2 =	vadd.f32 v12, v11  }
0x18b: {  	v11 =	vadd.f32 v13, v7;
	v6 =	vld [tilespmem:s17+$0x13D80]  }
0x18c: {  	s7 =	sshra.s32 s8, $0x2;
	v9 =	vadd.f32 v14, v3;
	v7 =	vld [tilespmem:s17+$0x13D90]  }
0x18d: {  	s8 =	sadd.s32 $0x200, s8;
	v3 =	vld [tilespmem:s7+$0xEDA0];
	[tilespmem:s17+$0x18D30] =	vst v11;
	v10 =	vadd.f32 v15, v10  }
0x18e: {  	v11 =	vld [tilespmem:s7+$0x115A0];
	[tilespmem:s17+$0x18D40] =	vst v9;
	v0 =	vadd.f32 v8, v0  }
0x18f: {  	v9 =	vld [tilespmem:s7+$0xED30];
	[tilespmem:s17+$0x18D50] =	vst v10;
	v1 =	vadd.f32 v5, v1  }
0x190: {  	v44 =	vld [tilespmem:s7+$0x13DA0];
	[tilespmem:s17+$0x18D60] =	vst v0;
	v4 =	vadd.f32 v6, v4  }
0x191: {  	v0 =	vld [tilespmem:s7+$0x11530];
	[tilespmem:s17+$0x18D70] =	vst v1;
	v2 =	vadd.f32 v7, v2  }
0x192: {  	v1 =	vld [tilespmem:s7+$0xED40];
	[tilespmem:s17+$0x18D80] =	vst v4  }
0x193: {  	v4 =	vld [tilespmem:s7+$0x11540];
	[tilespmem:s17+$0x18D90] =	vst v2  }
0x194: {  	v46 =	vld [tilespmem:s7+$0xED50]  }
0x195: {  	v47 =	vld [tilespmem:s7+$0x11550]  }
0x196: {  	v48 =	vld [tilespmem:s7+$0xED60]  }
0x197: {  	v49 =	vld [tilespmem:s7+$0x11560]  }
0x198: {  	v50 =	vld [tilespmem:s7+$0xED70]  }
0x199: {  	v51 =	vld [tilespmem:s7+$0x11570]  }
0x19a: {  	v10 =	vld [tilespmem:s7+$0xED80]  }
0x19b: {  	v52 =	vld [tilespmem:s7+$0x11580]  }
0x19c: {  	v12 =	vld [tilespmem:s7+$0xED90]  }
0x19d: {  	v13 =	vld [tilespmem:s7+$0x11590]  }
0x19e: {  	v14 =	vld [tilespmem:s7+$0x13D30]  }
0x19f: {  	v15 =	vld [tilespmem:s7+$0x13D40]  }
0x1a0: {  	v45 =	vadd.f32 v11, v3;
	v16 =	vld [tilespmem:s7+$0x13D50]  }
0x1a1: {  	v53 =	vld [tilespmem:s7+$0x13D60];
	v0 =	vadd.f32 v0, v9  }
0x1a2: {  	v54 =	vld [tilespmem:s7+$0x13D70];
	v2 =	vadd.f32 v44, v45;
	v1 =	vadd.f32 v4, v1  }
0x1a3: {  	v55 =	vld [tilespmem:s7+$0x13D80];
	v3 =	vadd.f32 v47, v46;
	v0 =	vadd.f32 v14, v0  }
0x1a4: {  	v56 =	vld [tilespmem:s7+$0x13D90];
	[tilespmem:s7+$0x18DA0] =	vst v2;
	v6 =	vadd.f32 v49, v48;
	v1 =	vadd.f32 v15, v1  }
0x1a5: {  	v2 =	vadd.f32 v51, v50;
	[tilespmem:s7+$0x18D30] =	vst v0;
	v57 =	vadd.f32 v16, v3  }
0x1a6: {  	v58 =	vadd.f32 v52, v10;
	v59 =	vadd.f32 v53, v6;
	[tilespmem:s7+$0x18D40] =	vst v1  }
0x1a7: {  	v60 =	vadd.f32 v13, v12;
	v61 =	vadd.f32 v54, v2;
	[tilespmem:s7+$0x18D50] =	vst v57  }
0x1a8: {  	s8 =	sadd.s32 s16, s13;
	v62 =	vadd.f32 v55, v58;
	[tilespmem:s7+$0x18D60] =	vst v59  }
0x1a9: {  	s8 =	sshll.u32 s8, $0x4;
	v63 =	vadd.f32 v56, v60;
	[tilespmem:s7+$0x18D70] =	vst v61  }
0x1aa: {  	s8 =	sand.u32 $0x1FFFFF00, s8;
	[tilespmem:s7+$0x18D80] =	vst v62  }
0x1ab: {  	p0 =	sgt.u32 s31, $0x3B;
	s17 =	sadd.s32 s6, s8;
	[tilespmem:s7+$0x18D90] =	vst v63  }
0x1ac: {  	[hbm4b:s17+s2] =	stream.linear.scatter [tilespmem:s23], [sflag:$0x4], $0x2800, $0x38;
	[tilespmem:$0x1B530] =	vst v63  }
0x1ad: {  	s8 =	simm.s32 @!p0 $0x50;
	s7 =	sadd.s32 @!p0 $0x190, s16;
	s17 =	simm.s32 @!p0 $0xED30  }
0x1ae: {  	[tilespmem:s17], [sflag:$0x2] =	stream.indirect.gather @!p0 [hbm4b:s3+s8], $0x80, s7, s8, $0xb8;
	[tilespmem:$0x1B530] =	vst v63  }
0x1af: {  	s7 =	sadd.s32 @!p0 $0x28A0, s16;
	s17 =	simm.s32 @!p0 $0x11530  }
0x1b0: {  	[tilespmem:s17], [sflag:$0x2] =	stream.indirect.gather @!p0 [hbm4b:s4+s8], $0x80, s7, s8, $0xb8;
	[tilespmem:$0x1B530] =	vst v63  }
0x1b1: {  	s31 =	sadd.s32 $0x1, s31;
	s7 =	sadd.s32 @!p0 $0x4FB0, s16;
	s16 =	simm.s32 @!p0 $0x13D30  }
0x1b2: {  	[tilespmem:s16], [sflag:$0x2] =	stream.indirect.gather @!p0 [hbm4b:s5+s8], $0x80, s7, s8, $0xb8;
	[tilespmem:$0x1B530] =	vst v63  }
0x1b3: {  	p0 =	sne.s32 s31, $0x3E  }
.Ltmp7:
0x1b4: {  	_ = 	snop;
	(pc) =	sbr.rel @p0 .LBB2_6-.Ltmp7, $4  }
.Ltmp8:
0x1b5: {  	_ = 	snop;
	(pc) =	sbr.rel @!p0 .LBB2_12-.Ltmp8, $4  }
0x1b6: {  	_ = 	snop  }
0x1b7: {  	_ = 	snop  }
0x1b8: {  	_ = 	snop  }
0x1b9: {  	_ = 	snop  }
.LBB2_13:
0x1ba: {  	_ =	sfence.sel $0x180000  }
0x1bb: {  	[bflag:$0x0] =	sbarrier.arrive $0xFFFF  }
0x1bc: {  	_ =	strace $0x90000047  }
0x1bd: {  	s0 =	stileid.u32;
	[bflag:$0x2] =	sbarrier.arrive $0xFFFF  }
0x1be: {  	p0 =	sne.s32 s0, $0x0;
	s0 =	rddreg [dreg:$0x1]  }
0x1bf: {  	s0 =	sadd.s32 @!p0 $0x100000, s0  }
0x1c0: {  	[sflag:s0] =	ssyncadd.tile.s32 @!p0 $0x1;
	_ =	shalt  }
.Lfunc_end2:
_tile_overlayer_lowered:
.L_overlay_start_2:
0x1c1: {  	(tag) =	ssettag $0x2  }
0x1c2: {  	s0 =	rddreg [dreg:$0x0];
	s2 =	stileid.u32  }
0x1c3: {  	s1 =	rddreg [dreg:$0x1];
	p0 =	sne.s32 s2, $0x0  }
0x1c4: {  	s3 =	rddreg [dreg:$0x2];
	[bflag:$0x3] =	sbarrier.arrive $0xFFFF;
	s2 =	simm.s32 @!p0 $0x1C05  }
0x1c5: {  	[timem:s3], [sflag:s2] =	dma.local @!p0 [hbm:s0], s1  }
0x1c6: {  	s0 =	simm.s32 @!p0 $0x5  }
0x1c7: {  	_ =	swait.ge @!p0 [sflag:s0], s1  }
0x1c8: {  	s1 =	ssub.s32 @!p0 $0x0, s1;
	[sflag:s0] =	ssyncset.done @!p0 $0x0  }
0x1c9: {  	[sflag:s0] =	ssyncadd.s32 @!p0 s1  }
0x1ca: {  	[bflag:$0x3] =	sbarrier.arrive $0xFFFF  }
0x1cb: {  	_ =	shalt  }

</sc_bundles>
